<compile_context>
chip_gen: v7x
topology: tpu7x:2x2x1
jax: 0.10.2.dev20260603
libtpu: 0.0.44.dev20260713+nightly
codegen_flags: <defaults>
</compile_context>

<pallas_src>
import functools

import jax
import jax.numpy as jnp
from jax import lax
from jax.experimental import pallas as pl
from jax.experimental.pallas import tpu as pltpu
from jax.experimental.pallas import tpu_sc as plsc

N = 10000
E = 320000
D = 128
G = 64
BN_EPS = 1e-5

NC = 2
NS = 16
NW = NC * NS
CH = 128
NCHUNK = E // CH
NCPW = 80
PADC = NW * NCPW
ROWS_A = 632
ROWS_B = N - (NS - 1) * ROWS_A


def _sc_msgpass_body(z_hbm, src_hbm, dst_hbm, out_hbm,
                     src_all, dv0, dv1, dv2, dv3, rows, agg_sh, *sems):
    gsems = sems[0:2]
    ssems = sems[2:4]
    isems = sems[4:8]
    dv = [dv0, dv1, dv2, dv3]
    c = lax.axis_index("c")
    s = lax.axis_index("s")
    w = c * NS + s

    zbuf = rows.at[0]

    def zbody(i, carry):
        for j in range(D // 16):
            zbuf[i, pl.ds(j * 16, 16)] = jnp.zeros((16,), jnp.float32)
        return carry
    lax.fori_loop(0, CH, zbody, 0)

    base = s * ROWS_A

    def _zero_slice(nrows):
        k = 0
        while k + CH <= nrows:
            pltpu.sync_copy(zbuf, agg_sh.at[pl.ds(base + k, CH)])
            k += CH
        if nrows - k:
            pltpu.sync_copy(zbuf.at[pl.ds(0, nrows - k)],
                            agg_sh.at[pl.ds(base + k, nrows - k)])

    @pl.when(s < NS - 1)
    def _():
        _zero_slice(ROWS_A)

    @pl.when(s == NS - 1)
    def _():
        _zero_slice(ROWS_B)

    plsc.subcore_barrier()

    pltpu.sync_copy(src_hbm.at[pl.ds(w * NCPW, NCPW)], src_all)

    def fire_idx(k, j):
        pltpu.async_copy(dst_hbm.at[pl.ds((w * NCPW + k) * CH, CH)],
                         dv[j], isems[j])

    def wait_idx(j):
        pltpu.make_async_copy(dst_hbm.at[pl.ds(0, CH)], dv[j],
                              isems[j]).wait()

    def fire_gather(k, r):
        pltpu.async_copy(z_hbm.at[src_all.at[k]], rows.at[r], gsems[r])

    def wait_gather(r):
        pltpu.make_async_copy(z_hbm.at[pl.ds(0, CH)], rows.at[r],
                              gsems[r]).wait()

    def fire_scatter(r, j):
        pltpu.async_copy(rows.at[r], agg_sh.at[dv[j]], ssems[r], add=True)

    def wait_scatter(r):
        pltpu.make_async_copy(z_hbm.at[pl.ds(0, CH)], rows.at[0],
                              ssems[r]).wait()

    def _run(cnt):
        n4 = cnt // 4
        for j in range(3):
            fire_idx(j, j)
        fire_gather(0, 0)

        def body(i, carry):
            k0 = i * 4
            for j in range(4):
                k = k0 + j
                r = j % 2
                wait_gather(r)
                wait_idx(j)
                fire_scatter(r, j)
                if j == 0:
                    @pl.when(i > 0)
                    def _():
                        wait_scatter(1)
                else:
                    wait_scatter((j - 1) % 2)
                if j == 0:
                    fire_idx(k + 3, 3)
                else:
                    @pl.when(i < n4 - 1)
                    def _(k=k, j=j):
                        fire_idx(k + 3, (j + 3) % 4)
                if j < 3:
                    fire_gather(k + 1, (j + 1) % 2)
                else:
                    @pl.when(i < n4 - 1)
                    def _(k=k):
                        fire_gather(k + 1, 0)
            return carry
        lax.fori_loop(0, n4, body, 0)
        wait_scatter(1)

    @pl.when(w < NW - 1)
    def _():
        _run(NCPW)

    @pl.when(w == NW - 1)
    def _():
        _run(NCHUNK - (NW - 1) * NCPW)

    plsc.subcore_barrier()

    out_base = c * N + base

    @pl.when(s < NS - 1)
    def _():
        pltpu.sync_copy(agg_sh.at[pl.ds(base, ROWS_A)],
                        out_hbm.at[pl.ds(out_base, ROWS_A)])

    @pl.when(s == NS - 1)
    def _():
        pltpu.sync_copy(agg_sh.at[pl.ds(base, ROWS_B)],
                        out_hbm.at[pl.ds(out_base, ROWS_B)])


_sc_msgpass = functools.partial(
    pl.kernel,
    out_type=jax.ShapeDtypeStruct((NC * N, D), jnp.float32),
    mesh=plsc.VectorSubcoreMesh(core_axis_name="c", subcore_axis_name="s"),
    scratch_types=[
        pltpu.VMEM((NCPW, CH), jnp.int32),
        pltpu.VMEM((CH,), jnp.int32),
        pltpu.VMEM((CH,), jnp.int32),
        pltpu.VMEM((CH,), jnp.int32),
        pltpu.VMEM((CH,), jnp.int32),
        pltpu.VMEM((2, CH, D), jnp.float32),
        pltpu.VMEM_SHARED((N, D), jnp.float32),
    ] + [pltpu.SemaphoreType.DMA] * 8,
)(_sc_msgpass_body)


def _mlp_body(z_ref, agg2_ref, w1_ref, b1_ref, w2_ref, b2_ref,
              g_ref, bt_ref, out_ref):
    h0 = z_ref[...] + agg2_ref[0:N] + agg2_ref[N:2 * N]
    w1b = w1_ref[...].astype(jnp.bfloat16)
    r = jnp.dot(h0.astype(jnp.bfloat16), w1b,
                preferred_element_type=jnp.float32) + b1_ref[...]
    r = jnp.maximum(r, 0.0)
    w2b = w2_ref[...].astype(jnp.bfloat16)
    h = jnp.dot(r.astype(jnp.bfloat16), w2b,
                preferred_element_type=jnp.float32) + b2_ref[...]
    mu = jnp.mean(h, axis=0, keepdims=True)
    dlt = h - mu
    var = jnp.mean(dlt * dlt, axis=0, keepdims=True)
    inv = lax.rsqrt(var + BN_EPS)
    inv = inv * (1.5 - 0.5 * (var + BN_EPS) * inv * inv)
    out_ref[...] = jnp.maximum(
        dlt * inv * g_ref[...] + bt_ref[...], 0.0)


_mlp_call = pl.pallas_call(
    _mlp_body,
    out_shape=jax.ShapeDtypeStruct((N, D), jnp.float32),
)


def _final_body(z_ref, agg2_ref, batch_ref, w1_ref, b1_ref, w2_ref, b2_ref,
                g_ref, bt_ref, out_ref, gout_ref):
    h0 = z_ref[...] + agg2_ref[0:N] + agg2_ref[N:2 * N]
    w1b = w1_ref[...].astype(jnp.bfloat16)
    r = jnp.dot(h0.astype(jnp.bfloat16), w1b,
                preferred_element_type=jnp.float32) + b1_ref[...]
    r = jnp.maximum(r, 0.0)
    w2b = w2_ref[...].astype(jnp.bfloat16)
    h = jnp.dot(r.astype(jnp.bfloat16), w2b,
                preferred_element_type=jnp.float32) + b2_ref[...]
    mu = jnp.mean(h, axis=0, keepdims=True)
    dlt = h - mu
    var = jnp.mean(dlt * dlt, axis=0, keepdims=True)
    inv = lax.rsqrt(var + BN_EPS)
    inv = inv * (1.5 - 0.5 * (var + BN_EPS) * inv * inv)
    zn = jnp.maximum(
        dlt * inv * g_ref[...] + bt_ref[...], 0.0)
    out_ref[...] = zn
    ids = lax.broadcasted_iota(jnp.int32, (G, N), 0)
    onehot = (ids == batch_ref[...]).astype(jnp.float32)
    seg = jnp.dot(onehot, zn, preferred_element_type=jnp.float32,
                  precision=lax.Precision.HIGHEST)
    cnts = jnp.sum(onehot, axis=1, keepdims=True)
    gout_ref[...] = seg / jnp.maximum(cnts, 1.0)


_final_call = pl.pallas_call(
    _final_body,
    out_shape=(jax.ShapeDtypeStruct((N, D), jnp.float32),
               jax.ShapeDtypeStruct((G, D), jnp.float32)),
)


def kernel(x, edge_index, batch, W1, b1, W2, b2, gamma, beta):
    pad = PADC * CH - E
    src = jnp.pad(edge_index[0], (0, pad)).reshape(PADC, CH)
    dst = jnp.pad(edge_index[1], (0, pad))
    batch2d = batch.reshape(1, N)
    z = x
    for l in range(3):
        agg2 = _sc_msgpass(z, src, dst)
        w1 = W1[l]
        w2 = W2[l]
        b1l = b1[l].reshape(1, D)
        b2l = b2[l].reshape(1, D)
        gl = gamma[l].reshape(1, D)
        btl = beta[l].reshape(1, D)
        if l < 2:
            z = _mlp_call(z, agg2, w1, b1l, w2, b2l, gl, btl)
        else:
            z, g = _final_call(z, agg2, batch2d, w1, b1l, w2, b2l, gl, btl)
    return (z, g)

# --- scband reference (transcript-rebuilt; emitter-appended) ---
"""Pipeline reference for scband-gconv-29703993819414 (READ-ONLY COPY).

The authoritative reference and input builder live on the scoring server;
editing this copy changes nothing except your own understanding.
"""

import jax, jax.numpy as jnp
import numpy as np

N = 10000
E = 320000
D = 128
L = 3
G = 64
BN_EPS = 1e-5


def setup_inputs(seed: int = 0) -> dict:
    key = jax.random.key(seed)
    ks = jax.random.split(key, 12)
    x = jax.random.normal(ks[0], (N, D), dtype=jnp.float32)
    edge_index = jax.random.randint(ks[1], (2, E), 0, N, dtype=jnp.int32)
    batch = jnp.sort(jax.random.randint(ks[2], (N,), 0, G, dtype=jnp.int32))
    # Learned parameters: per-layer GIN MLP (Linear-ReLU-Linear) + BatchNorm affine.
    # input_dim == emb_dim == 128, so parameters stack cleanly across layers.
    W1 = jax.random.normal(ks[3], (L, D, D), dtype=jnp.float32) * 0.05
    b1 = jnp.zeros((L, D), dtype=jnp.float32)
    W2 = jax.random.normal(ks[4], (L, D, D), dtype=jnp.float32) * 0.05
    b2 = jnp.zeros((L, D), dtype=jnp.float32)
    gamma = jnp.ones((L, D), dtype=jnp.float32)
    beta = jnp.zeros((L, D), dtype=jnp.float32)
    return {"x": x, "edge_index": edge_index, "batch": batch,
            "W1": W1, "b1": b1, "W2": W2, "b2": b2,
            "gamma": gamma, "beta": beta}


def _gin_layer(z, src, dst, W1, b1, W2, b2, gamma, beta):
    # GINConv: nn((1 + eps) * x + sum_{j in N(i)} x_j), eps = 0
    msgs = z[src]
    agg = jax.ops.segment_sum(msgs, dst, num_segments=N)
    h = z + agg
    h = h @ W1 + b1
    h = jax.nn.relu(h)
    h = h @ W2 + b2
    # BatchNorm1d in training mode: batch statistics, biased variance
    mean = jnp.mean(h, axis=0)
    var = jnp.var(h, axis=0)
    h = (h - mean) / jnp.sqrt(var + BN_EPS) * gamma + beta
    # dropout p=0 -> identity; ReLU after BN
    h = jax.nn.relu(h)
    return h


def reference(x, edge_index, batch, W1, b1, W2, b2, gamma, beta):
    src = edge_index[0]
    dst = edge_index[1]
    z = x
    for l in range(L):
        z = _gin_layer(z, src, dst, W1[l], b1[l], W2[l], b2[l], gamma[l], beta[l])
    node_representation = z  # JK == 'last'
    # global_mean_pool over batch ids
    seg_sum = jax.ops.segment_sum(node_representation, batch, num_segments=G)
    counts = jax.ops.segment_sum(jnp.ones((N,), dtype=jnp.float32), batch, num_segments=G)
    graph_representation = seg_sum / jnp.maximum(counts, 1.0)[:, None]
    return (node_representation, graph_representation)

if __name__ == "__main__":
    import jax
    _d = setup_inputs()
    print(jax.jit(kernel)(*tuple(_d.values())))

</pallas_src>

<mosaic_0001>
#map = affine_map<(d0, d1) -> (0, 0)>
#map1 = affine_map<(d0, d1) -> (0)>
module attributes {stable_mosaic.version = 14 : i64} {
  func.func @_sc_msgpass_body(%arg0: i32, %arg1: i32, %arg2: memref<10000x128xf32, #tpu.memory_space<hbm>>, %arg3: memref<2560x128xi32, #tpu.memory_space<hbm>>, %arg4: memref<327680xi32, #tpu.memory_space<hbm>>, %arg5: memref<20000x128xf32, #tpu.memory_space<hbm>>, %arg6: memref<80x128xi32, #tpu.memory_space<vmem>>, %arg7: memref<128xi32, #tpu.memory_space<vmem>>, %arg8: memref<128xi32, #tpu.memory_space<vmem>>, %arg9: memref<128xi32, #tpu.memory_space<vmem>>, %arg10: memref<128xi32, #tpu.memory_space<vmem>>, %arg11: memref<2x128x128xf32, #tpu.memory_space<vmem>>, %arg12: memref<10000x128xf32, #tpu.memory_space<vmem_shared>>, %arg13: memref<!tpu.dma_semaphore, #tpu.memory_space<semaphore_mem>>, %arg14: memref<!tpu.dma_semaphore, #tpu.memory_space<semaphore_mem>>, %arg15: memref<!tpu.dma_semaphore, #tpu.memory_space<semaphore_mem>>, %arg16: memref<!tpu.dma_semaphore, #tpu.memory_space<semaphore_mem>>, %arg17: memref<!tpu.dma_semaphore, #tpu.memory_space<semaphore_mem>>, %arg18: memref<!tpu.dma_semaphore, #tpu.memory_space<semaphore_mem>>, %arg19: memref<!tpu.dma_semaphore, #tpu.memory_space<semaphore_mem>>, %arg20: memref<!tpu.dma_semaphore, #tpu.memory_space<semaphore_mem>>) attributes {dimension_semantics = [#tpu.dimension_semantics<core_parallel>, #tpu.dimension_semantics<subcore_parallel>], iteration_bounds = array<i64: 2, 16>, scalar_prefetch = 0 : i64, scratch_operands = 15 : i64, tpu.core_type = #tpu.core_type<sc_vector_subcore>, window_params = [{transform_indices = #map}, {transform_indices = #map}, {transform_indices = #map1}, {transform_indices = #map}]} {
    %mul3A = arith.constant 16 : i32
    %mul3A_0 = arith.muli %arg0, %mul3A : i32
    %add3A = arith.addi %mul3A_0, %arg1 : i32
    %scan3A = arith.constant 0 : i32
    %scan3A_1 = arith.constant 0 : i32
    %scan3A_2 = arith.constant 0 : i32
    %scan3A_3 = arith.constant 128 : i32
    %scan3A_4 = arith.addi %scan3A_2, %scan3A_3 : i32
    %scan3A_5 = arith.constant 1 : i32
    scf.for %scan3A_43 = %scan3A_2 to %scan3A_4 step %scan3A_5  : i32 {
      %broadcast_in_dim3A = arith.constant 0.000000e+00 : f32
      %broadcast_in_dim3A_44 = vector.broadcast %broadcast_in_dim3A : f32 to vector<16xf32>
      %swap3A = arith.constant 0 : i32
      %swap3A_45 = arith.constant 0 : i32
      %swap3A_46 = tpu.memref_slice %arg11[%scan3A_1, %swap3A, %swap3A_45] : memref<2x128x128xf32, #tpu.memory_space<vmem>> -> memref<1x128x128xf32, #tpu.memory_space<vmem>>
      %swap3A_47 = tpu.memref_squeeze %swap3A_46 : memref<1x128x128xf32, #tpu.memory_space<vmem>> -> memref<128x128xf32, #tpu.memory_space<vmem>>
      %swap3A_48 = arith.index_cast %scan3A_43 : i32 to index
      %swap3A_49 = arith.constant 0 : index
      %swap3A_50 = tpu.vector_load %swap3A_47[%swap3A_48, %swap3A_49] {strides = array<i32>} : memref<128x128xf32, #tpu.memory_space<vmem>>, vector<1x16xf32>,
      %swap3A_51 = vector.shape_cast %swap3A_50 : vector<1x16xf32> to vector<16xf32>
      %swap3A_52 = vector.shape_cast %broadcast_in_dim3A_44 : vector<16xf32> to vector<1x16xf32>
      tpu.vector_store %swap3A_47[%swap3A_48, %swap3A_49], %swap3A_52 {strides = array<i32>} : memref<128x128xf32, #tpu.memory_space<vmem>>, vector<1x16xf32>,
      %broadcast_in_dim3A_53 = arith.constant 0.000000e+00 : f32
      %broadcast_in_dim3A_54 = vector.broadcast %broadcast_in_dim3A_53 : f32 to vector<16xf32>
      %swap3A_55 = arith.constant 0 : i32
      %swap3A_56 = arith.constant 0 : i32
      %swap3A_57 = tpu.memref_slice %arg11[%scan3A_1, %swap3A_55, %swap3A_56] : memref<2x128x128xf32, #tpu.memory_space<vmem>> -> memref<1x128x128xf32, #tpu.memory_space<vmem>>
      %swap3A_58 = tpu.memref_squeeze %swap3A_57 : memref<1x128x128xf32, #tpu.memory_space<vmem>> -> memref<128x128xf32, #tpu.memory_space<vmem>>
      %swap3A_59 = arith.index_cast %scan3A_43 : i32 to index
      %swap3A_60 = arith.constant 16 : index
      %swap3A_61 = tpu.vector_load %swap3A_58[%swap3A_59, %swap3A_60] {strides = array<i32>} : memref<128x128xf32, #tpu.memory_space<vmem>>, vector<1x16xf32>,
      %swap3A_62 = vector.shape_cast %swap3A_61 : vector<1x16xf32> to vector<16xf32>
      %swap3A_63 = vector.shape_cast %broadcast_in_dim3A_54 : vector<16xf32> to vector<1x16xf32>
      tpu.vector_store %swap3A_58[%swap3A_59, %swap3A_60], %swap3A_63 {strides = array<i32>} : memref<128x128xf32, #tpu.memory_space<vmem>>, vector<1x16xf32>,
      %broadcast_in_dim3A_64 = arith.constant 0.000000e+00 : f32
      %broadcast_in_dim3A_65 = vector.broadcast %broadcast_in_dim3A_64 : f32 to vector<16xf32>
      %swap3A_66 = arith.constant 0 : i32
      %swap3A_67 = arith.constant 0 : i32
      %swap3A_68 = tpu.memref_slice %arg11[%scan3A_1, %swap3A_66, %swap3A_67] : memref<2x128x128xf32, #tpu.memory_space<vmem>> -> memref<1x128x128xf32, #tpu.memory_space<vmem>>
      %swap3A_69 = tpu.memref_squeeze %swap3A_68 : memref<1x128x128xf32, #tpu.memory_space<vmem>> -> memref<128x128xf32, #tpu.memory_space<vmem>>
      %swap3A_70 = arith.index_cast %scan3A_43 : i32 to index
      %swap3A_71 = arith.constant 32 : index
      %swap3A_72 = tpu.vector_load %swap3A_69[%swap3A_70, %swap3A_71] {strides = array<i32>} : memref<128x128xf32, #tpu.memory_space<vmem>>, vector<1x16xf32>,
      %swap3A_73 = vector.shape_cast %swap3A_72 : vector<1x16xf32> to vector<16xf32>
      %swap3A_74 = vector.shape_cast %broadcast_in_dim3A_65 : vector<16xf32> to vector<1x16xf32>
      tpu.vector_store %swap3A_69[%swap3A_70, %swap3A_71], %swap3A_74 {strides = array<i32>} : memref<128x128xf32, #tpu.memory_space<vmem>>, vector<1x16xf32>,
      %broadcast_in_dim3A_75 = arith.constant 0.000000e+00 : f32
      %broadcast_in_dim3A_76 = vector.broadcast %broadcast_in_dim3A_75 : f32 to vector<16xf32>
      %swap3A_77 = arith.constant 0 : i32
      %swap3A_78 = arith.constant 0 : i32
      %swap3A_79 = tpu.memref_slice %arg11[%scan3A_1, %swap3A_77, %swap3A_78] : memref<2x128x128xf32, #tpu.memory_space<vmem>> -> memref<1x128x128xf32, #tpu.memory_space<vmem>>
      %swap3A_80 = tpu.memref_squeeze %swap3A_79 : memref<1x128x128xf32, #tpu.memory_space<vmem>> -> memref<128x128xf32, #tpu.memory_space<vmem>>
      %swap3A_81 = arith.index_cast %scan3A_43 : i32 to index
      %swap3A_82 = arith.constant 48 : index
      %swap3A_83 = tpu.vector_load %swap3A_80[%swap3A_81, %swap3A_82] {strides = array<i32>} : memref<128x128xf32, #tpu.memory_space<vmem>>, vector<1x16xf32>,
      %swap3A_84 = vector.shape_cast %swap3A_83 : vector<1x16xf32> to vector<16xf32>
      %swap3A_85 = vector.shape_cast %broadcast_in_dim3A_76 : vector<16xf32> to vector<1x16xf32>
      tpu.vector_store %swap3A_80[%swap3A_81, %swap3A_82], %swap3A_85 {strides = array<i32>} : memref<128x128xf32, #tpu.memory_space<vmem>>, vector<1x16xf32>,
      %broadcast_in_dim3A_86 = arith.constant 0.000000e+00 : f32
      %broadcast_in_dim3A_87 = vector.broadcast %broadcast_in_dim3A_86 : f32 to vector<16xf32>
      %swap3A_88 = arith.constant 0 : i32
      %swap3A_89 = arith.constant 0 : i32
      %swap3A_90 = tpu.memref_slice %arg11[%scan3A_1, %swap3A_88, %swap3A_89] : memref<2x128x128xf32, #tpu.memory_space<vmem>> -> memref<1x128x128xf32, #tpu.memory_space<vmem>>
      %swap3A_91 = tpu.memref_squeeze %swap3A_90 : memref<1x128x128xf32, #tpu.memory_space<vmem>> -> memref<128x128xf32, #tpu.memory_space<vmem>>
      %swap3A_92 = arith.index_cast %scan3A_43 : i32 to index
      %swap3A_93 = arith.constant 64 : index
      %swap3A_94 = tpu.vector_load %swap3A_91[%swap3A_92, %swap3A_93] {strides = array<i32>} : memref<128x128xf32, #tpu.memory_space<vmem>>, vector<1x16xf32>,
      %swap3A_95 = vector.shape_cast %swap3A_94 : vector<1x16xf32> to vector<16xf32>
      %swap3A_96 = vector.shape_cast %broadcast_in_dim3A_87 : vector<16xf32> to vector<1x16xf32>
      tpu.vector_store %swap3A_91[%swap3A_92, %swap3A_93], %swap3A_96 {strides = array<i32>} : memref<128x128xf32, #tpu.memory_space<vmem>>, vector<1x16xf32>,
      %broadcast_in_dim3A_97 = arith.constant 0.000000e+00 : f32
      %broadcast_in_dim3A_98 = vector.broadcast %broadcast_in_dim3A_97 : f32 to vector<16xf32>
      %swap3A_99 = arith.constant 0 : i32
      %swap3A_100 = arith.constant 0 : i32
      %swap3A_101 = tpu.memref_slice %arg11[%scan3A_1, %swap3A_99, %swap3A_100] : memref<2x128x128xf32, #tpu.memory_space<vmem>> -> memref<1x128x128xf32, #tpu.memory_space<vmem>>
      %swap3A_102 = tpu.memref_squeeze %swap3A_101 : memref<1x128x128xf32, #tpu.memory_space<vmem>> -> memref<128x128xf32, #tpu.memory_space<vmem>>
      %swap3A_103 = arith.index_cast %scan3A_43 : i32 to index
      %swap3A_104 = arith.constant 80 : index
      %swap3A_105 = tpu.vector_load %swap3A_102[%swap3A_103, %swap3A_104] {strides = array<i32>} : memref<128x128xf32, #tpu.memory_space<vmem>>, vector<1x16xf32>,
      %swap3A_106 = vector.shape_cast %swap3A_105 : vector<1x16xf32> to vector<16xf32>
      %swap3A_107 = vector.shape_cast %broadcast_in_dim3A_98 : vector<16xf32> to vector<1x16xf32>
      tpu.vector_store %swap3A_102[%swap3A_103, %swap3A_104], %swap3A_107 {strides = array<i32>} : memref<128x128xf32, #tpu.memory_space<vmem>>, vector<1x16xf32>,
      %broadcast_in_dim3A_108 = arith.constant 0.000000e+00 : f32
      %broadcast_in_dim3A_109 = vector.broadcast %broadcast_in_dim3A_108 : f32 to vector<16xf32>
      %swap3A_110 = arith.constant 0 : i32
      %swap3A_111 = arith.constant 0 : i32
      %swap3A_112 = tpu.memref_slice %arg11[%scan3A_1, %swap3A_110, %swap3A_111] : memref<2x128x128xf32, #tpu.memory_space<vmem>> -> memref<1x128x128xf32, #tpu.memory_space<vmem>>
      %swap3A_113 = tpu.memref_squeeze %swap3A_112 : memref<1x128x128xf32, #tpu.memory_space<vmem>> -> memref<128x128xf32, #tpu.memory_space<vmem>>
      %swap3A_114 = arith.index_cast %scan3A_43 : i32 to index
      %swap3A_115 = arith.constant 96 : index
      %swap3A_116 = tpu.vector_load %swap3A_113[%swap3A_114, %swap3A_115] {strides = array<i32>} : memref<128x128xf32, #tpu.memory_space<vmem>>, vector<1x16xf32>,
      %swap3A_117 = vector.shape_cast %swap3A_116 : vector<1x16xf32> to vector<16xf32>
      %swap3A_118 = vector.shape_cast %broadcast_in_dim3A_109 : vector<16xf32> to vector<1x16xf32>
      tpu.vector_store %swap3A_113[%swap3A_114, %swap3A_115], %swap3A_118 {strides = array<i32>} : memref<128x128xf32, #tpu.memory_space<vmem>>, vector<1x16xf32>,
      %broadcast_in_dim3A_119 = arith.constant 0.000000e+00 : f32
      %broadcast_in_dim3A_120 = vector.broadcast %broadcast_in_dim3A_119 : f32 to vector<16xf32>
      %swap3A_121 = arith.constant 0 : i32
      %swap3A_122 = arith.constant 0 : i32
      %swap3A_123 = tpu.memref_slice %arg11[%scan3A_1, %swap3A_121, %swap3A_122] : memref<2x128x128xf32, #tpu.memory_space<vmem>> -> memref<1x128x128xf32, #tpu.memory_space<vmem>>
      %swap3A_124 = tpu.memref_squeeze %swap3A_123 : memref<1x128x128xf32, #tpu.memory_space<vmem>> -> memref<128x128xf32, #tpu.memory_space<vmem>>
      %swap3A_125 = arith.index_cast %scan3A_43 : i32 to index
      %swap3A_126 = arith.constant 112 : index
      %swap3A_127 = tpu.vector_load %swap3A_124[%swap3A_125, %swap3A_126] {strides = array<i32>} : memref<128x128xf32, #tpu.memory_space<vmem>>, vector<1x16xf32>,
      %swap3A_128 = vector.shape_cast %swap3A_127 : vector<1x16xf32> to vector<16xf32>
      %swap3A_129 = vector.shape_cast %broadcast_in_dim3A_120 : vector<16xf32> to vector<1x16xf32>
      tpu.vector_store %swap3A_124[%swap3A_125, %swap3A_126], %swap3A_129 {strides = array<i32>} : memref<128x128xf32, #tpu.memory_space<vmem>>, vector<1x16xf32>,
    }
    %scan3A_6 = arith.constant 128 : i32
    %mul3A_7 = arith.constant 632 : i32
    %mul3A_8 = arith.muli %arg1, %mul3A_7 : i32
    %lt3A = arith.constant 15 : i32
    %lt3A_9 = arith.cmpi slt, %arg1, %lt3A : i32
    %convert_element_type3A = arith.extui %lt3A_9 : i1 to i32
    %cond3A = arith.constant 0 : i32
    %cond3A_10 = arith.constant 0 : i32
    %cond3A_11 = arith.cmpi ne, %convert_element_type3A, %cond3A_10 : i32
    scf.if %cond3A_11 {
      %add3A_43 = arith.constant 0 : i32
      %add3A_44 = arith.addi %mul3A_8, %add3A_43 : i32
      "tpu.region"() ({
        %run_scoped3A = tpu.sem_alloc : memref<!tpu.dma_semaphore, #tpu.memory_space<semaphore_mem>>
        %dma_start3A = arith.constant 0 : i32
        %dma_start3A_53 = arith.constant 0 : i32
        %dma_start3A_54 = tpu.memref_slice %arg11[%cond3A, %dma_start3A, %dma_start3A_53] : memref<2x128x128xf32, #tpu.memory_space<vmem>> -> memref<1x128x128xf32, #tpu.memory_space<vmem>>
        %dma_start3A_55 = tpu.memref_squeeze %dma_start3A_54 : memref<1x128x128xf32, #tpu.memory_space<vmem>> -> memref<128x128xf32, #tpu.memory_space<vmem>>
        %dma_start3A_56 = arith.constant 0 : i32
        %dma_start3A_57 = tpu.memref_slice %arg12[%add3A_44, %dma_start3A_56] : memref<10000x128xf32, #tpu.memory_space<vmem_shared>> -> memref<128x128xf32, #tpu.memory_space<vmem_shared>>
        %dma_start3A_58 = arith.constant 0 : i32
        %dma_start3A_59 = tpu.memref_slice %arg12[%add3A_44, %dma_start3A_58] : memref<10000x128xf32, #tpu.memory_space<vmem_shared>> -> memref<128x128xf32, #tpu.memory_space<vmem_shared>>
        %dma_start3A_60 = arith.constant 0 : i32
        %dma_start3A_61 = arith.constant 0 : i32
        %dma_start3A_62 = tpu.memref_slice %arg11[%cond3A, %dma_start3A_60, %dma_start3A_61] : memref<2x128x128xf32, #tpu.memory_space<vmem>> -> memref<1x128x128xf32, #tpu.memory_space<vmem>>
        %dma_start3A_63 = tpu.memref_squeeze %dma_start3A_62 : memref<1x128x128xf32, #tpu.memory_space<vmem>> -> memref<128x128xf32, #tpu.memory_space<vmem>>
        tpu.enqueue_dma source(%dma_start3A_63 : memref<128x128xf32, #tpu.memory_space<vmem>>) target(%dma_start3A_59 : memref<128x128xf32, #tpu.memory_space<vmem_shared>>) target_semaphore(%run_scoped3A : memref<!tpu.dma_semaphore, #tpu.memory_space<semaphore_mem>>)
        %dma_wait3A = arith.constant 0 : i32
        %dma_wait3A_64 = arith.constant 0 : i32
        %dma_wait3A_65 = tpu.memref_slice %arg11[%cond3A, %dma_wait3A, %dma_wait3A_64] : memref<2x128x128xf32, #tpu.memory_space<vmem>> -> memref<1x128x128xf32, #tpu.memory_space<vmem>>
        %dma_wait3A_66 = tpu.memref_squeeze %dma_wait3A_65 : memref<1x128x128xf32, #tpu.memory_space<vmem>> -> memref<128x128xf32, #tpu.memory_space<vmem>>
        %dma_wait3A_67 = arith.constant 0 : i32
        %dma_wait3A_68 = tpu.memref_slice %arg12[%add3A_44, %dma_wait3A_67] : memref<10000x128xf32, #tpu.memory_space<vmem_shared>> -> memref<128x128xf32, #tpu.memory_space<vmem_shared>>
        %dma_wait3A_69 = arith.constant 0 : i32
        %dma_wait3A_70 = tpu.memref_slice %arg12[%add3A_44, %dma_wait3A_69] : memref<10000x128xf32, #tpu.memory_space<vmem_shared>> -> memref<128x128xf32, #tpu.memory_space<vmem_shared>>
        %dma_wait3A_71 = arith.constant 0 : i32
        %dma_wait3A_72 = arith.constant 0 : i32
        %dma_wait3A_73 = tpu.memref_slice %arg11[%cond3A, %dma_wait3A_71, %dma_wait3A_72] : memref<2x128x128xf32, #tpu.memory_space<vmem>> -> memref<1x128x128xf32, #tpu.memory_space<vmem>>
        %dma_wait3A_74 = tpu.memref_squeeze %dma_wait3A_73 : memref<1x128x128xf32, #tpu.memory_space<vmem>> -> memref<128x128xf32, #tpu.memory_space<vmem>>
        tpu.wait_dma2 semaphore(%run_scoped3A : memref<!tpu.dma_semaphore, #tpu.memory_space<semaphore_mem>>) src(%dma_wait3A_74 : memref<128x128xf32, #tpu.memory_space<vmem>>) dst(%dma_wait3A_70 : memref<128x128xf32, #tpu.memory_space<vmem_shared>>)
        tpu.yield
      }) : () -> ()
      %add3A_45 = arith.constant 128 : i32
      %add3A_46 = arith.addi %mul3A_8, %add3A_45 : i32
      "tpu.region"() ({
        %run_scoped3A = tpu.sem_alloc : memref<!tpu.dma_semaphore, #tpu.memory_space<semaphore_mem>>
        %dma_start3A = arith.constant 0 : i32
        %dma_start3A_53 = arith.constant 0 : i32
        %dma_start3A_54 = tpu.memref_slice %arg11[%cond3A, %dma_start3A, %dma_start3A_53] : memref<2x128x128xf32, #tpu.memory_space<vmem>> -> memref<1x128x128xf32, #tpu.memory_space<vmem>>
        %dma_start3A_55 = tpu.memref_squeeze %dma_start3A_54 : memref<1x128x128xf32, #tpu.memory_space<vmem>> -> memref<128x128xf32, #tpu.memory_space<vmem>>
        %dma_start3A_56 = arith.constant 0 : i32
        %dma_start3A_57 = tpu.memref_slice %arg12[%add3A_46, %dma_start3A_56] : memref<10000x128xf32, #tpu.memory_space<vmem_shared>> -> memref<128x128xf32, #tpu.memory_space<vmem_shared>>
        %dma_start3A_58 = arith.constant 0 : i32
        %dma_start3A_59 = tpu.memref_slice %arg12[%add3A_46, %dma_start3A_58] : memref<10000x128xf32, #tpu.memory_space<vmem_shared>> -> memref<128x128xf32, #tpu.memory_space<vmem_shared>>
        %dma_start3A_60 = arith.constant 0 : i32
        %dma_start3A_61 = arith.constant 0 : i32
        %dma_start3A_62 = tpu.memref_slice %arg11[%cond3A, %dma_start3A_60, %dma_start3A_61] : memref<2x128x128xf32, #tpu.memory_space<vmem>> -> memref<1x128x128xf32, #tpu.memory_space<vmem>>
        %dma_start3A_63 = tpu.memref_squeeze %dma_start3A_62 : memref<1x128x128xf32, #tpu.memory_space<vmem>> -> memref<128x128xf32, #tpu.memory_space<vmem>>
        tpu.enqueue_dma source(%dma_start3A_63 : memref<128x128xf32, #tpu.memory_space<vmem>>) target(%dma_start3A_59 : memref<128x128xf32, #tpu.memory_space<vmem_shared>>) target_semaphore(%run_scoped3A : memref<!tpu.dma_semaphore, #tpu.memory_space<semaphore_mem>>)
        %dma_wait3A = arith.constant 0 : i32
        %dma_wait3A_64 = arith.constant 0 : i32
        %dma_wait3A_65 = tpu.memref_slice %arg11[%cond3A, %dma_wait3A, %dma_wait3A_64] : memref<2x128x128xf32, #tpu.memory_space<vmem>> -> memref<1x128x128xf32, #tpu.memory_space<vmem>>
        %dma_wait3A_66 = tpu.memref_squeeze %dma_wait3A_65 : memref<1x128x128xf32, #tpu.memory_space<vmem>> -> memref<128x128xf32, #tpu.memory_space<vmem>>
        %dma_wait3A_67 = arith.constant 0 : i32
        %dma_wait3A_68 = tpu.memref_slice %arg12[%add3A_46, %dma_wait3A_67] : memref<10000x128xf32, #tpu.memory_space<vmem_shared>> -> memref<128x128xf32, #tpu.memory_space<vmem_shared>>
        %dma_wait3A_69 = arith.constant 0 : i32
        %dma_wait3A_70 = tpu.memref_slice %arg12[%add3A_46, %dma_wait3A_69] : memref<10000x128xf32, #tpu.memory_space<vmem_shared>> -> memref<128x128xf32, #tpu.memory_space<vmem_shared>>
        %dma_wait3A_71 = arith.constant 0 : i32
        %dma_wait3A_72 = arith.constant 0 : i32
        %dma_wait3A_73 = tpu.memref_slice %arg11[%cond3A, %dma_wait3A_71, %dma_wait3A_72] : memref<2x128x128xf32, #tpu.memory_space<vmem>> -> memref<1x128x128xf32, #tpu.memory_space<vmem>>
        %dma_wait3A_74 = tpu.memref_squeeze %dma_wait3A_73 : memref<1x128x128xf32, #tpu.memory_space<vmem>> -> memref<128x128xf32, #tpu.memory_space<vmem>>
        tpu.wait_dma2 semaphore(%run_scoped3A : memref<!tpu.dma_semaphore, #tpu.memory_space<semaphore_mem>>) src(%dma_wait3A_74 : memref<128x128xf32, #tpu.memory_space<vmem>>) dst(%dma_wait3A_70 : memref<128x128xf32, #tpu.memory_space<vmem_shared>>)
        tpu.yield
      }) : () -> ()
      %add3A_47 = arith.constant 256 : i32
      %add3A_48 = arith.addi %mul3A_8, %add3A_47 : i32
      "tpu.region"() ({
        %run_scoped3A = tpu.sem_alloc : memref<!tpu.dma_semaphore, #tpu.memory_space<semaphore_mem>>
        %dma_start3A = arith.constant 0 : i32
        %dma_start3A_53 = arith.constant 0 : i32
        %dma_start3A_54 = tpu.memref_slice %arg11[%cond3A, %dma_start3A, %dma_start3A_53] : memref<2x128x128xf32, #tpu.memory_space<vmem>> -> memref<1x128x128xf32, #tpu.memory_space<vmem>>
        %dma_start3A_55 = tpu.memref_squeeze %dma_start3A_54 : memref<1x128x128xf32, #tpu.memory_space<vmem>> -> memref<128x128xf32, #tpu.memory_space<vmem>>
        %dma_start3A_56 = arith.constant 0 : i32
        %dma_start3A_57 = tpu.memref_slice %arg12[%add3A_48, %dma_start3A_56] : memref<10000x128xf32, #tpu.memory_space<vmem_shared>> -> memref<128x128xf32, #tpu.memory_space<vmem_shared>>
        %dma_start3A_58 = arith.constant 0 : i32
        %dma_start3A_59 = tpu.memref_slice %arg12[%add3A_48, %dma_start3A_58] : memref<10000x128xf32, #tpu.memory_space<vmem_shared>> -> memref<128x128xf32, #tpu.memory_space<vmem_shared>>
        %dma_start3A_60 = arith.constant 0 : i32
        %dma_start3A_61 = arith.constant 0 : i32
        %dma_start3A_62 = tpu.memref_slice %arg11[%cond3A, %dma_start3A_60, %dma_start3A_61] : memref<2x128x128xf32, #tpu.memory_space<vmem>> -> memref<1x128x128xf32, #tpu.memory_space<vmem>>
        %dma_start3A_63 = tpu.memref_squeeze %dma_start3A_62 : memref<1x128x128xf32, #tpu.memory_space<vmem>> -> memref<128x128xf32, #tpu.memory_space<vmem>>
        tpu.enqueue_dma source(%dma_start3A_63 : memref<128x128xf32, #tpu.memory_space<vmem>>) target(%dma_start3A_59 : memref<128x128xf32, #tpu.memory_space<vmem_shared>>) target_semaphore(%run_scoped3A : memref<!tpu.dma_semaphore, #tpu.memory_space<semaphore_mem>>)
        %dma_wait3A = arith.constant 0 : i32
        %dma_wait3A_64 = arith.constant 0 : i32
        %dma_wait3A_65 = tpu.memref_slice %arg11[%cond3A, %dma_wait3A, %dma_wait3A_64] : memref<2x128x128xf32, #tpu.memory_space<vmem>> -> memref<1x128x128xf32, #tpu.memory_space<vmem>>
        %dma_wait3A_66 = tpu.memref_squeeze %dma_wait3A_65 : memref<1x128x128xf32, #tpu.memory_space<vmem>> -> memref<128x128xf32, #tpu.memory_space<vmem>>
        %dma_wait3A_67 = arith.constant 0 : i32
        %dma_wait3A_68 = tpu.memref_slice %arg12[%add3A_48, %dma_wait3A_67] : memref<10000x128xf32, #tpu.memory_space<vmem_shared>> -> memref<128x128xf32, #tpu.memory_space<vmem_shared>>
        %dma_wait3A_69 = arith.constant 0 : i32
        %dma_wait3A_70 = tpu.memref_slice %arg12[%add3A_48, %dma_wait3A_69] : memref<10000x128xf32, #tpu.memory_space<vmem_shared>> -> memref<128x128xf32, #tpu.memory_space<vmem_shared>>
        %dma_wait3A_71 = arith.constant 0 : i32
        %dma_wait3A_72 = arith.constant 0 : i32
        %dma_wait3A_73 = tpu.memref_slice %arg11[%cond3A, %dma_wait3A_71, %dma_wait3A_72] : memref<2x128x128xf32, #tpu.memory_space<vmem>> -> memref<1x128x128xf32, #tpu.memory_space<vmem>>
        %dma_wait3A_74 = tpu.memref_squeeze %dma_wait3A_73 : memref<1x128x128xf32, #tpu.memory_space<vmem>> -> memref<128x128xf32, #tpu.memory_space<vmem>>
        tpu.wait_dma2 semaphore(%run_scoped3A : memref<!tpu.dma_semaphore, #tpu.memory_space<semaphore_mem>>) src(%dma_wait3A_74 : memref<128x128xf32, #tpu.memory_space<vmem>>) dst(%dma_wait3A_70 : memref<128x128xf32, #tpu.memory_space<vmem_shared>>)
        tpu.yield
      }) : () -> ()
      %add3A_49 = arith.constant 384 : i32
      %add3A_50 = arith.addi %mul3A_8, %add3A_49 : i32
      "tpu.region"() ({
        %run_scoped3A = tpu.sem_alloc : memref<!tpu.dma_semaphore, #tpu.memory_space<semaphore_mem>>
        %dma_start3A = arith.constant 0 : i32
        %dma_start3A_53 = arith.constant 0 : i32
        %dma_start3A_54 = tpu.memref_slice %arg11[%cond3A, %dma_start3A, %dma_start3A_53] : memref<2x128x128xf32, #tpu.memory_space<vmem>> -> memref<1x128x128xf32, #tpu.memory_space<vmem>>
        %dma_start3A_55 = tpu.memref_squeeze %dma_start3A_54 : memref<1x128x128xf32, #tpu.memory_space<vmem>> -> memref<128x128xf32, #tpu.memory_space<vmem>>
        %dma_start3A_56 = arith.constant 0 : i32
        %dma_start3A_57 = tpu.memref_slice %arg12[%add3A_50, %dma_start3A_56] : memref<10000x128xf32, #tpu.memory_space<vmem_shared>> -> memref<128x128xf32, #tpu.memory_space<vmem_shared>>
        %dma_start3A_58 = arith.constant 0 : i32
        %dma_start3A_59 = tpu.memref_slice %arg12[%add3A_50, %dma_start3A_58] : memref<10000x128xf32, #tpu.memory_space<vmem_shared>> -> memref<128x128xf32, #tpu.memory_space<vmem_shared>>
        %dma_start3A_60 = arith.constant 0 : i32
        %dma_start3A_61 = arith.constant 0 : i32
        %dma_start3A_62 = tpu.memref_slice %arg11[%cond3A, %dma_start3A_60, %dma_start3A_61] : memref<2x128x128xf32, #tpu.memory_space<vmem>> -> memref<1x128x128xf32, #tpu.memory_space<vmem>>
        %dma_start3A_63 = tpu.memref_squeeze %dma_start3A_62 : memref<1x128x128xf32, #tpu.memory_space<vmem>> -> memref<128x128xf32, #tpu.memory_space<vmem>>
        tpu.enqueue_dma source(%dma_start3A_63 : memref<128x128xf32, #tpu.memory_space<vmem>>) target(%dma_start3A_59 : memref<128x128xf32, #tpu.memory_space<vmem_shared>>) target_semaphore(%run_scoped3A : memref<!tpu.dma_semaphore, #tpu.memory_space<semaphore_mem>>)
        %dma_wait3A = arith.constant 0 : i32
        %dma_wait3A_64 = arith.constant 0 : i32
        %dma_wait3A_65 = tpu.memref_slice %arg11[%cond3A, %dma_wait3A, %dma_wait3A_64] : memref<2x128x128xf32, #tpu.memory_space<vmem>> -> memref<1x128x128xf32, #tpu.memory_space<vmem>>
        %dma_wait3A_66 = tpu.memref_squeeze %dma_wait3A_65 : memref<1x128x128xf32, #tpu.memory_space<vmem>> -> memref<128x128xf32, #tpu.memory_space<vmem>>
        %dma_wait3A_67 = arith.constant 0 : i32
        %dma_wait3A_68 = tpu.memref_slice %arg12[%add3A_50, %dma_wait3A_67] : memref<10000x128xf32, #tpu.memory_space<vmem_shared>> -> memref<128x128xf32, #tpu.memory_space<vmem_shared>>
        %dma_wait3A_69 = arith.constant 0 : i32
        %dma_wait3A_70 = tpu.memref_slice %arg12[%add3A_50, %dma_wait3A_69] : memref<10000x128xf32, #tpu.memory_space<vmem_shared>> -> memref<128x128xf32, #tpu.memory_space<vmem_shared>>
        %dma_wait3A_71 = arith.constant 0 : i32
        %dma_wait3A_72 = arith.constant 0 : i32
        %dma_wait3A_73 = tpu.memref_slice %arg11[%cond3A, %dma_wait3A_71, %dma_wait3A_72] : memref<2x128x128xf32, #tpu.memory_space<vmem>> -> memref<1x128x128xf32, #tpu.memory_space<vmem>>
        %dma_wait3A_74 = tpu.memref_squeeze %dma_wait3A_73 : memref<1x128x128xf32, #tpu.memory_space<vmem>> -> memref<128x128xf32, #tpu.memory_space<vmem>>
        tpu.wait_dma2 semaphore(%run_scoped3A : memref<!tpu.dma_semaphore, #tpu.memory_space<semaphore_mem>>) src(%dma_wait3A_74 : memref<128x128xf32, #tpu.memory_space<vmem>>) dst(%dma_wait3A_70 : memref<128x128xf32, #tpu.memory_space<vmem_shared>>)
        tpu.yield
      }) : () -> ()
      %add3A_51 = arith.constant 512 : i32
      %add3A_52 = arith.addi %mul3A_8, %add3A_51 : i32
      "tpu.region"() ({
        %run_scoped3A = tpu.sem_alloc : memref<!tpu.dma_semaphore, #tpu.memory_space<semaphore_mem>>
        %dma_start3A = arith.constant 0 : i32
        %dma_start3A_53 = arith.constant 0 : i32
        %dma_start3A_54 = tpu.memref_slice %arg11[%cond3A, %dma_start3A, %dma_start3A_53] : memref<2x128x128xf32, #tpu.memory_space<vmem>> -> memref<1x128x128xf32, #tpu.memory_space<vmem>>
        %dma_start3A_55 = tpu.memref_squeeze %dma_start3A_54 : memref<1x128x128xf32, #tpu.memory_space<vmem>> -> memref<128x128xf32, #tpu.memory_space<vmem>>
        %dma_start3A_56 = arith.constant 0 : i32
        %dma_start3A_57 = arith.constant 0 : i32
        %dma_start3A_58 = tpu.memref_slice %dma_start3A_55[%dma_start3A_56, %dma_start3A_57] : memref<128x128xf32, #tpu.memory_space<vmem>> -> memref<120x128xf32, #tpu.memory_space<vmem>>
        %dma_start3A_59 = arith.constant 0 : i32
        %dma_start3A_60 = tpu.memref_slice %arg12[%add3A_52, %dma_start3A_59] : memref<10000x128xf32, #tpu.memory_space<vmem_shared>> -> memref<120x128xf32, #tpu.memory_space<vmem_shared>>
        %dma_start3A_61 = arith.constant 0 : i32
        %dma_start3A_62 = tpu.memref_slice %arg12[%add3A_52, %dma_start3A_61] : memref<10000x128xf32, #tpu.memory_space<vmem_shared>> -> memref<120x128xf32, #tpu.memory_space<vmem_shared>>
        %dma_start3A_63 = arith.constant 0 : i32
        %dma_start3A_64 = arith.constant 0 : i32
        %dma_start3A_65 = tpu.memref_slice %arg11[%cond3A, %dma_start3A_63, %dma_start3A_64] : memref<2x128x128xf32, #tpu.memory_space<vmem>> -> memref<1x128x128xf32, #tpu.memory_space<vmem>>
        %dma_start3A_66 = tpu.memref_squeeze %dma_start3A_65 : memref<1x128x128xf32, #tpu.memory_space<vmem>> -> memref<128x128xf32, #tpu.memory_space<vmem>>
        %dma_start3A_67 = arith.constant 0 : i32
        %dma_start3A_68 = arith.constant 0 : i32
        %dma_start3A_69 = tpu.memref_slice %dma_start3A_66[%dma_start3A_67, %dma_start3A_68] : memref<128x128xf32, #tpu.memory_space<vmem>> -> memref<120x128xf32, #tpu.memory_space<vmem>>
        tpu.enqueue_dma source(%dma_start3A_69 : memref<120x128xf32, #tpu.memory_space<vmem>>) target(%dma_start3A_62 : memref<120x128xf32, #tpu.memory_space<vmem_shared>>) target_semaphore(%run_scoped3A : memref<!tpu.dma_semaphore, #tpu.memory_space<semaphore_mem>>)
        %dma_wait3A = arith.constant 0 : i32
        %dma_wait3A_70 = arith.constant 0 : i32
        %dma_wait3A_71 = tpu.memref_slice %arg11[%cond3A, %dma_wait3A, %dma_wait3A_70] : memref<2x128x128xf32, #tpu.memory_space<vmem>> -> memref<1x128x128xf32, #tpu.memory_space<vmem>>
        %dma_wait3A_72 = tpu.memref_squeeze %dma_wait3A_71 : memref<1x128x128xf32, #tpu.memory_space<vmem>> -> memref<128x128xf32, #tpu.memory_space<vmem>>
        %dma_wait3A_73 = arith.constant 0 : i32
        %dma_wait3A_74 = arith.constant 0 : i32
        %dma_wait3A_75 = tpu.memref_slice %dma_wait3A_72[%dma_wait3A_73, %dma_wait3A_74] : memref<128x128xf32, #tpu.memory_space<vmem>> -> memref<120x128xf32, #tpu.memory_space<vmem>>
        %dma_wait3A_76 = arith.constant 0 : i32
        %dma_wait3A_77 = tpu.memref_slice %arg12[%add3A_52, %dma_wait3A_76] : memref<10000x128xf32, #tpu.memory_space<vmem_shared>> -> memref<120x128xf32, #tpu.memory_space<vmem_shared>>
        %dma_wait3A_78 = arith.constant 0 : i32
        %dma_wait3A_79 = tpu.memref_slice %arg12[%add3A_52, %dma_wait3A_78] : memref<10000x128xf32, #tpu.memory_space<vmem_shared>> -> memref<120x128xf32, #tpu.memory_space<vmem_shared>>
        %dma_wait3A_80 = arith.constant 0 : i32
        %dma_wait3A_81 = arith.constant 0 : i32
        %dma_wait3A_82 = tpu.memref_slice %arg11[%cond3A, %dma_wait3A_80, %dma_wait3A_81] : memref<2x128x128xf32, #tpu.memory_space<vmem>> -> memref<1x128x128xf32, #tpu.memory_space<vmem>>
        %dma_wait3A_83 = tpu.memref_squeeze %dma_wait3A_82 : memref<1x128x128xf32, #tpu.memory_space<vmem>> -> memref<128x128xf32, #tpu.memory_space<vmem>>
        %dma_wait3A_84 = arith.constant 0 : i32
        %dma_wait3A_85 = arith.constant 0 : i32
        %dma_wait3A_86 = tpu.memref_slice %dma_wait3A_83[%dma_wait3A_84, %dma_wait3A_85] : memref<128x128xf32, #tpu.memory_space<vmem>> -> memref<120x128xf32, #tpu.memory_space<vmem>>
        tpu.wait_dma2 semaphore(%run_scoped3A : memref<!tpu.dma_semaphore, #tpu.memory_space<semaphore_mem>>) src(%dma_wait3A_86 : memref<120x128xf32, #tpu.memory_space<vmem>>) dst(%dma_wait3A_79 : memref<120x128xf32, #tpu.memory_space<vmem_shared>>)
        tpu.yield
      }) : () -> ()
    } else {
    }
    %eq3A = arith.constant 15 : i32
    %eq3A_12 = arith.cmpi eq, %arg1, %eq3A : i32
    %convert_element_type3A_13 = arith.extui %eq3A_12 : i1 to i32
    %cond3A_14 = arith.constant 0 : i32
    %cond3A_15 = arith.constant 0 : i32
    %cond3A_16 = arith.cmpi ne, %convert_element_type3A_13, %cond3A_15 : i32
    scf.if %cond3A_16 {
      %add3A_43 = arith.constant 0 : i32
      %add3A_44 = arith.addi %mul3A_8, %add3A_43 : i32
      "tpu.region"() ({
        %run_scoped3A = tpu.sem_alloc : memref<!tpu.dma_semaphore, #tpu.memory_space<semaphore_mem>>
        %dma_start3A = arith.constant 0 : i32
        %dma_start3A_53 = arith.constant 0 : i32
        %dma_start3A_54 = tpu.memref_slice %arg11[%cond3A_14, %dma_start3A, %dma_start3A_53] : memref<2x128x128xf32, #tpu.memory_space<vmem>> -> memref<1x128x128xf32, #tpu.memory_space<vmem>>
        %dma_start3A_55 = tpu.memref_squeeze %dma_start3A_54 : memref<1x128x128xf32, #tpu.memory_space<vmem>> -> memref<128x128xf32, #tpu.memory_space<vmem>>
        %dma_start3A_56 = arith.constant 0 : i32
        %dma_start3A_57 = tpu.memref_slice %arg12[%add3A_44, %dma_start3A_56] : memref<10000x128xf32, #tpu.memory_space<vmem_shared>> -> memref<128x128xf32, #tpu.memory_space<vmem_shared>>
        %dma_start3A_58 = arith.constant 0 : i32
        %dma_start3A_59 = tpu.memref_slice %arg12[%add3A_44, %dma_start3A_58] : memref<10000x128xf32, #tpu.memory_space<vmem_shared>> -> memref<128x128xf32, #tpu.memory_space<vmem_shared>>
        %dma_start3A_60 = arith.constant 0 : i32
        %dma_start3A_61 = arith.constant 0 : i32
        %dma_start3A_62 = tpu.memref_slice %arg11[%cond3A_14, %dma_start3A_60, %dma_start3A_61] : memref<2x128x128xf32, #tpu.memory_space<vmem>> -> memref<1x128x128xf32, #tpu.memory_space<vmem>>
        %dma_start3A_63 = tpu.memref_squeeze %dma_start3A_62 : memref<1x128x128xf32, #tpu.memory_space<vmem>> -> memref<128x128xf32, #tpu.memory_space<vmem>>
        tpu.enqueue_dma source(%dma_start3A_63 : memref<128x128xf32, #tpu.memory_space<vmem>>) target(%dma_start3A_59 : memref<128x128xf32, #tpu.memory_space<vmem_shared>>) target_semaphore(%run_scoped3A : memref<!tpu.dma_semaphore, #tpu.memory_space<semaphore_mem>>)
        %dma_wait3A = arith.constant 0 : i32
        %dma_wait3A_64 = arith.constant 0 : i32
        %dma_wait3A_65 = tpu.memref_slice %arg11[%cond3A_14, %dma_wait3A, %dma_wait3A_64] : memref<2x128x128xf32, #tpu.memory_space<vmem>> -> memref<1x128x128xf32, #tpu.memory_space<vmem>>
        %dma_wait3A_66 = tpu.memref_squeeze %dma_wait3A_65 : memref<1x128x128xf32, #tpu.memory_space<vmem>> -> memref<128x128xf32, #tpu.memory_space<vmem>>
        %dma_wait3A_67 = arith.constant 0 : i32
        %dma_wait3A_68 = tpu.memref_slice %arg12[%add3A_44, %dma_wait3A_67] : memref<10000x128xf32, #tpu.memory_space<vmem_shared>> -> memref<128x128xf32, #tpu.memory_space<vmem_shared>>
        %dma_wait3A_69 = arith.constant 0 : i32
        %dma_wait3A_70 = tpu.memref_slice %arg12[%add3A_44, %dma_wait3A_69] : memref<10000x128xf32, #tpu.memory_space<vmem_shared>> -> memref<128x128xf32, #tpu.memory_space<vmem_shared>>
        %dma_wait3A_71 = arith.constant 0 : i32
        %dma_wait3A_72 = arith.constant 0 : i32
        %dma_wait3A_73 = tpu.memref_slice %arg11[%cond3A_14, %dma_wait3A_71, %dma_wait3A_72] : memref<2x128x128xf32, #tpu.memory_space<vmem>> -> memref<1x128x128xf32, #tpu.memory_space<vmem>>
        %dma_wait3A_74 = tpu.memref_squeeze %dma_wait3A_73 : memref<1x128x128xf32, #tpu.memory_space<vmem>> -> memref<128x128xf32, #tpu.memory_space<vmem>>
        tpu.wait_dma2 semaphore(%run_scoped3A : memref<!tpu.dma_semaphore, #tpu.memory_space<semaphore_mem>>) src(%dma_wait3A_74 : memref<128x128xf32, #tpu.memory_space<vmem>>) dst(%dma_wait3A_70 : memref<128x128xf32, #tpu.memory_space<vmem_shared>>)
        tpu.yield
      }) : () -> ()
      %add3A_45 = arith.constant 128 : i32
      %add3A_46 = arith.addi %mul3A_8, %add3A_45 : i32
      "tpu.region"() ({
        %run_scoped3A = tpu.sem_alloc : memref<!tpu.dma_semaphore, #tpu.memory_space<semaphore_mem>>
        %dma_start3A = arith.constant 0 : i32
        %dma_start3A_53 = arith.constant 0 : i32
        %dma_start3A_54 = tpu.memref_slice %arg11[%cond3A_14, %dma_start3A, %dma_start3A_53] : memref<2x128x128xf32, #tpu.memory_space<vmem>> -> memref<1x128x128xf32, #tpu.memory_space<vmem>>
        %dma_start3A_55 = tpu.memref_squeeze %dma_start3A_54 : memref<1x128x128xf32, #tpu.memory_space<vmem>> -> memref<128x128xf32, #tpu.memory_space<vmem>>
        %dma_start3A_56 = arith.constant 0 : i32
        %dma_start3A_57 = tpu.memref_slice %arg12[%add3A_46, %dma_start3A_56] : memref<10000x128xf32, #tpu.memory_space<vmem_shared>> -> memref<128x128xf32, #tpu.memory_space<vmem_shared>>
        %dma_start3A_58 = arith.constant 0 : i32
        %dma_start3A_59 = tpu.memref_slice %arg12[%add3A_46, %dma_start3A_58] : memref<10000x128xf32, #tpu.memory_space<vmem_shared>> -> memref<128x128xf32, #tpu.memory_space<vmem_shared>>
        %dma_start3A_60 = arith.constant 0 : i32
        %dma_start3A_61 = arith.constant 0 : i32
        %dma_start3A_62 = tpu.memref_slice %arg11[%cond3A_14, %dma_start3A_60, %dma_start3A_61] : memref<2x128x128xf32, #tpu.memory_space<vmem>> -> memref<1x128x128xf32, #tpu.memory_space<vmem>>
        %dma_start3A_63 = tpu.memref_squeeze %dma_start3A_62 : memref<1x128x128xf32, #tpu.memory_space<vmem>> -> memref<128x128xf32, #tpu.memory_space<vmem>>
        tpu.enqueue_dma source(%dma_start3A_63 : memref<128x128xf32, #tpu.memory_space<vmem>>) target(%dma_start3A_59 : memref<128x128xf32, #tpu.memory_space<vmem_shared>>) target_semaphore(%run_scoped3A : memref<!tpu.dma_semaphore, #tpu.memory_space<semaphore_mem>>)
        %dma_wait3A = arith.constant 0 : i32
        %dma_wait3A_64 = arith.constant 0 : i32
        %dma_wait3A_65 = tpu.memref_slice %arg11[%cond3A_14, %dma_wait3A, %dma_wait3A_64] : memref<2x128x128xf32, #tpu.memory_space<vmem>> -> memref<1x128x128xf32, #tpu.memory_space<vmem>>
        %dma_wait3A_66 = tpu.memref_squeeze %dma_wait3A_65 : memref<1x128x128xf32, #tpu.memory_space<vmem>> -> memref<128x128xf32, #tpu.memory_space<vmem>>
        %dma_wait3A_67 = arith.constant 0 : i32
        %dma_wait3A_68 = tpu.memref_slice %arg12[%add3A_46, %dma_wait3A_67] : memref<10000x128xf32, #tpu.memory_space<vmem_shared>> -> memref<128x128xf32, #tpu.memory_space<vmem_shared>>
        %dma_wait3A_69 = arith.constant 0 : i32
        %dma_wait3A_70 = tpu.memref_slice %arg12[%add3A_46, %dma_wait3A_69] : memref<10000x128xf32, #tpu.memory_space<vmem_shared>> -> memref<128x128xf32, #tpu.memory_space<vmem_shared>>
        %dma_wait3A_71 = arith.constant 0 : i32
        %dma_wait3A_72 = arith.constant 0 : i32
        %dma_wait3A_73 = tpu.memref_slice %arg11[%cond3A_14, %dma_wait3A_71, %dma_wait3A_72] : memref<2x128x128xf32, #tpu.memory_space<vmem>> -> memref<1x128x128xf32, #tpu.memory_space<vmem>>
        %dma_wait3A_74 = tpu.memref_squeeze %dma_wait3A_73 : memref<1x128x128xf32, #tpu.memory_space<vmem>> -> memref<128x128xf32, #tpu.memory_space<vmem>>
        tpu.wait_dma2 semaphore(%run_scoped3A : memref<!tpu.dma_semaphore, #tpu.memory_space<semaphore_mem>>) src(%dma_wait3A_74 : memref<128x128xf32, #tpu.memory_space<vmem>>) dst(%dma_wait3A_70 : memref<128x128xf32, #tpu.memory_space<vmem_shared>>)
        tpu.yield
      }) : () -> ()
      %add3A_47 = arith.constant 256 : i32
      %add3A_48 = arith.addi %mul3A_8, %add3A_47 : i32
      "tpu.region"() ({
        %run_scoped3A = tpu.sem_alloc : memref<!tpu.dma_semaphore, #tpu.memory_space<semaphore_mem>>
        %dma_start3A = arith.constant 0 : i32
        %dma_start3A_53 = arith.constant 0 : i32
        %dma_start3A_54 = tpu.memref_slice %arg11[%cond3A_14, %dma_start3A, %dma_start3A_53] : memref<2x128x128xf32, #tpu.memory_space<vmem>> -> memref<1x128x128xf32, #tpu.memory_space<vmem>>
        %dma_start3A_55 = tpu.memref_squeeze %dma_start3A_54 : memref<1x128x128xf32, #tpu.memory_space<vmem>> -> memref<128x128xf32, #tpu.memory_space<vmem>>
        %dma_start3A_56 = arith.constant 0 : i32
        %dma_start3A_57 = tpu.memref_slice %arg12[%add3A_48, %dma_start3A_56] : memref<10000x128xf32, #tpu.memory_space<vmem_shared>> -> memref<128x128xf32, #tpu.memory_space<vmem_shared>>
        %dma_start3A_58 = arith.constant 0 : i32
        %dma_start3A_59 = tpu.memref_slice %arg12[%add3A_48, %dma_start3A_58] : memref<10000x128xf32, #tpu.memory_space<vmem_shared>> -> memref<128x128xf32, #tpu.memory_space<vmem_shared>>
        %dma_start3A_60 = arith.constant 0 : i32
        %dma_start3A_61 = arith.constant 0 : i32
        %dma_start3A_62 = tpu.memref_slice %arg11[%cond3A_14, %dma_start3A_60, %dma_start3A_61] : memref<2x128x128xf32, #tpu.memory_space<vmem>> -> memref<1x128x128xf32, #tpu.memory_space<vmem>>
        %dma_start3A_63 = tpu.memref_squeeze %dma_start3A_62 : memref<1x128x128xf32, #tpu.memory_space<vmem>> -> memref<128x128xf32, #tpu.memory_space<vmem>>
        tpu.enqueue_dma source(%dma_start3A_63 : memref<128x128xf32, #tpu.memory_space<vmem>>) target(%dma_start3A_59 : memref<128x128xf32, #tpu.memory_space<vmem_shared>>) target_semaphore(%run_scoped3A : memref<!tpu.dma_semaphore, #tpu.memory_space<semaphore_mem>>)
        %dma_wait3A = arith.constant 0 : i32
        %dma_wait3A_64 = arith.constant 0 : i32
        %dma_wait3A_65 = tpu.memref_slice %arg11[%cond3A_14, %dma_wait3A, %dma_wait3A_64] : memref<2x128x128xf32, #tpu.memory_space<vmem>> -> memref<1x128x128xf32, #tpu.memory_space<vmem>>
        %dma_wait3A_66 = tpu.memref_squeeze %dma_wait3A_65 : memref<1x128x128xf32, #tpu.memory_space<vmem>> -> memref<128x128xf32, #tpu.memory_space<vmem>>
        %dma_wait3A_67 = arith.constant 0 : i32
        %dma_wait3A_68 = tpu.memref_slice %arg12[%add3A_48, %dma_wait3A_67] : memref<10000x128xf32, #tpu.memory_space<vmem_shared>> -> memref<128x128xf32, #tpu.memory_space<vmem_shared>>
        %dma_wait3A_69 = arith.constant 0 : i32
        %dma_wait3A_70 = tpu.memref_slice %arg12[%add3A_48, %dma_wait3A_69] : memref<10000x128xf32, #tpu.memory_space<vmem_shared>> -> memref<128x128xf32, #tpu.memory_space<vmem_shared>>
        %dma_wait3A_71 = arith.constant 0 : i32
        %dma_wait3A_72 = arith.constant 0 : i32
        %dma_wait3A_73 = tpu.memref_slice %arg11[%cond3A_14, %dma_wait3A_71, %dma_wait3A_72] : memref<2x128x128xf32, #tpu.memory_space<vmem>> -> memref<1x128x128xf32, #tpu.memory_space<vmem>>
        %dma_wait3A_74 = tpu.memref_squeeze %dma_wait3A_73 : memref<1x128x128xf32, #tpu.memory_space<vmem>> -> memref<128x128xf32, #tpu.memory_space<vmem>>
        tpu.wait_dma2 semaphore(%run_scoped3A : memref<!tpu.dma_semaphore, #tpu.memory_space<semaphore_mem>>) src(%dma_wait3A_74 : memref<128x128xf32, #tpu.memory_space<vmem>>) dst(%dma_wait3A_70 : memref<128x128xf32, #tpu.memory_space<vmem_shared>>)
        tpu.yield
      }) : () -> ()
      %add3A_49 = arith.constant 384 : i32
      %add3A_50 = arith.addi %mul3A_8, %add3A_49 : i32
      "tpu.region"() ({
        %run_scoped3A = tpu.sem_alloc : memref<!tpu.dma_semaphore, #tpu.memory_space<semaphore_mem>>
        %dma_start3A = arith.constant 0 : i32
        %dma_start3A_53 = arith.constant 0 : i32
        %dma_start3A_54 = tpu.memref_slice %arg11[%cond3A_14, %dma_start3A, %dma_start3A_53] : memref<2x128x128xf32, #tpu.memory_space<vmem>> -> memref<1x128x128xf32, #tpu.memory_space<vmem>>
        %dma_start3A_55 = tpu.memref_squeeze %dma_start3A_54 : memref<1x128x128xf32, #tpu.memory_space<vmem>> -> memref<128x128xf32, #tpu.memory_space<vmem>>
        %dma_start3A_56 = arith.constant 0 : i32
        %dma_start3A_57 = tpu.memref_slice %arg12[%add3A_50, %dma_start3A_56] : memref<10000x128xf32, #tpu.memory_space<vmem_shared>> -> memref<128x128xf32, #tpu.memory_space<vmem_shared>>
        %dma_start3A_58 = arith.constant 0 : i32
        %dma_start3A_59 = tpu.memref_slice %arg12[%add3A_50, %dma_start3A_58] : memref<10000x128xf32, #tpu.memory_space<vmem_shared>> -> memref<128x128xf32, #tpu.memory_space<vmem_shared>>
        %dma_start3A_60 = arith.constant 0 : i32
        %dma_start3A_61 = arith.constant 0 : i32
        %dma_start3A_62 = tpu.memref_slice %arg11[%cond3A_14, %dma_start3A_60, %dma_start3A_61] : memref<2x128x128xf32, #tpu.memory_space<vmem>> -> memref<1x128x128xf32, #tpu.memory_space<vmem>>
        %dma_start3A_63 = tpu.memref_squeeze %dma_start3A_62 : memref<1x128x128xf32, #tpu.memory_space<vmem>> -> memref<128x128xf32, #tpu.memory_space<vmem>>
        tpu.enqueue_dma source(%dma_start3A_63 : memref<128x128xf32, #tpu.memory_space<vmem>>) target(%dma_start3A_59 : memref<128x128xf32, #tpu.memory_space<vmem_shared>>) target_semaphore(%run_scoped3A : memref<!tpu.dma_semaphore, #tpu.memory_space<semaphore_mem>>)
        %dma_wait3A = arith.constant 0 : i32
        %dma_wait3A_64 = arith.constant 0 : i32
        %dma_wait3A_65 = tpu.memref_slice %arg11[%cond3A_14, %dma_wait3A, %dma_wait3A_64] : memref<2x128x128xf32, #tpu.memory_space<vmem>> -> memref<1x128x128xf32, #tpu.memory_space<vmem>>
        %dma_wait3A_66 = tpu.memref_squeeze %dma_wait3A_65 : memref<1x128x128xf32, #tpu.memory_space<vmem>> -> memref<128x128xf32, #tpu.memory_space<vmem>>
        %dma_wait3A_67 = arith.constant 0 : i32
        %dma_wait3A_68 = tpu.memref_slice %arg12[%add3A_50, %dma_wait3A_67] : memref<10000x128xf32, #tpu.memory_space<vmem_shared>> -> memref<128x128xf32, #tpu.memory_space<vmem_shared>>
        %dma_wait3A_69 = arith.constant 0 : i32
        %dma_wait3A_70 = tpu.memref_slice %arg12[%add3A_50, %dma_wait3A_69] : memref<10000x128xf32, #tpu.memory_space<vmem_shared>> -> memref<128x128xf32, #tpu.memory_space<vmem_shared>>
        %dma_wait3A_71 = arith.constant 0 : i32
        %dma_wait3A_72 = arith.constant 0 : i32
        %dma_wait3A_73 = tpu.memref_slice %arg11[%cond3A_14, %dma_wait3A_71, %dma_wait3A_72] : memref<2x128x128xf32, #tpu.memory_space<vmem>> -> memref<1x128x128xf32, #tpu.memory_space<vmem>>
        %dma_wait3A_74 = tpu.memref_squeeze %dma_wait3A_73 : memref<1x128x128xf32, #tpu.memory_space<vmem>> -> memref<128x128xf32, #tpu.memory_space<vmem>>
        tpu.wait_dma2 semaphore(%run_scoped3A : memref<!tpu.dma_semaphore, #tpu.memory_space<semaphore_mem>>) src(%dma_wait3A_74 : memref<128x128xf32, #tpu.memory_space<vmem>>) dst(%dma_wait3A_70 : memref<128x128xf32, #tpu.memory_space<vmem_shared>>)
        tpu.yield
      }) : () -> ()
      %add3A_51 = arith.constant 512 : i32
      %add3A_52 = arith.addi %mul3A_8, %add3A_51 : i32
      "tpu.region"() ({
        %run_scoped3A = tpu.sem_alloc : memref<!tpu.dma_semaphore, #tpu.memory_space<semaphore_mem>>
        %dma_start3A = arith.constant 0 : i32
        %dma_start3A_53 = arith.constant 0 : i32
        %dma_start3A_54 = tpu.memref_slice %arg11[%cond3A_14, %dma_start3A, %dma_start3A_53] : memref<2x128x128xf32, #tpu.memory_space<vmem>> -> memref<1x128x128xf32, #tpu.memory_space<vmem>>
        %dma_start3A_55 = tpu.memref_squeeze %dma_start3A_54 : memref<1x128x128xf32, #tpu.memory_space<vmem>> -> memref<128x128xf32, #tpu.memory_space<vmem>>
        %dma_start3A_56 = arith.constant 0 : i32
        %dma_start3A_57 = arith.constant 0 : i32
        %dma_start3A_58 = tpu.memref_slice %dma_start3A_55[%dma_start3A_56, %dma_start3A_57] : memref<128x128xf32, #tpu.memory_space<vmem>> -> memref<8x128xf32, #tpu.memory_space<vmem>>
        %dma_start3A_59 = arith.constant 0 : i32
        %dma_start3A_60 = tpu.memref_slice %arg12[%add3A_52, %dma_start3A_59] : memref<10000x128xf32, #tpu.memory_space<vmem_shared>> -> memref<8x128xf32, #tpu.memory_space<vmem_shared>>
        %dma_start3A_61 = arith.constant 0 : i32
        %dma_start3A_62 = tpu.memref_slice %arg12[%add3A_52, %dma_start3A_61] : memref<10000x128xf32, #tpu.memory_space<vmem_shared>> -> memref<8x128xf32, #tpu.memory_space<vmem_shared>>
        %dma_start3A_63 = arith.constant 0 : i32
        %dma_start3A_64 = arith.constant 0 : i32
        %dma_start3A_65 = tpu.memref_slice %arg11[%cond3A_14, %dma_start3A_63, %dma_start3A_64] : memref<2x128x128xf32, #tpu.memory_space<vmem>> -> memref<1x128x128xf32, #tpu.memory_space<vmem>>
        %dma_start3A_66 = tpu.memref_squeeze %dma_start3A_65 : memref<1x128x128xf32, #tpu.memory_space<vmem>> -> memref<128x128xf32, #tpu.memory_space<vmem>>
        %dma_start3A_67 = arith.constant 0 : i32
        %dma_start3A_68 = arith.constant 0 : i32
        %dma_start3A_69 = tpu.memref_slice %dma_start3A_66[%dma_start3A_67, %dma_start3A_68] : memref<128x128xf32, #tpu.memory_space<vmem>> -> memref<8x128xf32, #tpu.memory_space<vmem>>
        tpu.enqueue_dma source(%dma_start3A_69 : memref<8x128xf32, #tpu.memory_space<vmem>>) target(%dma_start3A_62 : memref<8x128xf32, #tpu.memory_space<vmem_shared>>) target_semaphore(%run_scoped3A : memref<!tpu.dma_semaphore, #tpu.memory_space<semaphore_mem>>)
        %dma_wait3A = arith.constant 0 : i32
        %dma_wait3A_70 = arith.constant 0 : i32
        %dma_wait3A_71 = tpu.memref_slice %arg11[%cond3A_14, %dma_wait3A, %dma_wait3A_70] : memref<2x128x128xf32, #tpu.memory_space<vmem>> -> memref<1x128x128xf32, #tpu.memory_space<vmem>>
        %dma_wait3A_72 = tpu.memref_squeeze %dma_wait3A_71 : memref<1x128x128xf32, #tpu.memory_space<vmem>> -> memref<128x128xf32, #tpu.memory_space<vmem>>
        %dma_wait3A_73 = arith.constant 0 : i32
        %dma_wait3A_74 = arith.constant 0 : i32
        %dma_wait3A_75 = tpu.memref_slice %dma_wait3A_72[%dma_wait3A_73, %dma_wait3A_74] : memref<128x128xf32, #tpu.memory_space<vmem>> -> memref<8x128xf32, #tpu.memory_space<vmem>>
        %dma_wait3A_76 = arith.constant 0 : i32
        %dma_wait3A_77 = tpu.memref_slice %arg12[%add3A_52, %dma_wait3A_76] : memref<10000x128xf32, #tpu.memory_space<vmem_shared>> -> memref<8x128xf32, #tpu.memory_space<vmem_shared>>
        %dma_wait3A_78 = arith.constant 0 : i32
        %dma_wait3A_79 = tpu.memref_slice %arg12[%add3A_52, %dma_wait3A_78] : memref<10000x128xf32, #tpu.memory_space<vmem_shared>> -> memref<8x128xf32, #tpu.memory_space<vmem_shared>>
        %dma_wait3A_80 = arith.constant 0 : i32
        %dma_wait3A_81 = arith.constant 0 : i32
        %dma_wait3A_82 = tpu.memref_slice %arg11[%cond3A_14, %dma_wait3A_80, %dma_wait3A_81] : memref<2x128x128xf32, #tpu.memory_space<vmem>> -> memref<1x128x128xf32, #tpu.memory_space<vmem>>
        %dma_wait3A_83 = tpu.memref_squeeze %dma_wait3A_82 : memref<1x128x128xf32, #tpu.memory_space<vmem>> -> memref<128x128xf32, #tpu.memory_space<vmem>>
        %dma_wait3A_84 = arith.constant 0 : i32
        %dma_wait3A_85 = arith.constant 0 : i32
        %dma_wait3A_86 = tpu.memref_slice %dma_wait3A_83[%dma_wait3A_84, %dma_wait3A_85] : memref<128x128xf32, #tpu.memory_space<vmem>> -> memref<8x128xf32, #tpu.memory_space<vmem>>
        tpu.wait_dma2 semaphore(%run_scoped3A : memref<!tpu.dma_semaphore, #tpu.memory_space<semaphore_mem>>) src(%dma_wait3A_86 : memref<8x128xf32, #tpu.memory_space<vmem>>) dst(%dma_wait3A_79 : memref<8x128xf32, #tpu.memory_space<vmem_shared>>)
        tpu.yield
      }) : () -> ()
    } else {
    }
    %barrier3A = arith.constant 0 : index
    tpu.barrier barrier_id(%barrier3A)
    %mul3A_17 = arith.constant 80 : i32
    %mul3A_18 = arith.muli %add3A, %mul3A_17 : i32
    "tpu.region"() ({
      %run_scoped3A = tpu.sem_alloc : memref<!tpu.dma_semaphore, #tpu.memory_space<semaphore_mem>>
      %dma_start3A = arith.constant 0 : i32
      %dma_start3A_43 = tpu.memref_slice %arg3[%mul3A_18, %dma_start3A] : memref<2560x128xi32, #tpu.memory_space<hbm>> -> memref<80x128xi32, #tpu.memory_space<hbm>>
      %dma_start3A_44 = arith.constant 0 : i32
      %dma_start3A_45 = tpu.memref_slice %arg3[%mul3A_18, %dma_start3A_44] : memref<2560x128xi32, #tpu.memory_space<hbm>> -> memref<80x128xi32, #tpu.memory_space<hbm>>
      tpu.enqueue_dma source(%dma_start3A_45 : memref<80x128xi32, #tpu.memory_space<hbm>>) target(%arg6 : memref<80x128xi32, #tpu.memory_space<vmem>>) target_semaphore(%run_scoped3A : memref<!tpu.dma_semaphore, #tpu.memory_space<semaphore_mem>>)
      %dma_wait3A = arith.constant 0 : i32
      %dma_wait3A_46 = tpu.memref_slice %arg3[%mul3A_18, %dma_wait3A] : memref<2560x128xi32, #tpu.memory_space<hbm>> -> memref<80x128xi32, #tpu.memory_space<hbm>>
      %dma_wait3A_47 = arith.constant 0 : i32
      %dma_wait3A_48 = tpu.memref_slice %arg3[%mul3A_18, %dma_wait3A_47] : memref<2560x128xi32, #tpu.memory_space<hbm>> -> memref<80x128xi32, #tpu.memory_space<hbm>>
      tpu.wait_dma2 semaphore(%run_scoped3A : memref<!tpu.dma_semaphore, #tpu.memory_space<semaphore_mem>>) src(%dma_wait3A_48 : memref<80x128xi32, #tpu.memory_space<hbm>>) dst(%arg6 : memref<80x128xi32, #tpu.memory_space<vmem>>)
      tpu.yield
    }) : () -> ()
    %lt3A_19 = arith.constant 31 : i32
    %lt3A_20 = arith.cmpi slt, %add3A, %lt3A_19 : i32
    %convert_element_type3A_21 = arith.extui %lt3A_20 : i1 to i32
    %cond3A_22 = arith.constant 0 : i32
    %cond3A_23 = arith.cmpi ne, %convert_element_type3A_21, %cond3A_22 : i32
    scf.if %cond3A_23 {
      %mul3A_43 = arith.constant 80 : i32
      %mul3A_44 = arith.muli %add3A, %mul3A_43 : i32
      %add3A_45 = arith.constant 0 : i32
      %add3A_46 = arith.addi %mul3A_44, %add3A_45 : i32
      %mul3A_47 = arith.constant 128 : i32
      %mul3A_48 = arith.muli %add3A_46, %mul3A_47 : i32
      %dma_start3A = tpu.memref_slice %arg4[%mul3A_48] : memref<327680xi32, #tpu.memory_space<hbm>> -> memref<128xi32, #tpu.memory_space<hbm>>
      %dma_start3A_49 = tpu.memref_slice %arg4[%mul3A_48] : memref<327680xi32, #tpu.memory_space<hbm>> -> memref<128xi32, #tpu.memory_space<hbm>>
      tpu.enqueue_dma source(%dma_start3A_49 : memref<128xi32, #tpu.memory_space<hbm>>) target(%arg7 : memref<128xi32, #tpu.memory_space<vmem>>) target_semaphore(%arg17 : memref<!tpu.dma_semaphore, #tpu.memory_space<semaphore_mem>>)
      %mul3A_50 = arith.constant 80 : i32
      %mul3A_51 = arith.muli %add3A, %mul3A_50 : i32
      %add3A_52 = arith.constant 1 : i32
      %add3A_53 = arith.addi %mul3A_51, %add3A_52 : i32
      %mul3A_54 = arith.constant 128 : i32
      %mul3A_55 = arith.muli %add3A_53, %mul3A_54 : i32
      %dma_start3A_56 = tpu.memref_slice %arg4[%mul3A_55] : memref<327680xi32, #tpu.memory_space<hbm>> -> memref<128xi32, #tpu.memory_space<hbm>>
      %dma_start3A_57 = tpu.memref_slice %arg4[%mul3A_55] : memref<327680xi32, #tpu.memory_space<hbm>> -> memref<128xi32, #tpu.memory_space<hbm>>
      tpu.enqueue_dma source(%dma_start3A_57 : memref<128xi32, #tpu.memory_space<hbm>>) target(%arg8 : memref<128xi32, #tpu.memory_space<vmem>>) target_semaphore(%arg18 : memref<!tpu.dma_semaphore, #tpu.memory_space<semaphore_mem>>)
      %mul3A_58 = arith.constant 80 : i32
      %mul3A_59 = arith.muli %add3A, %mul3A_58 : i32
      %add3A_60 = arith.constant 2 : i32
      %add3A_61 = arith.addi %mul3A_59, %add3A_60 : i32
      %mul3A_62 = arith.constant 128 : i32
      %mul3A_63 = arith.muli %add3A_61, %mul3A_62 : i32
      %dma_start3A_64 = tpu.memref_slice %arg4[%mul3A_63] : memref<327680xi32, #tpu.memory_space<hbm>> -> memref<128xi32, #tpu.memory_space<hbm>>
      %dma_start3A_65 = tpu.memref_slice %arg4[%mul3A_63] : memref<327680xi32, #tpu.memory_space<hbm>> -> memref<128xi32, #tpu.memory_space<hbm>>
      tpu.enqueue_dma source(%dma_start3A_65 : memref<128xi32, #tpu.memory_space<hbm>>) target(%arg9 : memref<128xi32, #tpu.memory_space<vmem>>) target_semaphore(%arg19 : memref<!tpu.dma_semaphore, #tpu.memory_space<semaphore_mem>>)
      %dma_start3A_66 = arith.constant 0 : i32
      %dma_start3A_67 = arith.constant 0 : i32
      %dma_start3A_68 = arith.constant 0 : i32
      %dma_start3A_69 = arith.constant 0 : i32
      %dma_start3A_70 = tpu.memref_slice %arg11[%dma_start3A_67, %dma_start3A_68, %dma_start3A_69] : memref<2x128x128xf32, #tpu.memory_space<vmem>> -> memref<1x128x128xf32, #tpu.memory_space<vmem>>
      %dma_start3A_71 = tpu.memref_squeeze %dma_start3A_70 : memref<1x128x128xf32, #tpu.memory_space<vmem>> -> memref<128x128xf32, #tpu.memory_space<vmem>>
      %dma_start3A_72 = arith.constant 0 : i32
      %dma_start3A_73 = tpu.memref_slice %arg6[%dma_start3A_66, %dma_start3A_72] : memref<80x128xi32, #tpu.memory_space<vmem>> -> memref<1x128xi32, #tpu.memory_space<vmem>>
      %dma_start3A_74 = tpu.memref_squeeze %dma_start3A_73 : memref<1x128xi32, #tpu.memory_space<vmem>> -> memref<128xi32, #tpu.memory_space<vmem>>
      %dma_start3A_75 = arith.constant 0 : i32
      %dma_start3A_76 = arith.constant 0 : i32
      %dma_start3A_77 = tpu.memref_slice %arg2[%dma_start3A_75, %dma_start3A_76] : memref<10000x128xf32, #tpu.memory_space<hbm>> -> memref<10000x128xf32, #tpu.memory_space<hbm>>
      tpu.enqueue_indirect_dma source(%dma_start3A_77 : memref<10000x128xf32, #tpu.memory_space<hbm>>) target(%dma_start3A_71 : memref<128x128xf32, #tpu.memory_space<vmem>>) offsets(%dma_start3A_74 : memref<128xi32, #tpu.memory_space<vmem>>) semaphore(%arg13 : memref<!tpu.dma_semaphore, #tpu.memory_space<semaphore_mem>>)
      %scan3A_78 = arith.constant 0 : i32
      %scan3A_79 = arith.constant 0 : i32
      %scan3A_80 = arith.constant 20 : i32
      %scan3A_81 = arith.addi %scan3A_79, %scan3A_80 : i32
      %scan3A_82 = arith.constant 1 : i32
      scf.for %scan3A_98 = %scan3A_79 to %scan3A_81 step %scan3A_82  : i32 {
        %mul3A_99 = arith.constant 4 : i32
        %mul3A_100 = arith.muli %scan3A_98, %mul3A_99 : i32
        %add3A_101 = arith.constant 0 : i32
        %add3A_102 = arith.addi %mul3A_100, %add3A_101 : i32
        %dma_wait3A_103 = arith.constant 0 : i32
        %dma_wait3A_104 = arith.constant 0 : i32
        %dma_wait3A_105 = arith.constant 0 : i32
        %dma_wait3A_106 = tpu.memref_slice %arg11[%dma_wait3A_103, %dma_wait3A_104, %dma_wait3A_105] : memref<2x128x128xf32, #tpu.memory_space<vmem>> -> memref<1x128x128xf32, #tpu.memory_space<vmem>>
        %dma_wait3A_107 = tpu.memref_squeeze %dma_wait3A_106 : memref<1x128x128xf32, #tpu.memory_space<vmem>> -> memref<128x128xf32, #tpu.memory_space<vmem>>
        %dma_wait3A_108 = arith.constant 0 : i32
        %dma_wait3A_109 = arith.constant 0 : i32
        %dma_wait3A_110 = tpu.memref_slice %arg2[%dma_wait3A_108, %dma_wait3A_109] : memref<10000x128xf32, #tpu.memory_space<hbm>> -> memref<128x128xf32, #tpu.memory_space<hbm>>
        %dma_wait3A_111 = arith.constant 0 : i32
        %dma_wait3A_112 = arith.constant 0 : i32
        %dma_wait3A_113 = tpu.memref_slice %arg11[%dma_wait3A_103, %dma_wait3A_111, %dma_wait3A_112] : memref<2x128x128xf32, #tpu.memory_space<vmem>> -> memref<1x128x128xf32, #tpu.memory_space<vmem>>
        %dma_wait3A_114 = tpu.memref_squeeze %dma_wait3A_113 : memref<1x128x128xf32, #tpu.memory_space<vmem>> -> memref<128x128xf32, #tpu.memory_space<vmem>>
        %dma_wait3A_115 = arith.constant 0 : i32
        %dma_wait3A_116 = arith.constant 0 : i32
        %dma_wait3A_117 = tpu.memref_slice %arg2[%dma_wait3A_115, %dma_wait3A_116] : memref<10000x128xf32, #tpu.memory_space<hbm>> -> memref<128x128xf32, #tpu.memory_space<hbm>>
        tpu.wait_dma2 semaphore(%arg13 : memref<!tpu.dma_semaphore, #tpu.memory_space<semaphore_mem>>) src(%dma_wait3A_117 : memref<128x128xf32, #tpu.memory_space<hbm>>) dst(%dma_wait3A_114 : memref<128x128xf32, #tpu.memory_space<vmem>>)
        %dma_wait3A_118 = arith.constant 0 : i32
        %dma_wait3A_119 = tpu.memref_slice %arg4[%dma_wait3A_118] : memref<327680xi32, #tpu.memory_space<hbm>> -> memref<128xi32, #tpu.memory_space<hbm>>
        %dma_wait3A_120 = arith.constant 0 : i32
        %dma_wait3A_121 = tpu.memref_slice %arg4[%dma_wait3A_120] : memref<327680xi32, #tpu.memory_space<hbm>> -> memref<128xi32, #tpu.memory_space<hbm>>
        tpu.wait_dma2 semaphore(%arg17 : memref<!tpu.dma_semaphore, #tpu.memory_space<semaphore_mem>>) src(%dma_wait3A_121 : memref<128xi32, #tpu.memory_space<hbm>>) dst(%arg7 : memref<128xi32, #tpu.memory_space<vmem>>)
        %dma_start3A_122 = arith.constant 0 : i32
        %dma_start3A_123 = arith.constant 0 : i32
        %dma_start3A_124 = arith.constant 0 : i32
        %dma_start3A_125 = tpu.memref_slice %arg11[%dma_start3A_122, %dma_start3A_123, %dma_start3A_124] : memref<2x128x128xf32, #tpu.memory_space<vmem>> -> memref<1x128x128xf32, #tpu.memory_space<vmem>>
        %dma_start3A_126 = tpu.memref_squeeze %dma_start3A_125 : memref<1x128x128xf32, #tpu.memory_space<vmem>> -> memref<128x128xf32, #tpu.memory_space<vmem>>
        %dma_start3A_127 = arith.constant 0 : i32
        %dma_start3A_128 = arith.constant 0 : i32
        %dma_start3A_129 = tpu.memref_slice %arg12[%dma_start3A_127, %dma_start3A_128] : memref<10000x128xf32, #tpu.memory_space<vmem_shared>> -> memref<10000x128xf32, #tpu.memory_space<vmem_shared>>
        tpu.enqueue_indirect_dma source(%dma_start3A_126 : memref<128x128xf32, #tpu.memory_space<vmem>>) target(%dma_start3A_129 : memref<10000x128xf32, #tpu.memory_space<vmem_shared>>) offsets(%arg7 : memref<128xi32, #tpu.memory_space<vmem>>) semaphore(%arg15 : memref<!tpu.dma_semaphore, #tpu.memory_space<semaphore_mem>>) {add = true}
        %gt3A = arith.constant 0 : i32
        %gt3A_130 = arith.cmpi sgt, %scan3A_98, %gt3A : i32
        %convert_element_type3A_131 = arith.extui %gt3A_130 : i1 to i32
        %cond3A_132 = arith.constant 0 : i32
        %cond3A_133 = arith.cmpi ne, %convert_element_type3A_131, %cond3A_132 : i32
        scf.if %cond3A_133 {
          %dma_wait3A_334 = arith.constant 0 : i32
          %dma_wait3A_335 = arith.constant 0 : i32
          %dma_wait3A_336 = arith.constant 0 : i32
          %dma_wait3A_337 = tpu.memref_slice %arg11[%dma_wait3A_334, %dma_wait3A_335, %dma_wait3A_336] : memref<2x128x128xf32, #tpu.memory_space<vmem>> -> memref<1x128x128xf32, #tpu.memory_space<vmem>>
          %dma_wait3A_338 = tpu.memref_squeeze %dma_wait3A_337 : memref<1x128x128xf32, #tpu.memory_space<vmem>> -> memref<128x128xf32, #tpu.memory_space<vmem>>
          %dma_wait3A_339 = arith.constant 0 : i32
          %dma_wait3A_340 = arith.constant 0 : i32
          %dma_wait3A_341 = tpu.memref_slice %arg2[%dma_wait3A_339, %dma_wait3A_340] : memref<10000x128xf32, #tpu.memory_space<hbm>> -> memref<128x128xf32, #tpu.memory_space<hbm>>
          %dma_wait3A_342 = arith.constant 0 : i32
          %dma_wait3A_343 = arith.constant 0 : i32
          %dma_wait3A_344 = tpu.memref_slice %arg11[%dma_wait3A_334, %dma_wait3A_342, %dma_wait3A_343] : memref<2x128x128xf32, #tpu.memory_space<vmem>> -> memref<1x128x128xf32, #tpu.memory_space<vmem>>
          %dma_wait3A_345 = tpu.memref_squeeze %dma_wait3A_344 : memref<1x128x128xf32, #tpu.memory_space<vmem>> -> memref<128x128xf32, #tpu.memory_space<vmem>>
          %dma_wait3A_346 = arith.constant 0 : i32
          %dma_wait3A_347 = arith.constant 0 : i32
          %dma_wait3A_348 = tpu.memref_slice %arg2[%dma_wait3A_346, %dma_wait3A_347] : memref<10000x128xf32, #tpu.memory_space<hbm>> -> memref<128x128xf32, #tpu.memory_space<hbm>>
          tpu.wait_dma2 semaphore(%arg16 : memref<!tpu.dma_semaphore, #tpu.memory_space<semaphore_mem>>) src(%dma_wait3A_348 : memref<128x128xf32, #tpu.memory_space<hbm>>) dst(%dma_wait3A_345 : memref<128x128xf32, #tpu.memory_space<vmem>>)
        } else {
        }
        %add3A_134 = arith.constant 3 : i32
        %add3A_135 = arith.addi %add3A_102, %add3A_134 : i32
        %mul3A_136 = arith.constant 80 : i32
        %mul3A_137 = arith.muli %add3A, %mul3A_136 : i32
        %add3A_138 = arith.addi %mul3A_137, %add3A_135 : i32
        %mul3A_139 = arith.constant 128 : i32
        %mul3A_140 = arith.muli %add3A_138, %mul3A_139 : i32
        %dma_start3A_141 = tpu.memref_slice %arg4[%mul3A_140] : memref<327680xi32, #tpu.memory_space<hbm>> -> memref<128xi32, #tpu.memory_space<hbm>>
        %dma_start3A_142 = tpu.memref_slice %arg4[%mul3A_140] : memref<327680xi32, #tpu.memory_space<hbm>> -> memref<128xi32, #tpu.memory_space<hbm>>
        tpu.enqueue_dma source(%dma_start3A_142 : memref<128xi32, #tpu.memory_space<hbm>>) target(%arg10 : memref<128xi32, #tpu.memory_space<vmem>>) target_semaphore(%arg20 : memref<!tpu.dma_semaphore, #tpu.memory_space<semaphore_mem>>)
        %add3A_143 = arith.constant 1 : i32
        %add3A_144 = arith.addi %add3A_102, %add3A_143 : i32
        %dma_start3A_145 = arith.constant 1 : i32
        %dma_start3A_146 = arith.constant 0 : i32
        %dma_start3A_147 = arith.constant 0 : i32
        %dma_start3A_148 = tpu.memref_slice %arg11[%dma_start3A_145, %dma_start3A_146, %dma_start3A_147] : memref<2x128x128xf32, #tpu.memory_space<vmem>> -> memref<1x128x128xf32, #tpu.memory_space<vmem>>
        %dma_start3A_149 = tpu.memref_squeeze %dma_start3A_148 : memref<1x128x128xf32, #tpu.memory_space<vmem>> -> memref<128x128xf32, #tpu.memory_space<vmem>>
        %dma_start3A_150 = arith.constant 0 : i32
        %dma_start3A_151 = tpu.memref_slice %arg6[%add3A_144, %dma_start3A_150] : memref<80x128xi32, #tpu.memory_space<vmem>> -> memref<1x128xi32, #tpu.memory_space<vmem>>
        %dma_start3A_152 = tpu.memref_squeeze %dma_start3A_151 : memref<1x128xi32, #tpu.memory_space<vmem>> -> memref<128xi32, #tpu.memory_space<vmem>>
        %dma_start3A_153 = arith.constant 0 : i32
        %dma_start3A_154 = arith.constant 0 : i32
        %dma_start3A_155 = tpu.memref_slice %arg2[%dma_start3A_153, %dma_start3A_154] : memref<10000x128xf32, #tpu.memory_space<hbm>> -> memref<10000x128xf32, #tpu.memory_space<hbm>>
        tpu.enqueue_indirect_dma source(%dma_start3A_155 : memref<10000x128xf32, #tpu.memory_space<hbm>>) target(%dma_start3A_149 : memref<128x128xf32, #tpu.memory_space<vmem>>) offsets(%dma_start3A_152 : memref<128xi32, #tpu.memory_space<vmem>>) semaphore(%arg14 : memref<!tpu.dma_semaphore, #tpu.memory_space<semaphore_mem>>)
        %add3A_156 = arith.constant 1 : i32
        %add3A_157 = arith.addi %mul3A_100, %add3A_156 : i32
        %dma_wait3A_158 = arith.constant 1 : i32
        %dma_wait3A_159 = arith.constant 0 : i32
        %dma_wait3A_160 = arith.constant 0 : i32
        %dma_wait3A_161 = tpu.memref_slice %arg11[%dma_wait3A_158, %dma_wait3A_159, %dma_wait3A_160] : memref<2x128x128xf32, #tpu.memory_space<vmem>> -> memref<1x128x128xf32, #tpu.memory_space<vmem>>
        %dma_wait3A_162 = tpu.memref_squeeze %dma_wait3A_161 : memref<1x128x128xf32, #tpu.memory_space<vmem>> -> memref<128x128xf32, #tpu.memory_space<vmem>>
        %dma_wait3A_163 = arith.constant 0 : i32
        %dma_wait3A_164 = arith.constant 0 : i32
        %dma_wait3A_165 = tpu.memref_slice %arg2[%dma_wait3A_163, %dma_wait3A_164] : memref<10000x128xf32, #tpu.memory_space<hbm>> -> memref<128x128xf32, #tpu.memory_space<hbm>>
        %dma_wait3A_166 = arith.constant 0 : i32
        %dma_wait3A_167 = arith.constant 0 : i32
        %dma_wait3A_168 = tpu.memref_slice %arg11[%dma_wait3A_158, %dma_wait3A_166, %dma_wait3A_167] : memref<2x128x128xf32, #tpu.memory_space<vmem>> -> memref<1x128x128xf32, #tpu.memory_space<vmem>>
        %dma_wait3A_169 = tpu.memref_squeeze %dma_wait3A_168 : memref<1x128x128xf32, #tpu.memory_space<vmem>> -> memref<128x128xf32, #tpu.memory_space<vmem>>
        %dma_wait3A_170 = arith.constant 0 : i32
        %dma_wait3A_171 = arith.constant 0 : i32
        %dma_wait3A_172 = tpu.memref_slice %arg2[%dma_wait3A_170, %dma_wait3A_171] : memref<10000x128xf32, #tpu.memory_space<hbm>> -> memref<128x128xf32, #tpu.memory_space<hbm>>
        tpu.wait_dma2 semaphore(%arg14 : memref<!tpu.dma_semaphore, #tpu.memory_space<semaphore_mem>>) src(%dma_wait3A_172 : memref<128x128xf32, #tpu.memory_space<hbm>>) dst(%dma_wait3A_169 : memref<128x128xf32, #tpu.memory_space<vmem>>)
        %dma_wait3A_173 = arith.constant 0 : i32
        %dma_wait3A_174 = tpu.memref_slice %arg4[%dma_wait3A_173] : memref<327680xi32, #tpu.memory_space<hbm>> -> memref<128xi32, #tpu.memory_space<hbm>>
        %dma_wait3A_175 = arith.constant 0 : i32
        %dma_wait3A_176 = tpu.memref_slice %arg4[%dma_wait3A_175] : memref<327680xi32, #tpu.memory_space<hbm>> -> memref<128xi32, #tpu.memory_space<hbm>>
        tpu.wait_dma2 semaphore(%arg18 : memref<!tpu.dma_semaphore, #tpu.memory_space<semaphore_mem>>) src(%dma_wait3A_176 : memref<128xi32, #tpu.memory_space<hbm>>) dst(%arg8 : memref<128xi32, #tpu.memory_space<vmem>>)
        %dma_start3A_177 = arith.constant 1 : i32
        %dma_start3A_178 = arith.constant 0 : i32
        %dma_start3A_179 = arith.constant 0 : i32
        %dma_start3A_180 = tpu.memref_slice %arg11[%dma_start3A_177, %dma_start3A_178, %dma_start3A_179] : memref<2x128x128xf32, #tpu.memory_space<vmem>> -> memref<1x128x128xf32, #tpu.memory_space<vmem>>
        %dma_start3A_181 = tpu.memref_squeeze %dma_start3A_180 : memref<1x128x128xf32, #tpu.memory_space<vmem>> -> memref<128x128xf32, #tpu.memory_space<vmem>>
        %dma_start3A_182 = arith.constant 0 : i32
        %dma_start3A_183 = arith.constant 0 : i32
        %dma_start3A_184 = tpu.memref_slice %arg12[%dma_start3A_182, %dma_start3A_183] : memref<10000x128xf32, #tpu.memory_space<vmem_shared>> -> memref<10000x128xf32, #tpu.memory_space<vmem_shared>>
        tpu.enqueue_indirect_dma source(%dma_start3A_181 : memref<128x128xf32, #tpu.memory_space<vmem>>) target(%dma_start3A_184 : memref<10000x128xf32, #tpu.memory_space<vmem_shared>>) offsets(%arg8 : memref<128xi32, #tpu.memory_space<vmem>>) semaphore(%arg16 : memref<!tpu.dma_semaphore, #tpu.memory_space<semaphore_mem>>) {add = true}
        %dma_wait3A_185 = arith.constant 0 : i32
        %dma_wait3A_186 = arith.constant 0 : i32
        %dma_wait3A_187 = arith.constant 0 : i32
        %dma_wait3A_188 = tpu.memref_slice %arg11[%dma_wait3A_185, %dma_wait3A_186, %dma_wait3A_187] : memref<2x128x128xf32, #tpu.memory_space<vmem>> -> memref<1x128x128xf32, #tpu.memory_space<vmem>>
        %dma_wait3A_189 = tpu.memref_squeeze %dma_wait3A_188 : memref<1x128x128xf32, #tpu.memory_space<vmem>> -> memref<128x128xf32, #tpu.memory_space<vmem>>
        %dma_wait3A_190 = arith.constant 0 : i32
        %dma_wait3A_191 = arith.constant 0 : i32
        %dma_wait3A_192 = tpu.memref_slice %arg2[%dma_wait3A_190, %dma_wait3A_191] : memref<10000x128xf32, #tpu.memory_space<hbm>> -> memref<128x128xf32, #tpu.memory_space<hbm>>
        %dma_wait3A_193 = arith.constant 0 : i32
        %dma_wait3A_194 = arith.constant 0 : i32
        %dma_wait3A_195 = tpu.memref_slice %arg11[%dma_wait3A_185, %dma_wait3A_193, %dma_wait3A_194] : memref<2x128x128xf32, #tpu.memory_space<vmem>> -> memref<1x128x128xf32, #tpu.memory_space<vmem>>
        %dma_wait3A_196 = tpu.memref_squeeze %dma_wait3A_195 : memref<1x128x128xf32, #tpu.memory_space<vmem>> -> memref<128x128xf32, #tpu.memory_space<vmem>>
        %dma_wait3A_197 = arith.constant 0 : i32
        %dma_wait3A_198 = arith.constant 0 : i32
        %dma_wait3A_199 = tpu.memref_slice %arg2[%dma_wait3A_197, %dma_wait3A_198] : memref<10000x128xf32, #tpu.memory_space<hbm>> -> memref<128x128xf32, #tpu.memory_space<hbm>>
        tpu.wait_dma2 semaphore(%arg15 : memref<!tpu.dma_semaphore, #tpu.memory_space<semaphore_mem>>) src(%dma_wait3A_199 : memref<128x128xf32, #tpu.memory_space<hbm>>) dst(%dma_wait3A_196 : memref<128x128xf32, #tpu.memory_space<vmem>>)
        %lt3A_200 = arith.constant 19 : i32
        %lt3A_201 = arith.cmpi slt, %scan3A_98, %lt3A_200 : i32
        %convert_element_type3A_202 = arith.extui %lt3A_201 : i1 to i32
        %cond3A_203 = arith.constant 0 : i32
        %cond3A_204 = arith.cmpi ne, %convert_element_type3A_202, %cond3A_203 : i32
        scf.if %cond3A_204 {
          %add3A_334 = arith.constant 3 : i32
          %add3A_335 = arith.addi %add3A_157, %add3A_334 : i32
          %mul3A_336 = arith.constant 80 : i32
          %mul3A_337 = arith.muli %add3A, %mul3A_336 : i32
          %add3A_338 = arith.addi %mul3A_337, %add3A_335 : i32
          %mul3A_339 = arith.constant 128 : i32
          %mul3A_340 = arith.muli %add3A_338, %mul3A_339 : i32
          %dma_start3A_341 = tpu.memref_slice %arg4[%mul3A_340] : memref<327680xi32, #tpu.memory_space<hbm>> -> memref<128xi32, #tpu.memory_space<hbm>>
          %dma_start3A_342 = tpu.memref_slice %arg4[%mul3A_340] : memref<327680xi32, #tpu.memory_space<hbm>> -> memref<128xi32, #tpu.memory_space<hbm>>
          tpu.enqueue_dma source(%dma_start3A_342 : memref<128xi32, #tpu.memory_space<hbm>>) target(%arg7 : memref<128xi32, #tpu.memory_space<vmem>>) target_semaphore(%arg17 : memref<!tpu.dma_semaphore, #tpu.memory_space<semaphore_mem>>)
        } else {
        }
        %add3A_205 = arith.constant 1 : i32
        %add3A_206 = arith.addi %add3A_157, %add3A_205 : i32
        %dma_start3A_207 = arith.constant 0 : i32
        %dma_start3A_208 = arith.constant 0 : i32
        %dma_start3A_209 = arith.constant 0 : i32
        %dma_start3A_210 = tpu.memref_slice %arg11[%dma_start3A_207, %dma_start3A_208, %dma_start3A_209] : memref<2x128x128xf32, #tpu.memory_space<vmem>> -> memref<1x128x128xf32, #tpu.memory_space<vmem>>
        %dma_start3A_211 = tpu.memref_squeeze %dma_start3A_210 : memref<1x128x128xf32, #tpu.memory_space<vmem>> -> memref<128x128xf32, #tpu.memory_space<vmem>>
        %dma_start3A_212 = arith.constant 0 : i32
        %dma_start3A_213 = tpu.memref_slice %arg6[%add3A_206, %dma_start3A_212] : memref<80x128xi32, #tpu.memory_space<vmem>> -> memref<1x128xi32, #tpu.memory_space<vmem>>
        %dma_start3A_214 = tpu.memref_squeeze %dma_start3A_213 : memref<1x128xi32, #tpu.memory_space<vmem>> -> memref<128xi32, #tpu.memory_space<vmem>>
        %dma_start3A_215 = arith.constant 0 : i32
        %dma_start3A_216 = arith.constant 0 : i32
        %dma_start3A_217 = tpu.memref_slice %arg2[%dma_start3A_215, %dma_start3A_216] : memref<10000x128xf32, #tpu.memory_space<hbm>> -> memref<10000x128xf32, #tpu.memory_space<hbm>>
        tpu.enqueue_indirect_dma source(%dma_start3A_217 : memref<10000x128xf32, #tpu.memory_space<hbm>>) target(%dma_start3A_211 : memref<128x128xf32, #tpu.memory_space<vmem>>) offsets(%dma_start3A_214 : memref<128xi32, #tpu.memory_space<vmem>>) semaphore(%arg13 : memref<!tpu.dma_semaphore, #tpu.memory_space<semaphore_mem>>)
        %add3A_218 = arith.constant 2 : i32
        %add3A_219 = arith.addi %mul3A_100, %add3A_218 : i32
        %dma_wait3A_220 = arith.constant 0 : i32
        %dma_wait3A_221 = arith.constant 0 : i32
        %dma_wait3A_222 = arith.constant 0 : i32
        %dma_wait3A_223 = tpu.memref_slice %arg11[%dma_wait3A_220, %dma_wait3A_221, %dma_wait3A_222] : memref<2x128x128xf32, #tpu.memory_space<vmem>> -> memref<1x128x128xf32, #tpu.memory_space<vmem>>
        %dma_wait3A_224 = tpu.memref_squeeze %dma_wait3A_223 : memref<1x128x128xf32, #tpu.memory_space<vmem>> -> memref<128x128xf32, #tpu.memory_space<vmem>>
        %dma_wait3A_225 = arith.constant 0 : i32
        %dma_wait3A_226 = arith.constant 0 : i32
        %dma_wait3A_227 = tpu.memref_slice %arg2[%dma_wait3A_225, %dma_wait3A_226] : memref<10000x128xf32, #tpu.memory_space<hbm>> -> memref<128x128xf32, #tpu.memory_space<hbm>>
        %dma_wait3A_228 = arith.constant 0 : i32
        %dma_wait3A_229 = arith.constant 0 : i32
        %dma_wait3A_230 = tpu.memref_slice %arg11[%dma_wait3A_220, %dma_wait3A_228, %dma_wait3A_229] : memref<2x128x128xf32, #tpu.memory_space<vmem>> -> memref<1x128x128xf32, #tpu.memory_space<vmem>>
        %dma_wait3A_231 = tpu.memref_squeeze %dma_wait3A_230 : memref<1x128x128xf32, #tpu.memory_space<vmem>> -> memref<128x128xf32, #tpu.memory_space<vmem>>
        %dma_wait3A_232 = arith.constant 0 : i32
        %dma_wait3A_233 = arith.constant 0 : i32
        %dma_wait3A_234 = tpu.memref_slice %arg2[%dma_wait3A_232, %dma_wait3A_233] : memref<10000x128xf32, #tpu.memory_space<hbm>> -> memref<128x128xf32, #tpu.memory_space<hbm>>
        tpu.wait_dma2 semaphore(%arg13 : memref<!tpu.dma_semaphore, #tpu.memory_space<semaphore_mem>>) src(%dma_wait3A_234 : memref<128x128xf32, #tpu.memory_space<hbm>>) dst(%dma_wait3A_231 : memref<128x128xf32, #tpu.memory_space<vmem>>)
        %dma_wait3A_235 = arith.constant 0 : i32
        %dma_wait3A_236 = tpu.memref_slice %arg4[%dma_wait3A_235] : memref<327680xi32, #tpu.memory_space<hbm>> -> memref<128xi32, #tpu.memory_space<hbm>>
        %dma_wait3A_237 = arith.constant 0 : i32
        %dma_wait3A_238 = tpu.memref_slice %arg4[%dma_wait3A_237] : memref<327680xi32, #tpu.memory_space<hbm>> -> memref<128xi32, #tpu.memory_space<hbm>>
        tpu.wait_dma2 semaphore(%arg19 : memref<!tpu.dma_semaphore, #tpu.memory_space<semaphore_mem>>) src(%dma_wait3A_238 : memref<128xi32, #tpu.memory_space<hbm>>) dst(%arg9 : memref<128xi32, #tpu.memory_space<vmem>>)
        %dma_start3A_239 = arith.constant 0 : i32
        %dma_start3A_240 = arith.constant 0 : i32
        %dma_start3A_241 = arith.constant 0 : i32
        %dma_start3A_242 = tpu.memref_slice %arg11[%dma_start3A_239, %dma_start3A_240, %dma_start3A_241] : memref<2x128x128xf32, #tpu.memory_space<vmem>> -> memref<1x128x128xf32, #tpu.memory_space<vmem>>
        %dma_start3A_243 = tpu.memref_squeeze %dma_start3A_242 : memref<1x128x128xf32, #tpu.memory_space<vmem>> -> memref<128x128xf32, #tpu.memory_space<vmem>>
        %dma_start3A_244 = arith.constant 0 : i32
        %dma_start3A_245 = arith.constant 0 : i32
        %dma_start3A_246 = tpu.memref_slice %arg12[%dma_start3A_244, %dma_start3A_245] : memref<10000x128xf32, #tpu.memory_space<vmem_shared>> -> memref<10000x128xf32, #tpu.memory_space<vmem_shared>>
        tpu.enqueue_indirect_dma source(%dma_start3A_243 : memref<128x128xf32, #tpu.memory_space<vmem>>) target(%dma_start3A_246 : memref<10000x128xf32, #tpu.memory_space<vmem_shared>>) offsets(%arg9 : memref<128xi32, #tpu.memory_space<vmem>>) semaphore(%arg15 : memref<!tpu.dma_semaphore, #tpu.memory_space<semaphore_mem>>) {add = true}
        %dma_wait3A_247 = arith.constant 0 : i32
        %dma_wait3A_248 = arith.constant 0 : i32
        %dma_wait3A_249 = arith.constant 0 : i32
        %dma_wait3A_250 = tpu.memref_slice %arg11[%dma_wait3A_247, %dma_wait3A_248, %dma_wait3A_249] : memref<2x128x128xf32, #tpu.memory_space<vmem>> -> memref<1x128x128xf32, #tpu.memory_space<vmem>>
        %dma_wait3A_251 = tpu.memref_squeeze %dma_wait3A_250 : memref<1x128x128xf32, #tpu.memory_space<vmem>> -> memref<128x128xf32, #tpu.memory_space<vmem>>
        %dma_wait3A_252 = arith.constant 0 : i32
        %dma_wait3A_253 = arith.constant 0 : i32
        %dma_wait3A_254 = tpu.memref_slice %arg2[%dma_wait3A_252, %dma_wait3A_253] : memref<10000x128xf32, #tpu.memory_space<hbm>> -> memref<128x128xf32, #tpu.memory_space<hbm>>
        %dma_wait3A_255 = arith.constant 0 : i32
        %dma_wait3A_256 = arith.constant 0 : i32
        %dma_wait3A_257 = tpu.memref_slice %arg11[%dma_wait3A_247, %dma_wait3A_255, %dma_wait3A_256] : memref<2x128x128xf32, #tpu.memory_space<vmem>> -> memref<1x128x128xf32, #tpu.memory_space<vmem>>
        %dma_wait3A_258 = tpu.memref_squeeze %dma_wait3A_257 : memref<1x128x128xf32, #tpu.memory_space<vmem>> -> memref<128x128xf32, #tpu.memory_space<vmem>>
        %dma_wait3A_259 = arith.constant 0 : i32
        %dma_wait3A_260 = arith.constant 0 : i32
        %dma_wait3A_261 = tpu.memref_slice %arg2[%dma_wait3A_259, %dma_wait3A_260] : memref<10000x128xf32, #tpu.memory_space<hbm>> -> memref<128x128xf32, #tpu.memory_space<hbm>>
        tpu.wait_dma2 semaphore(%arg16 : memref<!tpu.dma_semaphore, #tpu.memory_space<semaphore_mem>>) src(%dma_wait3A_261 : memref<128x128xf32, #tpu.memory_space<hbm>>) dst(%dma_wait3A_258 : memref<128x128xf32, #tpu.memory_space<vmem>>)
        %lt3A_262 = arith.constant 19 : i32
        %lt3A_263 = arith.cmpi slt, %scan3A_98, %lt3A_262 : i32
        %convert_element_type3A_264 = arith.extui %lt3A_263 : i1 to i32
        %cond3A_265 = arith.constant 0 : i32
        %cond3A_266 = arith.cmpi ne, %convert_element_type3A_264, %cond3A_265 : i32
        scf.if %cond3A_266 {
          %add3A_334 = arith.constant 3 : i32
          %add3A_335 = arith.addi %add3A_219, %add3A_334 : i32
          %mul3A_336 = arith.constant 80 : i32
          %mul3A_337 = arith.muli %add3A, %mul3A_336 : i32
          %add3A_338 = arith.addi %mul3A_337, %add3A_335 : i32
          %mul3A_339 = arith.constant 128 : i32
          %mul3A_340 = arith.muli %add3A_338, %mul3A_339 : i32
          %dma_start3A_341 = tpu.memref_slice %arg4[%mul3A_340] : memref<327680xi32, #tpu.memory_space<hbm>> -> memref<128xi32, #tpu.memory_space<hbm>>
          %dma_start3A_342 = tpu.memref_slice %arg4[%mul3A_340] : memref<327680xi32, #tpu.memory_space<hbm>> -> memref<128xi32, #tpu.memory_space<hbm>>
          tpu.enqueue_dma source(%dma_start3A_342 : memref<128xi32, #tpu.memory_space<hbm>>) target(%arg8 : memref<128xi32, #tpu.memory_space<vmem>>) target_semaphore(%arg18 : memref<!tpu.dma_semaphore, #tpu.memory_space<semaphore_mem>>)
        } else {
        }
        %add3A_267 = arith.constant 1 : i32
        %add3A_268 = arith.addi %add3A_219, %add3A_267 : i32
        %dma_start3A_269 = arith.constant 1 : i32
        %dma_start3A_270 = arith.constant 0 : i32
        %dma_start3A_271 = arith.constant 0 : i32
        %dma_start3A_272 = tpu.memref_slice %arg11[%dma_start3A_269, %dma_start3A_270, %dma_start3A_271] : memref<2x128x128xf32, #tpu.memory_space<vmem>> -> memref<1x128x128xf32, #tpu.memory_space<vmem>>
        %dma_start3A_273 = tpu.memref_squeeze %dma_start3A_272 : memref<1x128x128xf32, #tpu.memory_space<vmem>> -> memref<128x128xf32, #tpu.memory_space<vmem>>
        %dma_start3A_274 = arith.constant 0 : i32
        %dma_start3A_275 = tpu.memref_slice %arg6[%add3A_268, %dma_start3A_274] : memref<80x128xi32, #tpu.memory_space<vmem>> -> memref<1x128xi32, #tpu.memory_space<vmem>>
        %dma_start3A_276 = tpu.memref_squeeze %dma_start3A_275 : memref<1x128xi32, #tpu.memory_space<vmem>> -> memref<128xi32, #tpu.memory_space<vmem>>
        %dma_start3A_277 = arith.constant 0 : i32
        %dma_start3A_278 = arith.constant 0 : i32
        %dma_start3A_279 = tpu.memref_slice %arg2[%dma_start3A_277, %dma_start3A_278] : memref<10000x128xf32, #tpu.memory_space<hbm>> -> memref<10000x128xf32, #tpu.memory_space<hbm>>
        tpu.enqueue_indirect_dma source(%dma_start3A_279 : memref<10000x128xf32, #tpu.memory_space<hbm>>) target(%dma_start3A_273 : memref<128x128xf32, #tpu.memory_space<vmem>>) offsets(%dma_start3A_276 : memref<128xi32, #tpu.memory_space<vmem>>) semaphore(%arg14 : memref<!tpu.dma_semaphore, #tpu.memory_space<semaphore_mem>>)
        %add3A_280 = arith.constant 3 : i32
        %add3A_281 = arith.addi %mul3A_100, %add3A_280 : i32
        %dma_wait3A_282 = arith.constant 1 : i32
        %dma_wait3A_283 = arith.constant 0 : i32
        %dma_wait3A_284 = arith.constant 0 : i32
        %dma_wait3A_285 = tpu.memref_slice %arg11[%dma_wait3A_282, %dma_wait3A_283, %dma_wait3A_284] : memref<2x128x128xf32, #tpu.memory_space<vmem>> -> memref<1x128x128xf32, #tpu.memory_space<vmem>>
        %dma_wait3A_286 = tpu.memref_squeeze %dma_wait3A_285 : memref<1x128x128xf32, #tpu.memory_space<vmem>> -> memref<128x128xf32, #tpu.memory_space<vmem>>
        %dma_wait3A_287 = arith.constant 0 : i32
        %dma_wait3A_288 = arith.constant 0 : i32
        %dma_wait3A_289 = tpu.memref_slice %arg2[%dma_wait3A_287, %dma_wait3A_288] : memref<10000x128xf32, #tpu.memory_space<hbm>> -> memref<128x128xf32, #tpu.memory_space<hbm>>
        %dma_wait3A_290 = arith.constant 0 : i32
        %dma_wait3A_291 = arith.constant 0 : i32
        %dma_wait3A_292 = tpu.memref_slice %arg11[%dma_wait3A_282, %dma_wait3A_290, %dma_wait3A_291] : memref<2x128x128xf32, #tpu.memory_space<vmem>> -> memref<1x128x128xf32, #tpu.memory_space<vmem>>
        %dma_wait3A_293 = tpu.memref_squeeze %dma_wait3A_292 : memref<1x128x128xf32, #tpu.memory_space<vmem>> -> memref<128x128xf32, #tpu.memory_space<vmem>>
        %dma_wait3A_294 = arith.constant 0 : i32
        %dma_wait3A_295 = arith.constant 0 : i32
        %dma_wait3A_296 = tpu.memref_slice %arg2[%dma_wait3A_294, %dma_wait3A_295] : memref<10000x128xf32, #tpu.memory_space<hbm>> -> memref<128x128xf32, #tpu.memory_space<hbm>>
        tpu.wait_dma2 semaphore(%arg14 : memref<!tpu.dma_semaphore, #tpu.memory_space<semaphore_mem>>) src(%dma_wait3A_296 : memref<128x128xf32, #tpu.memory_space<hbm>>) dst(%dma_wait3A_293 : memref<128x128xf32, #tpu.memory_space<vmem>>)
        %dma_wait3A_297 = arith.constant 0 : i32
        %dma_wait3A_298 = tpu.memref_slice %arg4[%dma_wait3A_297] : memref<327680xi32, #tpu.memory_space<hbm>> -> memref<128xi32, #tpu.memory_space<hbm>>
        %dma_wait3A_299 = arith.constant 0 : i32
        %dma_wait3A_300 = tpu.memref_slice %arg4[%dma_wait3A_299] : memref<327680xi32, #tpu.memory_space<hbm>> -> memref<128xi32, #tpu.memory_space<hbm>>
        tpu.wait_dma2 semaphore(%arg20 : memref<!tpu.dma_semaphore, #tpu.memory_space<semaphore_mem>>) src(%dma_wait3A_300 : memref<128xi32, #tpu.memory_space<hbm>>) dst(%arg10 : memref<128xi32, #tpu.memory_space<vmem>>)
        %dma_start3A_301 = arith.constant 1 : i32
        %dma_start3A_302 = arith.constant 0 : i32
        %dma_start3A_303 = arith.constant 0 : i32
        %dma_start3A_304 = tpu.memref_slice %arg11[%dma_start3A_301, %dma_start3A_302, %dma_start3A_303] : memref<2x128x128xf32, #tpu.memory_space<vmem>> -> memref<1x128x128xf32, #tpu.memory_space<vmem>>
        %dma_start3A_305 = tpu.memref_squeeze %dma_start3A_304 : memref<1x128x128xf32, #tpu.memory_space<vmem>> -> memref<128x128xf32, #tpu.memory_space<vmem>>
        %dma_start3A_306 = arith.constant 0 : i32
        %dma_start3A_307 = arith.constant 0 : i32
        %dma_start3A_308 = tpu.memref_slice %arg12[%dma_start3A_306, %dma_start3A_307] : memref<10000x128xf32, #tpu.memory_space<vmem_shared>> -> memref<10000x128xf32, #tpu.memory_space<vmem_shared>>
        tpu.enqueue_indirect_dma source(%dma_start3A_305 : memref<128x128xf32, #tpu.memory_space<vmem>>) target(%dma_start3A_308 : memref<10000x128xf32, #tpu.memory_space<vmem_shared>>) offsets(%arg10 : memref<128xi32, #tpu.memory_space<vmem>>) semaphore(%arg16 : memref<!tpu.dma_semaphore, #tpu.memory_space<semaphore_mem>>) {add = true}
        %dma_wait3A_309 = arith.constant 0 : i32
        %dma_wait3A_310 = arith.constant 0 : i32
        %dma_wait3A_311 = arith.constant 0 : i32
        %dma_wait3A_312 = tpu.memref_slice %arg11[%dma_wait3A_309, %dma_wait3A_310, %dma_wait3A_311] : memref<2x128x128xf32, #tpu.memory_space<vmem>> -> memref<1x128x128xf32, #tpu.memory_space<vmem>>
        %dma_wait3A_313 = tpu.memref_squeeze %dma_wait3A_312 : memref<1x128x128xf32, #tpu.memory_space<vmem>> -> memref<128x128xf32, #tpu.memory_space<vmem>>
        %dma_wait3A_314 = arith.constant 0 : i32
        %dma_wait3A_315 = arith.constant 0 : i32
        %dma_wait3A_316 = tpu.memref_slice %arg2[%dma_wait3A_314, %dma_wait3A_315] : memref<10000x128xf32, #tpu.memory_space<hbm>> -> memref<128x128xf32, #tpu.memory_space<hbm>>
        %dma_wait3A_317 = arith.constant 0 : i32
        %dma_wait3A_318 = arith.constant 0 : i32
        %dma_wait3A_319 = tpu.memref_slice %arg11[%dma_wait3A_309, %dma_wait3A_317, %dma_wait3A_318] : memref<2x128x128xf32, #tpu.memory_space<vmem>> -> memref<1x128x128xf32, #tpu.memory_space<vmem>>
        %dma_wait3A_320 = tpu.memref_squeeze %dma_wait3A_319 : memref<1x128x128xf32, #tpu.memory_space<vmem>> -> memref<128x128xf32, #tpu.memory_space<vmem>>
        %dma_wait3A_321 = arith.constant 0 : i32
        %dma_wait3A_322 = arith.constant 0 : i32
        %dma_wait3A_323 = tpu.memref_slice %arg2[%dma_wait3A_321, %dma_wait3A_322] : memref<10000x128xf32, #tpu.memory_space<hbm>> -> memref<128x128xf32, #tpu.memory_space<hbm>>
        tpu.wait_dma2 semaphore(%arg15 : memref<!tpu.dma_semaphore, #tpu.memory_space<semaphore_mem>>) src(%dma_wait3A_323 : memref<128x128xf32, #tpu.memory_space<hbm>>) dst(%dma_wait3A_320 : memref<128x128xf32, #tpu.memory_space<vmem>>)
        %lt3A_324 = arith.constant 19 : i32
        %lt3A_325 = arith.cmpi slt, %scan3A_98, %lt3A_324 : i32
        %convert_element_type3A_326 = arith.extui %lt3A_325 : i1 to i32
        %cond3A_327 = arith.constant 0 : i32
        %cond3A_328 = arith.cmpi ne, %convert_element_type3A_326, %cond3A_327 : i32
        scf.if %cond3A_328 {
          %add3A_334 = arith.constant 3 : i32
          %add3A_335 = arith.addi %add3A_281, %add3A_334 : i32
          %mul3A_336 = arith.constant 80 : i32
          %mul3A_337 = arith.muli %add3A, %mul3A_336 : i32
          %add3A_338 = arith.addi %mul3A_337, %add3A_335 : i32
          %mul3A_339 = arith.constant 128 : i32
          %mul3A_340 = arith.muli %add3A_338, %mul3A_339 : i32
          %dma_start3A_341 = tpu.memref_slice %arg4[%mul3A_340] : memref<327680xi32, #tpu.memory_space<hbm>> -> memref<128xi32, #tpu.memory_space<hbm>>
          %dma_start3A_342 = tpu.memref_slice %arg4[%mul3A_340] : memref<327680xi32, #tpu.memory_space<hbm>> -> memref<128xi32, #tpu.memory_space<hbm>>
          tpu.enqueue_dma source(%dma_start3A_342 : memref<128xi32, #tpu.memory_space<hbm>>) target(%arg9 : memref<128xi32, #tpu.memory_space<vmem>>) target_semaphore(%arg19 : memref<!tpu.dma_semaphore, #tpu.memory_space<semaphore_mem>>)
        } else {
        }
        %lt3A_329 = arith.constant 19 : i32
        %lt3A_330 = arith.cmpi slt, %scan3A_98, %lt3A_329 : i32
        %convert_element_type3A_331 = arith.extui %lt3A_330 : i1 to i32
        %cond3A_332 = arith.constant 0 : i32
        %cond3A_333 = arith.cmpi ne, %convert_element_type3A_331, %cond3A_332 : i32
        scf.if %cond3A_333 {
          %add3A_334 = arith.constant 1 : i32
          %add3A_335 = arith.addi %add3A_281, %add3A_334 : i32
          %dma_start3A_336 = arith.constant 0 : i32
          %dma_start3A_337 = arith.constant 0 : i32
          %dma_start3A_338 = arith.constant 0 : i32
          %dma_start3A_339 = tpu.memref_slice %arg11[%dma_start3A_336, %dma_start3A_337, %dma_start3A_338] : memref<2x128x128xf32, #tpu.memory_space<vmem>> -> memref<1x128x128xf32, #tpu.memory_space<vmem>>
          %dma_start3A_340 = tpu.memref_squeeze %dma_start3A_339 : memref<1x128x128xf32, #tpu.memory_space<vmem>> -> memref<128x128xf32, #tpu.memory_space<vmem>>
          %dma_start3A_341 = arith.constant 0 : i32
          %dma_start3A_342 = tpu.memref_slice %arg6[%add3A_335, %dma_start3A_341] : memref<80x128xi32, #tpu.memory_space<vmem>> -> memref<1x128xi32, #tpu.memory_space<vmem>>
          %dma_start3A_343 = tpu.memref_squeeze %dma_start3A_342 : memref<1x128xi32, #tpu.memory_space<vmem>> -> memref<128xi32, #tpu.memory_space<vmem>>
          %dma_start3A_344 = arith.constant 0 : i32
          %dma_start3A_345 = arith.constant 0 : i32
          %dma_start3A_346 = tpu.memref_slice %arg2[%dma_start3A_344, %dma_start3A_345] : memref<10000x128xf32, #tpu.memory_space<hbm>> -> memref<10000x128xf32, #tpu.memory_space<hbm>>
          tpu.enqueue_indirect_dma source(%dma_start3A_346 : memref<10000x128xf32, #tpu.memory_space<hbm>>) target(%dma_start3A_340 : memref<128x128xf32, #tpu.memory_space<vmem>>) offsets(%dma_start3A_343 : memref<128xi32, #tpu.memory_space<vmem>>) semaphore(%arg13 : memref<!tpu.dma_semaphore, #tpu.memory_space<semaphore_mem>>)
        } else {
        }
      }
      %scan3A_83 = arith.constant 20 : i32
      %dma_wait3A = arith.constant 0 : i32
      %dma_wait3A_84 = arith.constant 0 : i32
      %dma_wait3A_85 = arith.constant 0 : i32
      %dma_wait3A_86 = tpu.memref_slice %arg11[%dma_wait3A, %dma_wait3A_84, %dma_wait3A_85] : memref<2x128x128xf32, #tpu.memory_space<vmem>> -> memref<1x128x128xf32, #tpu.memory_space<vmem>>
      %dma_wait3A_87 = tpu.memref_squeeze %dma_wait3A_86 : memref<1x128x128xf32, #tpu.memory_space<vmem>> -> memref<128x128xf32, #tpu.memory_space<vmem>>
      %dma_wait3A_88 = arith.constant 0 : i32
      %dma_wait3A_89 = arith.constant 0 : i32
      %dma_wait3A_90 = tpu.memref_slice %arg2[%dma_wait3A_88, %dma_wait3A_89] : memref<10000x128xf32, #tpu.memory_space<hbm>> -> memref<128x128xf32, #tpu.memory_space<hbm>>
      %dma_wait3A_91 = arith.constant 0 : i32
      %dma_wait3A_92 = arith.constant 0 : i32
      %dma_wait3A_93 = tpu.memref_slice %arg11[%dma_wait3A, %dma_wait3A_91, %dma_wait3A_92] : memref<2x128x128xf32, #tpu.memory_space<vmem>> -> memref<1x128x128xf32, #tpu.memory_space<vmem>>
      %dma_wait3A_94 = tpu.memref_squeeze %dma_wait3A_93 : memref<1x128x128xf32, #tpu.memory_space<vmem>> -> memref<128x128xf32, #tpu.memory_space<vmem>>
      %dma_wait3A_95 = arith.constant 0 : i32
      %dma_wait3A_96 = arith.constant 0 : i32
      %dma_wait3A_97 = tpu.memref_slice %arg2[%dma_wait3A_95, %dma_wait3A_96] : memref<10000x128xf32, #tpu.memory_space<hbm>> -> memref<128x128xf32, #tpu.memory_space<hbm>>
      tpu.wait_dma2 semaphore(%arg16 : memref<!tpu.dma_semaphore, #tpu.memory_space<semaphore_mem>>) src(%dma_wait3A_97 : memref<128x128xf32, #tpu.memory_space<hbm>>) dst(%dma_wait3A_94 : memref<128x128xf32, #tpu.memory_space<vmem>>)
    } else {
    }
    %eq3A_24 = arith.constant 31 : i32
    %eq3A_25 = arith.cmpi eq, %add3A, %eq3A_24 : i32
    %convert_element_type3A_26 = arith.extui %eq3A_25 : i1 to i32
    %cond3A_27 = arith.constant 0 : i32
    %cond3A_28 = arith.cmpi ne, %convert_element_type3A_26, %cond3A_27 : i32
    scf.if %cond3A_28 {
      %mul3A_43 = arith.constant 80 : i32
      %mul3A_44 = arith.muli %add3A, %mul3A_43 : i32
      %add3A_45 = arith.constant 0 : i32
      %add3A_46 = arith.addi %mul3A_44, %add3A_45 : i32
      %mul3A_47 = arith.constant 128 : i32
      %mul3A_48 = arith.muli %add3A_46, %mul3A_47 : i32
      %dma_start3A = tpu.memref_slice %arg4[%mul3A_48] : memref<327680xi32, #tpu.memory_space<hbm>> -> memref<128xi32, #tpu.memory_space<hbm>>
      %dma_start3A_49 = tpu.memref_slice %arg4[%mul3A_48] : memref<327680xi32, #tpu.memory_space<hbm>> -> memref<128xi32, #tpu.memory_space<hbm>>
      tpu.enqueue_dma source(%dma_start3A_49 : memref<128xi32, #tpu.memory_space<hbm>>) target(%arg7 : memref<128xi32, #tpu.memory_space<vmem>>) target_semaphore(%arg17 : memref<!tpu.dma_semaphore, #tpu.memory_space<semaphore_mem>>)
      %mul3A_50 = arith.constant 80 : i32
      %mul3A_51 = arith.muli %add3A, %mul3A_50 : i32
      %add3A_52 = arith.constant 1 : i32
      %add3A_53 = arith.addi %mul3A_51, %add3A_52 : i32
      %mul3A_54 = arith.constant 128 : i32
      %mul3A_55 = arith.muli %add3A_53, %mul3A_54 : i32
      %dma_start3A_56 = tpu.memref_slice %arg4[%mul3A_55] : memref<327680xi32, #tpu.memory_space<hbm>> -> memref<128xi32, #tpu.memory_space<hbm>>
      %dma_start3A_57 = tpu.memref_slice %arg4[%mul3A_55] : memref<327680xi32, #tpu.memory_space<hbm>> -> memref<128xi32, #tpu.memory_space<hbm>>
      tpu.enqueue_dma source(%dma_start3A_57 : memref<128xi32, #tpu.memory_space<hbm>>) target(%arg8 : memref<128xi32, #tpu.memory_space<vmem>>) target_semaphore(%arg18 : memref<!tpu.dma_semaphore, #tpu.memory_space<semaphore_mem>>)
      %mul3A_58 = arith.constant 80 : i32
      %mul3A_59 = arith.muli %add3A, %mul3A_58 : i32
      %add3A_60 = arith.constant 2 : i32
      %add3A_61 = arith.addi %mul3A_59, %add3A_60 : i32
      %mul3A_62 = arith.constant 128 : i32
      %mul3A_63 = arith.muli %add3A_61, %mul3A_62 : i32
      %dma_start3A_64 = tpu.memref_slice %arg4[%mul3A_63] : memref<327680xi32, #tpu.memory_space<hbm>> -> memref<128xi32, #tpu.memory_space<hbm>>
      %dma_start3A_65 = tpu.memref_slice %arg4[%mul3A_63] : memref<327680xi32, #tpu.memory_space<hbm>> -> memref<128xi32, #tpu.memory_space<hbm>>
      tpu.enqueue_dma source(%dma_start3A_65 : memref<128xi32, #tpu.memory_space<hbm>>) target(%arg9 : memref<128xi32, #tpu.memory_space<vmem>>) target_semaphore(%arg19 : memref<!tpu.dma_semaphore, #tpu.memory_space<semaphore_mem>>)
      %dma_start3A_66 = arith.constant 0 : i32
      %dma_start3A_67 = arith.constant 0 : i32
      %dma_start3A_68 = arith.constant 0 : i32
      %dma_start3A_69 = arith.constant 0 : i32
      %dma_start3A_70 = tpu.memref_slice %arg11[%dma_start3A_67, %dma_start3A_68, %dma_start3A_69] : memref<2x128x128xf32, #tpu.memory_space<vmem>> -> memref<1x128x128xf32, #tpu.memory_space<vmem>>
      %dma_start3A_71 = tpu.memref_squeeze %dma_start3A_70 : memref<1x128x128xf32, #tpu.memory_space<vmem>> -> memref<128x128xf32, #tpu.memory_space<vmem>>
      %dma_start3A_72 = arith.constant 0 : i32
      %dma_start3A_73 = tpu.memref_slice %arg6[%dma_start3A_66, %dma_start3A_72] : memref<80x128xi32, #tpu.memory_space<vmem>> -> memref<1x128xi32, #tpu.memory_space<vmem>>
      %dma_start3A_74 = tpu.memref_squeeze %dma_start3A_73 : memref<1x128xi32, #tpu.memory_space<vmem>> -> memref<128xi32, #tpu.memory_space<vmem>>
      %dma_start3A_75 = arith.constant 0 : i32
      %dma_start3A_76 = arith.constant 0 : i32
      %dma_start3A_77 = tpu.memref_slice %arg2[%dma_start3A_75, %dma_start3A_76] : memref<10000x128xf32, #tpu.memory_space<hbm>> -> memref<10000x128xf32, #tpu.memory_space<hbm>>
      tpu.enqueue_indirect_dma source(%dma_start3A_77 : memref<10000x128xf32, #tpu.memory_space<hbm>>) target(%dma_start3A_71 : memref<128x128xf32, #tpu.memory_space<vmem>>) offsets(%dma_start3A_74 : memref<128xi32, #tpu.memory_space<vmem>>) semaphore(%arg13 : memref<!tpu.dma_semaphore, #tpu.memory_space<semaphore_mem>>)
      %scan3A_78 = arith.constant 0 : i32
      %scan3A_79 = arith.constant 0 : i32
      %scan3A_80 = arith.constant 5 : i32
      %scan3A_81 = arith.addi %scan3A_79, %scan3A_80 : i32
      %scan3A_82 = arith.constant 1 : i32
      scf.for %scan3A_98 = %scan3A_79 to %scan3A_81 step %scan3A_82  : i32 {
        %mul3A_99 = arith.constant 4 : i32
        %mul3A_100 = arith.muli %scan3A_98, %mul3A_99 : i32
        %add3A_101 = arith.constant 0 : i32
        %add3A_102 = arith.addi %mul3A_100, %add3A_101 : i32
        %dma_wait3A_103 = arith.constant 0 : i32
        %dma_wait3A_104 = arith.constant 0 : i32
        %dma_wait3A_105 = arith.constant 0 : i32
        %dma_wait3A_106 = tpu.memref_slice %arg11[%dma_wait3A_103, %dma_wait3A_104, %dma_wait3A_105] : memref<2x128x128xf32, #tpu.memory_space<vmem>> -> memref<1x128x128xf32, #tpu.memory_space<vmem>>
        %dma_wait3A_107 = tpu.memref_squeeze %dma_wait3A_106 : memref<1x128x128xf32, #tpu.memory_space<vmem>> -> memref<128x128xf32, #tpu.memory_space<vmem>>
        %dma_wait3A_108 = arith.constant 0 : i32
        %dma_wait3A_109 = arith.constant 0 : i32
        %dma_wait3A_110 = tpu.memref_slice %arg2[%dma_wait3A_108, %dma_wait3A_109] : memref<10000x128xf32, #tpu.memory_space<hbm>> -> memref<128x128xf32, #tpu.memory_space<hbm>>
        %dma_wait3A_111 = arith.constant 0 : i32
        %dma_wait3A_112 = arith.constant 0 : i32
        %dma_wait3A_113 = tpu.memref_slice %arg11[%dma_wait3A_103, %dma_wait3A_111, %dma_wait3A_112] : memref<2x128x128xf32, #tpu.memory_space<vmem>> -> memref<1x128x128xf32, #tpu.memory_space<vmem>>
        %dma_wait3A_114 = tpu.memref_squeeze %dma_wait3A_113 : memref<1x128x128xf32, #tpu.memory_space<vmem>> -> memref<128x128xf32, #tpu.memory_space<vmem>>
        %dma_wait3A_115 = arith.constant 0 : i32
        %dma_wait3A_116 = arith.constant 0 : i32
        %dma_wait3A_117 = tpu.memref_slice %arg2[%dma_wait3A_115, %dma_wait3A_116] : memref<10000x128xf32, #tpu.memory_space<hbm>> -> memref<128x128xf32, #tpu.memory_space<hbm>>
        tpu.wait_dma2 semaphore(%arg13 : memref<!tpu.dma_semaphore, #tpu.memory_space<semaphore_mem>>) src(%dma_wait3A_117 : memref<128x128xf32, #tpu.memory_space<hbm>>) dst(%dma_wait3A_114 : memref<128x128xf32, #tpu.memory_space<vmem>>)
        %dma_wait3A_118 = arith.constant 0 : i32
        %dma_wait3A_119 = tpu.memref_slice %arg4[%dma_wait3A_118] : memref<327680xi32, #tpu.memory_space<hbm>> -> memref<128xi32, #tpu.memory_space<hbm>>
        %dma_wait3A_120 = arith.constant 0 : i32
        %dma_wait3A_121 = tpu.memref_slice %arg4[%dma_wait3A_120] : memref<327680xi32, #tpu.memory_space<hbm>> -> memref<128xi32, #tpu.memory_space<hbm>>
        tpu.wait_dma2 semaphore(%arg17 : memref<!tpu.dma_semaphore, #tpu.memory_space<semaphore_mem>>) src(%dma_wait3A_121 : memref<128xi32, #tpu.memory_space<hbm>>) dst(%arg7 : memref<128xi32, #tpu.memory_space<vmem>>)
        %dma_start3A_122 = arith.constant 0 : i32
        %dma_start3A_123 = arith.constant 0 : i32
        %dma_start3A_124 = arith.constant 0 : i32
        %dma_start3A_125 = tpu.memref_slice %arg11[%dma_start3A_122, %dma_start3A_123, %dma_start3A_124] : memref<2x128x128xf32, #tpu.memory_space<vmem>> -> memref<1x128x128xf32, #tpu.memory_space<vmem>>
        %dma_start3A_126 = tpu.memref_squeeze %dma_start3A_125 : memref<1x128x128xf32, #tpu.memory_space<vmem>> -> memref<128x128xf32, #tpu.memory_space<vmem>>
        %dma_start3A_127 = arith.constant 0 : i32
        %dma_start3A_128 = arith.constant 0 : i32
        %dma_start3A_129 = tpu.memref_slice %arg12[%dma_start3A_127, %dma_start3A_128] : memref<10000x128xf32, #tpu.memory_space<vmem_shared>> -> memref<10000x128xf32, #tpu.memory_space<vmem_shared>>
        tpu.enqueue_indirect_dma source(%dma_start3A_126 : memref<128x128xf32, #tpu.memory_space<vmem>>) target(%dma_start3A_129 : memref<10000x128xf32, #tpu.memory_space<vmem_shared>>) offsets(%arg7 : memref<128xi32, #tpu.memory_space<vmem>>) semaphore(%arg15 : memref<!tpu.dma_semaphore, #tpu.memory_space<semaphore_mem>>) {add = true}
        %gt3A = arith.constant 0 : i32
        %gt3A_130 = arith.cmpi sgt, %scan3A_98, %gt3A : i32
        %convert_element_type3A_131 = arith.extui %gt3A_130 : i1 to i32
        %cond3A_132 = arith.constant 0 : i32
        %cond3A_133 = arith.cmpi ne, %convert_element_type3A_131, %cond3A_132 : i32
        scf.if %cond3A_133 {
          %dma_wait3A_334 = arith.constant 0 : i32
          %dma_wait3A_335 = arith.constant 0 : i32
          %dma_wait3A_336 = arith.constant 0 : i32
          %dma_wait3A_337 = tpu.memref_slice %arg11[%dma_wait3A_334, %dma_wait3A_335, %dma_wait3A_336] : memref<2x128x128xf32, #tpu.memory_space<vmem>> -> memref<1x128x128xf32, #tpu.memory_space<vmem>>
          %dma_wait3A_338 = tpu.memref_squeeze %dma_wait3A_337 : memref<1x128x128xf32, #tpu.memory_space<vmem>> -> memref<128x128xf32, #tpu.memory_space<vmem>>
          %dma_wait3A_339 = arith.constant 0 : i32
          %dma_wait3A_340 = arith.constant 0 : i32
          %dma_wait3A_341 = tpu.memref_slice %arg2[%dma_wait3A_339, %dma_wait3A_340] : memref<10000x128xf32, #tpu.memory_space<hbm>> -> memref<128x128xf32, #tpu.memory_space<hbm>>
          %dma_wait3A_342 = arith.constant 0 : i32
          %dma_wait3A_343 = arith.constant 0 : i32
          %dma_wait3A_344 = tpu.memref_slice %arg11[%dma_wait3A_334, %dma_wait3A_342, %dma_wait3A_343] : memref<2x128x128xf32, #tpu.memory_space<vmem>> -> memref<1x128x128xf32, #tpu.memory_space<vmem>>
          %dma_wait3A_345 = tpu.memref_squeeze %dma_wait3A_344 : memref<1x128x128xf32, #tpu.memory_space<vmem>> -> memref<128x128xf32, #tpu.memory_space<vmem>>
          %dma_wait3A_346 = arith.constant 0 : i32
          %dma_wait3A_347 = arith.constant 0 : i32
          %dma_wait3A_348 = tpu.memref_slice %arg2[%dma_wait3A_346, %dma_wait3A_347] : memref<10000x128xf32, #tpu.memory_space<hbm>> -> memref<128x128xf32, #tpu.memory_space<hbm>>
          tpu.wait_dma2 semaphore(%arg16 : memref<!tpu.dma_semaphore, #tpu.memory_space<semaphore_mem>>) src(%dma_wait3A_348 : memref<128x128xf32, #tpu.memory_space<hbm>>) dst(%dma_wait3A_345 : memref<128x128xf32, #tpu.memory_space<vmem>>)
        } else {
        }
        %add3A_134 = arith.constant 3 : i32
        %add3A_135 = arith.addi %add3A_102, %add3A_134 : i32
        %mul3A_136 = arith.constant 80 : i32
        %mul3A_137 = arith.muli %add3A, %mul3A_136 : i32
        %add3A_138 = arith.addi %mul3A_137, %add3A_135 : i32
        %mul3A_139 = arith.constant 128 : i32
        %mul3A_140 = arith.muli %add3A_138, %mul3A_139 : i32
        %dma_start3A_141 = tpu.memref_slice %arg4[%mul3A_140] : memref<327680xi32, #tpu.memory_space<hbm>> -> memref<128xi32, #tpu.memory_space<hbm>>
        %dma_start3A_142 = tpu.memref_slice %arg4[%mul3A_140] : memref<327680xi32, #tpu.memory_space<hbm>> -> memref<128xi32, #tpu.memory_space<hbm>>
        tpu.enqueue_dma source(%dma_start3A_142 : memref<128xi32, #tpu.memory_space<hbm>>) target(%arg10 : memref<128xi32, #tpu.memory_space<vmem>>) target_semaphore(%arg20 : memref<!tpu.dma_semaphore, #tpu.memory_space<semaphore_mem>>)
        %add3A_143 = arith.constant 1 : i32
        %add3A_144 = arith.addi %add3A_102, %add3A_143 : i32
        %dma_start3A_145 = arith.constant 1 : i32
        %dma_start3A_146 = arith.constant 0 : i32
        %dma_start3A_147 = arith.constant 0 : i32
        %dma_start3A_148 = tpu.memref_slice %arg11[%dma_start3A_145, %dma_start3A_146, %dma_start3A_147] : memref<2x128x128xf32, #tpu.memory_space<vmem>> -> memref<1x128x128xf32, #tpu.memory_space<vmem>>
        %dma_start3A_149 = tpu.memref_squeeze %dma_start3A_148 : memref<1x128x128xf32, #tpu.memory_space<vmem>> -> memref<128x128xf32, #tpu.memory_space<vmem>>
        %dma_start3A_150 = arith.constant 0 : i32
        %dma_start3A_151 = tpu.memref_slice %arg6[%add3A_144, %dma_start3A_150] : memref<80x128xi32, #tpu.memory_space<vmem>> -> memref<1x128xi32, #tpu.memory_space<vmem>>
        %dma_start3A_152 = tpu.memref_squeeze %dma_start3A_151 : memref<1x128xi32, #tpu.memory_space<vmem>> -> memref<128xi32, #tpu.memory_space<vmem>>
        %dma_start3A_153 = arith.constant 0 : i32
        %dma_start3A_154 = arith.constant 0 : i32
        %dma_start3A_155 = tpu.memref_slice %arg2[%dma_start3A_153, %dma_start3A_154] : memref<10000x128xf32, #tpu.memory_space<hbm>> -> memref<10000x128xf32, #tpu.memory_space<hbm>>
        tpu.enqueue_indirect_dma source(%dma_start3A_155 : memref<10000x128xf32, #tpu.memory_space<hbm>>) target(%dma_start3A_149 : memref<128x128xf32, #tpu.memory_space<vmem>>) offsets(%dma_start3A_152 : memref<128xi32, #tpu.memory_space<vmem>>) semaphore(%arg14 : memref<!tpu.dma_semaphore, #tpu.memory_space<semaphore_mem>>)
        %add3A_156 = arith.constant 1 : i32
        %add3A_157 = arith.addi %mul3A_100, %add3A_156 : i32
        %dma_wait3A_158 = arith.constant 1 : i32
        %dma_wait3A_159 = arith.constant 0 : i32
        %dma_wait3A_160 = arith.constant 0 : i32
        %dma_wait3A_161 = tpu.memref_slice %arg11[%dma_wait3A_158, %dma_wait3A_159, %dma_wait3A_160] : memref<2x128x128xf32, #tpu.memory_space<vmem>> -> memref<1x128x128xf32, #tpu.memory_space<vmem>>
        %dma_wait3A_162 = tpu.memref_squeeze %dma_wait3A_161 : memref<1x128x128xf32, #tpu.memory_space<vmem>> -> memref<128x128xf32, #tpu.memory_space<vmem>>
        %dma_wait3A_163 = arith.constant 0 : i32
        %dma_wait3A_164 = arith.constant 0 : i32
        %dma_wait3A_165 = tpu.memref_slice %arg2[%dma_wait3A_163, %dma_wait3A_164] : memref<10000x128xf32, #tpu.memory_space<hbm>> -> memref<128x128xf32, #tpu.memory_space<hbm>>
        %dma_wait3A_166 = arith.constant 0 : i32
        %dma_wait3A_167 = arith.constant 0 : i32
        %dma_wait3A_168 = tpu.memref_slice %arg11[%dma_wait3A_158, %dma_wait3A_166, %dma_wait3A_167] : memref<2x128x128xf32, #tpu.memory_space<vmem>> -> memref<1x128x128xf32, #tpu.memory_space<vmem>>
        %dma_wait3A_169 = tpu.memref_squeeze %dma_wait3A_168 : memref<1x128x128xf32, #tpu.memory_space<vmem>> -> memref<128x128xf32, #tpu.memory_space<vmem>>
        %dma_wait3A_170 = arith.constant 0 : i32
        %dma_wait3A_171 = arith.constant 0 : i32
        %dma_wait3A_172 = tpu.memref_slice %arg2[%dma_wait3A_170, %dma_wait3A_171] : memref<10000x128xf32, #tpu.memory_space<hbm>> -> memref<128x128xf32, #tpu.memory_space<hbm>>
        tpu.wait_dma2 semaphore(%arg14 : memref<!tpu.dma_semaphore, #tpu.memory_space<semaphore_mem>>) src(%dma_wait3A_172 : memref<128x128xf32, #tpu.memory_space<hbm>>) dst(%dma_wait3A_169 : memref<128x128xf32, #tpu.memory_space<vmem>>)
        %dma_wait3A_173 = arith.constant 0 : i32
        %dma_wait3A_174 = tpu.memref_slice %arg4[%dma_wait3A_173] : memref<327680xi32, #tpu.memory_space<hbm>> -> memref<128xi32, #tpu.memory_space<hbm>>
        %dma_wait3A_175 = arith.constant 0 : i32
        %dma_wait3A_176 = tpu.memref_slice %arg4[%dma_wait3A_175] : memref<327680xi32, #tpu.memory_space<hbm>> -> memref<128xi32, #tpu.memory_space<hbm>>
        tpu.wait_dma2 semaphore(%arg18 : memref<!tpu.dma_semaphore, #tpu.memory_space<semaphore_mem>>) src(%dma_wait3A_176 : memref<128xi32, #tpu.memory_space<hbm>>) dst(%arg8 : memref<128xi32, #tpu.memory_space<vmem>>)
        %dma_start3A_177 = arith.constant 1 : i32
        %dma_start3A_178 = arith.constant 0 : i32
        %dma_start3A_179 = arith.constant 0 : i32
        %dma_start3A_180 = tpu.memref_slice %arg11[%dma_start3A_177, %dma_start3A_178, %dma_start3A_179] : memref<2x128x128xf32, #tpu.memory_space<vmem>> -> memref<1x128x128xf32, #tpu.memory_space<vmem>>
        %dma_start3A_181 = tpu.memref_squeeze %dma_start3A_180 : memref<1x128x128xf32, #tpu.memory_space<vmem>> -> memref<128x128xf32, #tpu.memory_space<vmem>>
        %dma_start3A_182 = arith.constant 0 : i32
        %dma_start3A_183 = arith.constant 0 : i32
        %dma_start3A_184 = tpu.memref_slice %arg12[%dma_start3A_182, %dma_start3A_183] : memref<10000x128xf32, #tpu.memory_space<vmem_shared>> -> memref<10000x128xf32, #tpu.memory_space<vmem_shared>>
        tpu.enqueue_indirect_dma source(%dma_start3A_181 : memref<128x128xf32, #tpu.memory_space<vmem>>) target(%dma_start3A_184 : memref<10000x128xf32, #tpu.memory_space<vmem_shared>>) offsets(%arg8 : memref<128xi32, #tpu.memory_space<vmem>>) semaphore(%arg16 : memref<!tpu.dma_semaphore, #tpu.memory_space<semaphore_mem>>) {add = true}
        %dma_wait3A_185 = arith.constant 0 : i32
        %dma_wait3A_186 = arith.constant 0 : i32
        %dma_wait3A_187 = arith.constant 0 : i32
        %dma_wait3A_188 = tpu.memref_slice %arg11[%dma_wait3A_185, %dma_wait3A_186, %dma_wait3A_187] : memref<2x128x128xf32, #tpu.memory_space<vmem>> -> memref<1x128x128xf32, #tpu.memory_space<vmem>>
        %dma_wait3A_189 = tpu.memref_squeeze %dma_wait3A_188 : memref<1x128x128xf32, #tpu.memory_space<vmem>> -> memref<128x128xf32, #tpu.memory_space<vmem>>
        %dma_wait3A_190 = arith.constant 0 : i32
        %dma_wait3A_191 = arith.constant 0 : i32
        %dma_wait3A_192 = tpu.memref_slice %arg2[%dma_wait3A_190, %dma_wait3A_191] : memref<10000x128xf32, #tpu.memory_space<hbm>> -> memref<128x128xf32, #tpu.memory_space<hbm>>
        %dma_wait3A_193 = arith.constant 0 : i32
        %dma_wait3A_194 = arith.constant 0 : i32
        %dma_wait3A_195 = tpu.memref_slice %arg11[%dma_wait3A_185, %dma_wait3A_193, %dma_wait3A_194] : memref<2x128x128xf32, #tpu.memory_space<vmem>> -> memref<1x128x128xf32, #tpu.memory_space<vmem>>
        %dma_wait3A_196 = tpu.memref_squeeze %dma_wait3A_195 : memref<1x128x128xf32, #tpu.memory_space<vmem>> -> memref<128x128xf32, #tpu.memory_space<vmem>>
        %dma_wait3A_197 = arith.constant 0 : i32
        %dma_wait3A_198 = arith.constant 0 : i32
        %dma_wait3A_199 = tpu.memref_slice %arg2[%dma_wait3A_197, %dma_wait3A_198] : memref<10000x128xf32, #tpu.memory_space<hbm>> -> memref<128x128xf32, #tpu.memory_space<hbm>>
        tpu.wait_dma2 semaphore(%arg15 : memref<!tpu.dma_semaphore, #tpu.memory_space<semaphore_mem>>) src(%dma_wait3A_199 : memref<128x128xf32, #tpu.memory_space<hbm>>) dst(%dma_wait3A_196 : memref<128x128xf32, #tpu.memory_space<vmem>>)
        %lt3A_200 = arith.constant 4 : i32
        %lt3A_201 = arith.cmpi slt, %scan3A_98, %lt3A_200 : i32
        %convert_element_type3A_202 = arith.extui %lt3A_201 : i1 to i32
        %cond3A_203 = arith.constant 0 : i32
        %cond3A_204 = arith.cmpi ne, %convert_element_type3A_202, %cond3A_203 : i32
        scf.if %cond3A_204 {
          %add3A_334 = arith.constant 3 : i32
          %add3A_335 = arith.addi %add3A_157, %add3A_334 : i32
          %mul3A_336 = arith.constant 80 : i32
          %mul3A_337 = arith.muli %add3A, %mul3A_336 : i32
          %add3A_338 = arith.addi %mul3A_337, %add3A_335 : i32
          %mul3A_339 = arith.constant 128 : i32
          %mul3A_340 = arith.muli %add3A_338, %mul3A_339 : i32
          %dma_start3A_341 = tpu.memref_slice %arg4[%mul3A_340] : memref<327680xi32, #tpu.memory_space<hbm>> -> memref<128xi32, #tpu.memory_space<hbm>>
          %dma_start3A_342 = tpu.memref_slice %arg4[%mul3A_340] : memref<327680xi32, #tpu.memory_space<hbm>> -> memref<128xi32, #tpu.memory_space<hbm>>
          tpu.enqueue_dma source(%dma_start3A_342 : memref<128xi32, #tpu.memory_space<hbm>>) target(%arg7 : memref<128xi32, #tpu.memory_space<vmem>>) target_semaphore(%arg17 : memref<!tpu.dma_semaphore, #tpu.memory_space<semaphore_mem>>)
        } else {
        }
        %add3A_205 = arith.constant 1 : i32
        %add3A_206 = arith.addi %add3A_157, %add3A_205 : i32
        %dma_start3A_207 = arith.constant 0 : i32
        %dma_start3A_208 = arith.constant 0 : i32
        %dma_start3A_209 = arith.constant 0 : i32
        %dma_start3A_210 = tpu.memref_slice %arg11[%dma_start3A_207, %dma_start3A_208, %dma_start3A_209] : memref<2x128x128xf32, #tpu.memory_space<vmem>> -> memref<1x128x128xf32, #tpu.memory_space<vmem>>
        %dma_start3A_211 = tpu.memref_squeeze %dma_start3A_210 : memref<1x128x128xf32, #tpu.memory_space<vmem>> -> memref<128x128xf32, #tpu.memory_space<vmem>>
        %dma_start3A_212 = arith.constant 0 : i32
        %dma_start3A_213 = tpu.memref_slice %arg6[%add3A_206, %dma_start3A_212] : memref<80x128xi32, #tpu.memory_space<vmem>> -> memref<1x128xi32, #tpu.memory_space<vmem>>
        %dma_start3A_214 = tpu.memref_squeeze %dma_start3A_213 : memref<1x128xi32, #tpu.memory_space<vmem>> -> memref<128xi32, #tpu.memory_space<vmem>>
        %dma_start3A_215 = arith.constant 0 : i32
        %dma_start3A_216 = arith.constant 0 : i32
        %dma_start3A_217 = tpu.memref_slice %arg2[%dma_start3A_215, %dma_start3A_216] : memref<10000x128xf32, #tpu.memory_space<hbm>> -> memref<10000x128xf32, #tpu.memory_space<hbm>>
        tpu.enqueue_indirect_dma source(%dma_start3A_217 : memref<10000x128xf32, #tpu.memory_space<hbm>>) target(%dma_start3A_211 : memref<128x128xf32, #tpu.memory_space<vmem>>) offsets(%dma_start3A_214 : memref<128xi32, #tpu.memory_space<vmem>>) semaphore(%arg13 : memref<!tpu.dma_semaphore, #tpu.memory_space<semaphore_mem>>)
        %add3A_218 = arith.constant 2 : i32
        %add3A_219 = arith.addi %mul3A_100, %add3A_218 : i32
        %dma_wait3A_220 = arith.constant 0 : i32
        %dma_wait3A_221 = arith.constant 0 : i32
        %dma_wait3A_222 = arith.constant 0 : i32
        %dma_wait3A_223 = tpu.memref_slice %arg11[%dma_wait3A_220, %dma_wait3A_221, %dma_wait3A_222] : memref<2x128x128xf32, #tpu.memory_space<vmem>> -> memref<1x128x128xf32, #tpu.memory_space<vmem>>
        %dma_wait3A_224 = tpu.memref_squeeze %dma_wait3A_223 : memref<1x128x128xf32, #tpu.memory_space<vmem>> -> memref<128x128xf32, #tpu.memory_space<vmem>>
        %dma_wait3A_225 = arith.constant 0 : i32
        %dma_wait3A_226 = arith.constant 0 : i32
        %dma_wait3A_227 = tpu.memref_slice %arg2[%dma_wait3A_225, %dma_wait3A_226] : memref<10000x128xf32, #tpu.memory_space<hbm>> -> memref<128x128xf32, #tpu.memory_space<hbm>>
        %dma_wait3A_228 = arith.constant 0 : i32
        %dma_wait3A_229 = arith.constant 0 : i32
        %dma_wait3A_230 = tpu.memref_slice %arg11[%dma_wait3A_220, %dma_wait3A_228, %dma_wait3A_229] : memref<2x128x128xf32, #tpu.memory_space<vmem>> -> memref<1x128x128xf32, #tpu.memory_space<vmem>>
        %dma_wait3A_231 = tpu.memref_squeeze %dma_wait3A_230 : memref<1x128x128xf32, #tpu.memory_space<vmem>> -> memref<128x128xf32, #tpu.memory_space<vmem>>
        %dma_wait3A_232 = arith.constant 0 : i32
        %dma_wait3A_233 = arith.constant 0 : i32
        %dma_wait3A_234 = tpu.memref_slice %arg2[%dma_wait3A_232, %dma_wait3A_233] : memref<10000x128xf32, #tpu.memory_space<hbm>> -> memref<128x128xf32, #tpu.memory_space<hbm>>
        tpu.wait_dma2 semaphore(%arg13 : memref<!tpu.dma_semaphore, #tpu.memory_space<semaphore_mem>>) src(%dma_wait3A_234 : memref<128x128xf32, #tpu.memory_space<hbm>>) dst(%dma_wait3A_231 : memref<128x128xf32, #tpu.memory_space<vmem>>)
        %dma_wait3A_235 = arith.constant 0 : i32
        %dma_wait3A_236 = tpu.memref_slice %arg4[%dma_wait3A_235] : memref<327680xi32, #tpu.memory_space<hbm>> -> memref<128xi32, #tpu.memory_space<hbm>>
        %dma_wait3A_237 = arith.constant 0 : i32
        %dma_wait3A_238 = tpu.memref_slice %arg4[%dma_wait3A_237] : memref<327680xi32, #tpu.memory_space<hbm>> -> memref<128xi32, #tpu.memory_space<hbm>>
        tpu.wait_dma2 semaphore(%arg19 : memref<!tpu.dma_semaphore, #tpu.memory_space<semaphore_mem>>) src(%dma_wait3A_238 : memref<128xi32, #tpu.memory_space<hbm>>) dst(%arg9 : memref<128xi32, #tpu.memory_space<vmem>>)
        %dma_start3A_239 = arith.constant 0 : i32
        %dma_start3A_240 = arith.constant 0 : i32
        %dma_start3A_241 = arith.constant 0 : i32
        %dma_start3A_242 = tpu.memref_slice %arg11[%dma_start3A_239, %dma_start3A_240, %dma_start3A_241] : memref<2x128x128xf32, #tpu.memory_space<vmem>> -> memref<1x128x128xf32, #tpu.memory_space<vmem>>
        %dma_start3A_243 = tpu.memref_squeeze %dma_start3A_242 : memref<1x128x128xf32, #tpu.memory_space<vmem>> -> memref<128x128xf32, #tpu.memory_space<vmem>>
        %dma_start3A_244 = arith.constant 0 : i32
        %dma_start3A_245 = arith.constant 0 : i32
        %dma_start3A_246 = tpu.memref_slice %arg12[%dma_start3A_244, %dma_start3A_245] : memref<10000x128xf32, #tpu.memory_space<vmem_shared>> -> memref<10000x128xf32, #tpu.memory_space<vmem_shared>>
        tpu.enqueue_indirect_dma source(%dma_start3A_243 : memref<128x128xf32, #tpu.memory_space<vmem>>) target(%dma_start3A_246 : memref<10000x128xf32, #tpu.memory_space<vmem_shared>>) offsets(%arg9 : memref<128xi32, #tpu.memory_space<vmem>>) semaphore(%arg15 : memref<!tpu.dma_semaphore, #tpu.memory_space<semaphore_mem>>) {add = true}
        %dma_wait3A_247 = arith.constant 0 : i32
        %dma_wait3A_248 = arith.constant 0 : i32
        %dma_wait3A_249 = arith.constant 0 : i32
        %dma_wait3A_250 = tpu.memref_slice %arg11[%dma_wait3A_247, %dma_wait3A_248, %dma_wait3A_249] : memref<2x128x128xf32, #tpu.memory_space<vmem>> -> memref<1x128x128xf32, #tpu.memory_space<vmem>>
        %dma_wait3A_251 = tpu.memref_squeeze %dma_wait3A_250 : memref<1x128x128xf32, #tpu.memory_space<vmem>> -> memref<128x128xf32, #tpu.memory_space<vmem>>
        %dma_wait3A_252 = arith.constant 0 : i32
        %dma_wait3A_253 = arith.constant 0 : i32
        %dma_wait3A_254 = tpu.memref_slice %arg2[%dma_wait3A_252, %dma_wait3A_253] : memref<10000x128xf32, #tpu.memory_space<hbm>> -> memref<128x128xf32, #tpu.memory_space<hbm>>
        %dma_wait3A_255 = arith.constant 0 : i32
        %dma_wait3A_256 = arith.constant 0 : i32
        %dma_wait3A_257 = tpu.memref_slice %arg11[%dma_wait3A_247, %dma_wait3A_255, %dma_wait3A_256] : memref<2x128x128xf32, #tpu.memory_space<vmem>> -> memref<1x128x128xf32, #tpu.memory_space<vmem>>
        %dma_wait3A_258 = tpu.memref_squeeze %dma_wait3A_257 : memref<1x128x128xf32, #tpu.memory_space<vmem>> -> memref<128x128xf32, #tpu.memory_space<vmem>>
        %dma_wait3A_259 = arith.constant 0 : i32
        %dma_wait3A_260 = arith.constant 0 : i32
        %dma_wait3A_261 = tpu.memref_slice %arg2[%dma_wait3A_259, %dma_wait3A_260] : memref<10000x128xf32, #tpu.memory_space<hbm>> -> memref<128x128xf32, #tpu.memory_space<hbm>>
        tpu.wait_dma2 semaphore(%arg16 : memref<!tpu.dma_semaphore, #tpu.memory_space<semaphore_mem>>) src(%dma_wait3A_261 : memref<128x128xf32, #tpu.memory_space<hbm>>) dst(%dma_wait3A_258 : memref<128x128xf32, #tpu.memory_space<vmem>>)
        %lt3A_262 = arith.constant 4 : i32
        %lt3A_263 = arith.cmpi slt, %scan3A_98, %lt3A_262 : i32
        %convert_element_type3A_264 = arith.extui %lt3A_263 : i1 to i32
        %cond3A_265 = arith.constant 0 : i32
        %cond3A_266 = arith.cmpi ne, %convert_element_type3A_264, %cond3A_265 : i32
        scf.if %cond3A_266 {
          %add3A_334 = arith.constant 3 : i32
          %add3A_335 = arith.addi %add3A_219, %add3A_334 : i32
          %mul3A_336 = arith.constant 80 : i32
          %mul3A_337 = arith.muli %add3A, %mul3A_336 : i32
          %add3A_338 = arith.addi %mul3A_337, %add3A_335 : i32
          %mul3A_339 = arith.constant 128 : i32
          %mul3A_340 = arith.muli %add3A_338, %mul3A_339 : i32
          %dma_start3A_341 = tpu.memref_slice %arg4[%mul3A_340] : memref<327680xi32, #tpu.memory_space<hbm>> -> memref<128xi32, #tpu.memory_space<hbm>>
          %dma_start3A_342 = tpu.memref_slice %arg4[%mul3A_340] : memref<327680xi32, #tpu.memory_space<hbm>> -> memref<128xi32, #tpu.memory_space<hbm>>
          tpu.enqueue_dma source(%dma_start3A_342 : memref<128xi32, #tpu.memory_space<hbm>>) target(%arg8 : memref<128xi32, #tpu.memory_space<vmem>>) target_semaphore(%arg18 : memref<!tpu.dma_semaphore, #tpu.memory_space<semaphore_mem>>)
        } else {
        }
        %add3A_267 = arith.constant 1 : i32
        %add3A_268 = arith.addi %add3A_219, %add3A_267 : i32
        %dma_start3A_269 = arith.constant 1 : i32
        %dma_start3A_270 = arith.constant 0 : i32
        %dma_start3A_271 = arith.constant 0 : i32
        %dma_start3A_272 = tpu.memref_slice %arg11[%dma_start3A_269, %dma_start3A_270, %dma_start3A_271] : memref<2x128x128xf32, #tpu.memory_space<vmem>> -> memref<1x128x128xf32, #tpu.memory_space<vmem>>
        %dma_start3A_273 = tpu.memref_squeeze %dma_start3A_272 : memref<1x128x128xf32, #tpu.memory_space<vmem>> -> memref<128x128xf32, #tpu.memory_space<vmem>>
        %dma_start3A_274 = arith.constant 0 : i32
        %dma_start3A_275 = tpu.memref_slice %arg6[%add3A_268, %dma_start3A_274] : memref<80x128xi32, #tpu.memory_space<vmem>> -> memref<1x128xi32, #tpu.memory_space<vmem>>
        %dma_start3A_276 = tpu.memref_squeeze %dma_start3A_275 : memref<1x128xi32, #tpu.memory_space<vmem>> -> memref<128xi32, #tpu.memory_space<vmem>>
        %dma_start3A_277 = arith.constant 0 : i32
        %dma_start3A_278 = arith.constant 0 : i32
        %dma_start3A_279 = tpu.memref_slice %arg2[%dma_start3A_277, %dma_start3A_278] : memref<10000x128xf32, #tpu.memory_space<hbm>> -> memref<10000x128xf32, #tpu.memory_space<hbm>>
        tpu.enqueue_indirect_dma source(%dma_start3A_279 : memref<10000x128xf32, #tpu.memory_space<hbm>>) target(%dma_start3A_273 : memref<128x128xf32, #tpu.memory_space<vmem>>) offsets(%dma_start3A_276 : memref<128xi32, #tpu.memory_space<vmem>>) semaphore(%arg14 : memref<!tpu.dma_semaphore, #tpu.memory_space<semaphore_mem>>)
        %add3A_280 = arith.constant 3 : i32
        %add3A_281 = arith.addi %mul3A_100, %add3A_280 : i32
        %dma_wait3A_282 = arith.constant 1 : i32
        %dma_wait3A_283 = arith.constant 0 : i32
        %dma_wait3A_284 = arith.constant 0 : i32
        %dma_wait3A_285 = tpu.memref_slice %arg11[%dma_wait3A_282, %dma_wait3A_283, %dma_wait3A_284] : memref<2x128x128xf32, #tpu.memory_space<vmem>> -> memref<1x128x128xf32, #tpu.memory_space<vmem>>
        %dma_wait3A_286 = tpu.memref_squeeze %dma_wait3A_285 : memref<1x128x128xf32, #tpu.memory_space<vmem>> -> memref<128x128xf32, #tpu.memory_space<vmem>>
        %dma_wait3A_287 = arith.constant 0 : i32
        %dma_wait3A_288 = arith.constant 0 : i32
        %dma_wait3A_289 = tpu.memref_slice %arg2[%dma_wait3A_287, %dma_wait3A_288] : memref<10000x128xf32, #tpu.memory_space<hbm>> -> memref<128x128xf32, #tpu.memory_space<hbm>>
        %dma_wait3A_290 = arith.constant 0 : i32
        %dma_wait3A_291 = arith.constant 0 : i32
        %dma_wait3A_292 = tpu.memref_slice %arg11[%dma_wait3A_282, %dma_wait3A_290, %dma_wait3A_291] : memref<2x128x128xf32, #tpu.memory_space<vmem>> -> memref<1x128x128xf32, #tpu.memory_space<vmem>>
        %dma_wait3A_293 = tpu.memref_squeeze %dma_wait3A_292 : memref<1x128x128xf32, #tpu.memory_space<vmem>> -> memref<128x128xf32, #tpu.memory_space<vmem>>
        %dma_wait3A_294 = arith.constant 0 : i32
        %dma_wait3A_295 = arith.constant 0 : i32
        %dma_wait3A_296 = tpu.memref_slice %arg2[%dma_wait3A_294, %dma_wait3A_295] : memref<10000x128xf32, #tpu.memory_space<hbm>> -> memref<128x128xf32, #tpu.memory_space<hbm>>
        tpu.wait_dma2 semaphore(%arg14 : memref<!tpu.dma_semaphore, #tpu.memory_space<semaphore_mem>>) src(%dma_wait3A_296 : memref<128x128xf32, #tpu.memory_space<hbm>>) dst(%dma_wait3A_293 : memref<128x128xf32, #tpu.memory_space<vmem>>)
        %dma_wait3A_297 = arith.constant 0 : i32
        %dma_wait3A_298 = tpu.memref_slice %arg4[%dma_wait3A_297] : memref<327680xi32, #tpu.memory_space<hbm>> -> memref<128xi32, #tpu.memory_space<hbm>>
        %dma_wait3A_299 = arith.constant 0 : i32
        %dma_wait3A_300 = tpu.memref_slice %arg4[%dma_wait3A_299] : memref<327680xi32, #tpu.memory_space<hbm>> -> memref<128xi32, #tpu.memory_space<hbm>>
        tpu.wait_dma2 semaphore(%arg20 : memref<!tpu.dma_semaphore, #tpu.memory_space<semaphore_mem>>) src(%dma_wait3A_300 : memref<128xi32, #tpu.memory_space<hbm>>) dst(%arg10 : memref<128xi32, #tpu.memory_space<vmem>>)
        %dma_start3A_301 = arith.constant 1 : i32
        %dma_start3A_302 = arith.constant 0 : i32
        %dma_start3A_303 = arith.constant 0 : i32
        %dma_start3A_304 = tpu.memref_slice %arg11[%dma_start3A_301, %dma_start3A_302, %dma_start3A_303] : memref<2x128x128xf32, #tpu.memory_space<vmem>> -> memref<1x128x128xf32, #tpu.memory_space<vmem>>
        %dma_start3A_305 = tpu.memref_squeeze %dma_start3A_304 : memref<1x128x128xf32, #tpu.memory_space<vmem>> -> memref<128x128xf32, #tpu.memory_space<vmem>>
        %dma_start3A_306 = arith.constant 0 : i32
        %dma_start3A_307 = arith.constant 0 : i32
        %dma_start3A_308 = tpu.memref_slice %arg12[%dma_start3A_306, %dma_start3A_307] : memref<10000x128xf32, #tpu.memory_space<vmem_shared>> -> memref<10000x128xf32, #tpu.memory_space<vmem_shared>>
        tpu.enqueue_indirect_dma source(%dma_start3A_305 : memref<128x128xf32, #tpu.memory_space<vmem>>) target(%dma_start3A_308 : memref<10000x128xf32, #tpu.memory_space<vmem_shared>>) offsets(%arg10 : memref<128xi32, #tpu.memory_space<vmem>>) semaphore(%arg16 : memref<!tpu.dma_semaphore, #tpu.memory_space<semaphore_mem>>) {add = true}
        %dma_wait3A_309 = arith.constant 0 : i32
        %dma_wait3A_310 = arith.constant 0 : i32
        %dma_wait3A_311 = arith.constant 0 : i32
        %dma_wait3A_312 = tpu.memref_slice %arg11[%dma_wait3A_309, %dma_wait3A_310, %dma_wait3A_311] : memref<2x128x128xf32, #tpu.memory_space<vmem>> -> memref<1x128x128xf32, #tpu.memory_space<vmem>>
        %dma_wait3A_313 = tpu.memref_squeeze %dma_wait3A_312 : memref<1x128x128xf32, #tpu.memory_space<vmem>> -> memref<128x128xf32, #tpu.memory_space<vmem>>
        %dma_wait3A_314 = arith.constant 0 : i32
        %dma_wait3A_315 = arith.constant 0 : i32
        %dma_wait3A_316 = tpu.memref_slice %arg2[%dma_wait3A_314, %dma_wait3A_315] : memref<10000x128xf32, #tpu.memory_space<hbm>> -> memref<128x128xf32, #tpu.memory_space<hbm>>
        %dma_wait3A_317 = arith.constant 0 : i32
        %dma_wait3A_318 = arith.constant 0 : i32
        %dma_wait3A_319 = tpu.memref_slice %arg11[%dma_wait3A_309, %dma_wait3A_317, %dma_wait3A_318] : memref<2x128x128xf32, #tpu.memory_space<vmem>> -> memref<1x128x128xf32, #tpu.memory_space<vmem>>
        %dma_wait3A_320 = tpu.memref_squeeze %dma_wait3A_319 : memref<1x128x128xf32, #tpu.memory_space<vmem>> -> memref<128x128xf32, #tpu.memory_space<vmem>>
        %dma_wait3A_321 = arith.constant 0 : i32
        %dma_wait3A_322 = arith.constant 0 : i32
        %dma_wait3A_323 = tpu.memref_slice %arg2[%dma_wait3A_321, %dma_wait3A_322] : memref<10000x128xf32, #tpu.memory_space<hbm>> -> memref<128x128xf32, #tpu.memory_space<hbm>>
        tpu.wait_dma2 semaphore(%arg15 : memref<!tpu.dma_semaphore, #tpu.memory_space<semaphore_mem>>) src(%dma_wait3A_323 : memref<128x128xf32, #tpu.memory_space<hbm>>) dst(%dma_wait3A_320 : memref<128x128xf32, #tpu.memory_space<vmem>>)
        %lt3A_324 = arith.constant 4 : i32
        %lt3A_325 = arith.cmpi slt, %scan3A_98, %lt3A_324 : i32
        %convert_element_type3A_326 = arith.extui %lt3A_325 : i1 to i32
        %cond3A_327 = arith.constant 0 : i32
        %cond3A_328 = arith.cmpi ne, %convert_element_type3A_326, %cond3A_327 : i32
        scf.if %cond3A_328 {
          %add3A_334 = arith.constant 3 : i32
          %add3A_335 = arith.addi %add3A_281, %add3A_334 : i32
          %mul3A_336 = arith.constant 80 : i32
          %mul3A_337 = arith.muli %add3A, %mul3A_336 : i32
          %add3A_338 = arith.addi %mul3A_337, %add3A_335 : i32
          %mul3A_339 = arith.constant 128 : i32
          %mul3A_340 = arith.muli %add3A_338, %mul3A_339 : i32
          %dma_start3A_341 = tpu.memref_slice %arg4[%mul3A_340] : memref<327680xi32, #tpu.memory_space<hbm>> -> memref<128xi32, #tpu.memory_space<hbm>>
          %dma_start3A_342 = tpu.memref_slice %arg4[%mul3A_340] : memref<327680xi32, #tpu.memory_space<hbm>> -> memref<128xi32, #tpu.memory_space<hbm>>
          tpu.enqueue_dma source(%dma_start3A_342 : memref<128xi32, #tpu.memory_space<hbm>>) target(%arg9 : memref<128xi32, #tpu.memory_space<vmem>>) target_semaphore(%arg19 : memref<!tpu.dma_semaphore, #tpu.memory_space<semaphore_mem>>)
        } else {
        }
        %lt3A_329 = arith.constant 4 : i32
        %lt3A_330 = arith.cmpi slt, %scan3A_98, %lt3A_329 : i32
        %convert_element_type3A_331 = arith.extui %lt3A_330 : i1 to i32
        %cond3A_332 = arith.constant 0 : i32
        %cond3A_333 = arith.cmpi ne, %convert_element_type3A_331, %cond3A_332 : i32
        scf.if %cond3A_333 {
          %add3A_334 = arith.constant 1 : i32
          %add3A_335 = arith.addi %add3A_281, %add3A_334 : i32
          %dma_start3A_336 = arith.constant 0 : i32
          %dma_start3A_337 = arith.constant 0 : i32
          %dma_start3A_338 = arith.constant 0 : i32
          %dma_start3A_339 = tpu.memref_slice %arg11[%dma_start3A_336, %dma_start3A_337, %dma_start3A_338] : memref<2x128x128xf32, #tpu.memory_space<vmem>> -> memref<1x128x128xf32, #tpu.memory_space<vmem>>
          %dma_start3A_340 = tpu.memref_squeeze %dma_start3A_339 : memref<1x128x128xf32, #tpu.memory_space<vmem>> -> memref<128x128xf32, #tpu.memory_space<vmem>>
          %dma_start3A_341 = arith.constant 0 : i32
          %dma_start3A_342 = tpu.memref_slice %arg6[%add3A_335, %dma_start3A_341] : memref<80x128xi32, #tpu.memory_space<vmem>> -> memref<1x128xi32, #tpu.memory_space<vmem>>
          %dma_start3A_343 = tpu.memref_squeeze %dma_start3A_342 : memref<1x128xi32, #tpu.memory_space<vmem>> -> memref<128xi32, #tpu.memory_space<vmem>>
          %dma_start3A_344 = arith.constant 0 : i32
          %dma_start3A_345 = arith.constant 0 : i32
          %dma_start3A_346 = tpu.memref_slice %arg2[%dma_start3A_344, %dma_start3A_345] : memref<10000x128xf32, #tpu.memory_space<hbm>> -> memref<10000x128xf32, #tpu.memory_space<hbm>>
          tpu.enqueue_indirect_dma source(%dma_start3A_346 : memref<10000x128xf32, #tpu.memory_space<hbm>>) target(%dma_start3A_340 : memref<128x128xf32, #tpu.memory_space<vmem>>) offsets(%dma_start3A_343 : memref<128xi32, #tpu.memory_space<vmem>>) semaphore(%arg13 : memref<!tpu.dma_semaphore, #tpu.memory_space<semaphore_mem>>)
        } else {
        }
      }
      %scan3A_83 = arith.constant 5 : i32
      %dma_wait3A = arith.constant 0 : i32
      %dma_wait3A_84 = arith.constant 0 : i32
      %dma_wait3A_85 = arith.constant 0 : i32
      %dma_wait3A_86 = tpu.memref_slice %arg11[%dma_wait3A, %dma_wait3A_84, %dma_wait3A_85] : memref<2x128x128xf32, #tpu.memory_space<vmem>> -> memref<1x128x128xf32, #tpu.memory_space<vmem>>
      %dma_wait3A_87 = tpu.memref_squeeze %dma_wait3A_86 : memref<1x128x128xf32, #tpu.memory_space<vmem>> -> memref<128x128xf32, #tpu.memory_space<vmem>>
      %dma_wait3A_88 = arith.constant 0 : i32
      %dma_wait3A_89 = arith.constant 0 : i32
      %dma_wait3A_90 = tpu.memref_slice %arg2[%dma_wait3A_88, %dma_wait3A_89] : memref<10000x128xf32, #tpu.memory_space<hbm>> -> memref<128x128xf32, #tpu.memory_space<hbm>>
      %dma_wait3A_91 = arith.constant 0 : i32
      %dma_wait3A_92 = arith.constant 0 : i32
      %dma_wait3A_93 = tpu.memref_slice %arg11[%dma_wait3A, %dma_wait3A_91, %dma_wait3A_92] : memref<2x128x128xf32, #tpu.memory_space<vmem>> -> memref<1x128x128xf32, #tpu.memory_space<vmem>>
      %dma_wait3A_94 = tpu.memref_squeeze %dma_wait3A_93 : memref<1x128x128xf32, #tpu.memory_space<vmem>> -> memref<128x128xf32, #tpu.memory_space<vmem>>
      %dma_wait3A_95 = arith.constant 0 : i32
      %dma_wait3A_96 = arith.constant 0 : i32
      %dma_wait3A_97 = tpu.memref_slice %arg2[%dma_wait3A_95, %dma_wait3A_96] : memref<10000x128xf32, #tpu.memory_space<hbm>> -> memref<128x128xf32, #tpu.memory_space<hbm>>
      tpu.wait_dma2 semaphore(%arg16 : memref<!tpu.dma_semaphore, #tpu.memory_space<semaphore_mem>>) src(%dma_wait3A_97 : memref<128x128xf32, #tpu.memory_space<hbm>>) dst(%dma_wait3A_94 : memref<128x128xf32, #tpu.memory_space<vmem>>)
    } else {
    }
    %barrier3A_29 = arith.constant 0 : index
    tpu.barrier barrier_id(%barrier3A_29)
    %mul3A_30 = arith.constant 10000 : i32
    %mul3A_31 = arith.muli %arg0, %mul3A_30 : i32
    %add3A_32 = arith.addi %mul3A_31, %mul3A_8 : i32
    %lt3A_33 = arith.constant 15 : i32
    %lt3A_34 = arith.cmpi slt, %arg1, %lt3A_33 : i32
    %convert_element_type3A_35 = arith.extui %lt3A_34 : i1 to i32
    %cond3A_36 = arith.constant 0 : i32
    %cond3A_37 = arith.cmpi ne, %convert_element_type3A_35, %cond3A_36 : i32
    scf.if %cond3A_37 {
      "tpu.region"() ({
        %run_scoped3A = tpu.sem_alloc : memref<!tpu.dma_semaphore, #tpu.memory_space<semaphore_mem>>
        %dma_start3A = arith.constant 0 : i32
        %dma_start3A_43 = tpu.memref_slice %arg5[%add3A_32, %dma_start3A] : memref<20000x128xf32, #tpu.memory_space<hbm>> -> memref<632x128xf32, #tpu.memory_space<hbm>>
        %dma_start3A_44 = arith.constant 0 : i32
        %dma_start3A_45 = tpu.memref_slice %arg12[%mul3A_8, %dma_start3A_44] : memref<10000x128xf32, #tpu.memory_space<vmem_shared>> -> memref<632x128xf32, #tpu.memory_space<vmem_shared>>
        tpu.enqueue_dma source(%dma_start3A_45 : memref<632x128xf32, #tpu.memory_space<vmem_shared>>) target(%dma_start3A_43 : memref<632x128xf32, #tpu.memory_space<hbm>>) target_semaphore(%run_scoped3A : memref<!tpu.dma_semaphore, #tpu.memory_space<semaphore_mem>>)
        %dma_wait3A = arith.constant 0 : i32
        %dma_wait3A_46 = tpu.memref_slice %arg5[%add3A_32, %dma_wait3A] : memref<20000x128xf32, #tpu.memory_space<hbm>> -> memref<632x128xf32, #tpu.memory_space<hbm>>
        %dma_wait3A_47 = arith.constant 0 : i32
        %dma_wait3A_48 = tpu.memref_slice %arg12[%mul3A_8, %dma_wait3A_47] : memref<10000x128xf32, #tpu.memory_space<vmem_shared>> -> memref<632x128xf32, #tpu.memory_space<vmem_shared>>
        tpu.wait_dma2 semaphore(%run_scoped3A : memref<!tpu.dma_semaphore, #tpu.memory_space<semaphore_mem>>) src(%dma_wait3A_48 : memref<632x128xf32, #tpu.memory_space<vmem_shared>>) dst(%dma_wait3A_46 : memref<632x128xf32, #tpu.memory_space<hbm>>)
        tpu.yield
      }) : () -> ()
    } else {
    }
    %eq3A_38 = arith.constant 15 : i32
    %eq3A_39 = arith.cmpi eq, %arg1, %eq3A_38 : i32
    %convert_element_type3A_40 = arith.extui %eq3A_39 : i1 to i32
    %cond3A_41 = arith.constant 0 : i32
    %cond3A_42 = arith.cmpi ne, %convert_element_type3A_40, %cond3A_41 : i32
    scf.if %cond3A_42 {
      "tpu.region"() ({
        %run_scoped3A = tpu.sem_alloc : memref<!tpu.dma_semaphore, #tpu.memory_space<semaphore_mem>>
        %dma_start3A = arith.constant 0 : i32
        %dma_start3A_43 = tpu.memref_slice %arg5[%add3A_32, %dma_start3A] : memref<20000x128xf32, #tpu.memory_space<hbm>> -> memref<520x128xf32, #tpu.memory_space<hbm>>
        %dma_start3A_44 = arith.constant 0 : i32
        %dma_start3A_45 = tpu.memref_slice %arg12[%mul3A_8, %dma_start3A_44] : memref<10000x128xf32, #tpu.memory_space<vmem_shared>> -> memref<520x128xf32, #tpu.memory_space<vmem_shared>>
        tpu.enqueue_dma source(%dma_start3A_45 : memref<520x128xf32, #tpu.memory_space<vmem_shared>>) target(%dma_start3A_43 : memref<520x128xf32, #tpu.memory_space<hbm>>) target_semaphore(%run_scoped3A : memref<!tpu.dma_semaphore, #tpu.memory_space<semaphore_mem>>)
        %dma_wait3A = arith.constant 0 : i32
        %dma_wait3A_46 = tpu.memref_slice %arg5[%add3A_32, %dma_wait3A] : memref<20000x128xf32, #tpu.memory_space<hbm>> -> memref<520x128xf32, #tpu.memory_space<hbm>>
        %dma_wait3A_47 = arith.constant 0 : i32
        %dma_wait3A_48 = tpu.memref_slice %arg12[%mul3A_8, %dma_wait3A_47] : memref<10000x128xf32, #tpu.memory_space<vmem_shared>> -> memref<520x128xf32, #tpu.memory_space<vmem_shared>>
        tpu.wait_dma2 semaphore(%run_scoped3A : memref<!tpu.dma_semaphore, #tpu.memory_space<semaphore_mem>>) src(%dma_wait3A_48 : memref<520x128xf32, #tpu.memory_space<vmem_shared>>) dst(%dma_wait3A_46 : memref<520x128xf32, #tpu.memory_space<hbm>>)
        tpu.yield
      }) : () -> ()
    } else {
    }
    return
  }
}

#map = affine_map<(d0, d1) -> (0, 0)>
#map1 = affine_map<(d0, d1) -> (0)>
module attributes {stable_mosaic.version = 14 : i64} {
  func.func @_sc_msgpass_body(%arg0: i32, %arg1: i32, %arg2: memref<10000x128xf32, #tpu.memory_space<hbm>>, %arg3: memref<2560x128xi32, #tpu.memory_space<hbm>>, %arg4: memref<327680xi32, #tpu.memory_space<hbm>>, %arg5: memref<20000x128xf32, #tpu.memory_space<hbm>>, %arg6: memref<80x128xi32, #tpu.memory_space<vmem>>, %arg7: memref<128xi32, #tpu.memory_space<vmem>>, %arg8: memref<128xi32, #tpu.memory_space<vmem>>, %arg9: memref<128xi32, #tpu.memory_space<vmem>>, %arg10: memref<128xi32, #tpu.memory_space<vmem>>, %arg11: memref<2x128x128xf32, #tpu.memory_space<vmem>>, %arg12: memref<10000x128xf32, #tpu.memory_space<vmem_shared>>, %arg13: memref<!tpu.dma_semaphore, #tpu.memory_space<semaphore_mem>>, %arg14: memref<!tpu.dma_semaphore, #tpu.memory_space<semaphore_mem>>, %arg15: memref<!tpu.dma_semaphore, #tpu.memory_space<semaphore_mem>>, %arg16: memref<!tpu.dma_semaphore, #tpu.memory_space<semaphore_mem>>, %arg17: memref<!tpu.dma_semaphore, #tpu.memory_space<semaphore_mem>>, %arg18: memref<!tpu.dma_semaphore, #tpu.memory_space<semaphore_mem>>, %arg19: memref<!tpu.dma_semaphore, #tpu.memory_space<semaphore_mem>>, %arg20: memref<!tpu.dma_semaphore, #tpu.memory_space<semaphore_mem>>) attributes {dimension_semantics = [#tpu.dimension_semantics<core_parallel>, #tpu.dimension_semantics<subcore_parallel>], iteration_bounds = array<i64: 2, 16>, scalar_prefetch = 0 : i64, scratch_operands = 15 : i64, tpu.core_type = #tpu.core_type<sc_vector_subcore>, window_params = [{transform_indices = #map}, {transform_indices = #map}, {transform_indices = #map1}, {transform_indices = #map}]} {
    %mul3A = arith.constant 16 : i32
    %mul3A_0 = arith.muli %arg0, %mul3A : i32
    %add3A = arith.addi %mul3A_0, %arg1 : i32
    %scan3A = arith.constant 0 : i32
    %scan3A_1 = arith.constant 0 : i32
    %scan3A_2 = arith.constant 0 : i32
    %scan3A_3 = arith.constant 128 : i32
    %scan3A_4 = arith.addi %scan3A_2, %scan3A_3 : i32
    %scan3A_5 = arith.constant 1 : i32
    scf.for %scan3A_43 = %scan3A_2 to %scan3A_4 step %scan3A_5  : i32 {
      %broadcast_in_dim3A = arith.constant 0.000000e+00 : f32
      %broadcast_in_dim3A_44 = vector.broadcast %broadcast_in_dim3A : f32 to vector<16xf32>
      %swap3A = arith.constant 0 : i32
      %swap3A_45 = arith.constant 0 : i32
      %swap3A_46 = tpu.memref_slice %arg11[%scan3A_1, %swap3A, %swap3A_45] : memref<2x128x128xf32, #tpu.memory_space<vmem>> -> memref<1x128x128xf32, #tpu.memory_space<vmem>>
      %swap3A_47 = tpu.memref_squeeze %swap3A_46 : memref<1x128x128xf32, #tpu.memory_space<vmem>> -> memref<128x128xf32, #tpu.memory_space<vmem>>
      %swap3A_48 = arith.index_cast %scan3A_43 : i32 to index
      %swap3A_49 = arith.constant 0 : index
      %swap3A_50 = tpu.vector_load %swap3A_47[%swap3A_48, %swap3A_49] {strides = array<i32>} : memref<128x128xf32, #tpu.memory_space<vmem>>, vector<1x16xf32>,
      %swap3A_51 = vector.shape_cast %swap3A_50 : vector<1x16xf32> to vector<16xf32>
      %swap3A_52 = vector.shape_cast %broadcast_in_dim3A_44 : vector<16xf32> to vector<1x16xf32>
      tpu.vector_store %swap3A_47[%swap3A_48, %swap3A_49], %swap3A_52 {strides = array<i32>} : memref<128x128xf32, #tpu.memory_space<vmem>>, vector<1x16xf32>,
      %broadcast_in_dim3A_53 = arith.constant 0.000000e+00 : f32
      %broadcast_in_dim3A_54 = vector.broadcast %broadcast_in_dim3A_53 : f32 to vector<16xf32>
      %swap3A_55 = arith.constant 0 : i32
      %swap3A_56 = arith.constant 0 : i32
      %swap3A_57 = tpu.memref_slice %arg11[%scan3A_1, %swap3A_55, %swap3A_56] : memref<2x128x128xf32, #tpu.memory_space<vmem>> -> memref<1x128x128xf32, #tpu.memory_space<vmem>>
      %swap3A_58 = tpu.memref_squeeze %swap3A_57 : memref<1x128x128xf32, #tpu.memory_space<vmem>> -> memref<128x128xf32, #tpu.memory_space<vmem>>
      %swap3A_59 = arith.index_cast %scan3A_43 : i32 to index
      %swap3A_60 = arith.constant 16 : index
      %swap3A_61 = tpu.vector_load %swap3A_58[%swap3A_59, %swap3A_60] {strides = array<i32>} : memref<128x128xf32, #tpu.memory_space<vmem>>, vector<1x16xf32>,
      %swap3A_62 = vector.shape_cast %swap3A_61 : vector<1x16xf32> to vector<16xf32>
      %swap3A_63 = vector.shape_cast %broadcast_in_dim3A_54 : vector<16xf32> to vector<1x16xf32>
      tpu.vector_store %swap3A_58[%swap3A_59, %swap3A_60], %swap3A_63 {strides = array<i32>} : memref<128x128xf32, #tpu.memory_space<vmem>>, vector<1x16xf32>,
      %broadcast_in_dim3A_64 = arith.constant 0.000000e+00 : f32
      %broadcast_in_dim3A_65 = vector.broadcast %broadcast_in_dim3A_64 : f32 to vector<16xf32>
      %swap3A_66 = arith.constant 0 : i32
      %swap3A_67 = arith.constant 0 : i32
      %swap3A_68 = tpu.memref_slice %arg11[%scan3A_1, %swap3A_66, %swap3A_67] : memref<2x128x128xf32, #tpu.memory_space<vmem>> -> memref<1x128x128xf32, #tpu.memory_space<vmem>>
      %swap3A_69 = tpu.memref_squeeze %swap3A_68 : memref<1x128x128xf32, #tpu.memory_space<vmem>> -> memref<128x128xf32, #tpu.memory_space<vmem>>
      %swap3A_70 = arith.index_cast %scan3A_43 : i32 to index
      %swap3A_71 = arith.constant 32 : index
      %swap3A_72 = tpu.vector_load %swap3A_69[%swap3A_70, %swap3A_71] {strides = array<i32>} : memref<128x128xf32, #tpu.memory_space<vmem>>, vector<1x16xf32>,
      %swap3A_73 = vector.shape_cast %swap3A_72 : vector<1x16xf32> to vector<16xf32>
      %swap3A_74 = vector.shape_cast %broadcast_in_dim3A_65 : vector<16xf32> to vector<1x16xf32>
      tpu.vector_store %swap3A_69[%swap3A_70, %swap3A_71], %swap3A_74 {strides = array<i32>} : memref<128x128xf32, #tpu.memory_space<vmem>>, vector<1x16xf32>,
      %broadcast_in_dim3A_75 = arith.constant 0.000000e+00 : f32
      %broadcast_in_dim3A_76 = vector.broadcast %broadcast_in_dim3A_75 : f32 to vector<16xf32>
      %swap3A_77 = arith.constant 0 : i32
      %swap3A_78 = arith.constant 0 : i32
      %swap3A_79 = tpu.memref_slice %arg11[%scan3A_1, %swap3A_77, %swap3A_78] : memref<2x128x128xf32, #tpu.memory_space<vmem>> -> memref<1x128x128xf32, #tpu.memory_space<vmem>>
      %swap3A_80 = tpu.memref_squeeze %swap3A_79 : memref<1x128x128xf32, #tpu.memory_space<vmem>> -> memref<128x128xf32, #tpu.memory_space<vmem>>
      %swap3A_81 = arith.index_cast %scan3A_43 : i32 to index
      %swap3A_82 = arith.constant 48 : index
      %swap3A_83 = tpu.vector_load %swap3A_80[%swap3A_81, %swap3A_82] {strides = array<i32>} : memref<128x128xf32, #tpu.memory_space<vmem>>, vector<1x16xf32>,
      %swap3A_84 = vector.shape_cast %swap3A_83 : vector<1x16xf32> to vector<16xf32>
      %swap3A_85 = vector.shape_cast %broadcast_in_dim3A_76 : vector<16xf32> to vector<1x16xf32>
      tpu.vector_store %swap3A_80[%swap3A_81, %swap3A_82], %swap3A_85 {strides = array<i32>} : memref<128x128xf32, #tpu.memory_space<vmem>>, vector<1x16xf32>,
      %broadcast_in_dim3A_86 = arith.constant 0.000000e+00 : f32
      %broadcast_in_dim3A_87 = vector.broadcast %broadcast_in_dim3A_86 : f32 to vector<16xf32>
      %swap3A_88 = arith.constant 0 : i32
      %swap3A_89 = arith.constant 0 : i32
      %swap3A_90 = tpu.memref_slice %arg11[%scan3A_1, %swap3A_88, %swap3A_89] : memref<2x128x128xf32, #tpu.memory_space<vmem>> -> memref<1x128x128xf32, #tpu.memory_space<vmem>>
      %swap3A_91 = tpu.memref_squeeze %swap3A_90 : memref<1x128x128xf32, #tpu.memory_space<vmem>> -> memref<128x128xf32, #tpu.memory_space<vmem>>
      %swap3A_92 = arith.index_cast %scan3A_43 : i32 to index
      %swap3A_93 = arith.constant 64 : index
      %swap3A_94 = tpu.vector_load %swap3A_91[%swap3A_92, %swap3A_93] {strides = array<i32>} : memref<128x128xf32, #tpu.memory_space<vmem>>, vector<1x16xf32>,
      %swap3A_95 = vector.shape_cast %swap3A_94 : vector<1x16xf32> to vector<16xf32>
      %swap3A_96 = vector.shape_cast %broadcast_in_dim3A_87 : vector<16xf32> to vector<1x16xf32>
      tpu.vector_store %swap3A_91[%swap3A_92, %swap3A_93], %swap3A_96 {strides = array<i32>} : memref<128x128xf32, #tpu.memory_space<vmem>>, vector<1x16xf32>,
      %broadcast_in_dim3A_97 = arith.constant 0.000000e+00 : f32
      %broadcast_in_dim3A_98 = vector.broadcast %broadcast_in_dim3A_97 : f32 to vector<16xf32>
      %swap3A_99 = arith.constant 0 : i32
      %swap3A_100 = arith.constant 0 : i32
      %swap3A_101 = tpu.memref_slice %arg11[%scan3A_1, %swap3A_99, %swap3A_100] : memref<2x128x128xf32, #tpu.memory_space<vmem>> -> memref<1x128x128xf32, #tpu.memory_space<vmem>>
      %swap3A_102 = tpu.memref_squeeze %swap3A_101 : memref<1x128x128xf32, #tpu.memory_space<vmem>> -> memref<128x128xf32, #tpu.memory_space<vmem>>
      %swap3A_103 = arith.index_cast %scan3A_43 : i32 to index
      %swap3A_104 = arith.constant 80 : index
      %swap3A_105 = tpu.vector_load %swap3A_102[%swap3A_103, %swap3A_104] {strides = array<i32>} : memref<128x128xf32, #tpu.memory_space<vmem>>, vector<1x16xf32>,
      %swap3A_106 = vector.shape_cast %swap3A_105 : vector<1x16xf32> to vector<16xf32>
      %swap3A_107 = vector.shape_cast %broadcast_in_dim3A_98 : vector<16xf32> to vector<1x16xf32>
      tpu.vector_store %swap3A_102[%swap3A_103, %swap3A_104], %swap3A_107 {strides = array<i32>} : memref<128x128xf32, #tpu.memory_space<vmem>>, vector<1x16xf32>,
      %broadcast_in_dim3A_108 = arith.constant 0.000000e+00 : f32
      %broadcast_in_dim3A_109 = vector.broadcast %broadcast_in_dim3A_108 : f32 to vector<16xf32>
      %swap3A_110 = arith.constant 0 : i32
      %swap3A_111 = arith.constant 0 : i32
      %swap3A_112 = tpu.memref_slice %arg11[%scan3A_1, %swap3A_110, %swap3A_111] : memref<2x128x128xf32, #tpu.memory_space<vmem>> -> memref<1x128x128xf32, #tpu.memory_space<vmem>>
      %swap3A_113 = tpu.memref_squeeze %swap3A_112 : memref<1x128x128xf32, #tpu.memory_space<vmem>> -> memref<128x128xf32, #tpu.memory_space<vmem>>
      %swap3A_114 = arith.index_cast %scan3A_43 : i32 to index
      %swap3A_115 = arith.constant 96 : index
      %swap3A_116 = tpu.vector_load %swap3A_113[%swap3A_114, %swap3A_115] {strides = array<i32>} : memref<128x128xf32, #tpu.memory_space<vmem>>, vector<1x16xf32>,
      %swap3A_117 = vector.shape_cast %swap3A_116 : vector<1x16xf32> to vector<16xf32>
      %swap3A_118 = vector.shape_cast %broadcast_in_dim3A_109 : vector<16xf32> to vector<1x16xf32>
      tpu.vector_store %swap3A_113[%swap3A_114, %swap3A_115], %swap3A_118 {strides = array<i32>} : memref<128x128xf32, #tpu.memory_space<vmem>>, vector<1x16xf32>,
      %broadcast_in_dim3A_119 = arith.constant 0.000000e+00 : f32
      %broadcast_in_dim3A_120 = vector.broadcast %broadcast_in_dim3A_119 : f32 to vector<16xf32>
      %swap3A_121 = arith.constant 0 : i32
      %swap3A_122 = arith.constant 0 : i32
      %swap3A_123 = tpu.memref_slice %arg11[%scan3A_1, %swap3A_121, %swap3A_122] : memref<2x128x128xf32, #tpu.memory_space<vmem>> -> memref<1x128x128xf32, #tpu.memory_space<vmem>>
      %swap3A_124 = tpu.memref_squeeze %swap3A_123 : memref<1x128x128xf32, #tpu.memory_space<vmem>> -> memref<128x128xf32, #tpu.memory_space<vmem>>
      %swap3A_125 = arith.index_cast %scan3A_43 : i32 to index
      %swap3A_126 = arith.constant 112 : index
      %swap3A_127 = tpu.vector_load %swap3A_124[%swap3A_125, %swap3A_126] {strides = array<i32>} : memref<128x128xf32, #tpu.memory_space<vmem>>, vector<1x16xf32>,
      %swap3A_128 = vector.shape_cast %swap3A_127 : vector<1x16xf32> to vector<16xf32>
      %swap3A_129 = vector.shape_cast %broadcast_in_dim3A_120 : vector<16xf32> to vector<1x16xf32>
      tpu.vector_store %swap3A_124[%swap3A_125, %swap3A_126], %swap3A_129 {strides = array<i32>} : memref<128x128xf32, #tpu.memory_space<vmem>>, vector<1x16xf32>,
    }
    %scan3A_6 = arith.constant 128 : i32
    %mul3A_7 = arith.constant 632 : i32
    %mul3A_8 = arith.muli %arg1, %mul3A_7 : i32
    %lt3A = arith.constant 15 : i32
    %lt3A_9 = arith.cmpi slt, %arg1, %lt3A : i32
    %convert_element_type3A = arith.extui %lt3A_9 : i1 to i32
    %cond3A = arith.constant 0 : i32
    %cond3A_10 = arith.constant 0 : i32
    %cond3A_11 = arith.cmpi ne, %convert_element_type3A, %cond3A_10 : i32
    scf.if %cond3A_11 {
      %add3A_43 = arith.constant 0 : i32
      %add3A_44 = arith.addi %mul3A_8, %add3A_43 : i32
      "tpu.region"() ({
        %run_scoped3A = tpu.sem_alloc : memref<!tpu.dma_semaphore, #tpu.memory_space<semaphore_mem>>
        %dma_start3A = arith.constant 0 : i32
        %dma_start3A_53 = arith.constant 0 : i32
        %dma_start3A_54 = tpu.memref_slice %arg11[%cond3A, %dma_start3A, %dma_start3A_53] : memref<2x128x128xf32, #tpu.memory_space<vmem>> -> memref<1x128x128xf32, #tpu.memory_space<vmem>>
        %dma_start3A_55 = tpu.memref_squeeze %dma_start3A_54 : memref<1x128x128xf32, #tpu.memory_space<vmem>> -> memref<128x128xf32, #tpu.memory_space<vmem>>
        %dma_start3A_56 = arith.constant 0 : i32
        %dma_start3A_57 = tpu.memref_slice %arg12[%add3A_44, %dma_start3A_56] : memref<10000x128xf32, #tpu.memory_space<vmem_shared>> -> memref<128x128xf32, #tpu.memory_space<vmem_shared>>
        %dma_start3A_58 = arith.constant 0 : i32
        %dma_start3A_59 = tpu.memref_slice %arg12[%add3A_44, %dma_start3A_58] : memref<10000x128xf32, #tpu.memory_space<vmem_shared>> -> memref<128x128xf32, #tpu.memory_space<vmem_shared>>
        %dma_start3A_60 = arith.constant 0 : i32
        %dma_start3A_61 = arith.constant 0 : i32
        %dma_start3A_62 = tpu.memref_slice %arg11[%cond3A, %dma_start3A_60, %dma_start3A_61] : memref<2x128x128xf32, #tpu.memory_space<vmem>> -> memref<1x128x128xf32, #tpu.memory_space<vmem>>
        %dma_start3A_63 = tpu.memref_squeeze %dma_start3A_62 : memref<1x128x128xf32, #tpu.memory_space<vmem>> -> memref<128x128xf32, #tpu.memory_space<vmem>>
        tpu.enqueue_dma source(%dma_start3A_63 : memref<128x128xf32, #tpu.memory_space<vmem>>) target(%dma_start3A_59 : memref<128x128xf32, #tpu.memory_space<vmem_shared>>) target_semaphore(%run_scoped3A : memref<!tpu.dma_semaphore, #tpu.memory_space<semaphore_mem>>)
        %dma_wait3A = arith.constant 0 : i32
        %dma_wait3A_64 = arith.constant 0 : i32
        %dma_wait3A_65 = tpu.memref_slice %arg11[%cond3A, %dma_wait3A, %dma_wait3A_64] : memref<2x128x128xf32, #tpu.memory_space<vmem>> -> memref<1x128x128xf32, #tpu.memory_space<vmem>>
        %dma_wait3A_66 = tpu.memref_squeeze %dma_wait3A_65 : memref<1x128x128xf32, #tpu.memory_space<vmem>> -> memref<128x128xf32, #tpu.memory_space<vmem>>
        %dma_wait3A_67 = arith.constant 0 : i32
        %dma_wait3A_68 = tpu.memref_slice %arg12[%add3A_44, %dma_wait3A_67] : memref<10000x128xf32, #tpu.memory_space<vmem_shared>> -> memref<128x128xf32, #tpu.memory_space<vmem_shared>>
        %dma_wait3A_69 = arith.constant 0 : i32
        %dma_wait3A_70 = tpu.memref_slice %arg12[%add3A_44, %dma_wait3A_69] : memref<10000x128xf32, #tpu.memory_space<vmem_shared>> -> memref<128x128xf32, #tpu.memory_space<vmem_shared>>
        %dma_wait3A_71 = arith.constant 0 : i32
        %dma_wait3A_72 = arith.constant 0 : i32
        %dma_wait3A_73 = tpu.memref_slice %arg11[%cond3A, %dma_wait3A_71, %dma_wait3A_72] : memref<2x128x128xf32, #tpu.memory_space<vmem>> -> memref<1x128x128xf32, #tpu.memory_space<vmem>>
        %dma_wait3A_74 = tpu.memref_squeeze %dma_wait3A_73 : memref<1x128x128xf32, #tpu.memory_space<vmem>> -> memref<128x128xf32, #tpu.memory_space<vmem>>
        tpu.wait_dma2 semaphore(%run_scoped3A : memref<!tpu.dma_semaphore, #tpu.memory_space<semaphore_mem>>) src(%dma_wait3A_74 : memref<128x128xf32, #tpu.memory_space<vmem>>) dst(%dma_wait3A_70 : memref<128x128xf32, #tpu.memory_space<vmem_shared>>)
        tpu.yield
      }) : () -> ()
      %add3A_45 = arith.constant 128 : i32
      %add3A_46 = arith.addi %mul3A_8, %add3A_45 : i32
      "tpu.region"() ({
        %run_scoped3A = tpu.sem_alloc : memref<!tpu.dma_semaphore, #tpu.memory_space<semaphore_mem>>
        %dma_start3A = arith.constant 0 : i32
        %dma_start3A_53 = arith.constant 0 : i32
        %dma_start3A_54 = tpu.memref_slice %arg11[%cond3A, %dma_start3A, %dma_start3A_53] : memref<2x128x128xf32, #tpu.memory_space<vmem>> -> memref<1x128x128xf32, #tpu.memory_space<vmem>>
        %dma_start3A_55 = tpu.memref_squeeze %dma_start3A_54 : memref<1x128x128xf32, #tpu.memory_space<vmem>> -> memref<128x128xf32, #tpu.memory_space<vmem>>
        %dma_start3A_56 = arith.constant 0 : i32
        %dma_start3A_57 = tpu.memref_slice %arg12[%add3A_46, %dma_start3A_56] : memref<10000x128xf32, #tpu.memory_space<vmem_shared>> -> memref<128x128xf32, #tpu.memory_space<vmem_shared>>
        %dma_start3A_58 = arith.constant 0 : i32
        %dma_start3A_59 = tpu.memref_slice %arg12[%add3A_46, %dma_start3A_58] : memref<10000x128xf32, #tpu.memory_space<vmem_shared>> -> memref<128x128xf32, #tpu.memory_space<vmem_shared>>
        %dma_start3A_60 = arith.constant 0 : i32
        %dma_start3A_61 = arith.constant 0 : i32
        %dma_start3A_62 = tpu.memref_slice %arg11[%cond3A, %dma_start3A_60, %dma_start3A_61] : memref<2x128x128xf32, #tpu.memory_space<vmem>> -> memref<1x128x128xf32, #tpu.memory_space<vmem>>
        %dma_start3A_63 = tpu.memref_squeeze %dma_start3A_62 : memref<1x128x128xf32, #tpu.memory_space<vmem>> -> memref<128x128xf32, #tpu.memory_space<vmem>>
        tpu.enqueue_dma source(%dma_start3A_63 : memref<128x128xf32, #tpu.memory_space<vmem>>) target(%dma_start3A_59 : memref<128x128xf32, #tpu.memory_space<vmem_shared>>) target_semaphore(%run_scoped3A : memref<!tpu.dma_semaphore, #tpu.memory_space<semaphore_mem>>)
        %dma_wait3A = arith.constant 0 : i32
        %dma_wait3A_64 = arith.constant 0 : i32
        %dma_wait3A_65 = tpu.memref_slice %arg11[%cond3A, %dma_wait3A, %dma_wait3A_64] : memref<2x128x128xf32, #tpu.memory_space<vmem>> -> memref<1x128x128xf32, #tpu.memory_space<vmem>>
        %dma_wait3A_66 = tpu.memref_squeeze %dma_wait3A_65 : memref<1x128x128xf32, #tpu.memory_space<vmem>> -> memref<128x128xf32, #tpu.memory_space<vmem>>
        %dma_wait3A_67 = arith.constant 0 : i32
        %dma_wait3A_68 = tpu.memref_slice %arg12[%add3A_46, %dma_wait3A_67] : memref<10000x128xf32, #tpu.memory_space<vmem_shared>> -> memref<128x128xf32, #tpu.memory_space<vmem_shared>>
        %dma_wait3A_69 = arith.constant 0 : i32
        %dma_wait3A_70 = tpu.memref_slice %arg12[%add3A_46, %dma_wait3A_69] : memref<10000x128xf32, #tpu.memory_space<vmem_shared>> -> memref<128x128xf32, #tpu.memory_space<vmem_shared>>
        %dma_wait3A_71 = arith.constant 0 : i32
        %dma_wait3A_72 = arith.constant 0 : i32
        %dma_wait3A_73 = tpu.memref_slice %arg11[%cond3A, %dma_wait3A_71, %dma_wait3A_72] : memref<2x128x128xf32, #tpu.memory_space<vmem>> -> memref<1x128x128xf32, #tpu.memory_space<vmem>>
        %dma_wait3A_74 = tpu.memref_squeeze %dma_wait3A_73 : memref<1x128x128xf32, #tpu.memory_space<vmem>> -> memref<128x128xf32, #tpu.memory_space<vmem>>
        tpu.wait_dma2 semaphore(%run_scoped3A : memref<!tpu.dma_semaphore, #tpu.memory_space<semaphore_mem>>) src(%dma_wait3A_74 : memref<128x128xf32, #tpu.memory_space<vmem>>) dst(%dma_wait3A_70 : memref<128x128xf32, #tpu.memory_space<vmem_shared>>)
        tpu.yield
      }) : () -> ()
      %add3A_47 = arith.constant 256 : i32
      %add3A_48 = arith.addi %mul3A_8, %add3A_47 : i32
      "tpu.region"() ({
        %run_scoped3A = tpu.sem_alloc : memref<!tpu.dma_semaphore, #tpu.memory_space<semaphore_mem>>
        %dma_start3A = arith.constant 0 : i32
        %dma_start3A_53 = arith.constant 0 : i32
        %dma_start3A_54 = tpu.memref_slice %arg11[%cond3A, %dma_start3A, %dma_start3A_53] : memref<2x128x128xf32, #tpu.memory_space<vmem>> -> memref<1x128x128xf32, #tpu.memory_space<vmem>>
        %dma_start3A_55 = tpu.memref_squeeze %dma_start3A_54 : memref<1x128x128xf32, #tpu.memory_space<vmem>> -> memref<128x128xf32, #tpu.memory_space<vmem>>
        %dma_start3A_56 = arith.constant 0 : i32
        %dma_start3A_57 = tpu.memref_slice %arg12[%add3A_48, %dma_start3A_56] : memref<10000x128xf32, #tpu.memory_space<vmem_shared>> -> memref<128x128xf32, #tpu.memory_space<vmem_shared>>
        %dma_start3A_58 = arith.constant 0 : i32
        %dma_start3A_59 = tpu.memref_slice %arg12[%add3A_48, %dma_start3A_58] : memref<10000x128xf32, #tpu.memory_space<vmem_shared>> -> memref<128x128xf32, #tpu.memory_space<vmem_shared>>
        %dma_start3A_60 = arith.constant 0 : i32
        %dma_start3A_61 = arith.constant 0 : i32
        %dma_start3A_62 = tpu.memref_slice %arg11[%cond3A, %dma_start3A_60, %dma_start3A_61] : memref<2x128x128xf32, #tpu.memory_space<vmem>> -> memref<1x128x128xf32, #tpu.memory_space<vmem>>
        %dma_start3A_63 = tpu.memref_squeeze %dma_start3A_62 : memref<1x128x128xf32, #tpu.memory_space<vmem>> -> memref<128x128xf32, #tpu.memory_space<vmem>>
        tpu.enqueue_dma source(%dma_start3A_63 : memref<128x128xf32, #tpu.memory_space<vmem>>) target(%dma_start3A_59 : memref<128x128xf32, #tpu.memory_space<vmem_shared>>) target_semaphore(%run_scoped3A : memref<!tpu.dma_semaphore, #tpu.memory_space<semaphore_mem>>)
        %dma_wait3A = arith.constant 0 : i32
        %dma_wait3A_64 = arith.constant 0 : i32
        %dma_wait3A_65 = tpu.memref_slice %arg11[%cond3A, %dma_wait3A, %dma_wait3A_64] : memref<2x128x128xf32, #tpu.memory_space<vmem>> -> memref<1x128x128xf32, #tpu.memory_space<vmem>>
        %dma_wait3A_66 = tpu.memref_squeeze %dma_wait3A_65 : memref<1x128x128xf32, #tpu.memory_space<vmem>> -> memref<128x128xf32, #tpu.memory_space<vmem>>
        %dma_wait3A_67 = arith.constant 0 : i32
        %dma_wait3A_68 = tpu.memref_slice %arg12[%add3A_48, %dma_wait3A_67] : memref<10000x128xf32, #tpu.memory_space<vmem_shared>> -> memref<128x128xf32, #tpu.memory_space<vmem_shared>>
        %dma_wait3A_69 = arith.constant 0 : i32
        %dma_wait3A_70 = tpu.memref_slice %arg12[%add3A_48, %dma_wait3A_69] : memref<10000x128xf32, #tpu.memory_space<vmem_shared>> -> memref<128x128xf32, #tpu.memory_space<vmem_shared>>
        %dma_wait3A_71 = arith.constant 0 : i32
        %dma_wait3A_72 = arith.constant 0 : i32
        %dma_wait3A_73 = tpu.memref_slice %arg11[%cond3A, %dma_wait3A_71, %dma_wait3A_72] : memref<2x128x128xf32, #tpu.memory_space<vmem>> -> memref<1x128x128xf32, #tpu.memory_space<vmem>>
        %dma_wait3A_74 = tpu.memref_squeeze %dma_wait3A_73 : memref<1x128x128xf32, #tpu.memory_space<vmem>> -> memref<128x128xf32, #tpu.memory_space<vmem>>
        tpu.wait_dma2 semaphore(%run_scoped3A : memref<!tpu.dma_semaphore, #tpu.memory_space<semaphore_mem>>) src(%dma_wait3A_74 : memref<128x128xf32, #tpu.memory_space<vmem>>) dst(%dma_wait3A_70 : memref<128x128xf32, #tpu.memory_space<vmem_shared>>)
        tpu.yield
      }) : () -> ()
      %add3A_49 = arith.constant 384 : i32
      %add3A_50 = arith.addi %mul3A_8, %add3A_49 : i32
      "tpu.region"() ({
        %run_scoped3A = tpu.sem_alloc : memref<!tpu.dma_semaphore, #tpu.memory_space<semaphore_mem>>
        %dma_start3A = arith.constant 0 : i32
        %dma_start3A_53 = arith.constant 0 : i32
        %dma_start3A_54 = tpu.memref_slice %arg11[%cond3A, %dma_start3A, %dma_start3A_53] : memref<2x128x128xf32, #tpu.memory_space<vmem>> -> memref<1x128x128xf32, #tpu.memory_space<vmem>>
        %dma_start3A_55 = tpu.memref_squeeze %dma_start3A_54 : memref<1x128x128xf32, #tpu.memory_space<vmem>> -> memref<128x128xf32, #tpu.memory_space<vmem>>
        %dma_start3A_56 = arith.constant 0 : i32
        %dma_start3A_57 = tpu.memref_slice %arg12[%add3A_50, %dma_start3A_56] : memref<10000x128xf32, #tpu.memory_space<vmem_shared>> -> memref<128x128xf32, #tpu.memory_space<vmem_shared>>
        %dma_start3A_58 = arith.constant 0 : i32
        %dma_start3A_59 = tpu.memref_slice %arg12[%add3A_50, %dma_start3A_58] : memref<10000x128xf32, #tpu.memory_space<vmem_shared>> -> memref<128x128xf32, #tpu.memory_space<vmem_shared>>
        %dma_start3A_60 = arith.constant 0 : i32
        %dma_start3A_61 = arith.constant 0 : i32
        %dma_start3A_62 = tpu.memref_slice %arg11[%cond3A, %dma_start3A_60, %dma_start3A_61] : memref<2x128x128xf32, #tpu.memory_space<vmem>> -> memref<1x128x128xf32, #tpu.memory_space<vmem>>
        %dma_start3A_63 = tpu.memref_squeeze %dma_start3A_62 : memref<1x128x128xf32, #tpu.memory_space<vmem>> -> memref<128x128xf32, #tpu.memory_space<vmem>>
        tpu.enqueue_dma source(%dma_start3A_63 : memref<128x128xf32, #tpu.memory_space<vmem>>) target(%dma_start3A_59 : memref<128x128xf32, #tpu.memory_space<vmem_shared>>) target_semaphore(%run_scoped3A : memref<!tpu.dma_semaphore, #tpu.memory_space<semaphore_mem>>)
        %dma_wait3A = arith.constant 0 : i32
        %dma_wait3A_64 = arith.constant 0 : i32
        %dma_wait3A_65 = tpu.memref_slice %arg11[%cond3A, %dma_wait3A, %dma_wait3A_64] : memref<2x128x128xf32, #tpu.memory_space<vmem>> -> memref<1x128x128xf32, #tpu.memory_space<vmem>>
        %dma_wait3A_66 = tpu.memref_squeeze %dma_wait3A_65 : memref<1x128x128xf32, #tpu.memory_space<vmem>> -> memref<128x128xf32, #tpu.memory_space<vmem>>
        %dma_wait3A_67 = arith.constant 0 : i32
        %dma_wait3A_68 = tpu.memref_slice %arg12[%add3A_50, %dma_wait3A_67] : memref<10000x128xf32, #tpu.memory_space<vmem_shared>> -> memref<128x128xf32, #tpu.memory_space<vmem_shared>>
        %dma_wait3A_69 = arith.constant 0 : i32
        %dma_wait3A_70 = tpu.memref_slice %arg12[%add3A_50, %dma_wait3A_69] : memref<10000x128xf32, #tpu.memory_space<vmem_shared>> -> memref<128x128xf32, #tpu.memory_space<vmem_shared>>
        %dma_wait3A_71 = arith.constant 0 : i32
        %dma_wait3A_72 = arith.constant 0 : i32
        %dma_wait3A_73 = tpu.memref_slice %arg11[%cond3A, %dma_wait3A_71, %dma_wait3A_72] : memref<2x128x128xf32, #tpu.memory_space<vmem>> -> memref<1x128x128xf32, #tpu.memory_space<vmem>>
        %dma_wait3A_74 = tpu.memref_squeeze %dma_wait3A_73 : memref<1x128x128xf32, #tpu.memory_space<vmem>> -> memref<128x128xf32, #tpu.memory_space<vmem>>
        tpu.wait_dma2 semaphore(%run_scoped3A : memref<!tpu.dma_semaphore, #tpu.memory_space<semaphore_mem>>) src(%dma_wait3A_74 : memref<128x128xf32, #tpu.memory_space<vmem>>) dst(%dma_wait3A_70 : memref<128x128xf32, #tpu.memory_space<vmem_shared>>)
        tpu.yield
      }) : () -> ()
      %add3A_51 = arith.constant 512 : i32
      %add3A_52 = arith.addi %mul3A_8, %add3A_51 : i32
      "tpu.region"() ({
        %run_scoped3A = tpu.sem_alloc : memref<!tpu.dma_semaphore, #tpu.memory_space<semaphore_mem>>
        %dma_start3A = arith.constant 0 : i32
        %dma_start3A_53 = arith.constant 0 : i32
        %dma_start3A_54 = tpu.memref_slice %arg11[%cond3A, %dma_start3A, %dma_start3A_53] : memref<2x128x128xf32, #tpu.memory_space<vmem>> -> memref<1x128x128xf32, #tpu.memory_space<vmem>>
        %dma_start3A_55 = tpu.memref_squeeze %dma_start3A_54 : memref<1x128x128xf32, #tpu.memory_space<vmem>> -> memref<128x128xf32, #tpu.memory_space<vmem>>
        %dma_start3A_56 = arith.constant 0 : i32
        %dma_start3A_57 = arith.constant 0 : i32
        %dma_start3A_58 = tpu.memref_slice %dma_start3A_55[%dma_start3A_56, %dma_start3A_57] : memref<128x128xf32, #tpu.memory_space<vmem>> -> memref<120x128xf32, #tpu.memory_space<vmem>>
        %dma_start3A_59 = arith.constant 0 : i32
        %dma_start3A_60 = tpu.memref_slice %arg12[%add3A_52, %dma_start3A_59] : memref<10000x128xf32, #tpu.memory_space<vmem_shared>> -> memref<120x128xf32, #tpu.memory_space<vmem_shared>>
        %dma_start3A_61 = arith.constant 0 : i32
        %dma_start3A_62 = tpu.memref_slice %arg12[%add3A_52, %dma_start3A_61] : memref<10000x128xf32, #tpu.memory_space<vmem_shared>> -> memref<120x128xf32, #tpu.memory_space<vmem_shared>>
        %dma_start3A_63 = arith.constant 0 : i32
        %dma_start3A_64 = arith.constant 0 : i32
        %dma_start3A_65 = tpu.memref_slice %arg11[%cond3A, %dma_start3A_63, %dma_start3A_64] : memref<2x128x128xf32, #tpu.memory_space<vmem>> -> memref<1x128x128xf32, #tpu.memory_space<vmem>>
        %dma_start3A_66 = tpu.memref_squeeze %dma_start3A_65 : memref<1x128x128xf32, #tpu.memory_space<vmem>> -> memref<128x128xf32, #tpu.memory_space<vmem>>
        %dma_start3A_67 = arith.constant 0 : i32
        %dma_start3A_68 = arith.constant 0 : i32
        %dma_start3A_69 = tpu.memref_slice %dma_start3A_66[%dma_start3A_67, %dma_start3A_68] : memref<128x128xf32, #tpu.memory_space<vmem>> -> memref<120x128xf32, #tpu.memory_space<vmem>>
        tpu.enqueue_dma source(%dma_start3A_69 : memref<120x128xf32, #tpu.memory_space<vmem>>) target(%dma_start3A_62 : memref<120x128xf32, #tpu.memory_space<vmem_shared>>) target_semaphore(%run_scoped3A : memref<!tpu.dma_semaphore, #tpu.memory_space<semaphore_mem>>)
        %dma_wait3A = arith.constant 0 : i32
        %dma_wait3A_70 = arith.constant 0 : i32
        %dma_wait3A_71 = tpu.memref_slice %arg11[%cond3A, %dma_wait3A, %dma_wait3A_70] : memref<2x128x128xf32, #tpu.memory_space<vmem>> -> memref<1x128x128xf32, #tpu.memory_space<vmem>>
        %dma_wait3A_72 = tpu.memref_squeeze %dma_wait3A_71 : memref<1x128x128xf32, #tpu.memory_space<vmem>> -> memref<128x128xf32, #tpu.memory_space<vmem>>
        %dma_wait3A_73 = arith.constant 0 : i32
        %dma_wait3A_74 = arith.constant 0 : i32
        %dma_wait3A_75 = tpu.memref_slice %dma_wait3A_72[%dma_wait3A_73, %dma_wait3A_74] : memref<128x128xf32, #tpu.memory_space<vmem>> -> memref<120x128xf32, #tpu.memory_space<vmem>>
        %dma_wait3A_76 = arith.constant 0 : i32
        %dma_wait3A_77 = tpu.memref_slice %arg12[%add3A_52, %dma_wait3A_76] : memref<10000x128xf32, #tpu.memory_space<vmem_shared>> -> memref<120x128xf32, #tpu.memory_space<vmem_shared>>
        %dma_wait3A_78 = arith.constant 0 : i32
        %dma_wait3A_79 = tpu.memref_slice %arg12[%add3A_52, %dma_wait3A_78] : memref<10000x128xf32, #tpu.memory_space<vmem_shared>> -> memref<120x128xf32, #tpu.memory_space<vmem_shared>>
        %dma_wait3A_80 = arith.constant 0 : i32
        %dma_wait3A_81 = arith.constant 0 : i32
        %dma_wait3A_82 = tpu.memref_slice %arg11[%cond3A, %dma_wait3A_80, %dma_wait3A_81] : memref<2x128x128xf32, #tpu.memory_space<vmem>> -> memref<1x128x128xf32, #tpu.memory_space<vmem>>
        %dma_wait3A_83 = tpu.memref_squeeze %dma_wait3A_82 : memref<1x128x128xf32, #tpu.memory_space<vmem>> -> memref<128x128xf32, #tpu.memory_space<vmem>>
        %dma_wait3A_84 = arith.constant 0 : i32
        %dma_wait3A_85 = arith.constant 0 : i32
        %dma_wait3A_86 = tpu.memref_slice %dma_wait3A_83[%dma_wait3A_84, %dma_wait3A_85] : memref<128x128xf32, #tpu.memory_space<vmem>> -> memref<120x128xf32, #tpu.memory_space<vmem>>
        tpu.wait_dma2 semaphore(%run_scoped3A : memref<!tpu.dma_semaphore, #tpu.memory_space<semaphore_mem>>) src(%dma_wait3A_86 : memref<120x128xf32, #tpu.memory_space<vmem>>) dst(%dma_wait3A_79 : memref<120x128xf32, #tpu.memory_space<vmem_shared>>)
        tpu.yield
      }) : () -> ()
    } else {
    }
    %eq3A = arith.constant 15 : i32
    %eq3A_12 = arith.cmpi eq, %arg1, %eq3A : i32
    %convert_element_type3A_13 = arith.extui %eq3A_12 : i1 to i32
    %cond3A_14 = arith.constant 0 : i32
    %cond3A_15 = arith.constant 0 : i32
    %cond3A_16 = arith.cmpi ne, %convert_element_type3A_13, %cond3A_15 : i32
    scf.if %cond3A_16 {
      %add3A_43 = arith.constant 0 : i32
      %add3A_44 = arith.addi %mul3A_8, %add3A_43 : i32
      "tpu.region"() ({
        %run_scoped3A = tpu.sem_alloc : memref<!tpu.dma_semaphore, #tpu.memory_space<semaphore_mem>>
        %dma_start3A = arith.constant 0 : i32
        %dma_start3A_53 = arith.constant 0 : i32
        %dma_start3A_54 = tpu.memref_slice %arg11[%cond3A_14, %dma_start3A, %dma_start3A_53] : memref<2x128x128xf32, #tpu.memory_space<vmem>> -> memref<1x128x128xf32, #tpu.memory_space<vmem>>
        %dma_start3A_55 = tpu.memref_squeeze %dma_start3A_54 : memref<1x128x128xf32, #tpu.memory_space<vmem>> -> memref<128x128xf32, #tpu.memory_space<vmem>>
        %dma_start3A_56 = arith.constant 0 : i32
        %dma_start3A_57 = tpu.memref_slice %arg12[%add3A_44, %dma_start3A_56] : memref<10000x128xf32, #tpu.memory_space<vmem_shared>> -> memref<128x128xf32, #tpu.memory_space<vmem_shared>>
        %dma_start3A_58 = arith.constant 0 : i32
        %dma_start3A_59 = tpu.memref_slice %arg12[%add3A_44, %dma_start3A_58] : memref<10000x128xf32, #tpu.memory_space<vmem_shared>> -> memref<128x128xf32, #tpu.memory_space<vmem_shared>>
        %dma_start3A_60 = arith.constant 0 : i32
        %dma_start3A_61 = arith.constant 0 : i32
        %dma_start3A_62 = tpu.memref_slice %arg11[%cond3A_14, %dma_start3A_60, %dma_start3A_61] : memref<2x128x128xf32, #tpu.memory_space<vmem>> -> memref<1x128x128xf32, #tpu.memory_space<vmem>>
        %dma_start3A_63 = tpu.memref_squeeze %dma_start3A_62 : memref<1x128x128xf32, #tpu.memory_space<vmem>> -> memref<128x128xf32, #tpu.memory_space<vmem>>
        tpu.enqueue_dma source(%dma_start3A_63 : memref<128x128xf32, #tpu.memory_space<vmem>>) target(%dma_start3A_59 : memref<128x128xf32, #tpu.memory_space<vmem_shared>>) target_semaphore(%run_scoped3A : memref<!tpu.dma_semaphore, #tpu.memory_space<semaphore_mem>>)
        %dma_wait3A = arith.constant 0 : i32
        %dma_wait3A_64 = arith.constant 0 : i32
        %dma_wait3A_65 = tpu.memref_slice %arg11[%cond3A_14, %dma_wait3A, %dma_wait3A_64] : memref<2x128x128xf32, #tpu.memory_space<vmem>> -> memref<1x128x128xf32, #tpu.memory_space<vmem>>
        %dma_wait3A_66 = tpu.memref_squeeze %dma_wait3A_65 : memref<1x128x128xf32, #tpu.memory_space<vmem>> -> memref<128x128xf32, #tpu.memory_space<vmem>>
        %dma_wait3A_67 = arith.constant 0 : i32
        %dma_wait3A_68 = tpu.memref_slice %arg12[%add3A_44, %dma_wait3A_67] : memref<10000x128xf32, #tpu.memory_space<vmem_shared>> -> memref<128x128xf32, #tpu.memory_space<vmem_shared>>
        %dma_wait3A_69 = arith.constant 0 : i32
        %dma_wait3A_70 = tpu.memref_slice %arg12[%add3A_44, %dma_wait3A_69] : memref<10000x128xf32, #tpu.memory_space<vmem_shared>> -> memref<128x128xf32, #tpu.memory_space<vmem_shared>>
        %dma_wait3A_71 = arith.constant 0 : i32
        %dma_wait3A_72 = arith.constant 0 : i32
        %dma_wait3A_73 = tpu.memref_slice %arg11[%cond3A_14, %dma_wait3A_71, %dma_wait3A_72] : memref<2x128x128xf32, #tpu.memory_space<vmem>> -> memref<1x128x128xf32, #tpu.memory_space<vmem>>
        %dma_wait3A_74 = tpu.memref_squeeze %dma_wait3A_73 : memref<1x128x128xf32, #tpu.memory_space<vmem>> -> memref<128x128xf32, #tpu.memory_space<vmem>>
        tpu.wait_dma2 semaphore(%run_scoped3A : memref<!tpu.dma_semaphore, #tpu.memory_space<semaphore_mem>>) src(%dma_wait3A_74 : memref<128x128xf32, #tpu.memory_space<vmem>>) dst(%dma_wait3A_70 : memref<128x128xf32, #tpu.memory_space<vmem_shared>>)
        tpu.yield
      }) : () -> ()
      %add3A_45 = arith.constant 128 : i32
      %add3A_46 = arith.addi %mul3A_8, %add3A_45 : i32
      "tpu.region"() ({
        %run_scoped3A = tpu.sem_alloc : memref<!tpu.dma_semaphore, #tpu.memory_space<semaphore_mem>>
        %dma_start3A = arith.constant 0 : i32
        %dma_start3A_53 = arith.constant 0 : i32
        %dma_start3A_54 = tpu.memref_slice %arg11[%cond3A_14, %dma_start3A, %dma_start3A_53] : memref<2x128x128xf32, #tpu.memory_space<vmem>> -> memref<1x128x128xf32, #tpu.memory_space<vmem>>
        %dma_start3A_55 = tpu.memref_squeeze %dma_start3A_54 : memref<1x128x128xf32, #tpu.memory_space<vmem>> -> memref<128x128xf32, #tpu.memory_space<vmem>>
        %dma_start3A_56 = arith.constant 0 : i32
        %dma_start3A_57 = tpu.memref_slice %arg12[%add3A_46, %dma_start3A_56] : memref<10000x128xf32, #tpu.memory_space<vmem_shared>> -> memref<128x128xf32, #tpu.memory_space<vmem_shared>>
        %dma_start3A_58 = arith.constant 0 : i32
        %dma_start3A_59 = tpu.memref_slice %arg12[%add3A_46, %dma_start3A_58] : memref<10000x128xf32, #tpu.memory_space<vmem_shared>> -> memref<128x128xf32, #tpu.memory_space<vmem_shared>>
        %dma_start3A_60 = arith.constant 0 : i32
        %dma_start3A_61 = arith.constant 0 : i32
        %dma_start3A_62 = tpu.memref_slice %arg11[%cond3A_14, %dma_start3A_60, %dma_start3A_61] : memref<2x128x128xf32, #tpu.memory_space<vmem>> -> memref<1x128x128xf32, #tpu.memory_space<vmem>>
        %dma_start3A_63 = tpu.memref_squeeze %dma_start3A_62 : memref<1x128x128xf32, #tpu.memory_space<vmem>> -> memref<128x128xf32, #tpu.memory_space<vmem>>
        tpu.enqueue_dma source(%dma_start3A_63 : memref<128x128xf32, #tpu.memory_space<vmem>>) target(%dma_start3A_59 : memref<128x128xf32, #tpu.memory_space<vmem_shared>>) target_semaphore(%run_scoped3A : memref<!tpu.dma_semaphore, #tpu.memory_space<semaphore_mem>>)
        %dma_wait3A = arith.constant 0 : i32
        %dma_wait3A_64 = arith.constant 0 : i32
        %dma_wait3A_65 = tpu.memref_slice %arg11[%cond3A_14, %dma_wait3A, %dma_wait3A_64] : memref<2x128x128xf32, #tpu.memory_space<vmem>> -> memref<1x128x128xf32, #tpu.memory_space<vmem>>
        %dma_wait3A_66 = tpu.memref_squeeze %dma_wait3A_65 : memref<1x128x128xf32, #tpu.memory_space<vmem>> -> memref<128x128xf32, #tpu.memory_space<vmem>>
        %dma_wait3A_67 = arith.constant 0 : i32
        %dma_wait3A_68 = tpu.memref_slice %arg12[%add3A_46, %dma_wait3A_67] : memref<10000x128xf32, #tpu.memory_space<vmem_shared>> -> memref<128x128xf32, #tpu.memory_space<vmem_shared>>
        %dma_wait3A_69 = arith.constant 0 : i32
        %dma_wait3A_70 = tpu.memref_slice %arg12[%add3A_46, %dma_wait3A_69] : memref<10000x128xf32, #tpu.memory_space<vmem_shared>> -> memref<128x128xf32, #tpu.memory_space<vmem_shared>>
        %dma_wait3A_71 = arith.constant 0 : i32
        %dma_wait3A_72 = arith.constant 0 : i32
        %dma_wait3A_73 = tpu.memref_slice %arg11[%cond3A_14, %dma_wait3A_71, %dma_wait3A_72] : memref<2x128x128xf32, #tpu.memory_space<vmem>> -> memref<1x128x128xf32, #tpu.memory_space<vmem>>
        %dma_wait3A_74 = tpu.memref_squeeze %dma_wait3A_73 : memref<1x128x128xf32, #tpu.memory_space<vmem>> -> memref<128x128xf32, #tpu.memory_space<vmem>>
        tpu.wait_dma2 semaphore(%run_scoped3A : memref<!tpu.dma_semaphore, #tpu.memory_space<semaphore_mem>>) src(%dma_wait3A_74 : memref<128x128xf32, #tpu.memory_space<vmem>>) dst(%dma_wait3A_70 : memref<128x128xf32, #tpu.memory_space<vmem_shared>>)
        tpu.yield
      }) : () -> ()
      %add3A_47 = arith.constant 256 : i32
      %add3A_48 = arith.addi %mul3A_8, %add3A_47 : i32
      "tpu.region"() ({
        %run_scoped3A = tpu.sem_alloc : memref<!tpu.dma_semaphore, #tpu.memory_space<semaphore_mem>>
        %dma_start3A = arith.constant 0 : i32
        %dma_start3A_53 = arith.constant 0 : i32
        %dma_start3A_54 = tpu.memref_slice %arg11[%cond3A_14, %dma_start3A, %dma_start3A_53] : memref<2x128x128xf32, #tpu.memory_space<vmem>> -> memref<1x128x128xf32, #tpu.memory_space<vmem>>
        %dma_start3A_55 = tpu.memref_squeeze %dma_start3A_54 : memref<1x128x128xf32, #tpu.memory_space<vmem>> -> memref<128x128xf32, #tpu.memory_space<vmem>>
        %dma_start3A_56 = arith.constant 0 : i32
        %dma_start3A_57 = tpu.memref_slice %arg12[%add3A_48, %dma_start3A_56] : memref<10000x128xf32, #tpu.memory_space<vmem_shared>> -> memref<128x128xf32, #tpu.memory_space<vmem_shared>>
        %dma_start3A_58 = arith.constant 0 : i32
        %dma_start3A_59 = tpu.memref_slice %arg12[%add3A_48, %dma_start3A_58] : memref<10000x128xf32, #tpu.memory_space<vmem_shared>> -> memref<128x128xf32, #tpu.memory_space<vmem_shared>>
        %dma_start3A_60 = arith.constant 0 : i32
        %dma_start3A_61 = arith.constant 0 : i32
        %dma_start3A_62 = tpu.memref_slice %arg11[%cond3A_14, %dma_start3A_60, %dma_start3A_61] : memref<2x128x128xf32, #tpu.memory_space<vmem>> -> memref<1x128x128xf32, #tpu.memory_space<vmem>>
        %dma_start3A_63 = tpu.memref_squeeze %dma_start3A_62 : memref<1x128x128xf32, #tpu.memory_space<vmem>> -> memref<128x128xf32, #tpu.memory_space<vmem>>
        tpu.enqueue_dma source(%dma_start3A_63 : memref<128x128xf32, #tpu.memory_space<vmem>>) target(%dma_start3A_59 : memref<128x128xf32, #tpu.memory_space<vmem_shared>>) target_semaphore(%run_scoped3A : memref<!tpu.dma_semaphore, #tpu.memory_space<semaphore_mem>>)
        %dma_wait3A = arith.constant 0 : i32
        %dma_wait3A_64 = arith.constant 0 : i32
        %dma_wait3A_65 = tpu.memref_slice %arg11[%cond3A_14, %dma_wait3A, %dma_wait3A_64] : memref<2x128x128xf32, #tpu.memory_space<vmem>> -> memref<1x128x128xf32, #tpu.memory_space<vmem>>
        %dma_wait3A_66 = tpu.memref_squeeze %dma_wait3A_65 : memref<1x128x128xf32, #tpu.memory_space<vmem>> -> memref<128x128xf32, #tpu.memory_space<vmem>>
        %dma_wait3A_67 = arith.constant 0 : i32
        %dma_wait3A_68 = tpu.memref_slice %arg12[%add3A_48, %dma_wait3A_67] : memref<10000x128xf32, #tpu.memory_space<vmem_shared>> -> memref<128x128xf32, #tpu.memory_space<vmem_shared>>
        %dma_wait3A_69 = arith.constant 0 : i32
        %dma_wait3A_70 = tpu.memref_slice %arg12[%add3A_48, %dma_wait3A_69] : memref<10000x128xf32, #tpu.memory_space<vmem_shared>> -> memref<128x128xf32, #tpu.memory_space<vmem_shared>>
        %dma_wait3A_71 = arith.constant 0 : i32
        %dma_wait3A_72 = arith.constant 0 : i32
        %dma_wait3A_73 = tpu.memref_slice %arg11[%cond3A_14, %dma_wait3A_71, %dma_wait3A_72] : memref<2x128x128xf32, #tpu.memory_space<vmem>> -> memref<1x128x128xf32, #tpu.memory_space<vmem>>
        %dma_wait3A_74 = tpu.memref_squeeze %dma_wait3A_73 : memref<1x128x128xf32, #tpu.memory_space<vmem>> -> memref<128x128xf32, #tpu.memory_space<vmem>>
        tpu.wait_dma2 semaphore(%run_scoped3A : memref<!tpu.dma_semaphore, #tpu.memory_space<semaphore_mem>>) src(%dma_wait3A_74 : memref<128x128xf32, #tpu.memory_space<vmem>>) dst(%dma_wait3A_70 : memref<128x128xf32, #tpu.memory_space<vmem_shared>>)
        tpu.yield
      }) : () -> ()
      %add3A_49 = arith.constant 384 : i32
      %add3A_50 = arith.addi %mul3A_8, %add3A_49 : i32
      "tpu.region"() ({
        %run_scoped3A = tpu.sem_alloc : memref<!tpu.dma_semaphore, #tpu.memory_space<semaphore_mem>>
        %dma_start3A = arith.constant 0 : i32
        %dma_start3A_53 = arith.constant 0 : i32
        %dma_start3A_54 = tpu.memref_slice %arg11[%cond3A_14, %dma_start3A, %dma_start3A_53] : memref<2x128x128xf32, #tpu.memory_space<vmem>> -> memref<1x128x128xf32, #tpu.memory_space<vmem>>
        %dma_start3A_55 = tpu.memref_squeeze %dma_start3A_54 : memref<1x128x128xf32, #tpu.memory_space<vmem>> -> memref<128x128xf32, #tpu.memory_space<vmem>>
        %dma_start3A_56 = arith.constant 0 : i32
        %dma_start3A_57 = tpu.memref_slice %arg12[%add3A_50, %dma_start3A_56] : memref<10000x128xf32, #tpu.memory_space<vmem_shared>> -> memref<128x128xf32, #tpu.memory_space<vmem_shared>>
        %dma_start3A_58 = arith.constant 0 : i32
        %dma_start3A_59 = tpu.memref_slice %arg12[%add3A_50, %dma_start3A_58] : memref<10000x128xf32, #tpu.memory_space<vmem_shared>> -> memref<128x128xf32, #tpu.memory_space<vmem_shared>>
        %dma_start3A_60 = arith.constant 0 : i32
        %dma_start3A_61 = arith.constant 0 : i32
        %dma_start3A_62 = tpu.memref_slice %arg11[%cond3A_14, %dma_start3A_60, %dma_start3A_61] : memref<2x128x128xf32, #tpu.memory_space<vmem>> -> memref<1x128x128xf32, #tpu.memory_space<vmem>>
        %dma_start3A_63 = tpu.memref_squeeze %dma_start3A_62 : memref<1x128x128xf32, #tpu.memory_space<vmem>> -> memref<128x128xf32, #tpu.memory_space<vmem>>
        tpu.enqueue_dma source(%dma_start3A_63 : memref<128x128xf32, #tpu.memory_space<vmem>>) target(%dma_start3A_59 : memref<128x128xf32, #tpu.memory_space<vmem_shared>>) target_semaphore(%run_scoped3A : memref<!tpu.dma_semaphore, #tpu.memory_space<semaphore_mem>>)
        %dma_wait3A = arith.constant 0 : i32
        %dma_wait3A_64 = arith.constant 0 : i32
        %dma_wait3A_65 = tpu.memref_slice %arg11[%cond3A_14, %dma_wait3A, %dma_wait3A_64] : memref<2x128x128xf32, #tpu.memory_space<vmem>> -> memref<1x128x128xf32, #tpu.memory_space<vmem>>
        %dma_wait3A_66 = tpu.memref_squeeze %dma_wait3A_65 : memref<1x128x128xf32, #tpu.memory_space<vmem>> -> memref<128x128xf32, #tpu.memory_space<vmem>>
        %dma_wait3A_67 = arith.constant 0 : i32
        %dma_wait3A_68 = tpu.memref_slice %arg12[%add3A_50, %dma_wait3A_67] : memref<10000x128xf32, #tpu.memory_space<vmem_shared>> -> memref<128x128xf32, #tpu.memory_space<vmem_shared>>
        %dma_wait3A_69 = arith.constant 0 : i32
        %dma_wait3A_70 = tpu.memref_slice %arg12[%add3A_50, %dma_wait3A_69] : memref<10000x128xf32, #tpu.memory_space<vmem_shared>> -> memref<128x128xf32, #tpu.memory_space<vmem_shared>>
        %dma_wait3A_71 = arith.constant 0 : i32
        %dma_wait3A_72 = arith.constant 0 : i32
        %dma_wait3A_73 = tpu.memref_slice %arg11[%cond3A_14, %dma_wait3A_71, %dma_wait3A_72] : memref<2x128x128xf32, #tpu.memory_space<vmem>> -> memref<1x128x128xf32, #tpu.memory_space<vmem>>
        %dma_wait3A_74 = tpu.memref_squeeze %dma_wait3A_73 : memref<1x128x128xf32, #tpu.memory_space<vmem>> -> memref<128x128xf32, #tpu.memory_space<vmem>>
        tpu.wait_dma2 semaphore(%run_scoped3A : memref<!tpu.dma_semaphore, #tpu.memory_space<semaphore_mem>>) src(%dma_wait3A_74 : memref<128x128xf32, #tpu.memory_space<vmem>>) dst(%dma_wait3A_70 : memref<128x128xf32, #tpu.memory_space<vmem_shared>>)
        tpu.yield
      }) : () -> ()
      %add3A_51 = arith.constant 512 : i32
      %add3A_52 = arith.addi %mul3A_8, %add3A_51 : i32
      "tpu.region"() ({
        %run_scoped3A = tpu.sem_alloc : memref<!tpu.dma_semaphore, #tpu.memory_space<semaphore_mem>>
        %dma_start3A = arith.constant 0 : i32
        %dma_start3A_53 = arith.constant 0 : i32
        %dma_start3A_54 = tpu.memref_slice %arg11[%cond3A_14, %dma_start3A, %dma_start3A_53] : memref<2x128x128xf32, #tpu.memory_space<vmem>> -> memref<1x128x128xf32, #tpu.memory_space<vmem>>
        %dma_start3A_55 = tpu.memref_squeeze %dma_start3A_54 : memref<1x128x128xf32, #tpu.memory_space<vmem>> -> memref<128x128xf32, #tpu.memory_space<vmem>>
        %dma_start3A_56 = arith.constant 0 : i32
        %dma_start3A_57 = arith.constant 0 : i32
        %dma_start3A_58 = tpu.memref_slice %dma_start3A_55[%dma_start3A_56, %dma_start3A_57] : memref<128x128xf32, #tpu.memory_space<vmem>> -> memref<8x128xf32, #tpu.memory_space<vmem>>
        %dma_start3A_59 = arith.constant 0 : i32
        %dma_start3A_60 = tpu.memref_slice %arg12[%add3A_52, %dma_start3A_59] : memref<10000x128xf32, #tpu.memory_space<vmem_shared>> -> memref<8x128xf32, #tpu.memory_space<vmem_shared>>
        %dma_start3A_61 = arith.constant 0 : i32
        %dma_start3A_62 = tpu.memref_slice %arg12[%add3A_52, %dma_start3A_61] : memref<10000x128xf32, #tpu.memory_space<vmem_shared>> -> memref<8x128xf32, #tpu.memory_space<vmem_shared>>
        %dma_start3A_63 = arith.constant 0 : i32
        %dma_start3A_64 = arith.constant 0 : i32
        %dma_start3A_65 = tpu.memref_slice %arg11[%cond3A_14, %dma_start3A_63, %dma_start3A_64] : memref<2x128x128xf32, #tpu.memory_space<vmem>> -> memref<1x128x128xf32, #tpu.memory_space<vmem>>
        %dma_start3A_66 = tpu.memref_squeeze %dma_start3A_65 : memref<1x128x128xf32, #tpu.memory_space<vmem>> -> memref<128x128xf32, #tpu.memory_space<vmem>>
        %dma_start3A_67 = arith.constant 0 : i32
        %dma_start3A_68 = arith.constant 0 : i32
        %dma_start3A_69 = tpu.memref_slice %dma_start3A_66[%dma_start3A_67, %dma_start3A_68] : memref<128x128xf32, #tpu.memory_space<vmem>> -> memref<8x128xf32, #tpu.memory_space<vmem>>
        tpu.enqueue_dma source(%dma_start3A_69 : memref<8x128xf32, #tpu.memory_space<vmem>>) target(%dma_start3A_62 : memref<8x128xf32, #tpu.memory_space<vmem_shared>>) target_semaphore(%run_scoped3A : memref<!tpu.dma_semaphore, #tpu.memory_space<semaphore_mem>>)
        %dma_wait3A = arith.constant 0 : i32
        %dma_wait3A_70 = arith.constant 0 : i32
        %dma_wait3A_71 = tpu.memref_slice %arg11[%cond3A_14, %dma_wait3A, %dma_wait3A_70] : memref<2x128x128xf32, #tpu.memory_space<vmem>> -> memref<1x128x128xf32, #tpu.memory_space<vmem>>
        %dma_wait3A_72 = tpu.memref_squeeze %dma_wait3A_71 : memref<1x128x128xf32, #tpu.memory_space<vmem>> -> memref<128x128xf32, #tpu.memory_space<vmem>>
        %dma_wait3A_73 = arith.constant 0 : i32
        %dma_wait3A_74 = arith.constant 0 : i32
        %dma_wait3A_75 = tpu.memref_slice %dma_wait3A_72[%dma_wait3A_73, %dma_wait3A_74] : memref<128x128xf32, #tpu.memory_space<vmem>> -> memref<8x128xf32, #tpu.memory_space<vmem>>
        %dma_wait3A_76 = arith.constant 0 : i32
        %dma_wait3A_77 = tpu.memref_slice %arg12[%add3A_52, %dma_wait3A_76] : memref<10000x128xf32, #tpu.memory_space<vmem_shared>> -> memref<8x128xf32, #tpu.memory_space<vmem_shared>>
        %dma_wait3A_78 = arith.constant 0 : i32
        %dma_wait3A_79 = tpu.memref_slice %arg12[%add3A_52, %dma_wait3A_78] : memref<10000x128xf32, #tpu.memory_space<vmem_shared>> -> memref<8x128xf32, #tpu.memory_space<vmem_shared>>
        %dma_wait3A_80 = arith.constant 0 : i32
        %dma_wait3A_81 = arith.constant 0 : i32
        %dma_wait3A_82 = tpu.memref_slice %arg11[%cond3A_14, %dma_wait3A_80, %dma_wait3A_81] : memref<2x128x128xf32, #tpu.memory_space<vmem>> -> memref<1x128x128xf32, #tpu.memory_space<vmem>>
        %dma_wait3A_83 = tpu.memref_squeeze %dma_wait3A_82 : memref<1x128x128xf32, #tpu.memory_space<vmem>> -> memref<128x128xf32, #tpu.memory_space<vmem>>
        %dma_wait3A_84 = arith.constant 0 : i32
        %dma_wait3A_85 = arith.constant 0 : i32
        %dma_wait3A_86 = tpu.memref_slice %dma_wait3A_83[%dma_wait3A_84, %dma_wait3A_85] : memref<128x128xf32, #tpu.memory_space<vmem>> -> memref<8x128xf32, #tpu.memory_space<vmem>>
        tpu.wait_dma2 semaphore(%run_scoped3A : memref<!tpu.dma_semaphore, #tpu.memory_space<semaphore_mem>>) src(%dma_wait3A_86 : memref<8x128xf32, #tpu.memory_space<vmem>>) dst(%dma_wait3A_79 : memref<8x128xf32, #tpu.memory_space<vmem_shared>>)
        tpu.yield
      }) : () -> ()
    } else {
    }
    %barrier3A = arith.constant 0 : index
    tpu.barrier barrier_id(%barrier3A)
    %mul3A_17 = arith.constant 80 : i32
    %mul3A_18 = arith.muli %add3A, %mul3A_17 : i32
    "tpu.region"() ({
      %run_scoped3A = tpu.sem_alloc : memref<!tpu.dma_semaphore, #tpu.memory_space<semaphore_mem>>
      %dma_start3A = arith.constant 0 : i32
      %dma_start3A_43 = tpu.memref_slice %arg3[%mul3A_18, %dma_start3A] : memref<2560x128xi32, #tpu.memory_space<hbm>> -> memref<80x128xi32, #tpu.memory_space<hbm>>
      %dma_start3A_44 = arith.constant 0 : i32
      %dma_start3A_45 = tpu.memref_slice %arg3[%mul3A_18, %dma_start3A_44] : memref<2560x128xi32, #tpu.memory_space<hbm>> -> memref<80x128xi32, #tpu.memory_space<hbm>>
      tpu.enqueue_dma source(%dma_start3A_45 : memref<80x128xi32, #tpu.memory_space<hbm>>) target(%arg6 : memref<80x128xi32, #tpu.memory_space<vmem>>) target_semaphore(%run_scoped3A : memref<!tpu.dma_semaphore, #tpu.memory_space<semaphore_mem>>)
      %dma_wait3A = arith.constant 0 : i32
      %dma_wait3A_46 = tpu.memref_slice %arg3[%mul3A_18, %dma_wait3A] : memref<2560x128xi32, #tpu.memory_space<hbm>> -> memref<80x128xi32, #tpu.memory_space<hbm>>
      %dma_wait3A_47 = arith.constant 0 : i32
      %dma_wait3A_48 = tpu.memref_slice %arg3[%mul3A_18, %dma_wait3A_47] : memref<2560x128xi32, #tpu.memory_space<hbm>> -> memref<80x128xi32, #tpu.memory_space<hbm>>
      tpu.wait_dma2 semaphore(%run_scoped3A : memref<!tpu.dma_semaphore, #tpu.memory_space<semaphore_mem>>) src(%dma_wait3A_48 : memref<80x128xi32, #tpu.memory_space<hbm>>) dst(%arg6 : memref<80x128xi32, #tpu.memory_space<vmem>>)
      tpu.yield
    }) : () -> ()
    %lt3A_19 = arith.constant 31 : i32
    %lt3A_20 = arith.cmpi slt, %add3A, %lt3A_19 : i32
    %convert_element_type3A_21 = arith.extui %lt3A_20 : i1 to i32
    %cond3A_22 = arith.constant 0 : i32
    %cond3A_23 = arith.cmpi ne, %convert_element_type3A_21, %cond3A_22 : i32
    scf.if %cond3A_23 {
      %mul3A_43 = arith.constant 80 : i32
      %mul3A_44 = arith.muli %add3A, %mul3A_43 : i32
      %add3A_45 = arith.constant 0 : i32
      %add3A_46 = arith.addi %mul3A_44, %add3A_45 : i32
      %mul3A_47 = arith.constant 128 : i32
      %mul3A_48 = arith.muli %add3A_46, %mul3A_47 : i32
      %dma_start3A = tpu.memref_slice %arg4[%mul3A_48] : memref<327680xi32, #tpu.memory_space<hbm>> -> memref<128xi32, #tpu.memory_space<hbm>>
      %dma_start3A_49 = tpu.memref_slice %arg4[%mul3A_48] : memref<327680xi32, #tpu.memory_space<hbm>> -> memref<128xi32, #tpu.memory_space<hbm>>
      tpu.enqueue_dma source(%dma_start3A_49 : memref<128xi32, #tpu.memory_space<hbm>>) target(%arg7 : memref<128xi32, #tpu.memory_space<vmem>>) target_semaphore(%arg17 : memref<!tpu.dma_semaphore, #tpu.memory_space<semaphore_mem>>)
      %mul3A_50 = arith.constant 80 : i32
      %mul3A_51 = arith.muli %add3A, %mul3A_50 : i32
      %add3A_52 = arith.constant 1 : i32
      %add3A_53 = arith.addi %mul3A_51, %add3A_52 : i32
      %mul3A_54 = arith.constant 128 : i32
      %mul3A_55 = arith.muli %add3A_53, %mul3A_54 : i32
      %dma_start3A_56 = tpu.memref_slice %arg4[%mul3A_55] : memref<327680xi32, #tpu.memory_space<hbm>> -> memref<128xi32, #tpu.memory_space<hbm>>
      %dma_start3A_57 = tpu.memref_slice %arg4[%mul3A_55] : memref<327680xi32, #tpu.memory_space<hbm>> -> memref<128xi32, #tpu.memory_space<hbm>>
      tpu.enqueue_dma source(%dma_start3A_57 : memref<128xi32, #tpu.memory_space<hbm>>) target(%arg8 : memref<128xi32, #tpu.memory_space<vmem>>) target_semaphore(%arg18 : memref<!tpu.dma_semaphore, #tpu.memory_space<semaphore_mem>>)
      %mul3A_58 = arith.constant 80 : i32
      %mul3A_59 = arith.muli %add3A, %mul3A_58 : i32
      %add3A_60 = arith.constant 2 : i32
      %add3A_61 = arith.addi %mul3A_59, %add3A_60 : i32
      %mul3A_62 = arith.constant 128 : i32
      %mul3A_63 = arith.muli %add3A_61, %mul3A_62 : i32
      %dma_start3A_64 = tpu.memref_slice %arg4[%mul3A_63] : memref<327680xi32, #tpu.memory_space<hbm>> -> memref<128xi32, #tpu.memory_space<hbm>>
      %dma_start3A_65 = tpu.memref_slice %arg4[%mul3A_63] : memref<327680xi32, #tpu.memory_space<hbm>> -> memref<128xi32, #tpu.memory_space<hbm>>
      tpu.enqueue_dma source(%dma_start3A_65 : memref<128xi32, #tpu.memory_space<hbm>>) target(%arg9 : memref<128xi32, #tpu.memory_space<vmem>>) target_semaphore(%arg19 : memref<!tpu.dma_semaphore, #tpu.memory_space<semaphore_mem>>)
      %dma_start3A_66 = arith.constant 0 : i32
      %dma_start3A_67 = arith.constant 0 : i32
      %dma_start3A_68 = arith.constant 0 : i32
      %dma_start3A_69 = arith.constant 0 : i32
      %dma_start3A_70 = tpu.memref_slice %arg11[%dma_start3A_67, %dma_start3A_68, %dma_start3A_69] : memref<2x128x128xf32, #tpu.memory_space<vmem>> -> memref<1x128x128xf32, #tpu.memory_space<vmem>>
      %dma_start3A_71 = tpu.memref_squeeze %dma_start3A_70 : memref<1x128x128xf32, #tpu.memory_space<vmem>> -> memref<128x128xf32, #tpu.memory_space<vmem>>
      %dma_start3A_72 = arith.constant 0 : i32
      %dma_start3A_73 = tpu.memref_slice %arg6[%dma_start3A_66, %dma_start3A_72] : memref<80x128xi32, #tpu.memory_space<vmem>> -> memref<1x128xi32, #tpu.memory_space<vmem>>
      %dma_start3A_74 = tpu.memref_squeeze %dma_start3A_73 : memref<1x128xi32, #tpu.memory_space<vmem>> -> memref<128xi32, #tpu.memory_space<vmem>>
      %dma_start3A_75 = arith.constant 0 : i32
      %dma_start3A_76 = arith.constant 0 : i32
      %dma_start3A_77 = tpu.memref_slice %arg2[%dma_start3A_75, %dma_start3A_76] : memref<10000x128xf32, #tpu.memory_space<hbm>> -> memref<10000x128xf32, #tpu.memory_space<hbm>>
      tpu.enqueue_indirect_dma source(%dma_start3A_77 : memref<10000x128xf32, #tpu.memory_space<hbm>>) target(%dma_start3A_71 : memref<128x128xf32, #tpu.memory_space<vmem>>) offsets(%dma_start3A_74 : memref<128xi32, #tpu.memory_space<vmem>>) semaphore(%arg13 : memref<!tpu.dma_semaphore, #tpu.memory_space<semaphore_mem>>)
      %scan3A_78 = arith.constant 0 : i32
      %scan3A_79 = arith.constant 0 : i32
      %scan3A_80 = arith.constant 20 : i32
      %scan3A_81 = arith.addi %scan3A_79, %scan3A_80 : i32
      %scan3A_82 = arith.constant 1 : i32
      scf.for %scan3A_98 = %scan3A_79 to %scan3A_81 step %scan3A_82  : i32 {
        %mul3A_99 = arith.constant 4 : i32
        %mul3A_100 = arith.muli %scan3A_98, %mul3A_99 : i32
        %add3A_101 = arith.constant 0 : i32
        %add3A_102 = arith.addi %mul3A_100, %add3A_101 : i32
        %dma_wait3A_103 = arith.constant 0 : i32
        %dma_wait3A_104 = arith.constant 0 : i32
        %dma_wait3A_105 = arith.constant 0 : i32
        %dma_wait3A_106 = tpu.memref_slice %arg11[%dma_wait3A_103, %dma_wait3A_104, %dma_wait3A_105] : memref<2x128x128xf32, #tpu.memory_space<vmem>> -> memref<1x128x128xf32, #tpu.memory_space<vmem>>
        %dma_wait3A_107 = tpu.memref_squeeze %dma_wait3A_106 : memref<1x128x128xf32, #tpu.memory_space<vmem>> -> memref<128x128xf32, #tpu.memory_space<vmem>>
        %dma_wait3A_108 = arith.constant 0 : i32
        %dma_wait3A_109 = arith.constant 0 : i32
        %dma_wait3A_110 = tpu.memref_slice %arg2[%dma_wait3A_108, %dma_wait3A_109] : memref<10000x128xf32, #tpu.memory_space<hbm>> -> memref<128x128xf32, #tpu.memory_space<hbm>>
        %dma_wait3A_111 = arith.constant 0 : i32
        %dma_wait3A_112 = arith.constant 0 : i32
        %dma_wait3A_113 = tpu.memref_slice %arg11[%dma_wait3A_103, %dma_wait3A_111, %dma_wait3A_112] : memref<2x128x128xf32, #tpu.memory_space<vmem>> -> memref<1x128x128xf32, #tpu.memory_space<vmem>>
        %dma_wait3A_114 = tpu.memref_squeeze %dma_wait3A_113 : memref<1x128x128xf32, #tpu.memory_space<vmem>> -> memref<128x128xf32, #tpu.memory_space<vmem>>
        %dma_wait3A_115 = arith.constant 0 : i32
        %dma_wait3A_116 = arith.constant 0 : i32
        %dma_wait3A_117 = tpu.memref_slice %arg2[%dma_wait3A_115, %dma_wait3A_116] : memref<10000x128xf32, #tpu.memory_space<hbm>> -> memref<128x128xf32, #tpu.memory_space<hbm>>
        tpu.wait_dma2 semaphore(%arg13 : memref<!tpu.dma_semaphore, #tpu.memory_space<semaphore_mem>>) src(%dma_wait3A_117 : memref<128x128xf32, #tpu.memory_space<hbm>>) dst(%dma_wait3A_114 : memref<128x128xf32, #tpu.memory_space<vmem>>)
        %dma_wait3A_118 = arith.constant 0 : i32
        %dma_wait3A_119 = tpu.memref_slice %arg4[%dma_wait3A_118] : memref<327680xi32, #tpu.memory_space<hbm>> -> memref<128xi32, #tpu.memory_space<hbm>>
        %dma_wait3A_120 = arith.constant 0 : i32
        %dma_wait3A_121 = tpu.memref_slice %arg4[%dma_wait3A_120] : memref<327680xi32, #tpu.memory_space<hbm>> -> memref<128xi32, #tpu.memory_space<hbm>>
        tpu.wait_dma2 semaphore(%arg17 : memref<!tpu.dma_semaphore, #tpu.memory_space<semaphore_mem>>) src(%dma_wait3A_121 : memref<128xi32, #tpu.memory_space<hbm>>) dst(%arg7 : memref<128xi32, #tpu.memory_space<vmem>>)
        %dma_start3A_122 = arith.constant 0 : i32
        %dma_start3A_123 = arith.constant 0 : i32
        %dma_start3A_124 = arith.constant 0 : i32
        %dma_start3A_125 = tpu.memref_slice %arg11[%dma_start3A_122, %dma_start3A_123, %dma_start3A_124] : memref<2x128x128xf32, #tpu.memory_space<vmem>> -> memref<1x128x128xf32, #tpu.memory_space<vmem>>
        %dma_start3A_126 = tpu.memref_squeeze %dma_start3A_125 : memref<1x128x128xf32, #tpu.memory_space<vmem>> -> memref<128x128xf32, #tpu.memory_space<vmem>>
        %dma_start3A_127 = arith.constant 0 : i32
        %dma_start3A_128 = arith.constant 0 : i32
        %dma_start3A_129 = tpu.memref_slice %arg12[%dma_start3A_127, %dma_start3A_128] : memref<10000x128xf32, #tpu.memory_space<vmem_shared>> -> memref<10000x128xf32, #tpu.memory_space<vmem_shared>>
        tpu.enqueue_indirect_dma source(%dma_start3A_126 : memref<128x128xf32, #tpu.memory_space<vmem>>) target(%dma_start3A_129 : memref<10000x128xf32, #tpu.memory_space<vmem_shared>>) offsets(%arg7 : memref<128xi32, #tpu.memory_space<vmem>>) semaphore(%arg15 : memref<!tpu.dma_semaphore, #tpu.memory_space<semaphore_mem>>) {add = true}
        %gt3A = arith.constant 0 : i32
        %gt3A_130 = arith.cmpi sgt, %scan3A_98, %gt3A : i32
        %convert_element_type3A_131 = arith.extui %gt3A_130 : i1 to i32
        %cond3A_132 = arith.constant 0 : i32
        %cond3A_133 = arith.cmpi ne, %convert_element_type3A_131, %cond3A_132 : i32
        scf.if %cond3A_133 {
          %dma_wait3A_334 = arith.constant 0 : i32
          %dma_wait3A_335 = arith.constant 0 : i32
          %dma_wait3A_336 = arith.constant 0 : i32
          %dma_wait3A_337 = tpu.memref_slice %arg11[%dma_wait3A_334, %dma_wait3A_335, %dma_wait3A_336] : memref<2x128x128xf32, #tpu.memory_space<vmem>> -> memref<1x128x128xf32, #tpu.memory_space<vmem>>
          %dma_wait3A_338 = tpu.memref_squeeze %dma_wait3A_337 : memref<1x128x128xf32, #tpu.memory_space<vmem>> -> memref<128x128xf32, #tpu.memory_space<vmem>>
          %dma_wait3A_339 = arith.constant 0 : i32
          %dma_wait3A_340 = arith.constant 0 : i32
          %dma_wait3A_341 = tpu.memref_slice %arg2[%dma_wait3A_339, %dma_wait3A_340] : memref<10000x128xf32, #tpu.memory_space<hbm>> -> memref<128x128xf32, #tpu.memory_space<hbm>>
          %dma_wait3A_342 = arith.constant 0 : i32
          %dma_wait3A_343 = arith.constant 0 : i32
          %dma_wait3A_344 = tpu.memref_slice %arg11[%dma_wait3A_334, %dma_wait3A_342, %dma_wait3A_343] : memref<2x128x128xf32, #tpu.memory_space<vmem>> -> memref<1x128x128xf32, #tpu.memory_space<vmem>>
          %dma_wait3A_345 = tpu.memref_squeeze %dma_wait3A_344 : memref<1x128x128xf32, #tpu.memory_space<vmem>> -> memref<128x128xf32, #tpu.memory_space<vmem>>
          %dma_wait3A_346 = arith.constant 0 : i32
          %dma_wait3A_347 = arith.constant 0 : i32
          %dma_wait3A_348 = tpu.memref_slice %arg2[%dma_wait3A_346, %dma_wait3A_347] : memref<10000x128xf32, #tpu.memory_space<hbm>> -> memref<128x128xf32, #tpu.memory_space<hbm>>
          tpu.wait_dma2 semaphore(%arg16 : memref<!tpu.dma_semaphore, #tpu.memory_space<semaphore_mem>>) src(%dma_wait3A_348 : memref<128x128xf32, #tpu.memory_space<hbm>>) dst(%dma_wait3A_345 : memref<128x128xf32, #tpu.memory_space<vmem>>)
        } else {
        }
        %add3A_134 = arith.constant 3 : i32
        %add3A_135 = arith.addi %add3A_102, %add3A_134 : i32
        %mul3A_136 = arith.constant 80 : i32
        %mul3A_137 = arith.muli %add3A, %mul3A_136 : i32
        %add3A_138 = arith.addi %mul3A_137, %add3A_135 : i32
        %mul3A_139 = arith.constant 128 : i32
        %mul3A_140 = arith.muli %add3A_138, %mul3A_139 : i32
        %dma_start3A_141 = tpu.memref_slice %arg4[%mul3A_140] : memref<327680xi32, #tpu.memory_space<hbm>> -> memref<128xi32, #tpu.memory_space<hbm>>
        %dma_start3A_142 = tpu.memref_slice %arg4[%mul3A_140] : memref<327680xi32, #tpu.memory_space<hbm>> -> memref<128xi32, #tpu.memory_space<hbm>>
        tpu.enqueue_dma source(%dma_start3A_142 : memref<128xi32, #tpu.memory_space<hbm>>) target(%arg10 : memref<128xi32, #tpu.memory_space<vmem>>) target_semaphore(%arg20 : memref<!tpu.dma_semaphore, #tpu.memory_space<semaphore_mem>>)
        %add3A_143 = arith.constant 1 : i32
        %add3A_144 = arith.addi %add3A_102, %add3A_143 : i32
        %dma_start3A_145 = arith.constant 1 : i32
        %dma_start3A_146 = arith.constant 0 : i32
        %dma_start3A_147 = arith.constant 0 : i32
        %dma_start3A_148 = tpu.memref_slice %arg11[%dma_start3A_145, %dma_start3A_146, %dma_start3A_147] : memref<2x128x128xf32, #tpu.memory_space<vmem>> -> memref<1x128x128xf32, #tpu.memory_space<vmem>>
        %dma_start3A_149 = tpu.memref_squeeze %dma_start3A_148 : memref<1x128x128xf32, #tpu.memory_space<vmem>> -> memref<128x128xf32, #tpu.memory_space<vmem>>
        %dma_start3A_150 = arith.constant 0 : i32
        %dma_start3A_151 = tpu.memref_slice %arg6[%add3A_144, %dma_start3A_150] : memref<80x128xi32, #tpu.memory_space<vmem>> -> memref<1x128xi32, #tpu.memory_space<vmem>>
        %dma_start3A_152 = tpu.memref_squeeze %dma_start3A_151 : memref<1x128xi32, #tpu.memory_space<vmem>> -> memref<128xi32, #tpu.memory_space<vmem>>
        %dma_start3A_153 = arith.constant 0 : i32
        %dma_start3A_154 = arith.constant 0 : i32
        %dma_start3A_155 = tpu.memref_slice %arg2[%dma_start3A_153, %dma_start3A_154] : memref<10000x128xf32, #tpu.memory_space<hbm>> -> memref<10000x128xf32, #tpu.memory_space<hbm>>
        tpu.enqueue_indirect_dma source(%dma_start3A_155 : memref<10000x128xf32, #tpu.memory_space<hbm>>) target(%dma_start3A_149 : memref<128x128xf32, #tpu.memory_space<vmem>>) offsets(%dma_start3A_152 : memref<128xi32, #tpu.memory_space<vmem>>) semaphore(%arg14 : memref<!tpu.dma_semaphore, #tpu.memory_space<semaphore_mem>>)
        %add3A_156 = arith.constant 1 : i32
        %add3A_157 = arith.addi %mul3A_100, %add3A_156 : i32
        %dma_wait3A_158 = arith.constant 1 : i32
        %dma_wait3A_159 = arith.constant 0 : i32
        %dma_wait3A_160 = arith.constant 0 : i32
        %dma_wait3A_161 = tpu.memref_slice %arg11[%dma_wait3A_158, %dma_wait3A_159, %dma_wait3A_160] : memref<2x128x128xf32, #tpu.memory_space<vmem>> -> memref<1x128x128xf32, #tpu.memory_space<vmem>>
        %dma_wait3A_162 = tpu.memref_squeeze %dma_wait3A_161 : memref<1x128x128xf32, #tpu.memory_space<vmem>> -> memref<128x128xf32, #tpu.memory_space<vmem>>
        %dma_wait3A_163 = arith.constant 0 : i32
        %dma_wait3A_164 = arith.constant 0 : i32
        %dma_wait3A_165 = tpu.memref_slice %arg2[%dma_wait3A_163, %dma_wait3A_164] : memref<10000x128xf32, #tpu.memory_space<hbm>> -> memref<128x128xf32, #tpu.memory_space<hbm>>
        %dma_wait3A_166 = arith.constant 0 : i32
        %dma_wait3A_167 = arith.constant 0 : i32
        %dma_wait3A_168 = tpu.memref_slice %arg11[%dma_wait3A_158, %dma_wait3A_166, %dma_wait3A_167] : memref<2x128x128xf32, #tpu.memory_space<vmem>> -> memref<1x128x128xf32, #tpu.memory_space<vmem>>
        %dma_wait3A_169 = tpu.memref_squeeze %dma_wait3A_168 : memref<1x128x128xf32, #tpu.memory_space<vmem>> -> memref<128x128xf32, #tpu.memory_space<vmem>>
        %dma_wait3A_170 = arith.constant 0 : i32
        %dma_wait3A_171 = arith.constant 0 : i32
        %dma_wait3A_172 = tpu.memref_slice %arg2[%dma_wait3A_170, %dma_wait3A_171] : memref<10000x128xf32, #tpu.memory_space<hbm>> -> memref<128x128xf32, #tpu.memory_space<hbm>>
        tpu.wait_dma2 semaphore(%arg14 : memref<!tpu.dma_semaphore, #tpu.memory_space<semaphore_mem>>) src(%dma_wait3A_172 : memref<128x128xf32, #tpu.memory_space<hbm>>) dst(%dma_wait3A_169 : memref<128x128xf32, #tpu.memory_space<vmem>>)
        %dma_wait3A_173 = arith.constant 0 : i32
        %dma_wait3A_174 = tpu.memref_slice %arg4[%dma_wait3A_173] : memref<327680xi32, #tpu.memory_space<hbm>> -> memref<128xi32, #tpu.memory_space<hbm>>
        %dma_wait3A_175 = arith.constant 0 : i32
        %dma_wait3A_176 = tpu.memref_slice %arg4[%dma_wait3A_175] : memref<327680xi32, #tpu.memory_space<hbm>> -> memref<128xi32, #tpu.memory_space<hbm>>
        tpu.wait_dma2 semaphore(%arg18 : memref<!tpu.dma_semaphore, #tpu.memory_space<semaphore_mem>>) src(%dma_wait3A_176 : memref<128xi32, #tpu.memory_space<hbm>>) dst(%arg8 : memref<128xi32, #tpu.memory_space<vmem>>)
        %dma_start3A_177 = arith.constant 1 : i32
        %dma_start3A_178 = arith.constant 0 : i32
        %dma_start3A_179 = arith.constant 0 : i32
        %dma_start3A_180 = tpu.memref_slice %arg11[%dma_start3A_177, %dma_start3A_178, %dma_start3A_179] : memref<2x128x128xf32, #tpu.memory_space<vmem>> -> memref<1x128x128xf32, #tpu.memory_space<vmem>>
        %dma_start3A_181 = tpu.memref_squeeze %dma_start3A_180 : memref<1x128x128xf32, #tpu.memory_space<vmem>> -> memref<128x128xf32, #tpu.memory_space<vmem>>
        %dma_start3A_182 = arith.constant 0 : i32
        %dma_start3A_183 = arith.constant 0 : i32
        %dma_start3A_184 = tpu.memref_slice %arg12[%dma_start3A_182, %dma_start3A_183] : memref<10000x128xf32, #tpu.memory_space<vmem_shared>> -> memref<10000x128xf32, #tpu.memory_space<vmem_shared>>
        tpu.enqueue_indirect_dma source(%dma_start3A_181 : memref<128x128xf32, #tpu.memory_space<vmem>>) target(%dma_start3A_184 : memref<10000x128xf32, #tpu.memory_space<vmem_shared>>) offsets(%arg8 : memref<128xi32, #tpu.memory_space<vmem>>) semaphore(%arg16 : memref<!tpu.dma_semaphore, #tpu.memory_space<semaphore_mem>>) {add = true}
        %dma_wait3A_185 = arith.constant 0 : i32
        %dma_wait3A_186 = arith.constant 0 : i32
        %dma_wait3A_187 = arith.constant 0 : i32
        %dma_wait3A_188 = tpu.memref_slice %arg11[%dma_wait3A_185, %dma_wait3A_186, %dma_wait3A_187] : memref<2x128x128xf32, #tpu.memory_space<vmem>> -> memref<1x128x128xf32, #tpu.memory_space<vmem>>
        %dma_wait3A_189 = tpu.memref_squeeze %dma_wait3A_188 : memref<1x128x128xf32, #tpu.memory_space<vmem>> -> memref<128x128xf32, #tpu.memory_space<vmem>>
        %dma_wait3A_190 = arith.constant 0 : i32
        %dma_wait3A_191 = arith.constant 0 : i32
        %dma_wait3A_192 = tpu.memref_slice %arg2[%dma_wait3A_190, %dma_wait3A_191] : memref<10000x128xf32, #tpu.memory_space<hbm>> -> memref<128x128xf32, #tpu.memory_space<hbm>>
        %dma_wait3A_193 = arith.constant 0 : i32
        %dma_wait3A_194 = arith.constant 0 : i32
        %dma_wait3A_195 = tpu.memref_slice %arg11[%dma_wait3A_185, %dma_wait3A_193, %dma_wait3A_194] : memref<2x128x128xf32, #tpu.memory_space<vmem>> -> memref<1x128x128xf32, #tpu.memory_space<vmem>>
        %dma_wait3A_196 = tpu.memref_squeeze %dma_wait3A_195 : memref<1x128x128xf32, #tpu.memory_space<vmem>> -> memref<128x128xf32, #tpu.memory_space<vmem>>
        %dma_wait3A_197 = arith.constant 0 : i32
        %dma_wait3A_198 = arith.constant 0 : i32
        %dma_wait3A_199 = tpu.memref_slice %arg2[%dma_wait3A_197, %dma_wait3A_198] : memref<10000x128xf32, #tpu.memory_space<hbm>> -> memref<128x128xf32, #tpu.memory_space<hbm>>
        tpu.wait_dma2 semaphore(%arg15 : memref<!tpu.dma_semaphore, #tpu.memory_space<semaphore_mem>>) src(%dma_wait3A_199 : memref<128x128xf32, #tpu.memory_space<hbm>>) dst(%dma_wait3A_196 : memref<128x128xf32, #tpu.memory_space<vmem>>)
        %lt3A_200 = arith.constant 19 : i32
        %lt3A_201 = arith.cmpi slt, %scan3A_98, %lt3A_200 : i32
        %convert_element_type3A_202 = arith.extui %lt3A_201 : i1 to i32
        %cond3A_203 = arith.constant 0 : i32
        %cond3A_204 = arith.cmpi ne, %convert_element_type3A_202, %cond3A_203 : i32
        scf.if %cond3A_204 {
          %add3A_334 = arith.constant 3 : i32
          %add3A_335 = arith.addi %add3A_157, %add3A_334 : i32
          %mul3A_336 = arith.constant 80 : i32
          %mul3A_337 = arith.muli %add3A, %mul3A_336 : i32
          %add3A_338 = arith.addi %mul3A_337, %add3A_335 : i32
          %mul3A_339 = arith.constant 128 : i32
          %mul3A_340 = arith.muli %add3A_338, %mul3A_339 : i32
          %dma_start3A_341 = tpu.memref_slice %arg4[%mul3A_340] : memref<327680xi32, #tpu.memory_space<hbm>> -> memref<128xi32, #tpu.memory_space<hbm>>
          %dma_start3A_342 = tpu.memref_slice %arg4[%mul3A_340] : memref<327680xi32, #tpu.memory_space<hbm>> -> memref<128xi32, #tpu.memory_space<hbm>>
          tpu.enqueue_dma source(%dma_start3A_342 : memref<128xi32, #tpu.memory_space<hbm>>) target(%arg7 : memref<128xi32, #tpu.memory_space<vmem>>) target_semaphore(%arg17 : memref<!tpu.dma_semaphore, #tpu.memory_space<semaphore_mem>>)
        } else {
        }
        %add3A_205 = arith.constant 1 : i32
        %add3A_206 = arith.addi %add3A_157, %add3A_205 : i32
        %dma_start3A_207 = arith.constant 0 : i32
        %dma_start3A_208 = arith.constant 0 : i32
        %dma_start3A_209 = arith.constant 0 : i32
        %dma_start3A_210 = tpu.memref_slice %arg11[%dma_start3A_207, %dma_start3A_208, %dma_start3A_209] : memref<2x128x128xf32, #tpu.memory_space<vmem>> -> memref<1x128x128xf32, #tpu.memory_space<vmem>>
        %dma_start3A_211 = tpu.memref_squeeze %dma_start3A_210 : memref<1x128x128xf32, #tpu.memory_space<vmem>> -> memref<128x128xf32, #tpu.memory_space<vmem>>
        %dma_start3A_212 = arith.constant 0 : i32
        %dma_start3A_213 = tpu.memref_slice %arg6[%add3A_206, %dma_start3A_212] : memref<80x128xi32, #tpu.memory_space<vmem>> -> memref<1x128xi32, #tpu.memory_space<vmem>>
        %dma_start3A_214 = tpu.memref_squeeze %dma_start3A_213 : memref<1x128xi32, #tpu.memory_space<vmem>> -> memref<128xi32, #tpu.memory_space<vmem>>
        %dma_start3A_215 = arith.constant 0 : i32
        %dma_start3A_216 = arith.constant 0 : i32
        %dma_start3A_217 = tpu.memref_slice %arg2[%dma_start3A_215, %dma_start3A_216] : memref<10000x128xf32, #tpu.memory_space<hbm>> -> memref<10000x128xf32, #tpu.memory_space<hbm>>
        tpu.enqueue_indirect_dma source(%dma_start3A_217 : memref<10000x128xf32, #tpu.memory_space<hbm>>) target(%dma_start3A_211 : memref<128x128xf32, #tpu.memory_space<vmem>>) offsets(%dma_start3A_214 : memref<128xi32, #tpu.memory_space<vmem>>) semaphore(%arg13 : memref<!tpu.dma_semaphore, #tpu.memory_space<semaphore_mem>>)
        %add3A_218 = arith.constant 2 : i32
        %add3A_219 = arith.addi %mul3A_100, %add3A_218 : i32
        %dma_wait3A_220 = arith.constant 0 : i32
        %dma_wait3A_221 = arith.constant 0 : i32
        %dma_wait3A_222 = arith.constant 0 : i32
        %dma_wait3A_223 = tpu.memref_slice %arg11[%dma_wait3A_220, %dma_wait3A_221, %dma_wait3A_222] : memref<2x128x128xf32, #tpu.memory_space<vmem>> -> memref<1x128x128xf32, #tpu.memory_space<vmem>>
        %dma_wait3A_224 = tpu.memref_squeeze %dma_wait3A_223 : memref<1x128x128xf32, #tpu.memory_space<vmem>> -> memref<128x128xf32, #tpu.memory_space<vmem>>
        %dma_wait3A_225 = arith.constant 0 : i32
        %dma_wait3A_226 = arith.constant 0 : i32
        %dma_wait3A_227 = tpu.memref_slice %arg2[%dma_wait3A_225, %dma_wait3A_226] : memref<10000x128xf32, #tpu.memory_space<hbm>> -> memref<128x128xf32, #tpu.memory_space<hbm>>
        %dma_wait3A_228 = arith.constant 0 : i32
        %dma_wait3A_229 = arith.constant 0 : i32
        %dma_wait3A_230 = tpu.memref_slice %arg11[%dma_wait3A_220, %dma_wait3A_228, %dma_wait3A_229] : memref<2x128x128xf32, #tpu.memory_space<vmem>> -> memref<1x128x128xf32, #tpu.memory_space<vmem>>
        %dma_wait3A_231 = tpu.memref_squeeze %dma_wait3A_230 : memref<1x128x128xf32, #tpu.memory_space<vmem>> -> memref<128x128xf32, #tpu.memory_space<vmem>>
        %dma_wait3A_232 = arith.constant 0 : i32
        %dma_wait3A_233 = arith.constant 0 : i32
        %dma_wait3A_234 = tpu.memref_slice %arg2[%dma_wait3A_232, %dma_wait3A_233] : memref<10000x128xf32, #tpu.memory_space<hbm>> -> memref<128x128xf32, #tpu.memory_space<hbm>>
        tpu.wait_dma2 semaphore(%arg13 : memref<!tpu.dma_semaphore, #tpu.memory_space<semaphore_mem>>) src(%dma_wait3A_234 : memref<128x128xf32, #tpu.memory_space<hbm>>) dst(%dma_wait3A_231 : memref<128x128xf32, #tpu.memory_space<vmem>>)
        %dma_wait3A_235 = arith.constant 0 : i32
        %dma_wait3A_236 = tpu.memref_slice %arg4[%dma_wait3A_235] : memref<327680xi32, #tpu.memory_space<hbm>> -> memref<128xi32, #tpu.memory_space<hbm>>
        %dma_wait3A_237 = arith.constant 0 : i32
        %dma_wait3A_238 = tpu.memref_slice %arg4[%dma_wait3A_237] : memref<327680xi32, #tpu.memory_space<hbm>> -> memref<128xi32, #tpu.memory_space<hbm>>
        tpu.wait_dma2 semaphore(%arg19 : memref<!tpu.dma_semaphore, #tpu.memory_space<semaphore_mem>>) src(%dma_wait3A_238 : memref<128xi32, #tpu.memory_space<hbm>>) dst(%arg9 : memref<128xi32, #tpu.memory_space<vmem>>)
        %dma_start3A_239 = arith.constant 0 : i32
        %dma_start3A_240 = arith.constant 0 : i32
        %dma_start3A_241 = arith.constant 0 : i32
        %dma_start3A_242 = tpu.memref_slice %arg11[%dma_start3A_239, %dma_start3A_240, %dma_start3A_241] : memref<2x128x128xf32, #tpu.memory_space<vmem>> -> memref<1x128x128xf32, #tpu.memory_space<vmem>>
        %dma_start3A_243 = tpu.memref_squeeze %dma_start3A_242 : memref<1x128x128xf32, #tpu.memory_space<vmem>> -> memref<128x128xf32, #tpu.memory_space<vmem>>
        %dma_start3A_244 = arith.constant 0 : i32
        %dma_start3A_245 = arith.constant 0 : i32
        %dma_start3A_246 = tpu.memref_slice %arg12[%dma_start3A_244, %dma_start3A_245] : memref<10000x128xf32, #tpu.memory_space<vmem_shared>> -> memref<10000x128xf32, #tpu.memory_space<vmem_shared>>
        tpu.enqueue_indirect_dma source(%dma_start3A_243 : memref<128x128xf32, #tpu.memory_space<vmem>>) target(%dma_start3A_246 : memref<10000x128xf32, #tpu.memory_space<vmem_shared>>) offsets(%arg9 : memref<128xi32, #tpu.memory_space<vmem>>) semaphore(%arg15 : memref<!tpu.dma_semaphore, #tpu.memory_space<semaphore_mem>>) {add = true}
        %dma_wait3A_247 = arith.constant 0 : i32
        %dma_wait3A_248 = arith.constant 0 : i32
        %dma_wait3A_249 = arith.constant 0 : i32
        %dma_wait3A_250 = tpu.memref_slice %arg11[%dma_wait3A_247, %dma_wait3A_248, %dma_wait3A_249] : memref<2x128x128xf32, #tpu.memory_space<vmem>> -> memref<1x128x128xf32, #tpu.memory_space<vmem>>
        %dma_wait3A_251 = tpu.memref_squeeze %dma_wait3A_250 : memref<1x128x128xf32, #tpu.memory_space<vmem>> -> memref<128x128xf32, #tpu.memory_space<vmem>>
        %dma_wait3A_252 = arith.constant 0 : i32
        %dma_wait3A_253 = arith.constant 0 : i32
        %dma_wait3A_254 = tpu.memref_slice %arg2[%dma_wait3A_252, %dma_wait3A_253] : memref<10000x128xf32, #tpu.memory_space<hbm>> -> memref<128x128xf32, #tpu.memory_space<hbm>>
        %dma_wait3A_255 = arith.constant 0 : i32
        %dma_wait3A_256 = arith.constant 0 : i32
        %dma_wait3A_257 = tpu.memref_slice %arg11[%dma_wait3A_247, %dma_wait3A_255, %dma_wait3A_256] : memref<2x128x128xf32, #tpu.memory_space<vmem>> -> memref<1x128x128xf32, #tpu.memory_space<vmem>>
        %dma_wait3A_258 = tpu.memref_squeeze %dma_wait3A_257 : memref<1x128x128xf32, #tpu.memory_space<vmem>> -> memref<128x128xf32, #tpu.memory_space<vmem>>
        %dma_wait3A_259 = arith.constant 0 : i32
        %dma_wait3A_260 = arith.constant 0 : i32
        %dma_wait3A_261 = tpu.memref_slice %arg2[%dma_wait3A_259, %dma_wait3A_260] : memref<10000x128xf32, #tpu.memory_space<hbm>> -> memref<128x128xf32, #tpu.memory_space<hbm>>
        tpu.wait_dma2 semaphore(%arg16 : memref<!tpu.dma_semaphore, #tpu.memory_space<semaphore_mem>>) src(%dma_wait3A_261 : memref<128x128xf32, #tpu.memory_space<hbm>>) dst(%dma_wait3A_258 : memref<128x128xf32, #tpu.memory_space<vmem>>)
        %lt3A_262 = arith.constant 19 : i32
        %lt3A_263 = arith.cmpi slt, %scan3A_98, %lt3A_262 : i32
        %convert_element_type3A_264 = arith.extui %lt3A_263 : i1 to i32
        %cond3A_265 = arith.constant 0 : i32
        %cond3A_266 = arith.cmpi ne, %convert_element_type3A_264, %cond3A_265 : i32
        scf.if %cond3A_266 {
          %add3A_334 = arith.constant 3 : i32
          %add3A_335 = arith.addi %add3A_219, %add3A_334 : i32
          %mul3A_336 = arith.constant 80 : i32
          %mul3A_337 = arith.muli %add3A, %mul3A_336 : i32
          %add3A_338 = arith.addi %mul3A_337, %add3A_335 : i32
          %mul3A_339 = arith.constant 128 : i32
          %mul3A_340 = arith.muli %add3A_338, %mul3A_339 : i32
          %dma_start3A_341 = tpu.memref_slice %arg4[%mul3A_340] : memref<327680xi32, #tpu.memory_space<hbm>> -> memref<128xi32, #tpu.memory_space<hbm>>
          %dma_start3A_342 = tpu.memref_slice %arg4[%mul3A_340] : memref<327680xi32, #tpu.memory_space<hbm>> -> memref<128xi32, #tpu.memory_space<hbm>>
          tpu.enqueue_dma source(%dma_start3A_342 : memref<128xi32, #tpu.memory_space<hbm>>) target(%arg8 : memref<128xi32, #tpu.memory_space<vmem>>) target_semaphore(%arg18 : memref<!tpu.dma_semaphore, #tpu.memory_space<semaphore_mem>>)
        } else {
        }
        %add3A_267 = arith.constant 1 : i32
        %add3A_268 = arith.addi %add3A_219, %add3A_267 : i32
        %dma_start3A_269 = arith.constant 1 : i32
        %dma_start3A_270 = arith.constant 0 : i32
        %dma_start3A_271 = arith.constant 0 : i32
        %dma_start3A_272 = tpu.memref_slice %arg11[%dma_start3A_269, %dma_start3A_270, %dma_start3A_271] : memref<2x128x128xf32, #tpu.memory_space<vmem>> -> memref<1x128x128xf32, #tpu.memory_space<vmem>>
        %dma_start3A_273 = tpu.memref_squeeze %dma_start3A_272 : memref<1x128x128xf32, #tpu.memory_space<vmem>> -> memref<128x128xf32, #tpu.memory_space<vmem>>
        %dma_start3A_274 = arith.constant 0 : i32
        %dma_start3A_275 = tpu.memref_slice %arg6[%add3A_268, %dma_start3A_274] : memref<80x128xi32, #tpu.memory_space<vmem>> -> memref<1x128xi32, #tpu.memory_space<vmem>>
        %dma_start3A_276 = tpu.memref_squeeze %dma_start3A_275 : memref<1x128xi32, #tpu.memory_space<vmem>> -> memref<128xi32, #tpu.memory_space<vmem>>
        %dma_start3A_277 = arith.constant 0 : i32
        %dma_start3A_278 = arith.constant 0 : i32
        %dma_start3A_279 = tpu.memref_slice %arg2[%dma_start3A_277, %dma_start3A_278] : memref<10000x128xf32, #tpu.memory_space<hbm>> -> memref<10000x128xf32, #tpu.memory_space<hbm>>
        tpu.enqueue_indirect_dma source(%dma_start3A_279 : memref<10000x128xf32, #tpu.memory_space<hbm>>) target(%dma_start3A_273 : memref<128x128xf32, #tpu.memory_space<vmem>>) offsets(%dma_start3A_276 : memref<128xi32, #tpu.memory_space<vmem>>) semaphore(%arg14 : memref<!tpu.dma_semaphore, #tpu.memory_space<semaphore_mem>>)
        %add3A_280 = arith.constant 3 : i32
        %add3A_281 = arith.addi %mul3A_100, %add3A_280 : i32
        %dma_wait3A_282 = arith.constant 1 : i32
        %dma_wait3A_283 = arith.constant 0 : i32
        %dma_wait3A_284 = arith.constant 0 : i32
        %dma_wait3A_285 = tpu.memref_slice %arg11[%dma_wait3A_282, %dma_wait3A_283, %dma_wait3A_284] : memref<2x128x128xf32, #tpu.memory_space<vmem>> -> memref<1x128x128xf32, #tpu.memory_space<vmem>>
        %dma_wait3A_286 = tpu.memref_squeeze %dma_wait3A_285 : memref<1x128x128xf32, #tpu.memory_space<vmem>> -> memref<128x128xf32, #tpu.memory_space<vmem>>
        %dma_wait3A_287 = arith.constant 0 : i32
        %dma_wait3A_288 = arith.constant 0 : i32
        %dma_wait3A_289 = tpu.memref_slice %arg2[%dma_wait3A_287, %dma_wait3A_288] : memref<10000x128xf32, #tpu.memory_space<hbm>> -> memref<128x128xf32, #tpu.memory_space<hbm>>
        %dma_wait3A_290 = arith.constant 0 : i32
        %dma_wait3A_291 = arith.constant 0 : i32
        %dma_wait3A_292 = tpu.memref_slice %arg11[%dma_wait3A_282, %dma_wait3A_290, %dma_wait3A_291] : memref<2x128x128xf32, #tpu.memory_space<vmem>> -> memref<1x128x128xf32, #tpu.memory_space<vmem>>
        %dma_wait3A_293 = tpu.memref_squeeze %dma_wait3A_292 : memref<1x128x128xf32, #tpu.memory_space<vmem>> -> memref<128x128xf32, #tpu.memory_space<vmem>>
        %dma_wait3A_294 = arith.constant 0 : i32
        %dma_wait3A_295 = arith.constant 0 : i32
        %dma_wait3A_296 = tpu.memref_slice %arg2[%dma_wait3A_294, %dma_wait3A_295] : memref<10000x128xf32, #tpu.memory_space<hbm>> -> memref<128x128xf32, #tpu.memory_space<hbm>>
        tpu.wait_dma2 semaphore(%arg14 : memref<!tpu.dma_semaphore, #tpu.memory_space<semaphore_mem>>) src(%dma_wait3A_296 : memref<128x128xf32, #tpu.memory_space<hbm>>) dst(%dma_wait3A_293 : memref<128x128xf32, #tpu.memory_space<vmem>>)
        %dma_wait3A_297 = arith.constant 0 : i32
        %dma_wait3A_298 = tpu.memref_slice %arg4[%dma_wait3A_297] : memref<327680xi32, #tpu.memory_space<hbm>> -> memref<128xi32, #tpu.memory_space<hbm>>
        %dma_wait3A_299 = arith.constant 0 : i32
        %dma_wait3A_300 = tpu.memref_slice %arg4[%dma_wait3A_299] : memref<327680xi32, #tpu.memory_space<hbm>> -> memref<128xi32, #tpu.memory_space<hbm>>
        tpu.wait_dma2 semaphore(%arg20 : memref<!tpu.dma_semaphore, #tpu.memory_space<semaphore_mem>>) src(%dma_wait3A_300 : memref<128xi32, #tpu.memory_space<hbm>>) dst(%arg10 : memref<128xi32, #tpu.memory_space<vmem>>)
        %dma_start3A_301 = arith.constant 1 : i32
        %dma_start3A_302 = arith.constant 0 : i32
        %dma_start3A_303 = arith.constant 0 : i32
        %dma_start3A_304 = tpu.memref_slice %arg11[%dma_start3A_301, %dma_start3A_302, %dma_start3A_303] : memref<2x128x128xf32, #tpu.memory_space<vmem>> -> memref<1x128x128xf32, #tpu.memory_space<vmem>>
        %dma_start3A_305 = tpu.memref_squeeze %dma_start3A_304 : memref<1x128x128xf32, #tpu.memory_space<vmem>> -> memref<128x128xf32, #tpu.memory_space<vmem>>
        %dma_start3A_306 = arith.constant 0 : i32
        %dma_start3A_307 = arith.constant 0 : i32
        %dma_start3A_308 = tpu.memref_slice %arg12[%dma_start3A_306, %dma_start3A_307] : memref<10000x128xf32, #tpu.memory_space<vmem_shared>> -> memref<10000x128xf32, #tpu.memory_space<vmem_shared>>
        tpu.enqueue_indirect_dma source(%dma_start3A_305 : memref<128x128xf32, #tpu.memory_space<vmem>>) target(%dma_start3A_308 : memref<10000x128xf32, #tpu.memory_space<vmem_shared>>) offsets(%arg10 : memref<128xi32, #tpu.memory_space<vmem>>) semaphore(%arg16 : memref<!tpu.dma_semaphore, #tpu.memory_space<semaphore_mem>>) {add = true}
        %dma_wait3A_309 = arith.constant 0 : i32
        %dma_wait3A_310 = arith.constant 0 : i32
        %dma_wait3A_311 = arith.constant 0 : i32
        %dma_wait3A_312 = tpu.memref_slice %arg11[%dma_wait3A_309, %dma_wait3A_310, %dma_wait3A_311] : memref<2x128x128xf32, #tpu.memory_space<vmem>> -> memref<1x128x128xf32, #tpu.memory_space<vmem>>
        %dma_wait3A_313 = tpu.memref_squeeze %dma_wait3A_312 : memref<1x128x128xf32, #tpu.memory_space<vmem>> -> memref<128x128xf32, #tpu.memory_space<vmem>>
        %dma_wait3A_314 = arith.constant 0 : i32
        %dma_wait3A_315 = arith.constant 0 : i32
        %dma_wait3A_316 = tpu.memref_slice %arg2[%dma_wait3A_314, %dma_wait3A_315] : memref<10000x128xf32, #tpu.memory_space<hbm>> -> memref<128x128xf32, #tpu.memory_space<hbm>>
        %dma_wait3A_317 = arith.constant 0 : i32
        %dma_wait3A_318 = arith.constant 0 : i32
        %dma_wait3A_319 = tpu.memref_slice %arg11[%dma_wait3A_309, %dma_wait3A_317, %dma_wait3A_318] : memref<2x128x128xf32, #tpu.memory_space<vmem>> -> memref<1x128x128xf32, #tpu.memory_space<vmem>>
        %dma_wait3A_320 = tpu.memref_squeeze %dma_wait3A_319 : memref<1x128x128xf32, #tpu.memory_space<vmem>> -> memref<128x128xf32, #tpu.memory_space<vmem>>
        %dma_wait3A_321 = arith.constant 0 : i32
        %dma_wait3A_322 = arith.constant 0 : i32
        %dma_wait3A_323 = tpu.memref_slice %arg2[%dma_wait3A_321, %dma_wait3A_322] : memref<10000x128xf32, #tpu.memory_space<hbm>> -> memref<128x128xf32, #tpu.memory_space<hbm>>
        tpu.wait_dma2 semaphore(%arg15 : memref<!tpu.dma_semaphore, #tpu.memory_space<semaphore_mem>>) src(%dma_wait3A_323 : memref<128x128xf32, #tpu.memory_space<hbm>>) dst(%dma_wait3A_320 : memref<128x128xf32, #tpu.memory_space<vmem>>)
        %lt3A_324 = arith.constant 19 : i32
        %lt3A_325 = arith.cmpi slt, %scan3A_98, %lt3A_324 : i32
        %convert_element_type3A_326 = arith.extui %lt3A_325 : i1 to i32
        %cond3A_327 = arith.constant 0 : i32
        %cond3A_328 = arith.cmpi ne, %convert_element_type3A_326, %cond3A_327 : i32
        scf.if %cond3A_328 {
          %add3A_334 = arith.constant 3 : i32
          %add3A_335 = arith.addi %add3A_281, %add3A_334 : i32
          %mul3A_336 = arith.constant 80 : i32
          %mul3A_337 = arith.muli %add3A, %mul3A_336 : i32
          %add3A_338 = arith.addi %mul3A_337, %add3A_335 : i32
          %mul3A_339 = arith.constant 128 : i32
          %mul3A_340 = arith.muli %add3A_338, %mul3A_339 : i32
          %dma_start3A_341 = tpu.memref_slice %arg4[%mul3A_340] : memref<327680xi32, #tpu.memory_space<hbm>> -> memref<128xi32, #tpu.memory_space<hbm>>
          %dma_start3A_342 = tpu.memref_slice %arg4[%mul3A_340] : memref<327680xi32, #tpu.memory_space<hbm>> -> memref<128xi32, #tpu.memory_space<hbm>>
          tpu.enqueue_dma source(%dma_start3A_342 : memref<128xi32, #tpu.memory_space<hbm>>) target(%arg9 : memref<128xi32, #tpu.memory_space<vmem>>) target_semaphore(%arg19 : memref<!tpu.dma_semaphore, #tpu.memory_space<semaphore_mem>>)
        } else {
        }
        %lt3A_329 = arith.constant 19 : i32
        %lt3A_330 = arith.cmpi slt, %scan3A_98, %lt3A_329 : i32
        %convert_element_type3A_331 = arith.extui %lt3A_330 : i1 to i32
        %cond3A_332 = arith.constant 0 : i32
        %cond3A_333 = arith.cmpi ne, %convert_element_type3A_331, %cond3A_332 : i32
        scf.if %cond3A_333 {
          %add3A_334 = arith.constant 1 : i32
          %add3A_335 = arith.addi %add3A_281, %add3A_334 : i32
          %dma_start3A_336 = arith.constant 0 : i32
          %dma_start3A_337 = arith.constant 0 : i32
          %dma_start3A_338 = arith.constant 0 : i32
          %dma_start3A_339 = tpu.memref_slice %arg11[%dma_start3A_336, %dma_start3A_337, %dma_start3A_338] : memref<2x128x128xf32, #tpu.memory_space<vmem>> -> memref<1x128x128xf32, #tpu.memory_space<vmem>>
          %dma_start3A_340 = tpu.memref_squeeze %dma_start3A_339 : memref<1x128x128xf32, #tpu.memory_space<vmem>> -> memref<128x128xf32, #tpu.memory_space<vmem>>
          %dma_start3A_341 = arith.constant 0 : i32
          %dma_start3A_342 = tpu.memref_slice %arg6[%add3A_335, %dma_start3A_341] : memref<80x128xi32, #tpu.memory_space<vmem>> -> memref<1x128xi32, #tpu.memory_space<vmem>>
          %dma_start3A_343 = tpu.memref_squeeze %dma_start3A_342 : memref<1x128xi32, #tpu.memory_space<vmem>> -> memref<128xi32, #tpu.memory_space<vmem>>
          %dma_start3A_344 = arith.constant 0 : i32
          %dma_start3A_345 = arith.constant 0 : i32
          %dma_start3A_346 = tpu.memref_slice %arg2[%dma_start3A_344, %dma_start3A_345] : memref<10000x128xf32, #tpu.memory_space<hbm>> -> memref<10000x128xf32, #tpu.memory_space<hbm>>
          tpu.enqueue_indirect_dma source(%dma_start3A_346 : memref<10000x128xf32, #tpu.memory_space<hbm>>) target(%dma_start3A_340 : memref<128x128xf32, #tpu.memory_space<vmem>>) offsets(%dma_start3A_343 : memref<128xi32, #tpu.memory_space<vmem>>) semaphore(%arg13 : memref<!tpu.dma_semaphore, #tpu.memory_space<semaphore_mem>>)
        } else {
        }
      }
      %scan3A_83 = arith.constant 20 : i32
      %dma_wait3A = arith.constant 0 : i32
      %dma_wait3A_84 = arith.constant 0 : i32
      %dma_wait3A_85 = arith.constant 0 : i32
      %dma_wait3A_86 = tpu.memref_slice %arg11[%dma_wait3A, %dma_wait3A_84, %dma_wait3A_85] : memref<2x128x128xf32, #tpu.memory_space<vmem>> -> memref<1x128x128xf32, #tpu.memory_space<vmem>>
      %dma_wait3A_87 = tpu.memref_squeeze %dma_wait3A_86 : memref<1x128x128xf32, #tpu.memory_space<vmem>> -> memref<128x128xf32, #tpu.memory_space<vmem>>
      %dma_wait3A_88 = arith.constant 0 : i32
      %dma_wait3A_89 = arith.constant 0 : i32
      %dma_wait3A_90 = tpu.memref_slice %arg2[%dma_wait3A_88, %dma_wait3A_89] : memref<10000x128xf32, #tpu.memory_space<hbm>> -> memref<128x128xf32, #tpu.memory_space<hbm>>
      %dma_wait3A_91 = arith.constant 0 : i32
      %dma_wait3A_92 = arith.constant 0 : i32
      %dma_wait3A_93 = tpu.memref_slice %arg11[%dma_wait3A, %dma_wait3A_91, %dma_wait3A_92] : memref<2x128x128xf32, #tpu.memory_space<vmem>> -> memref<1x128x128xf32, #tpu.memory_space<vmem>>
      %dma_wait3A_94 = tpu.memref_squeeze %dma_wait3A_93 : memref<1x128x128xf32, #tpu.memory_space<vmem>> -> memref<128x128xf32, #tpu.memory_space<vmem>>
      %dma_wait3A_95 = arith.constant 0 : i32
      %dma_wait3A_96 = arith.constant 0 : i32
      %dma_wait3A_97 = tpu.memref_slice %arg2[%dma_wait3A_95, %dma_wait3A_96] : memref<10000x128xf32, #tpu.memory_space<hbm>> -> memref<128x128xf32, #tpu.memory_space<hbm>>
      tpu.wait_dma2 semaphore(%arg16 : memref<!tpu.dma_semaphore, #tpu.memory_space<semaphore_mem>>) src(%dma_wait3A_97 : memref<128x128xf32, #tpu.memory_space<hbm>>) dst(%dma_wait3A_94 : memref<128x128xf32, #tpu.memory_space<vmem>>)
    } else {
    }
    %eq3A_24 = arith.constant 31 : i32
    %eq3A_25 = arith.cmpi eq, %add3A, %eq3A_24 : i32
    %convert_element_type3A_26 = arith.extui %eq3A_25 : i1 to i32
    %cond3A_27 = arith.constant 0 : i32
    %cond3A_28 = arith.cmpi ne, %convert_element_type3A_26, %cond3A_27 : i32
    scf.if %cond3A_28 {
      %mul3A_43 = arith.constant 80 : i32
      %mul3A_44 = arith.muli %add3A, %mul3A_43 : i32
      %add3A_45 = arith.constant 0 : i32
      %add3A_46 = arith.addi %mul3A_44, %add3A_45 : i32
      %mul3A_47 = arith.constant 128 : i32
      %mul3A_48 = arith.muli %add3A_46, %mul3A_47 : i32
      %dma_start3A = tpu.memref_slice %arg4[%mul3A_48] : memref<327680xi32, #tpu.memory_space<hbm>> -> memref<128xi32, #tpu.memory_space<hbm>>
      %dma_start3A_49 = tpu.memref_slice %arg4[%mul3A_48] : memref<327680xi32, #tpu.memory_space<hbm>> -> memref<128xi32, #tpu.memory_space<hbm>>
      tpu.enqueue_dma source(%dma_start3A_49 : memref<128xi32, #tpu.memory_space<hbm>>) target(%arg7 : memref<128xi32, #tpu.memory_space<vmem>>) target_semaphore(%arg17 : memref<!tpu.dma_semaphore, #tpu.memory_space<semaphore_mem>>)
      %mul3A_50 = arith.constant 80 : i32
      %mul3A_51 = arith.muli %add3A, %mul3A_50 : i32
      %add3A_52 = arith.constant 1 : i32
      %add3A_53 = arith.addi %mul3A_51, %add3A_52 : i32
      %mul3A_54 = arith.constant 128 : i32
      %mul3A_55 = arith.muli %add3A_53, %mul3A_54 : i32
      %dma_start3A_56 = tpu.memref_slice %arg4[%mul3A_55] : memref<327680xi32, #tpu.memory_space<hbm>> -> memref<128xi32, #tpu.memory_space<hbm>>
      %dma_start3A_57 = tpu.memref_slice %arg4[%mul3A_55] : memref<327680xi32, #tpu.memory_space<hbm>> -> memref<128xi32, #tpu.memory_space<hbm>>
      tpu.enqueue_dma source(%dma_start3A_57 : memref<128xi32, #tpu.memory_space<hbm>>) target(%arg8 : memref<128xi32, #tpu.memory_space<vmem>>) target_semaphore(%arg18 : memref<!tpu.dma_semaphore, #tpu.memory_space<semaphore_mem>>)
      %mul3A_58 = arith.constant 80 : i32
      %mul3A_59 = arith.muli %add3A, %mul3A_58 : i32
      %add3A_60 = arith.constant 2 : i32
      %add3A_61 = arith.addi %mul3A_59, %add3A_60 : i32
      %mul3A_62 = arith.constant 128 : i32
      %mul3A_63 = arith.muli %add3A_61, %mul3A_62 : i32
      %dma_start3A_64 = tpu.memref_slice %arg4[%mul3A_63] : memref<327680xi32, #tpu.memory_space<hbm>> -> memref<128xi32, #tpu.memory_space<hbm>>
      %dma_start3A_65 = tpu.memref_slice %arg4[%mul3A_63] : memref<327680xi32, #tpu.memory_space<hbm>> -> memref<128xi32, #tpu.memory_space<hbm>>
      tpu.enqueue_dma source(%dma_start3A_65 : memref<128xi32, #tpu.memory_space<hbm>>) target(%arg9 : memref<128xi32, #tpu.memory_space<vmem>>) target_semaphore(%arg19 : memref<!tpu.dma_semaphore, #tpu.memory_space<semaphore_mem>>)
      %dma_start3A_66 = arith.constant 0 : i32
      %dma_start3A_67 = arith.constant 0 : i32
      %dma_start3A_68 = arith.constant 0 : i32
      %dma_start3A_69 = arith.constant 0 : i32
      %dma_start3A_70 = tpu.memref_slice %arg11[%dma_start3A_67, %dma_start3A_68, %dma_start3A_69] : memref<2x128x128xf32, #tpu.memory_space<vmem>> -> memref<1x128x128xf32, #tpu.memory_space<vmem>>
      %dma_start3A_71 = tpu.memref_squeeze %dma_start3A_70 : memref<1x128x128xf32, #tpu.memory_space<vmem>> -> memref<128x128xf32, #tpu.memory_space<vmem>>
      %dma_start3A_72 = arith.constant 0 : i32
      %dma_start3A_73 = tpu.memref_slice %arg6[%dma_start3A_66, %dma_start3A_72] : memref<80x128xi32, #tpu.memory_space<vmem>> -> memref<1x128xi32, #tpu.memory_space<vmem>>
      %dma_start3A_74 = tpu.memref_squeeze %dma_start3A_73 : memref<1x128xi32, #tpu.memory_space<vmem>> -> memref<128xi32, #tpu.memory_space<vmem>>
      %dma_start3A_75 = arith.constant 0 : i32
      %dma_start3A_76 = arith.constant 0 : i32
      %dma_start3A_77 = tpu.memref_slice %arg2[%dma_start3A_75, %dma_start3A_76] : memref<10000x128xf32, #tpu.memory_space<hbm>> -> memref<10000x128xf32, #tpu.memory_space<hbm>>
      tpu.enqueue_indirect_dma source(%dma_start3A_77 : memref<10000x128xf32, #tpu.memory_space<hbm>>) target(%dma_start3A_71 : memref<128x128xf32, #tpu.memory_space<vmem>>) offsets(%dma_start3A_74 : memref<128xi32, #tpu.memory_space<vmem>>) semaphore(%arg13 : memref<!tpu.dma_semaphore, #tpu.memory_space<semaphore_mem>>)
      %scan3A_78 = arith.constant 0 : i32
      %scan3A_79 = arith.constant 0 : i32
      %scan3A_80 = arith.constant 5 : i32
      %scan3A_81 = arith.addi %scan3A_79, %scan3A_80 : i32
      %scan3A_82 = arith.constant 1 : i32
      scf.for %scan3A_98 = %scan3A_79 to %scan3A_81 step %scan3A_82  : i32 {
        %mul3A_99 = arith.constant 4 : i32
        %mul3A_100 = arith.muli %scan3A_98, %mul3A_99 : i32
        %add3A_101 = arith.constant 0 : i32
        %add3A_102 = arith.addi %mul3A_100, %add3A_101 : i32
        %dma_wait3A_103 = arith.constant 0 : i32
        %dma_wait3A_104 = arith.constant 0 : i32
        %dma_wait3A_105 = arith.constant 0 : i32
        %dma_wait3A_106 = tpu.memref_slice %arg11[%dma_wait3A_103, %dma_wait3A_104, %dma_wait3A_105] : memref<2x128x128xf32, #tpu.memory_space<vmem>> -> memref<1x128x128xf32, #tpu.memory_space<vmem>>
        %dma_wait3A_107 = tpu.memref_squeeze %dma_wait3A_106 : memref<1x128x128xf32, #tpu.memory_space<vmem>> -> memref<128x128xf32, #tpu.memory_space<vmem>>
        %dma_wait3A_108 = arith.constant 0 : i32
        %dma_wait3A_109 = arith.constant 0 : i32
        %dma_wait3A_110 = tpu.memref_slice %arg2[%dma_wait3A_108, %dma_wait3A_109] : memref<10000x128xf32, #tpu.memory_space<hbm>> -> memref<128x128xf32, #tpu.memory_space<hbm>>
        %dma_wait3A_111 = arith.constant 0 : i32
        %dma_wait3A_112 = arith.constant 0 : i32
        %dma_wait3A_113 = tpu.memref_slice %arg11[%dma_wait3A_103, %dma_wait3A_111, %dma_wait3A_112] : memref<2x128x128xf32, #tpu.memory_space<vmem>> -> memref<1x128x128xf32, #tpu.memory_space<vmem>>
        %dma_wait3A_114 = tpu.memref_squeeze %dma_wait3A_113 : memref<1x128x128xf32, #tpu.memory_space<vmem>> -> memref<128x128xf32, #tpu.memory_space<vmem>>
        %dma_wait3A_115 = arith.constant 0 : i32
        %dma_wait3A_116 = arith.constant 0 : i32
        %dma_wait3A_117 = tpu.memref_slice %arg2[%dma_wait3A_115, %dma_wait3A_116] : memref<10000x128xf32, #tpu.memory_space<hbm>> -> memref<128x128xf32, #tpu.memory_space<hbm>>
        tpu.wait_dma2 semaphore(%arg13 : memref<!tpu.dma_semaphore, #tpu.memory_space<semaphore_mem>>) src(%dma_wait3A_117 : memref<128x128xf32, #tpu.memory_space<hbm>>) dst(%dma_wait3A_114 : memref<128x128xf32, #tpu.memory_space<vmem>>)
        %dma_wait3A_118 = arith.constant 0 : i32
        %dma_wait3A_119 = tpu.memref_slice %arg4[%dma_wait3A_118] : memref<327680xi32, #tpu.memory_space<hbm>> -> memref<128xi32, #tpu.memory_space<hbm>>
        %dma_wait3A_120 = arith.constant 0 : i32
        %dma_wait3A_121 = tpu.memref_slice %arg4[%dma_wait3A_120] : memref<327680xi32, #tpu.memory_space<hbm>> -> memref<128xi32, #tpu.memory_space<hbm>>
        tpu.wait_dma2 semaphore(%arg17 : memref<!tpu.dma_semaphore, #tpu.memory_space<semaphore_mem>>) src(%dma_wait3A_121 : memref<128xi32, #tpu.memory_space<hbm>>) dst(%arg7 : memref<128xi32, #tpu.memory_space<vmem>>)
        %dma_start3A_122 = arith.constant 0 : i32
        %dma_start3A_123 = arith.constant 0 : i32
        %dma_start3A_124 = arith.constant 0 : i32
        %dma_start3A_125 = tpu.memref_slice %arg11[%dma_start3A_122, %dma_start3A_123, %dma_start3A_124] : memref<2x128x128xf32, #tpu.memory_space<vmem>> -> memref<1x128x128xf32, #tpu.memory_space<vmem>>
        %dma_start3A_126 = tpu.memref_squeeze %dma_start3A_125 : memref<1x128x128xf32, #tpu.memory_space<vmem>> -> memref<128x128xf32, #tpu.memory_space<vmem>>
        %dma_start3A_127 = arith.constant 0 : i32
        %dma_start3A_128 = arith.constant 0 : i32
        %dma_start3A_129 = tpu.memref_slice %arg12[%dma_start3A_127, %dma_start3A_128] : memref<10000x128xf32, #tpu.memory_space<vmem_shared>> -> memref<10000x128xf32, #tpu.memory_space<vmem_shared>>
        tpu.enqueue_indirect_dma source(%dma_start3A_126 : memref<128x128xf32, #tpu.memory_space<vmem>>) target(%dma_start3A_129 : memref<10000x128xf32, #tpu.memory_space<vmem_shared>>) offsets(%arg7 : memref<128xi32, #tpu.memory_space<vmem>>) semaphore(%arg15 : memref<!tpu.dma_semaphore, #tpu.memory_space<semaphore_mem>>) {add = true}
        %gt3A = arith.constant 0 : i32
        %gt3A_130 = arith.cmpi sgt, %scan3A_98, %gt3A : i32
        %convert_element_type3A_131 = arith.extui %gt3A_130 : i1 to i32
        %cond3A_132 = arith.constant 0 : i32
        %cond3A_133 = arith.cmpi ne, %convert_element_type3A_131, %cond3A_132 : i32
        scf.if %cond3A_133 {
          %dma_wait3A_334 = arith.constant 0 : i32
          %dma_wait3A_335 = arith.constant 0 : i32
          %dma_wait3A_336 = arith.constant 0 : i32
          %dma_wait3A_337 = tpu.memref_slice %arg11[%dma_wait3A_334, %dma_wait3A_335, %dma_wait3A_336] : memref<2x128x128xf32, #tpu.memory_space<vmem>> -> memref<1x128x128xf32, #tpu.memory_space<vmem>>
          %dma_wait3A_338 = tpu.memref_squeeze %dma_wait3A_337 : memref<1x128x128xf32, #tpu.memory_space<vmem>> -> memref<128x128xf32, #tpu.memory_space<vmem>>
          %dma_wait3A_339 = arith.constant 0 : i32
          %dma_wait3A_340 = arith.constant 0 : i32
          %dma_wait3A_341 = tpu.memref_slice %arg2[%dma_wait3A_339, %dma_wait3A_340] : memref<10000x128xf32, #tpu.memory_space<hbm>> -> memref<128x128xf32, #tpu.memory_space<hbm>>
          %dma_wait3A_342 = arith.constant 0 : i32
          %dma_wait3A_343 = arith.constant 0 : i32
          %dma_wait3A_344 = tpu.memref_slice %arg11[%dma_wait3A_334, %dma_wait3A_342, %dma_wait3A_343] : memref<2x128x128xf32, #tpu.memory_space<vmem>> -> memref<1x128x128xf32, #tpu.memory_space<vmem>>
          %dma_wait3A_345 = tpu.memref_squeeze %dma_wait3A_344 : memref<1x128x128xf32, #tpu.memory_space<vmem>> -> memref<128x128xf32, #tpu.memory_space<vmem>>
          %dma_wait3A_346 = arith.constant 0 : i32
          %dma_wait3A_347 = arith.constant 0 : i32
          %dma_wait3A_348 = tpu.memref_slice %arg2[%dma_wait3A_346, %dma_wait3A_347] : memref<10000x128xf32, #tpu.memory_space<hbm>> -> memref<128x128xf32, #tpu.memory_space<hbm>>
          tpu.wait_dma2 semaphore(%arg16 : memref<!tpu.dma_semaphore, #tpu.memory_space<semaphore_mem>>) src(%dma_wait3A_348 : memref<128x128xf32, #tpu.memory_space<hbm>>) dst(%dma_wait3A_345 : memref<128x128xf32, #tpu.memory_space<vmem>>)
        } else {
        }
        %add3A_134 = arith.constant 3 : i32
        %add3A_135 = arith.addi %add3A_102, %add3A_134 : i32
        %mul3A_136 = arith.constant 80 : i32
        %mul3A_137 = arith.muli %add3A, %mul3A_136 : i32
        %add3A_138 = arith.addi %mul3A_137, %add3A_135 : i32
        %mul3A_139 = arith.constant 128 : i32
        %mul3A_140 = arith.muli %add3A_138, %mul3A_139 : i32
        %dma_start3A_141 = tpu.memref_slice %arg4[%mul3A_140] : memref<327680xi32, #tpu.memory_space<hbm>> -> memref<128xi32, #tpu.memory_space<hbm>>
        %dma_start3A_142 = tpu.memref_slice %arg4[%mul3A_140] : memref<327680xi32, #tpu.memory_space<hbm>> -> memref<128xi32, #tpu.memory_space<hbm>>
        tpu.enqueue_dma source(%dma_start3A_142 : memref<128xi32, #tpu.memory_space<hbm>>) target(%arg10 : memref<128xi32, #tpu.memory_space<vmem>>) target_semaphore(%arg20 : memref<!tpu.dma_semaphore, #tpu.memory_space<semaphore_mem>>)
        %add3A_143 = arith.constant 1 : i32
        %add3A_144 = arith.addi %add3A_102, %add3A_143 : i32
        %dma_start3A_145 = arith.constant 1 : i32
        %dma_start3A_146 = arith.constant 0 : i32
        %dma_start3A_147 = arith.constant 0 : i32
        %dma_start3A_148 = tpu.memref_slice %arg11[%dma_start3A_145, %dma_start3A_146, %dma_start3A_147] : memref<2x128x128xf32, #tpu.memory_space<vmem>> -> memref<1x128x128xf32, #tpu.memory_space<vmem>>
        %dma_start3A_149 = tpu.memref_squeeze %dma_start3A_148 : memref<1x128x128xf32, #tpu.memory_space<vmem>> -> memref<128x128xf32, #tpu.memory_space<vmem>>
        %dma_start3A_150 = arith.constant 0 : i32
        %dma_start3A_151 = tpu.memref_slice %arg6[%add3A_144, %dma_start3A_150] : memref<80x128xi32, #tpu.memory_space<vmem>> -> memref<1x128xi32, #tpu.memory_space<vmem>>
        %dma_start3A_152 = tpu.memref_squeeze %dma_start3A_151 : memref<1x128xi32, #tpu.memory_space<vmem>> -> memref<128xi32, #tpu.memory_space<vmem>>
        %dma_start3A_153 = arith.constant 0 : i32
        %dma_start3A_154 = arith.constant 0 : i32
        %dma_start3A_155 = tpu.memref_slice %arg2[%dma_start3A_153, %dma_start3A_154] : memref<10000x128xf32, #tpu.memory_space<hbm>> -> memref<10000x128xf32, #tpu.memory_space<hbm>>
        tpu.enqueue_indirect_dma source(%dma_start3A_155 : memref<10000x128xf32, #tpu.memory_space<hbm>>) target(%dma_start3A_149 : memref<128x128xf32, #tpu.memory_space<vmem>>) offsets(%dma_start3A_152 : memref<128xi32, #tpu.memory_space<vmem>>) semaphore(%arg14 : memref<!tpu.dma_semaphore, #tpu.memory_space<semaphore_mem>>)
        %add3A_156 = arith.constant 1 : i32
        %add3A_157 = arith.addi %mul3A_100, %add3A_156 : i32
        %dma_wait3A_158 = arith.constant 1 : i32
        %dma_wait3A_159 = arith.constant 0 : i32
        %dma_wait3A_160 = arith.constant 0 : i32
        %dma_wait3A_161 = tpu.memref_slice %arg11[%dma_wait3A_158, %dma_wait3A_159, %dma_wait3A_160] : memref<2x128x128xf32, #tpu.memory_space<vmem>> -> memref<1x128x128xf32, #tpu.memory_space<vmem>>
        %dma_wait3A_162 = tpu.memref_squeeze %dma_wait3A_161 : memref<1x128x128xf32, #tpu.memory_space<vmem>> -> memref<128x128xf32, #tpu.memory_space<vmem>>
        %dma_wait3A_163 = arith.constant 0 : i32
        %dma_wait3A_164 = arith.constant 0 : i32
        %dma_wait3A_165 = tpu.memref_slice %arg2[%dma_wait3A_163, %dma_wait3A_164] : memref<10000x128xf32, #tpu.memory_space<hbm>> -> memref<128x128xf32, #tpu.memory_space<hbm>>
        %dma_wait3A_166 = arith.constant 0 : i32
        %dma_wait3A_167 = arith.constant 0 : i32
        %dma_wait3A_168 = tpu.memref_slice %arg11[%dma_wait3A_158, %dma_wait3A_166, %dma_wait3A_167] : memref<2x128x128xf32, #tpu.memory_space<vmem>> -> memref<1x128x128xf32, #tpu.memory_space<vmem>>
        %dma_wait3A_169 = tpu.memref_squeeze %dma_wait3A_168 : memref<1x128x128xf32, #tpu.memory_space<vmem>> -> memref<128x128xf32, #tpu.memory_space<vmem>>
        %dma_wait3A_170 = arith.constant 0 : i32
        %dma_wait3A_171 = arith.constant 0 : i32
        %dma_wait3A_172 = tpu.memref_slice %arg2[%dma_wait3A_170, %dma_wait3A_171] : memref<10000x128xf32, #tpu.memory_space<hbm>> -> memref<128x128xf32, #tpu.memory_space<hbm>>
        tpu.wait_dma2 semaphore(%arg14 : memref<!tpu.dma_semaphore, #tpu.memory_space<semaphore_mem>>) src(%dma_wait3A_172 : memref<128x128xf32, #tpu.memory_space<hbm>>) dst(%dma_wait3A_169 : memref<128x128xf32, #tpu.memory_space<vmem>>)
        %dma_wait3A_173 = arith.constant 0 : i32
        %dma_wait3A_174 = tpu.memref_slice %arg4[%dma_wait3A_173] : memref<327680xi32, #tpu.memory_space<hbm>> -> memref<128xi32, #tpu.memory_space<hbm>>
        %dma_wait3A_175 = arith.constant 0 : i32
        %dma_wait3A_176 = tpu.memref_slice %arg4[%dma_wait3A_175] : memref<327680xi32, #tpu.memory_space<hbm>> -> memref<128xi32, #tpu.memory_space<hbm>>
        tpu.wait_dma2 semaphore(%arg18 : memref<!tpu.dma_semaphore, #tpu.memory_space<semaphore_mem>>) src(%dma_wait3A_176 : memref<128xi32, #tpu.memory_space<hbm>>) dst(%arg8 : memref<128xi32, #tpu.memory_space<vmem>>)
        %dma_start3A_177 = arith.constant 1 : i32
        %dma_start3A_178 = arith.constant 0 : i32
        %dma_start3A_179 = arith.constant 0 : i32
        %dma_start3A_180 = tpu.memref_slice %arg11[%dma_start3A_177, %dma_start3A_178, %dma_start3A_179] : memref<2x128x128xf32, #tpu.memory_space<vmem>> -> memref<1x128x128xf32, #tpu.memory_space<vmem>>
        %dma_start3A_181 = tpu.memref_squeeze %dma_start3A_180 : memref<1x128x128xf32, #tpu.memory_space<vmem>> -> memref<128x128xf32, #tpu.memory_space<vmem>>
        %dma_start3A_182 = arith.constant 0 : i32
        %dma_start3A_183 = arith.constant 0 : i32
        %dma_start3A_184 = tpu.memref_slice %arg12[%dma_start3A_182, %dma_start3A_183] : memref<10000x128xf32, #tpu.memory_space<vmem_shared>> -> memref<10000x128xf32, #tpu.memory_space<vmem_shared>>
        tpu.enqueue_indirect_dma source(%dma_start3A_181 : memref<128x128xf32, #tpu.memory_space<vmem>>) target(%dma_start3A_184 : memref<10000x128xf32, #tpu.memory_space<vmem_shared>>) offsets(%arg8 : memref<128xi32, #tpu.memory_space<vmem>>) semaphore(%arg16 : memref<!tpu.dma_semaphore, #tpu.memory_space<semaphore_mem>>) {add = true}
        %dma_wait3A_185 = arith.constant 0 : i32
        %dma_wait3A_186 = arith.constant 0 : i32
        %dma_wait3A_187 = arith.constant 0 : i32
        %dma_wait3A_188 = tpu.memref_slice %arg11[%dma_wait3A_185, %dma_wait3A_186, %dma_wait3A_187] : memref<2x128x128xf32, #tpu.memory_space<vmem>> -> memref<1x128x128xf32, #tpu.memory_space<vmem>>
        %dma_wait3A_189 = tpu.memref_squeeze %dma_wait3A_188 : memref<1x128x128xf32, #tpu.memory_space<vmem>> -> memref<128x128xf32, #tpu.memory_space<vmem>>
        %dma_wait3A_190 = arith.constant 0 : i32
        %dma_wait3A_191 = arith.constant 0 : i32
        %dma_wait3A_192 = tpu.memref_slice %arg2[%dma_wait3A_190, %dma_wait3A_191] : memref<10000x128xf32, #tpu.memory_space<hbm>> -> memref<128x128xf32, #tpu.memory_space<hbm>>
        %dma_wait3A_193 = arith.constant 0 : i32
        %dma_wait3A_194 = arith.constant 0 : i32
        %dma_wait3A_195 = tpu.memref_slice %arg11[%dma_wait3A_185, %dma_wait3A_193, %dma_wait3A_194] : memref<2x128x128xf32, #tpu.memory_space<vmem>> -> memref<1x128x128xf32, #tpu.memory_space<vmem>>
        %dma_wait3A_196 = tpu.memref_squeeze %dma_wait3A_195 : memref<1x128x128xf32, #tpu.memory_space<vmem>> -> memref<128x128xf32, #tpu.memory_space<vmem>>
        %dma_wait3A_197 = arith.constant 0 : i32
        %dma_wait3A_198 = arith.constant 0 : i32
        %dma_wait3A_199 = tpu.memref_slice %arg2[%dma_wait3A_197, %dma_wait3A_198] : memref<10000x128xf32, #tpu.memory_space<hbm>> -> memref<128x128xf32, #tpu.memory_space<hbm>>
        tpu.wait_dma2 semaphore(%arg15 : memref<!tpu.dma_semaphore, #tpu.memory_space<semaphore_mem>>) src(%dma_wait3A_199 : memref<128x128xf32, #tpu.memory_space<hbm>>) dst(%dma_wait3A_196 : memref<128x128xf32, #tpu.memory_space<vmem>>)
        %lt3A_200 = arith.constant 4 : i32
        %lt3A_201 = arith.cmpi slt, %scan3A_98, %lt3A_200 : i32
        %convert_element_type3A_202 = arith.extui %lt3A_201 : i1 to i32
        %cond3A_203 = arith.constant 0 : i32
        %cond3A_204 = arith.cmpi ne, %convert_element_type3A_202, %cond3A_203 : i32
        scf.if %cond3A_204 {
          %add3A_334 = arith.constant 3 : i32
          %add3A_335 = arith.addi %add3A_157, %add3A_334 : i32
          %mul3A_336 = arith.constant 80 : i32
          %mul3A_337 = arith.muli %add3A, %mul3A_336 : i32
          %add3A_338 = arith.addi %mul3A_337, %add3A_335 : i32
          %mul3A_339 = arith.constant 128 : i32
          %mul3A_340 = arith.muli %add3A_338, %mul3A_339 : i32
          %dma_start3A_341 = tpu.memref_slice %arg4[%mul3A_340] : memref<327680xi32, #tpu.memory_space<hbm>> -> memref<128xi32, #tpu.memory_space<hbm>>
          %dma_start3A_342 = tpu.memref_slice %arg4[%mul3A_340] : memref<327680xi32, #tpu.memory_space<hbm>> -> memref<128xi32, #tpu.memory_space<hbm>>
          tpu.enqueue_dma source(%dma_start3A_342 : memref<128xi32, #tpu.memory_space<hbm>>) target(%arg7 : memref<128xi32, #tpu.memory_space<vmem>>) target_semaphore(%arg17 : memref<!tpu.dma_semaphore, #tpu.memory_space<semaphore_mem>>)
        } else {
        }
        %add3A_205 = arith.constant 1 : i32
        %add3A_206 = arith.addi %add3A_157, %add3A_205 : i32
        %dma_start3A_207 = arith.constant 0 : i32
        %dma_start3A_208 = arith.constant 0 : i32
        %dma_start3A_209 = arith.constant 0 : i32
        %dma_start3A_210 = tpu.memref_slice %arg11[%dma_start3A_207, %dma_start3A_208, %dma_start3A_209] : memref<2x128x128xf32, #tpu.memory_space<vmem>> -> memref<1x128x128xf32, #tpu.memory_space<vmem>>
        %dma_start3A_211 = tpu.memref_squeeze %dma_start3A_210 : memref<1x128x128xf32, #tpu.memory_space<vmem>> -> memref<128x128xf32, #tpu.memory_space<vmem>>
        %dma_start3A_212 = arith.constant 0 : i32
        %dma_start3A_213 = tpu.memref_slice %arg6[%add3A_206, %dma_start3A_212] : memref<80x128xi32, #tpu.memory_space<vmem>> -> memref<1x128xi32, #tpu.memory_space<vmem>>
        %dma_start3A_214 = tpu.memref_squeeze %dma_start3A_213 : memref<1x128xi32, #tpu.memory_space<vmem>> -> memref<128xi32, #tpu.memory_space<vmem>>
        %dma_start3A_215 = arith.constant 0 : i32
        %dma_start3A_216 = arith.constant 0 : i32
        %dma_start3A_217 = tpu.memref_slice %arg2[%dma_start3A_215, %dma_start3A_216] : memref<10000x128xf32, #tpu.memory_space<hbm>> -> memref<10000x128xf32, #tpu.memory_space<hbm>>
        tpu.enqueue_indirect_dma source(%dma_start3A_217 : memref<10000x128xf32, #tpu.memory_space<hbm>>) target(%dma_start3A_211 : memref<128x128xf32, #tpu.memory_space<vmem>>) offsets(%dma_start3A_214 : memref<128xi32, #tpu.memory_space<vmem>>) semaphore(%arg13 : memref<!tpu.dma_semaphore, #tpu.memory_space<semaphore_mem>>)
        %add3A_218 = arith.constant 2 : i32
        %add3A_219 = arith.addi %mul3A_100, %add3A_218 : i32
        %dma_wait3A_220 = arith.constant 0 : i32
        %dma_wait3A_221 = arith.constant 0 : i32
        %dma_wait3A_222 = arith.constant 0 : i32
        %dma_wait3A_223 = tpu.memref_slice %arg11[%dma_wait3A_220, %dma_wait3A_221, %dma_wait3A_222] : memref<2x128x128xf32, #tpu.memory_space<vmem>> -> memref<1x128x128xf32, #tpu.memory_space<vmem>>
        %dma_wait3A_224 = tpu.memref_squeeze %dma_wait3A_223 : memref<1x128x128xf32, #tpu.memory_space<vmem>> -> memref<128x128xf32, #tpu.memory_space<vmem>>
        %dma_wait3A_225 = arith.constant 0 : i32
        %dma_wait3A_226 = arith.constant 0 : i32
        %dma_wait3A_227 = tpu.memref_slice %arg2[%dma_wait3A_225, %dma_wait3A_226] : memref<10000x128xf32, #tpu.memory_space<hbm>> -> memref<128x128xf32, #tpu.memory_space<hbm>>
        %dma_wait3A_228 = arith.constant 0 : i32
        %dma_wait3A_229 = arith.constant 0 : i32
        %dma_wait3A_230 = tpu.memref_slice %arg11[%dma_wait3A_220, %dma_wait3A_228, %dma_wait3A_229] : memref<2x128x128xf32, #tpu.memory_space<vmem>> -> memref<1x128x128xf32, #tpu.memory_space<vmem>>
        %dma_wait3A_231 = tpu.memref_squeeze %dma_wait3A_230 : memref<1x128x128xf32, #tpu.memory_space<vmem>> -> memref<128x128xf32, #tpu.memory_space<vmem>>
        %dma_wait3A_232 = arith.constant 0 : i32
        %dma_wait3A_233 = arith.constant 0 : i32
        %dma_wait3A_234 = tpu.memref_slice %arg2[%dma_wait3A_232, %dma_wait3A_233] : memref<10000x128xf32, #tpu.memory_space<hbm>> -> memref<128x128xf32, #tpu.memory_space<hbm>>
        tpu.wait_dma2 semaphore(%arg13 : memref<!tpu.dma_semaphore, #tpu.memory_space<semaphore_mem>>) src(%dma_wait3A_234 : memref<128x128xf32, #tpu.memory_space<hbm>>) dst(%dma_wait3A_231 : memref<128x128xf32, #tpu.memory_space<vmem>>)
        %dma_wait3A_235 = arith.constant 0 : i32
        %dma_wait3A_236 = tpu.memref_slice %arg4[%dma_wait3A_235] : memref<327680xi32, #tpu.memory_space<hbm>> -> memref<128xi32, #tpu.memory_space<hbm>>
        %dma_wait3A_237 = arith.constant 0 : i32
        %dma_wait3A_238 = tpu.memref_slice %arg4[%dma_wait3A_237] : memref<327680xi32, #tpu.memory_space<hbm>> -> memref<128xi32, #tpu.memory_space<hbm>>
        tpu.wait_dma2 semaphore(%arg19 : memref<!tpu.dma_semaphore, #tpu.memory_space<semaphore_mem>>) src(%dma_wait3A_238 : memref<128xi32, #tpu.memory_space<hbm>>) dst(%arg9 : memref<128xi32, #tpu.memory_space<vmem>>)
        %dma_start3A_239 = arith.constant 0 : i32
        %dma_start3A_240 = arith.constant 0 : i32
        %dma_start3A_241 = arith.constant 0 : i32
        %dma_start3A_242 = tpu.memref_slice %arg11[%dma_start3A_239, %dma_start3A_240, %dma_start3A_241] : memref<2x128x128xf32, #tpu.memory_space<vmem>> -> memref<1x128x128xf32, #tpu.memory_space<vmem>>
        %dma_start3A_243 = tpu.memref_squeeze %dma_start3A_242 : memref<1x128x128xf32, #tpu.memory_space<vmem>> -> memref<128x128xf32, #tpu.memory_space<vmem>>
        %dma_start3A_244 = arith.constant 0 : i32
        %dma_start3A_245 = arith.constant 0 : i32
        %dma_start3A_246 = tpu.memref_slice %arg12[%dma_start3A_244, %dma_start3A_245] : memref<10000x128xf32, #tpu.memory_space<vmem_shared>> -> memref<10000x128xf32, #tpu.memory_space<vmem_shared>>
        tpu.enqueue_indirect_dma source(%dma_start3A_243 : memref<128x128xf32, #tpu.memory_space<vmem>>) target(%dma_start3A_246 : memref<10000x128xf32, #tpu.memory_space<vmem_shared>>) offsets(%arg9 : memref<128xi32, #tpu.memory_space<vmem>>) semaphore(%arg15 : memref<!tpu.dma_semaphore, #tpu.memory_space<semaphore_mem>>) {add = true}
        %dma_wait3A_247 = arith.constant 0 : i32
        %dma_wait3A_248 = arith.constant 0 : i32
        %dma_wait3A_249 = arith.constant 0 : i32
        %dma_wait3A_250 = tpu.memref_slice %arg11[%dma_wait3A_247, %dma_wait3A_248, %dma_wait3A_249] : memref<2x128x128xf32, #tpu.memory_space<vmem>> -> memref<1x128x128xf32, #tpu.memory_space<vmem>>
        %dma_wait3A_251 = tpu.memref_squeeze %dma_wait3A_250 : memref<1x128x128xf32, #tpu.memory_space<vmem>> -> memref<128x128xf32, #tpu.memory_space<vmem>>
        %dma_wait3A_252 = arith.constant 0 : i32
        %dma_wait3A_253 = arith.constant 0 : i32
        %dma_wait3A_254 = tpu.memref_slice %arg2[%dma_wait3A_252, %dma_wait3A_253] : memref<10000x128xf32, #tpu.memory_space<hbm>> -> memref<128x128xf32, #tpu.memory_space<hbm>>
        %dma_wait3A_255 = arith.constant 0 : i32
        %dma_wait3A_256 = arith.constant 0 : i32
        %dma_wait3A_257 = tpu.memref_slice %arg11[%dma_wait3A_247, %dma_wait3A_255, %dma_wait3A_256] : memref<2x128x128xf32, #tpu.memory_space<vmem>> -> memref<1x128x128xf32, #tpu.memory_space<vmem>>
        %dma_wait3A_258 = tpu.memref_squeeze %dma_wait3A_257 : memref<1x128x128xf32, #tpu.memory_space<vmem>> -> memref<128x128xf32, #tpu.memory_space<vmem>>
        %dma_wait3A_259 = arith.constant 0 : i32
        %dma_wait3A_260 = arith.constant 0 : i32
        %dma_wait3A_261 = tpu.memref_slice %arg2[%dma_wait3A_259, %dma_wait3A_260] : memref<10000x128xf32, #tpu.memory_space<hbm>> -> memref<128x128xf32, #tpu.memory_space<hbm>>
        tpu.wait_dma2 semaphore(%arg16 : memref<!tpu.dma_semaphore, #tpu.memory_space<semaphore_mem>>) src(%dma_wait3A_261 : memref<128x128xf32, #tpu.memory_space<hbm>>) dst(%dma_wait3A_258 : memref<128x128xf32, #tpu.memory_space<vmem>>)
        %lt3A_262 = arith.constant 4 : i32
        %lt3A_263 = arith.cmpi slt, %scan3A_98, %lt3A_262 : i32
        %convert_element_type3A_264 = arith.extui %lt3A_263 : i1 to i32
        %cond3A_265 = arith.constant 0 : i32
        %cond3A_266 = arith.cmpi ne, %convert_element_type3A_264, %cond3A_265 : i32
        scf.if %cond3A_266 {
          %add3A_334 = arith.constant 3 : i32
          %add3A_335 = arith.addi %add3A_219, %add3A_334 : i32
          %mul3A_336 = arith.constant 80 : i32
          %mul3A_337 = arith.muli %add3A, %mul3A_336 : i32
          %add3A_338 = arith.addi %mul3A_337, %add3A_335 : i32
          %mul3A_339 = arith.constant 128 : i32
          %mul3A_340 = arith.muli %add3A_338, %mul3A_339 : i32
          %dma_start3A_341 = tpu.memref_slice %arg4[%mul3A_340] : memref<327680xi32, #tpu.memory_space<hbm>> -> memref<128xi32, #tpu.memory_space<hbm>>
          %dma_start3A_342 = tpu.memref_slice %arg4[%mul3A_340] : memref<327680xi32, #tpu.memory_space<hbm>> -> memref<128xi32, #tpu.memory_space<hbm>>
          tpu.enqueue_dma source(%dma_start3A_342 : memref<128xi32, #tpu.memory_space<hbm>>) target(%arg8 : memref<128xi32, #tpu.memory_space<vmem>>) target_semaphore(%arg18 : memref<!tpu.dma_semaphore, #tpu.memory_space<semaphore_mem>>)
        } else {
        }
        %add3A_267 = arith.constant 1 : i32
        %add3A_268 = arith.addi %add3A_219, %add3A_267 : i32
        %dma_start3A_269 = arith.constant 1 : i32
        %dma_start3A_270 = arith.constant 0 : i32
        %dma_start3A_271 = arith.constant 0 : i32
        %dma_start3A_272 = tpu.memref_slice %arg11[%dma_start3A_269, %dma_start3A_270, %dma_start3A_271] : memref<2x128x128xf32, #tpu.memory_space<vmem>> -> memref<1x128x128xf32, #tpu.memory_space<vmem>>
        %dma_start3A_273 = tpu.memref_squeeze %dma_start3A_272 : memref<1x128x128xf32, #tpu.memory_space<vmem>> -> memref<128x128xf32, #tpu.memory_space<vmem>>
        %dma_start3A_274 = arith.constant 0 : i32
        %dma_start3A_275 = tpu.memref_slice %arg6[%add3A_268, %dma_start3A_274] : memref<80x128xi32, #tpu.memory_space<vmem>> -> memref<1x128xi32, #tpu.memory_space<vmem>>
        %dma_start3A_276 = tpu.memref_squeeze %dma_start3A_275 : memref<1x128xi32, #tpu.memory_space<vmem>> -> memref<128xi32, #tpu.memory_space<vmem>>
        %dma_start3A_277 = arith.constant 0 : i32
        %dma_start3A_278 = arith.constant 0 : i32
        %dma_start3A_279 = tpu.memref_slice %arg2[%dma_start3A_277, %dma_start3A_278] : memref<10000x128xf32, #tpu.memory_space<hbm>> -> memref<10000x128xf32, #tpu.memory_space<hbm>>
        tpu.enqueue_indirect_dma source(%dma_start3A_279 : memref<10000x128xf32, #tpu.memory_space<hbm>>) target(%dma_start3A_273 : memref<128x128xf32, #tpu.memory_space<vmem>>) offsets(%dma_start3A_276 : memref<128xi32, #tpu.memory_space<vmem>>) semaphore(%arg14 : memref<!tpu.dma_semaphore, #tpu.memory_space<semaphore_mem>>)
        %add3A_280 = arith.constant 3 : i32
        %add3A_281 = arith.addi %mul3A_100, %add3A_280 : i32
        %dma_wait3A_282 = arith.constant 1 : i32
        %dma_wait3A_283 = arith.constant 0 : i32
        %dma_wait3A_284 = arith.constant 0 : i32
        %dma_wait3A_285 = tpu.memref_slice %arg11[%dma_wait3A_282, %dma_wait3A_283, %dma_wait3A_284] : memref<2x128x128xf32, #tpu.memory_space<vmem>> -> memref<1x128x128xf32, #tpu.memory_space<vmem>>
        %dma_wait3A_286 = tpu.memref_squeeze %dma_wait3A_285 : memref<1x128x128xf32, #tpu.memory_space<vmem>> -> memref<128x128xf32, #tpu.memory_space<vmem>>
        %dma_wait3A_287 = arith.constant 0 : i32
        %dma_wait3A_288 = arith.constant 0 : i32
        %dma_wait3A_289 = tpu.memref_slice %arg2[%dma_wait3A_287, %dma_wait3A_288] : memref<10000x128xf32, #tpu.memory_space<hbm>> -> memref<128x128xf32, #tpu.memory_space<hbm>>
        %dma_wait3A_290 = arith.constant 0 : i32
        %dma_wait3A_291 = arith.constant 0 : i32
        %dma_wait3A_292 = tpu.memref_slice %arg11[%dma_wait3A_282, %dma_wait3A_290, %dma_wait3A_291] : memref<2x128x128xf32, #tpu.memory_space<vmem>> -> memref<1x128x128xf32, #tpu.memory_space<vmem>>
        %dma_wait3A_293 = tpu.memref_squeeze %dma_wait3A_292 : memref<1x128x128xf32, #tpu.memory_space<vmem>> -> memref<128x128xf32, #tpu.memory_space<vmem>>
        %dma_wait3A_294 = arith.constant 0 : i32
        %dma_wait3A_295 = arith.constant 0 : i32
        %dma_wait3A_296 = tpu.memref_slice %arg2[%dma_wait3A_294, %dma_wait3A_295] : memref<10000x128xf32, #tpu.memory_space<hbm>> -> memref<128x128xf32, #tpu.memory_space<hbm>>
        tpu.wait_dma2 semaphore(%arg14 : memref<!tpu.dma_semaphore, #tpu.memory_space<semaphore_mem>>) src(%dma_wait3A_296 : memref<128x128xf32, #tpu.memory_space<hbm>>) dst(%dma_wait3A_293 : memref<128x128xf32, #tpu.memory_space<vmem>>)
        %dma_wait3A_297 = arith.constant 0 : i32
        %dma_wait3A_298 = tpu.memref_slice %arg4[%dma_wait3A_297] : memref<327680xi32, #tpu.memory_space<hbm>> -> memref<128xi32, #tpu.memory_space<hbm>>
        %dma_wait3A_299 = arith.constant 0 : i32
        %dma_wait3A_300 = tpu.memref_slice %arg4[%dma_wait3A_299] : memref<327680xi32, #tpu.memory_space<hbm>> -> memref<128xi32, #tpu.memory_space<hbm>>
        tpu.wait_dma2 semaphore(%arg20 : memref<!tpu.dma_semaphore, #tpu.memory_space<semaphore_mem>>) src(%dma_wait3A_300 : memref<128xi32, #tpu.memory_space<hbm>>) dst(%arg10 : memref<128xi32, #tpu.memory_space<vmem>>)
        %dma_start3A_301 = arith.constant 1 : i32
        %dma_start3A_302 = arith.constant 0 : i32
        %dma_start3A_303 = arith.constant 0 : i32
        %dma_start3A_304 = tpu.memref_slice %arg11[%dma_start3A_301, %dma_start3A_302, %dma_start3A_303] : memref<2x128x128xf32, #tpu.memory_space<vmem>> -> memref<1x128x128xf32, #tpu.memory_space<vmem>>
        %dma_start3A_305 = tpu.memref_squeeze %dma_start3A_304 : memref<1x128x128xf32, #tpu.memory_space<vmem>> -> memref<128x128xf32, #tpu.memory_space<vmem>>
        %dma_start3A_306 = arith.constant 0 : i32
        %dma_start3A_307 = arith.constant 0 : i32
        %dma_start3A_308 = tpu.memref_slice %arg12[%dma_start3A_306, %dma_start3A_307] : memref<10000x128xf32, #tpu.memory_space<vmem_shared>> -> memref<10000x128xf32, #tpu.memory_space<vmem_shared>>
        tpu.enqueue_indirect_dma source(%dma_start3A_305 : memref<128x128xf32, #tpu.memory_space<vmem>>) target(%dma_start3A_308 : memref<10000x128xf32, #tpu.memory_space<vmem_shared>>) offsets(%arg10 : memref<128xi32, #tpu.memory_space<vmem>>) semaphore(%arg16 : memref<!tpu.dma_semaphore, #tpu.memory_space<semaphore_mem>>) {add = true}
        %dma_wait3A_309 = arith.constant 0 : i32
        %dma_wait3A_310 = arith.constant 0 : i32
        %dma_wait3A_311 = arith.constant 0 : i32
        %dma_wait3A_312 = tpu.memref_slice %arg11[%dma_wait3A_309, %dma_wait3A_310, %dma_wait3A_311] : memref<2x128x128xf32, #tpu.memory_space<vmem>> -> memref<1x128x128xf32, #tpu.memory_space<vmem>>
        %dma_wait3A_313 = tpu.memref_squeeze %dma_wait3A_312 : memref<1x128x128xf32, #tpu.memory_space<vmem>> -> memref<128x128xf32, #tpu.memory_space<vmem>>
        %dma_wait3A_314 = arith.constant 0 : i32
        %dma_wait3A_315 = arith.constant 0 : i32
        %dma_wait3A_316 = tpu.memref_slice %arg2[%dma_wait3A_314, %dma_wait3A_315] : memref<10000x128xf32, #tpu.memory_space<hbm>> -> memref<128x128xf32, #tpu.memory_space<hbm>>
        %dma_wait3A_317 = arith.constant 0 : i32
        %dma_wait3A_318 = arith.constant 0 : i32
        %dma_wait3A_319 = tpu.memref_slice %arg11[%dma_wait3A_309, %dma_wait3A_317, %dma_wait3A_318] : memref<2x128x128xf32, #tpu.memory_space<vmem>> -> memref<1x128x128xf32, #tpu.memory_space<vmem>>
        %dma_wait3A_320 = tpu.memref_squeeze %dma_wait3A_319 : memref<1x128x128xf32, #tpu.memory_space<vmem>> -> memref<128x128xf32, #tpu.memory_space<vmem>>
        %dma_wait3A_321 = arith.constant 0 : i32
        %dma_wait3A_322 = arith.constant 0 : i32
        %dma_wait3A_323 = tpu.memref_slice %arg2[%dma_wait3A_321, %dma_wait3A_322] : memref<10000x128xf32, #tpu.memory_space<hbm>> -> memref<128x128xf32, #tpu.memory_space<hbm>>
        tpu.wait_dma2 semaphore(%arg15 : memref<!tpu.dma_semaphore, #tpu.memory_space<semaphore_mem>>) src(%dma_wait3A_323 : memref<128x128xf32, #tpu.memory_space<hbm>>) dst(%dma_wait3A_320 : memref<128x128xf32, #tpu.memory_space<vmem>>)
        %lt3A_324 = arith.constant 4 : i32
        %lt3A_325 = arith.cmpi slt, %scan3A_98, %lt3A_324 : i32
        %convert_element_type3A_326 = arith.extui %lt3A_325 : i1 to i32
        %cond3A_327 = arith.constant 0 : i32
        %cond3A_328 = arith.cmpi ne, %convert_element_type3A_326, %cond3A_327 : i32
        scf.if %cond3A_328 {
          %add3A_334 = arith.constant 3 : i32
          %add3A_335 = arith.addi %add3A_281, %add3A_334 : i32
          %mul3A_336 = arith.constant 80 : i32
          %mul3A_337 = arith.muli %add3A, %mul3A_336 : i32
          %add3A_338 = arith.addi %mul3A_337, %add3A_335 : i32
          %mul3A_339 = arith.constant 128 : i32
          %mul3A_340 = arith.muli %add3A_338, %mul3A_339 : i32
          %dma_start3A_341 = tpu.memref_slice %arg4[%mul3A_340] : memref<327680xi32, #tpu.memory_space<hbm>> -> memref<128xi32, #tpu.memory_space<hbm>>
          %dma_start3A_342 = tpu.memref_slice %arg4[%mul3A_340] : memref<327680xi32, #tpu.memory_space<hbm>> -> memref<128xi32, #tpu.memory_space<hbm>>
          tpu.enqueue_dma source(%dma_start3A_342 : memref<128xi32, #tpu.memory_space<hbm>>) target(%arg9 : memref<128xi32, #tpu.memory_space<vmem>>) target_semaphore(%arg19 : memref<!tpu.dma_semaphore, #tpu.memory_space<semaphore_mem>>)
        } else {
        }
        %lt3A_329 = arith.constant 4 : i32
        %lt3A_330 = arith.cmpi slt, %scan3A_98, %lt3A_329 : i32
        %convert_element_type3A_331 = arith.extui %lt3A_330 : i1 to i32
        %cond3A_332 = arith.constant 0 : i32
        %cond3A_333 = arith.cmpi ne, %convert_element_type3A_331, %cond3A_332 : i32
        scf.if %cond3A_333 {
          %add3A_334 = arith.constant 1 : i32
          %add3A_335 = arith.addi %add3A_281, %add3A_334 : i32
          %dma_start3A_336 = arith.constant 0 : i32
          %dma_start3A_337 = arith.constant 0 : i32
          %dma_start3A_338 = arith.constant 0 : i32
          %dma_start3A_339 = tpu.memref_slice %arg11[%dma_start3A_336, %dma_start3A_337, %dma_start3A_338] : memref<2x128x128xf32, #tpu.memory_space<vmem>> -> memref<1x128x128xf32, #tpu.memory_space<vmem>>
          %dma_start3A_340 = tpu.memref_squeeze %dma_start3A_339 : memref<1x128x128xf32, #tpu.memory_space<vmem>> -> memref<128x128xf32, #tpu.memory_space<vmem>>
          %dma_start3A_341 = arith.constant 0 : i32
          %dma_start3A_342 = tpu.memref_slice %arg6[%add3A_335, %dma_start3A_341] : memref<80x128xi32, #tpu.memory_space<vmem>> -> memref<1x128xi32, #tpu.memory_space<vmem>>
          %dma_start3A_343 = tpu.memref_squeeze %dma_start3A_342 : memref<1x128xi32, #tpu.memory_space<vmem>> -> memref<128xi32, #tpu.memory_space<vmem>>
          %dma_start3A_344 = arith.constant 0 : i32
          %dma_start3A_345 = arith.constant 0 : i32
          %dma_start3A_346 = tpu.memref_slice %arg2[%dma_start3A_344, %dma_start3A_345] : memref<10000x128xf32, #tpu.memory_space<hbm>> -> memref<10000x128xf32, #tpu.memory_space<hbm>>
          tpu.enqueue_indirect_dma source(%dma_start3A_346 : memref<10000x128xf32, #tpu.memory_space<hbm>>) target(%dma_start3A_340 : memref<128x128xf32, #tpu.memory_space<vmem>>) offsets(%dma_start3A_343 : memref<128xi32, #tpu.memory_space<vmem>>) semaphore(%arg13 : memref<!tpu.dma_semaphore, #tpu.memory_space<semaphore_mem>>)
        } else {
        }
      }
      %scan3A_83 = arith.constant 5 : i32
      %dma_wait3A = arith.constant 0 : i32
      %dma_wait3A_84 = arith.constant 0 : i32
      %dma_wait3A_85 = arith.constant 0 : i32
      %dma_wait3A_86 = tpu.memref_slice %arg11[%dma_wait3A, %dma_wait3A_84, %dma_wait3A_85] : memref<2x128x128xf32, #tpu.memory_space<vmem>> -> memref<1x128x128xf32, #tpu.memory_space<vmem>>
      %dma_wait3A_87 = tpu.memref_squeeze %dma_wait3A_86 : memref<1x128x128xf32, #tpu.memory_space<vmem>> -> memref<128x128xf32, #tpu.memory_space<vmem>>
      %dma_wait3A_88 = arith.constant 0 : i32
      %dma_wait3A_89 = arith.constant 0 : i32
      %dma_wait3A_90 = tpu.memref_slice %arg2[%dma_wait3A_88, %dma_wait3A_89] : memref<10000x128xf32, #tpu.memory_space<hbm>> -> memref<128x128xf32, #tpu.memory_space<hbm>>
      %dma_wait3A_91 = arith.constant 0 : i32
      %dma_wait3A_92 = arith.constant 0 : i32
      %dma_wait3A_93 = tpu.memref_slice %arg11[%dma_wait3A, %dma_wait3A_91, %dma_wait3A_92] : memref<2x128x128xf32, #tpu.memory_space<vmem>> -> memref<1x128x128xf32, #tpu.memory_space<vmem>>
      %dma_wait3A_94 = tpu.memref_squeeze %dma_wait3A_93 : memref<1x128x128xf32, #tpu.memory_space<vmem>> -> memref<128x128xf32, #tpu.memory_space<vmem>>
      %dma_wait3A_95 = arith.constant 0 : i32
      %dma_wait3A_96 = arith.constant 0 : i32
      %dma_wait3A_97 = tpu.memref_slice %arg2[%dma_wait3A_95, %dma_wait3A_96] : memref<10000x128xf32, #tpu.memory_space<hbm>> -> memref<128x128xf32, #tpu.memory_space<hbm>>
      tpu.wait_dma2 semaphore(%arg16 : memref<!tpu.dma_semaphore, #tpu.memory_space<semaphore_mem>>) src(%dma_wait3A_97 : memref<128x128xf32, #tpu.memory_space<hbm>>) dst(%dma_wait3A_94 : memref<128x128xf32, #tpu.memory_space<vmem>>)
    } else {
    }
    %barrier3A_29 = arith.constant 0 : index
    tpu.barrier barrier_id(%barrier3A_29)
    %mul3A_30 = arith.constant 10000 : i32
    %mul3A_31 = arith.muli %arg0, %mul3A_30 : i32
    %add3A_32 = arith.addi %mul3A_31, %mul3A_8 : i32
    %lt3A_33 = arith.constant 15 : i32
    %lt3A_34 = arith.cmpi slt, %arg1, %lt3A_33 : i32
    %convert_element_type3A_35 = arith.extui %lt3A_34 : i1 to i32
    %cond3A_36 = arith.constant 0 : i32
    %cond3A_37 = arith.cmpi ne, %convert_element_type3A_35, %cond3A_36 : i32
    scf.if %cond3A_37 {
      "tpu.region"() ({
        %run_scoped3A = tpu.sem_alloc : memref<!tpu.dma_semaphore, #tpu.memory_space<semaphore_mem>>
        %dma_start3A = arith.constant 0 : i32
        %dma_start3A_43 = tpu.memref_slice %arg5[%add3A_32, %dma_start3A] : memref<20000x128xf32, #tpu.memory_space<hbm>> -> memref<632x128xf32, #tpu.memory_space<hbm>>
        %dma_start3A_44 = arith.constant 0 : i32
        %dma_start3A_45 = tpu.memref_slice %arg12[%mul3A_8, %dma_start3A_44] : memref<10000x128xf32, #tpu.memory_space<vmem_shared>> -> memref<632x128xf32, #tpu.memory_space<vmem_shared>>
        tpu.enqueue_dma source(%dma_start3A_45 : memref<632x128xf32, #tpu.memory_space<vmem_shared>>) target(%dma_start3A_43 : memref<632x128xf32, #tpu.memory_space<hbm>>) target_semaphore(%run_scoped3A : memref<!tpu.dma_semaphore, #tpu.memory_space<semaphore_mem>>)
        %dma_wait3A = arith.constant 0 : i32
        %dma_wait3A_46 = tpu.memref_slice %arg5[%add3A_32, %dma_wait3A] : memref<20000x128xf32, #tpu.memory_space<hbm>> -> memref<632x128xf32, #tpu.memory_space<hbm>>
        %dma_wait3A_47 = arith.constant 0 : i32
        %dma_wait3A_48 = tpu.memref_slice %arg12[%mul3A_8, %dma_wait3A_47] : memref<10000x128xf32, #tpu.memory_space<vmem_shared>> -> memref<632x128xf32, #tpu.memory_space<vmem_shared>>
        tpu.wait_dma2 semaphore(%run_scoped3A : memref<!tpu.dma_semaphore, #tpu.memory_space<semaphore_mem>>) src(%dma_wait3A_48 : memref<632x128xf32, #tpu.memory_space<vmem_shared>>) dst(%dma_wait3A_46 : memref<632x128xf32, #tpu.memory_space<hbm>>)
        tpu.yield
      }) : () -> ()
    } else {
    }
    %eq3A_38 = arith.constant 15 : i32
    %eq3A_39 = arith.cmpi eq, %arg1, %eq3A_38 : i32
    %convert_element_type3A_40 = arith.extui %eq3A_39 : i1 to i32
    %cond3A_41 = arith.constant 0 : i32
    %cond3A_42 = arith.cmpi ne, %convert_element_type3A_40, %cond3A_41 : i32
    scf.if %cond3A_42 {
      "tpu.region"() ({
        %run_scoped3A = tpu.sem_alloc : memref<!tpu.dma_semaphore, #tpu.memory_space<semaphore_mem>>
        %dma_start3A = arith.constant 0 : i32
        %dma_start3A_43 = tpu.memref_slice %arg5[%add3A_32, %dma_start3A] : memref<20000x128xf32, #tpu.memory_space<hbm>> -> memref<520x128xf32, #tpu.memory_space<hbm>>
        %dma_start3A_44 = arith.constant 0 : i32
        %dma_start3A_45 = tpu.memref_slice %arg12[%mul3A_8, %dma_start3A_44] : memref<10000x128xf32, #tpu.memory_space<vmem_shared>> -> memref<520x128xf32, #tpu.memory_space<vmem_shared>>
        tpu.enqueue_dma source(%dma_start3A_45 : memref<520x128xf32, #tpu.memory_space<vmem_shared>>) target(%dma_start3A_43 : memref<520x128xf32, #tpu.memory_space<hbm>>) target_semaphore(%run_scoped3A : memref<!tpu.dma_semaphore, #tpu.memory_space<semaphore_mem>>)
        %dma_wait3A = arith.constant 0 : i32
        %dma_wait3A_46 = tpu.memref_slice %arg5[%add3A_32, %dma_wait3A] : memref<20000x128xf32, #tpu.memory_space<hbm>> -> memref<520x128xf32, #tpu.memory_space<hbm>>
        %dma_wait3A_47 = arith.constant 0 : i32
        %dma_wait3A_48 = tpu.memref_slice %arg12[%mul3A_8, %dma_wait3A_47] : memref<10000x128xf32, #tpu.memory_space<vmem_shared>> -> memref<520x128xf32, #tpu.memory_space<vmem_shared>>
        tpu.wait_dma2 semaphore(%run_scoped3A : memref<!tpu.dma_semaphore, #tpu.memory_space<semaphore_mem>>) src(%dma_wait3A_48 : memref<520x128xf32, #tpu.memory_space<vmem_shared>>) dst(%dma_wait3A_46 : memref<520x128xf32, #tpu.memory_space<hbm>>)
        tpu.yield
      }) : () -> ()
    } else {
    }
    return
  }
}

#map = affine_map<(d0, d1) -> (0, 0)>
#map1 = affine_map<(d0, d1) -> (0)>
module attributes {stable_mosaic.version = 14 : i64} {
  func.func @_sc_msgpass_body(%arg0: i32, %arg1: i32, %arg2: memref<10000x128xf32, #tpu.memory_space<hbm>>, %arg3: memref<2560x128xi32, #tpu.memory_space<hbm>>, %arg4: memref<327680xi32, #tpu.memory_space<hbm>>, %arg5: memref<20000x128xf32, #tpu.memory_space<hbm>>, %arg6: memref<80x128xi32, #tpu.memory_space<vmem>>, %arg7: memref<128xi32, #tpu.memory_space<vmem>>, %arg8: memref<128xi32, #tpu.memory_space<vmem>>, %arg9: memref<128xi32, #tpu.memory_space<vmem>>, %arg10: memref<128xi32, #tpu.memory_space<vmem>>, %arg11: memref<2x128x128xf32, #tpu.memory_space<vmem>>, %arg12: memref<10000x128xf32, #tpu.memory_space<vmem_shared>>, %arg13: memref<!tpu.dma_semaphore, #tpu.memory_space<semaphore_mem>>, %arg14: memref<!tpu.dma_semaphore, #tpu.memory_space<semaphore_mem>>, %arg15: memref<!tpu.dma_semaphore, #tpu.memory_space<semaphore_mem>>, %arg16: memref<!tpu.dma_semaphore, #tpu.memory_space<semaphore_mem>>, %arg17: memref<!tpu.dma_semaphore, #tpu.memory_space<semaphore_mem>>, %arg18: memref<!tpu.dma_semaphore, #tpu.memory_space<semaphore_mem>>, %arg19: memref<!tpu.dma_semaphore, #tpu.memory_space<semaphore_mem>>, %arg20: memref<!tpu.dma_semaphore, #tpu.memory_space<semaphore_mem>>) attributes {dimension_semantics = [#tpu.dimension_semantics<core_parallel>, #tpu.dimension_semantics<subcore_parallel>], iteration_bounds = array<i64: 2, 16>, scalar_prefetch = 0 : i64, scratch_operands = 15 : i64, tpu.core_type = #tpu.core_type<sc_vector_subcore>, window_params = [{transform_indices = #map}, {transform_indices = #map}, {transform_indices = #map1}, {transform_indices = #map}]} {
    %mul3A = arith.constant 16 : i32
    %mul3A_0 = arith.muli %arg0, %mul3A : i32
    %add3A = arith.addi %mul3A_0, %arg1 : i32
    %scan3A = arith.constant 0 : i32
    %scan3A_1 = arith.constant 0 : i32
    %scan3A_2 = arith.constant 0 : i32
    %scan3A_3 = arith.constant 128 : i32
    %scan3A_4 = arith.addi %scan3A_2, %scan3A_3 : i32
    %scan3A_5 = arith.constant 1 : i32
    scf.for %scan3A_43 = %scan3A_2 to %scan3A_4 step %scan3A_5  : i32 {
      %broadcast_in_dim3A = arith.constant 0.000000e+00 : f32
      %broadcast_in_dim3A_44 = vector.broadcast %broadcast_in_dim3A : f32 to vector<16xf32>
      %swap3A = arith.constant 0 : i32
      %swap3A_45 = arith.constant 0 : i32
      %swap3A_46 = tpu.memref_slice %arg11[%scan3A_1, %swap3A, %swap3A_45] : memref<2x128x128xf32, #tpu.memory_space<vmem>> -> memref<1x128x128xf32, #tpu.memory_space<vmem>>
      %swap3A_47 = tpu.memref_squeeze %swap3A_46 : memref<1x128x128xf32, #tpu.memory_space<vmem>> -> memref<128x128xf32, #tpu.memory_space<vmem>>
      %swap3A_48 = arith.index_cast %scan3A_43 : i32 to index
      %swap3A_49 = arith.constant 0 : index
      %swap3A_50 = tpu.vector_load %swap3A_47[%swap3A_48, %swap3A_49] {strides = array<i32>} : memref<128x128xf32, #tpu.memory_space<vmem>>, vector<1x16xf32>,
      %swap3A_51 = vector.shape_cast %swap3A_50 : vector<1x16xf32> to vector<16xf32>
      %swap3A_52 = vector.shape_cast %broadcast_in_dim3A_44 : vector<16xf32> to vector<1x16xf32>
      tpu.vector_store %swap3A_47[%swap3A_48, %swap3A_49], %swap3A_52 {strides = array<i32>} : memref<128x128xf32, #tpu.memory_space<vmem>>, vector<1x16xf32>,
      %broadcast_in_dim3A_53 = arith.constant 0.000000e+00 : f32
      %broadcast_in_dim3A_54 = vector.broadcast %broadcast_in_dim3A_53 : f32 to vector<16xf32>
      %swap3A_55 = arith.constant 0 : i32
      %swap3A_56 = arith.constant 0 : i32
      %swap3A_57 = tpu.memref_slice %arg11[%scan3A_1, %swap3A_55, %swap3A_56] : memref<2x128x128xf32, #tpu.memory_space<vmem>> -> memref<1x128x128xf32, #tpu.memory_space<vmem>>
      %swap3A_58 = tpu.memref_squeeze %swap3A_57 : memref<1x128x128xf32, #tpu.memory_space<vmem>> -> memref<128x128xf32, #tpu.memory_space<vmem>>
      %swap3A_59 = arith.index_cast %scan3A_43 : i32 to index
      %swap3A_60 = arith.constant 16 : index
      %swap3A_61 = tpu.vector_load %swap3A_58[%swap3A_59, %swap3A_60] {strides = array<i32>} : memref<128x128xf32, #tpu.memory_space<vmem>>, vector<1x16xf32>,
      %swap3A_62 = vector.shape_cast %swap3A_61 : vector<1x16xf32> to vector<16xf32>
      %swap3A_63 = vector.shape_cast %broadcast_in_dim3A_54 : vector<16xf32> to vector<1x16xf32>
      tpu.vector_store %swap3A_58[%swap3A_59, %swap3A_60], %swap3A_63 {strides = array<i32>} : memref<128x128xf32, #tpu.memory_space<vmem>>, vector<1x16xf32>,
      %broadcast_in_dim3A_64 = arith.constant 0.000000e+00 : f32
      %broadcast_in_dim3A_65 = vector.broadcast %broadcast_in_dim3A_64 : f32 to vector<16xf32>
      %swap3A_66 = arith.constant 0 : i32
      %swap3A_67 = arith.constant 0 : i32
      %swap3A_68 = tpu.memref_slice %arg11[%scan3A_1, %swap3A_66, %swap3A_67] : memref<2x128x128xf32, #tpu.memory_space<vmem>> -> memref<1x128x128xf32, #tpu.memory_space<vmem>>
      %swap3A_69 = tpu.memref_squeeze %swap3A_68 : memref<1x128x128xf32, #tpu.memory_space<vmem>> -> memref<128x128xf32, #tpu.memory_space<vmem>>
      %swap3A_70 = arith.index_cast %scan3A_43 : i32 to index
      %swap3A_71 = arith.constant 32 : index
      %swap3A_72 = tpu.vector_load %swap3A_69[%swap3A_70, %swap3A_71] {strides = array<i32>} : memref<128x128xf32, #tpu.memory_space<vmem>>, vector<1x16xf32>,
      %swap3A_73 = vector.shape_cast %swap3A_72 : vector<1x16xf32> to vector<16xf32>
      %swap3A_74 = vector.shape_cast %broadcast_in_dim3A_65 : vector<16xf32> to vector<1x16xf32>
      tpu.vector_store %swap3A_69[%swap3A_70, %swap3A_71], %swap3A_74 {strides = array<i32>} : memref<128x128xf32, #tpu.memory_space<vmem>>, vector<1x16xf32>,
      %broadcast_in_dim3A_75 = arith.constant 0.000000e+00 : f32
      %broadcast_in_dim3A_76 = vector.broadcast %broadcast_in_dim3A_75 : f32 to vector<16xf32>
      %swap3A_77 = arith.constant 0 : i32
      %swap3A_78 = arith.constant 0 : i32
      %swap3A_79 = tpu.memref_slice %arg11[%scan3A_1, %swap3A_77, %swap3A_78] : memref<2x128x128xf32, #tpu.memory_space<vmem>> -> memref<1x128x128xf32, #tpu.memory_space<vmem>>
      %swap3A_80 = tpu.memref_squeeze %swap3A_79 : memref<1x128x128xf32, #tpu.memory_space<vmem>> -> memref<128x128xf32, #tpu.memory_space<vmem>>
      %swap3A_81 = arith.index_cast %scan3A_43 : i32 to index
      %swap3A_82 = arith.constant 48 : index
      %swap3A_83 = tpu.vector_load %swap3A_80[%swap3A_81, %swap3A_82] {strides = array<i32>} : memref<128x128xf32, #tpu.memory_space<vmem>>, vector<1x16xf32>,
      %swap3A_84 = vector.shape_cast %swap3A_83 : vector<1x16xf32> to vector<16xf32>
      %swap3A_85 = vector.shape_cast %broadcast_in_dim3A_76 : vector<16xf32> to vector<1x16xf32>
      tpu.vector_store %swap3A_80[%swap3A_81, %swap3A_82], %swap3A_85 {strides = array<i32>} : memref<128x128xf32, #tpu.memory_space<vmem>>, vector<1x16xf32>,
      %broadcast_in_dim3A_86 = arith.constant 0.000000e+00 : f32
      %broadcast_in_dim3A_87 = vector.broadcast %broadcast_in_dim3A_86 : f32 to vector<16xf32>
      %swap3A_88 = arith.constant 0 : i32
      %swap3A_89 = arith.constant 0 : i32
      %swap3A_90 = tpu.memref_slice %arg11[%scan3A_1, %swap3A_88, %swap3A_89] : memref<2x128x128xf32, #tpu.memory_space<vmem>> -> memref<1x128x128xf32, #tpu.memory_space<vmem>>
      %swap3A_91 = tpu.memref_squeeze %swap3A_90 : memref<1x128x128xf32, #tpu.memory_space<vmem>> -> memref<128x128xf32, #tpu.memory_space<vmem>>
      %swap3A_92 = arith.index_cast %scan3A_43 : i32 to index
      %swap3A_93 = arith.constant 64 : index
      %swap3A_94 = tpu.vector_load %swap3A_91[%swap3A_92, %swap3A_93] {strides = array<i32>} : memref<128x128xf32, #tpu.memory_space<vmem>>, vector<1x16xf32>,
      %swap3A_95 = vector.shape_cast %swap3A_94 : vector<1x16xf32> to vector<16xf32>
      %swap3A_96 = vector.shape_cast %broadcast_in_dim3A_87 : vector<16xf32> to vector<1x16xf32>
      tpu.vector_store %swap3A_91[%swap3A_92, %swap3A_93], %swap3A_96 {strides = array<i32>} : memref<128x128xf32, #tpu.memory_space<vmem>>, vector<1x16xf32>,
      %broadcast_in_dim3A_97 = arith.constant 0.000000e+00 : f32
      %broadcast_in_dim3A_98 = vector.broadcast %broadcast_in_dim3A_97 : f32 to vector<16xf32>
      %swap3A_99 = arith.constant 0 : i32
      %swap3A_100 = arith.constant 0 : i32
      %swap3A_101 = tpu.memref_slice %arg11[%scan3A_1, %swap3A_99, %swap3A_100] : memref<2x128x128xf32, #tpu.memory_space<vmem>> -> memref<1x128x128xf32, #tpu.memory_space<vmem>>
      %swap3A_102 = tpu.memref_squeeze %swap3A_101 : memref<1x128x128xf32, #tpu.memory_space<vmem>> -> memref<128x128xf32, #tpu.memory_space<vmem>>
      %swap3A_103 = arith.index_cast %scan3A_43 : i32 to index
      %swap3A_104 = arith.constant 80 : index
      %swap3A_105 = tpu.vector_load %swap3A_102[%swap3A_103, %swap3A_104] {strides = array<i32>} : memref<128x128xf32, #tpu.memory_space<vmem>>, vector<1x16xf32>,
      %swap3A_106 = vector.shape_cast %swap3A_105 : vector<1x16xf32> to vector<16xf32>
      %swap3A_107 = vector.shape_cast %broadcast_in_dim3A_98 : vector<16xf32> to vector<1x16xf32>
      tpu.vector_store %swap3A_102[%swap3A_103, %swap3A_104], %swap3A_107 {strides = array<i32>} : memref<128x128xf32, #tpu.memory_space<vmem>>, vector<1x16xf32>,
      %broadcast_in_dim3A_108 = arith.constant 0.000000e+00 : f32
      %broadcast_in_dim3A_109 = vector.broadcast %broadcast_in_dim3A_108 : f32 to vector<16xf32>
      %swap3A_110 = arith.constant 0 : i32
      %swap3A_111 = arith.constant 0 : i32
      %swap3A_112 = tpu.memref_slice %arg11[%scan3A_1, %swap3A_110, %swap3A_111] : memref<2x128x128xf32, #tpu.memory_space<vmem>> -> memref<1x128x128xf32, #tpu.memory_space<vmem>>
      %swap3A_113 = tpu.memref_squeeze %swap3A_112 : memref<1x128x128xf32, #tpu.memory_space<vmem>> -> memref<128x128xf32, #tpu.memory_space<vmem>>
      %swap3A_114 = arith.index_cast %scan3A_43 : i32 to index
      %swap3A_115 = arith.constant 96 : index
      %swap3A_116 = tpu.vector_load %swap3A_113[%swap3A_114, %swap3A_115] {strides = array<i32>} : memref<128x128xf32, #tpu.memory_space<vmem>>, vector<1x16xf32>,
      %swap3A_117 = vector.shape_cast %swap3A_116 : vector<1x16xf32> to vector<16xf32>
      %swap3A_118 = vector.shape_cast %broadcast_in_dim3A_109 : vector<16xf32> to vector<1x16xf32>
      tpu.vector_store %swap3A_113[%swap3A_114, %swap3A_115], %swap3A_118 {strides = array<i32>} : memref<128x128xf32, #tpu.memory_space<vmem>>, vector<1x16xf32>,
      %broadcast_in_dim3A_119 = arith.constant 0.000000e+00 : f32
      %broadcast_in_dim3A_120 = vector.broadcast %broadcast_in_dim3A_119 : f32 to vector<16xf32>
      %swap3A_121 = arith.constant 0 : i32
      %swap3A_122 = arith.constant 0 : i32
      %swap3A_123 = tpu.memref_slice %arg11[%scan3A_1, %swap3A_121, %swap3A_122] : memref<2x128x128xf32, #tpu.memory_space<vmem>> -> memref<1x128x128xf32, #tpu.memory_space<vmem>>
      %swap3A_124 = tpu.memref_squeeze %swap3A_123 : memref<1x128x128xf32, #tpu.memory_space<vmem>> -> memref<128x128xf32, #tpu.memory_space<vmem>>
      %swap3A_125 = arith.index_cast %scan3A_43 : i32 to index
      %swap3A_126 = arith.constant 112 : index
      %swap3A_127 = tpu.vector_load %swap3A_124[%swap3A_125, %swap3A_126] {strides = array<i32>} : memref<128x128xf32, #tpu.memory_space<vmem>>, vector<1x16xf32>,
      %swap3A_128 = vector.shape_cast %swap3A_127 : vector<1x16xf32> to vector<16xf32>
      %swap3A_129 = vector.shape_cast %broadcast_in_dim3A_120 : vector<16xf32> to vector<1x16xf32>
      tpu.vector_store %swap3A_124[%swap3A_125, %swap3A_126], %swap3A_129 {strides = array<i32>} : memref<128x128xf32, #tpu.memory_space<vmem>>, vector<1x16xf32>,
    }
    %scan3A_6 = arith.constant 128 : i32
    %mul3A_7 = arith.constant 632 : i32
    %mul3A_8 = arith.muli %arg1, %mul3A_7 : i32
    %lt3A = arith.constant 15 : i32
    %lt3A_9 = arith.cmpi slt, %arg1, %lt3A : i32
    %convert_element_type3A = arith.extui %lt3A_9 : i1 to i32
    %cond3A = arith.constant 0 : i32
    %cond3A_10 = arith.constant 0 : i32
    %cond3A_11 = arith.cmpi ne, %convert_element_type3A, %cond3A_10 : i32
    scf.if %cond3A_11 {
      %add3A_43 = arith.constant 0 : i32
      %add3A_44 = arith.addi %mul3A_8, %add3A_43 : i32
      "tpu.region"() ({
        %run_scoped3A = tpu.sem_alloc : memref<!tpu.dma_semaphore, #tpu.memory_space<semaphore_mem>>
        %dma_start3A = arith.constant 0 : i32
        %dma_start3A_53 = arith.constant 0 : i32
        %dma_start3A_54 = tpu.memref_slice %arg11[%cond3A, %dma_start3A, %dma_start3A_53] : memref<2x128x128xf32, #tpu.memory_space<vmem>> -> memref<1x128x128xf32, #tpu.memory_space<vmem>>
        %dma_start3A_55 = tpu.memref_squeeze %dma_start3A_54 : memref<1x128x128xf32, #tpu.memory_space<vmem>> -> memref<128x128xf32, #tpu.memory_space<vmem>>
        %dma_start3A_56 = arith.constant 0 : i32
        %dma_start3A_57 = tpu.memref_slice %arg12[%add3A_44, %dma_start3A_56] : memref<10000x128xf32, #tpu.memory_space<vmem_shared>> -> memref<128x128xf32, #tpu.memory_space<vmem_shared>>
        %dma_start3A_58 = arith.constant 0 : i32
        %dma_start3A_59 = tpu.memref_slice %arg12[%add3A_44, %dma_start3A_58] : memref<10000x128xf32, #tpu.memory_space<vmem_shared>> -> memref<128x128xf32, #tpu.memory_space<vmem_shared>>
        %dma_start3A_60 = arith.constant 0 : i32
        %dma_start3A_61 = arith.constant 0 : i32
        %dma_start3A_62 = tpu.memref_slice %arg11[%cond3A, %dma_start3A_60, %dma_start3A_61] : memref<2x128x128xf32, #tpu.memory_space<vmem>> -> memref<1x128x128xf32, #tpu.memory_space<vmem>>
        %dma_start3A_63 = tpu.memref_squeeze %dma_start3A_62 : memref<1x128x128xf32, #tpu.memory_space<vmem>> -> memref<128x128xf32, #tpu.memory_space<vmem>>
        tpu.enqueue_dma source(%dma_start3A_63 : memref<128x128xf32, #tpu.memory_space<vmem>>) target(%dma_start3A_59 : memref<128x128xf32, #tpu.memory_space<vmem_shared>>) target_semaphore(%run_scoped3A : memref<!tpu.dma_semaphore, #tpu.memory_space<semaphore_mem>>)
        %dma_wait3A = arith.constant 0 : i32
        %dma_wait3A_64 = arith.constant 0 : i32
        %dma_wait3A_65 = tpu.memref_slice %arg11[%cond3A, %dma_wait3A, %dma_wait3A_64] : memref<2x128x128xf32, #tpu.memory_space<vmem>> -> memref<1x128x128xf32, #tpu.memory_space<vmem>>
        %dma_wait3A_66 = tpu.memref_squeeze %dma_wait3A_65 : memref<1x128x128xf32, #tpu.memory_space<vmem>> -> memref<128x128xf32, #tpu.memory_space<vmem>>
        %dma_wait3A_67 = arith.constant 0 : i32
        %dma_wait3A_68 = tpu.memref_slice %arg12[%add3A_44, %dma_wait3A_67] : memref<10000x128xf32, #tpu.memory_space<vmem_shared>> -> memref<128x128xf32, #tpu.memory_space<vmem_shared>>
        %dma_wait3A_69 = arith.constant 0 : i32
        %dma_wait3A_70 = tpu.memref_slice %arg12[%add3A_44, %dma_wait3A_69] : memref<10000x128xf32, #tpu.memory_space<vmem_shared>> -> memref<128x128xf32, #tpu.memory_space<vmem_shared>>
        %dma_wait3A_71 = arith.constant 0 : i32
        %dma_wait3A_72 = arith.constant 0 : i32
        %dma_wait3A_73 = tpu.memref_slice %arg11[%cond3A, %dma_wait3A_71, %dma_wait3A_72] : memref<2x128x128xf32, #tpu.memory_space<vmem>> -> memref<1x128x128xf32, #tpu.memory_space<vmem>>
        %dma_wait3A_74 = tpu.memref_squeeze %dma_wait3A_73 : memref<1x128x128xf32, #tpu.memory_space<vmem>> -> memref<128x128xf32, #tpu.memory_space<vmem>>
        tpu.wait_dma2 semaphore(%run_scoped3A : memref<!tpu.dma_semaphore, #tpu.memory_space<semaphore_mem>>) src(%dma_wait3A_74 : memref<128x128xf32, #tpu.memory_space<vmem>>) dst(%dma_wait3A_70 : memref<128x128xf32, #tpu.memory_space<vmem_shared>>)
        tpu.yield
      }) : () -> ()
      %add3A_45 = arith.constant 128 : i32
      %add3A_46 = arith.addi %mul3A_8, %add3A_45 : i32
      "tpu.region"() ({
        %run_scoped3A = tpu.sem_alloc : memref<!tpu.dma_semaphore, #tpu.memory_space<semaphore_mem>>
        %dma_start3A = arith.constant 0 : i32
        %dma_start3A_53 = arith.constant 0 : i32
        %dma_start3A_54 = tpu.memref_slice %arg11[%cond3A, %dma_start3A, %dma_start3A_53] : memref<2x128x128xf32, #tpu.memory_space<vmem>> -> memref<1x128x128xf32, #tpu.memory_space<vmem>>
        %dma_start3A_55 = tpu.memref_squeeze %dma_start3A_54 : memref<1x128x128xf32, #tpu.memory_space<vmem>> -> memref<128x128xf32, #tpu.memory_space<vmem>>
        %dma_start3A_56 = arith.constant 0 : i32
        %dma_start3A_57 = tpu.memref_slice %arg12[%add3A_46, %dma_start3A_56] : memref<10000x128xf32, #tpu.memory_space<vmem_shared>> -> memref<128x128xf32, #tpu.memory_space<vmem_shared>>
        %dma_start3A_58 = arith.constant 0 : i32
        %dma_start3A_59 = tpu.memref_slice %arg12[%add3A_46, %dma_start3A_58] : memref<10000x128xf32, #tpu.memory_space<vmem_shared>> -> memref<128x128xf32, #tpu.memory_space<vmem_shared>>
        %dma_start3A_60 = arith.constant 0 : i32
        %dma_start3A_61 = arith.constant 0 : i32
        %dma_start3A_62 = tpu.memref_slice %arg11[%cond3A, %dma_start3A_60, %dma_start3A_61] : memref<2x128x128xf32, #tpu.memory_space<vmem>> -> memref<1x128x128xf32, #tpu.memory_space<vmem>>
        %dma_start3A_63 = tpu.memref_squeeze %dma_start3A_62 : memref<1x128x128xf32, #tpu.memory_space<vmem>> -> memref<128x128xf32, #tpu.memory_space<vmem>>
        tpu.enqueue_dma source(%dma_start3A_63 : memref<128x128xf32, #tpu.memory_space<vmem>>) target(%dma_start3A_59 : memref<128x128xf32, #tpu.memory_space<vmem_shared>>) target_semaphore(%run_scoped3A : memref<!tpu.dma_semaphore, #tpu.memory_space<semaphore_mem>>)
        %dma_wait3A = arith.constant 0 : i32
        %dma_wait3A_64 = arith.constant 0 : i32
        %dma_wait3A_65 = tpu.memref_slice %arg11[%cond3A, %dma_wait3A, %dma_wait3A_64] : memref<2x128x128xf32, #tpu.memory_space<vmem>> -> memref<1x128x128xf32, #tpu.memory_space<vmem>>
        %dma_wait3A_66 = tpu.memref_squeeze %dma_wait3A_65 : memref<1x128x128xf32, #tpu.memory_space<vmem>> -> memref<128x128xf32, #tpu.memory_space<vmem>>
        %dma_wait3A_67 = arith.constant 0 : i32
        %dma_wait3A_68 = tpu.memref_slice %arg12[%add3A_46, %dma_wait3A_67] : memref<10000x128xf32, #tpu.memory_space<vmem_shared>> -> memref<128x128xf32, #tpu.memory_space<vmem_shared>>
        %dma_wait3A_69 = arith.constant 0 : i32
        %dma_wait3A_70 = tpu.memref_slice %arg12[%add3A_46, %dma_wait3A_69] : memref<10000x128xf32, #tpu.memory_space<vmem_shared>> -> memref<128x128xf32, #tpu.memory_space<vmem_shared>>
        %dma_wait3A_71 = arith.constant 0 : i32
        %dma_wait3A_72 = arith.constant 0 : i32
        %dma_wait3A_73 = tpu.memref_slice %arg11[%cond3A, %dma_wait3A_71, %dma_wait3A_72] : memref<2x128x128xf32, #tpu.memory_space<vmem>> -> memref<1x128x128xf32, #tpu.memory_space<vmem>>
        %dma_wait3A_74 = tpu.memref_squeeze %dma_wait3A_73 : memref<1x128x128xf32, #tpu.memory_space<vmem>> -> memref<128x128xf32, #tpu.memory_space<vmem>>
        tpu.wait_dma2 semaphore(%run_scoped3A : memref<!tpu.dma_semaphore, #tpu.memory_space<semaphore_mem>>) src(%dma_wait3A_74 : memref<128x128xf32, #tpu.memory_space<vmem>>) dst(%dma_wait3A_70 : memref<128x128xf32, #tpu.memory_space<vmem_shared>>)
        tpu.yield
      }) : () -> ()
      %add3A_47 = arith.constant 256 : i32
      %add3A_48 = arith.addi %mul3A_8, %add3A_47 : i32
      "tpu.region"() ({
        %run_scoped3A = tpu.sem_alloc : memref<!tpu.dma_semaphore, #tpu.memory_space<semaphore_mem>>
        %dma_start3A = arith.constant 0 : i32
        %dma_start3A_53 = arith.constant 0 : i32
        %dma_start3A_54 = tpu.memref_slice %arg11[%cond3A, %dma_start3A, %dma_start3A_53] : memref<2x128x128xf32, #tpu.memory_space<vmem>> -> memref<1x128x128xf32, #tpu.memory_space<vmem>>
        %dma_start3A_55 = tpu.memref_squeeze %dma_start3A_54 : memref<1x128x128xf32, #tpu.memory_space<vmem>> -> memref<128x128xf32, #tpu.memory_space<vmem>>
        %dma_start3A_56 = arith.constant 0 : i32
        %dma_start3A_57 = tpu.memref_slice %arg12[%add3A_48, %dma_start3A_56] : memref<10000x128xf32, #tpu.memory_space<vmem_shared>> -> memref<128x128xf32, #tpu.memory_space<vmem_shared>>
        %dma_start3A_58 = arith.constant 0 : i32
        %dma_start3A_59 = tpu.memref_slice %arg12[%add3A_48, %dma_start3A_58] : memref<10000x128xf32, #tpu.memory_space<vmem_shared>> -> memref<128x128xf32, #tpu.memory_space<vmem_shared>>
        %dma_start3A_60 = arith.constant 0 : i32
        %dma_start3A_61 = arith.constant 0 : i32
        %dma_start3A_62 = tpu.memref_slice %arg11[%cond3A, %dma_start3A_60, %dma_start3A_61] : memref<2x128x128xf32, #tpu.memory_space<vmem>> -> memref<1x128x128xf32, #tpu.memory_space<vmem>>
        %dma_start3A_63 = tpu.memref_squeeze %dma_start3A_62 : memref<1x128x128xf32, #tpu.memory_space<vmem>> -> memref<128x128xf32, #tpu.memory_space<vmem>>
        tpu.enqueue_dma source(%dma_start3A_63 : memref<128x128xf32, #tpu.memory_space<vmem>>) target(%dma_start3A_59 : memref<128x128xf32, #tpu.memory_space<vmem_shared>>) target_semaphore(%run_scoped3A : memref<!tpu.dma_semaphore, #tpu.memory_space<semaphore_mem>>)
        %dma_wait3A = arith.constant 0 : i32
        %dma_wait3A_64 = arith.constant 0 : i32
        %dma_wait3A_65 = tpu.memref_slice %arg11[%cond3A, %dma_wait3A, %dma_wait3A_64] : memref<2x128x128xf32, #tpu.memory_space<vmem>> -> memref<1x128x128xf32, #tpu.memory_space<vmem>>
        %dma_wait3A_66 = tpu.memref_squeeze %dma_wait3A_65 : memref<1x128x128xf32, #tpu.memory_space<vmem>> -> memref<128x128xf32, #tpu.memory_space<vmem>>
        %dma_wait3A_67 = arith.constant 0 : i32
        %dma_wait3A_68 = tpu.memref_slice %arg12[%add3A_48, %dma_wait3A_67] : memref<10000x128xf32, #tpu.memory_space<vmem_shared>> -> memref<128x128xf32, #tpu.memory_space<vmem_shared>>
        %dma_wait3A_69 = arith.constant 0 : i32
        %dma_wait3A_70 = tpu.memref_slice %arg12[%add3A_48, %dma_wait3A_69] : memref<10000x128xf32, #tpu.memory_space<vmem_shared>> -> memref<128x128xf32, #tpu.memory_space<vmem_shared>>
        %dma_wait3A_71 = arith.constant 0 : i32
        %dma_wait3A_72 = arith.constant 0 : i32
        %dma_wait3A_73 = tpu.memref_slice %arg11[%cond3A, %dma_wait3A_71, %dma_wait3A_72] : memref<2x128x128xf32, #tpu.memory_space<vmem>> -> memref<1x128x128xf32, #tpu.memory_space<vmem>>
        %dma_wait3A_74 = tpu.memref_squeeze %dma_wait3A_73 : memref<1x128x128xf32, #tpu.memory_space<vmem>> -> memref<128x128xf32, #tpu.memory_space<vmem>>
        tpu.wait_dma2 semaphore(%run_scoped3A : memref<!tpu.dma_semaphore, #tpu.memory_space<semaphore_mem>>) src(%dma_wait3A_74 : memref<128x128xf32, #tpu.memory_space<vmem>>) dst(%dma_wait3A_70 : memref<128x128xf32, #tpu.memory_space<vmem_shared>>)
        tpu.yield
      }) : () -> ()
      %add3A_49 = arith.constant 384 : i32
      %add3A_50 = arith.addi %mul3A_8, %add3A_49 : i32
      "tpu.region"() ({
        %run_scoped3A = tpu.sem_alloc : memref<!tpu.dma_semaphore, #tpu.memory_space<semaphore_mem>>
        %dma_start3A = arith.constant 0 : i32
        %dma_start3A_53 = arith.constant 0 : i32
        %dma_start3A_54 = tpu.memref_slice %arg11[%cond3A, %dma_start3A, %dma_start3A_53] : memref<2x128x128xf32, #tpu.memory_space<vmem>> -> memref<1x128x128xf32, #tpu.memory_space<vmem>>
        %dma_start3A_55 = tpu.memref_squeeze %dma_start3A_54 : memref<1x128x128xf32, #tpu.memory_space<vmem>> -> memref<128x128xf32, #tpu.memory_space<vmem>>
        %dma_start3A_56 = arith.constant 0 : i32
        %dma_start3A_57 = tpu.memref_slice %arg12[%add3A_50, %dma_start3A_56] : memref<10000x128xf32, #tpu.memory_space<vmem_shared>> -> memref<128x128xf32, #tpu.memory_space<vmem_shared>>
        %dma_start3A_58 = arith.constant 0 : i32
        %dma_start3A_59 = tpu.memref_slice %arg12[%add3A_50, %dma_start3A_58] : memref<10000x128xf32, #tpu.memory_space<vmem_shared>> -> memref<128x128xf32, #tpu.memory_space<vmem_shared>>
        %dma_start3A_60 = arith.constant 0 : i32
        %dma_start3A_61 = arith.constant 0 : i32
        %dma_start3A_62 = tpu.memref_slice %arg11[%cond3A, %dma_start3A_60, %dma_start3A_61] : memref<2x128x128xf32, #tpu.memory_space<vmem>> -> memref<1x128x128xf32, #tpu.memory_space<vmem>>
        %dma_start3A_63 = tpu.memref_squeeze %dma_start3A_62 : memref<1x128x128xf32, #tpu.memory_space<vmem>> -> memref<128x128xf32, #tpu.memory_space<vmem>>
        tpu.enqueue_dma source(%dma_start3A_63 : memref<128x128xf32, #tpu.memory_space<vmem>>) target(%dma_start3A_59 : memref<128x128xf32, #tpu.memory_space<vmem_shared>>) target_semaphore(%run_scoped3A : memref<!tpu.dma_semaphore, #tpu.memory_space<semaphore_mem>>)
        %dma_wait3A = arith.constant 0 : i32
        %dma_wait3A_64 = arith.constant 0 : i32
        %dma_wait3A_65 = tpu.memref_slice %arg11[%cond3A, %dma_wait3A, %dma_wait3A_64] : memref<2x128x128xf32, #tpu.memory_space<vmem>> -> memref<1x128x128xf32, #tpu.memory_space<vmem>>
        %dma_wait3A_66 = tpu.memref_squeeze %dma_wait3A_65 : memref<1x128x128xf32, #tpu.memory_space<vmem>> -> memref<128x128xf32, #tpu.memory_space<vmem>>
        %dma_wait3A_67 = arith.constant 0 : i32
        %dma_wait3A_68 = tpu.memref_slice %arg12[%add3A_50, %dma_wait3A_67] : memref<10000x128xf32, #tpu.memory_space<vmem_shared>> -> memref<128x128xf32, #tpu.memory_space<vmem_shared>>
        %dma_wait3A_69 = arith.constant 0 : i32
        %dma_wait3A_70 = tpu.memref_slice %arg12[%add3A_50, %dma_wait3A_69] : memref<10000x128xf32, #tpu.memory_space<vmem_shared>> -> memref<128x128xf32, #tpu.memory_space<vmem_shared>>
        %dma_wait3A_71 = arith.constant 0 : i32
        %dma_wait3A_72 = arith.constant 0 : i32
        %dma_wait3A_73 = tpu.memref_slice %arg11[%cond3A, %dma_wait3A_71, %dma_wait3A_72] : memref<2x128x128xf32, #tpu.memory_space<vmem>> -> memref<1x128x128xf32, #tpu.memory_space<vmem>>
        %dma_wait3A_74 = tpu.memref_squeeze %dma_wait3A_73 : memref<1x128x128xf32, #tpu.memory_space<vmem>> -> memref<128x128xf32, #tpu.memory_space<vmem>>
        tpu.wait_dma2 semaphore(%run_scoped3A : memref<!tpu.dma_semaphore, #tpu.memory_space<semaphore_mem>>) src(%dma_wait3A_74 : memref<128x128xf32, #tpu.memory_space<vmem>>) dst(%dma_wait3A_70 : memref<128x128xf32, #tpu.memory_space<vmem_shared>>)
        tpu.yield
      }) : () -> ()
      %add3A_51 = arith.constant 512 : i32
      %add3A_52 = arith.addi %mul3A_8, %add3A_51 : i32
      "tpu.region"() ({
        %run_scoped3A = tpu.sem_alloc : memref<!tpu.dma_semaphore, #tpu.memory_space<semaphore_mem>>
        %dma_start3A = arith.constant 0 : i32
        %dma_start3A_53 = arith.constant 0 : i32
        %dma_start3A_54 = tpu.memref_slice %arg11[%cond3A, %dma_start3A, %dma_start3A_53] : memref<2x128x128xf32, #tpu.memory_space<vmem>> -> memref<1x128x128xf32, #tpu.memory_space<vmem>>
        %dma_start3A_55 = tpu.memref_squeeze %dma_start3A_54 : memref<1x128x128xf32, #tpu.memory_space<vmem>> -> memref<128x128xf32, #tpu.memory_space<vmem>>
        %dma_start3A_56 = arith.constant 0 : i32
        %dma_start3A_57 = arith.constant 0 : i32
        %dma_start3A_58 = tpu.memref_slice %dma_start3A_55[%dma_start3A_56, %dma_start3A_57] : memref<128x128xf32, #tpu.memory_space<vmem>> -> memref<120x128xf32, #tpu.memory_space<vmem>>
        %dma_start3A_59 = arith.constant 0 : i32
        %dma_start3A_60 = tpu.memref_slice %arg12[%add3A_52, %dma_start3A_59] : memref<10000x128xf32, #tpu.memory_space<vmem_shared>> -> memref<120x128xf32, #tpu.memory_space<vmem_shared>>
        %dma_start3A_61 = arith.constant 0 : i32
        %dma_start3A_62 = tpu.memref_slice %arg12[%add3A_52, %dma_start3A_61] : memref<10000x128xf32, #tpu.memory_space<vmem_shared>> -> memref<120x128xf32, #tpu.memory_space<vmem_shared>>
        %dma_start3A_63 = arith.constant 0 : i32
        %dma_start3A_64 = arith.constant 0 : i32
        %dma_start3A_65 = tpu.memref_slice %arg11[%cond3A, %dma_start3A_63, %dma_start3A_64] : memref<2x128x128xf32, #tpu.memory_space<vmem>> -> memref<1x128x128xf32, #tpu.memory_space<vmem>>
        %dma_start3A_66 = tpu.memref_squeeze %dma_start3A_65 : memref<1x128x128xf32, #tpu.memory_space<vmem>> -> memref<128x128xf32, #tpu.memory_space<vmem>>
        %dma_start3A_67 = arith.constant 0 : i32
        %dma_start3A_68 = arith.constant 0 : i32
        %dma_start3A_69 = tpu.memref_slice %dma_start3A_66[%dma_start3A_67, %dma_start3A_68] : memref<128x128xf32, #tpu.memory_space<vmem>> -> memref<120x128xf32, #tpu.memory_space<vmem>>
        tpu.enqueue_dma source(%dma_start3A_69 : memref<120x128xf32, #tpu.memory_space<vmem>>) target(%dma_start3A_62 : memref<120x128xf32, #tpu.memory_space<vmem_shared>>) target_semaphore(%run_scoped3A : memref<!tpu.dma_semaphore, #tpu.memory_space<semaphore_mem>>)
        %dma_wait3A = arith.constant 0 : i32
        %dma_wait3A_70 = arith.constant 0 : i32
        %dma_wait3A_71 = tpu.memref_slice %arg11[%cond3A, %dma_wait3A, %dma_wait3A_70] : memref<2x128x128xf32, #tpu.memory_space<vmem>> -> memref<1x128x128xf32, #tpu.memory_space<vmem>>
        %dma_wait3A_72 = tpu.memref_squeeze %dma_wait3A_71 : memref<1x128x128xf32, #tpu.memory_space<vmem>> -> memref<128x128xf32, #tpu.memory_space<vmem>>
        %dma_wait3A_73 = arith.constant 0 : i32
        %dma_wait3A_74 = arith.constant 0 : i32
        %dma_wait3A_75 = tpu.memref_slice %dma_wait3A_72[%dma_wait3A_73, %dma_wait3A_74] : memref<128x128xf32, #tpu.memory_space<vmem>> -> memref<120x128xf32, #tpu.memory_space<vmem>>
        %dma_wait3A_76 = arith.constant 0 : i32
        %dma_wait3A_77 = tpu.memref_slice %arg12[%add3A_52, %dma_wait3A_76] : memref<10000x128xf32, #tpu.memory_space<vmem_shared>> -> memref<120x128xf32, #tpu.memory_space<vmem_shared>>
        %dma_wait3A_78 = arith.constant 0 : i32
        %dma_wait3A_79 = tpu.memref_slice %arg12[%add3A_52, %dma_wait3A_78] : memref<10000x128xf32, #tpu.memory_space<vmem_shared>> -> memref<120x128xf32, #tpu.memory_space<vmem_shared>>
        %dma_wait3A_80 = arith.constant 0 : i32
        %dma_wait3A_81 = arith.constant 0 : i32
        %dma_wait3A_82 = tpu.memref_slice %arg11[%cond3A, %dma_wait3A_80, %dma_wait3A_81] : memref<2x128x128xf32, #tpu.memory_space<vmem>> -> memref<1x128x128xf32, #tpu.memory_space<vmem>>
        %dma_wait3A_83 = tpu.memref_squeeze %dma_wait3A_82 : memref<1x128x128xf32, #tpu.memory_space<vmem>> -> memref<128x128xf32, #tpu.memory_space<vmem>>
        %dma_wait3A_84 = arith.constant 0 : i32
        %dma_wait3A_85 = arith.constant 0 : i32
        %dma_wait3A_86 = tpu.memref_slice %dma_wait3A_83[%dma_wait3A_84, %dma_wait3A_85] : memref<128x128xf32, #tpu.memory_space<vmem>> -> memref<120x128xf32, #tpu.memory_space<vmem>>
        tpu.wait_dma2 semaphore(%run_scoped3A : memref<!tpu.dma_semaphore, #tpu.memory_space<semaphore_mem>>) src(%dma_wait3A_86 : memref<120x128xf32, #tpu.memory_space<vmem>>) dst(%dma_wait3A_79 : memref<120x128xf32, #tpu.memory_space<vmem_shared>>)
        tpu.yield
      }) : () -> ()
    } else {
    }
    %eq3A = arith.constant 15 : i32
    %eq3A_12 = arith.cmpi eq, %arg1, %eq3A : i32
    %convert_element_type3A_13 = arith.extui %eq3A_12 : i1 to i32
    %cond3A_14 = arith.constant 0 : i32
    %cond3A_15 = arith.constant 0 : i32
    %cond3A_16 = arith.cmpi ne, %convert_element_type3A_13, %cond3A_15 : i32
    scf.if %cond3A_16 {
      %add3A_43 = arith.constant 0 : i32
      %add3A_44 = arith.addi %mul3A_8, %add3A_43 : i32
      "tpu.region"() ({
        %run_scoped3A = tpu.sem_alloc : memref<!tpu.dma_semaphore, #tpu.memory_space<semaphore_mem>>
        %dma_start3A = arith.constant 0 : i32
        %dma_start3A_53 = arith.constant 0 : i32
        %dma_start3A_54 = tpu.memref_slice %arg11[%cond3A_14, %dma_start3A, %dma_start3A_53] : memref<2x128x128xf32, #tpu.memory_space<vmem>> -> memref<1x128x128xf32, #tpu.memory_space<vmem>>
        %dma_start3A_55 = tpu.memref_squeeze %dma_start3A_54 : memref<1x128x128xf32, #tpu.memory_space<vmem>> -> memref<128x128xf32, #tpu.memory_space<vmem>>
        %dma_start3A_56 = arith.constant 0 : i32
        %dma_start3A_57 = tpu.memref_slice %arg12[%add3A_44, %dma_start3A_56] : memref<10000x128xf32, #tpu.memory_space<vmem_shared>> -> memref<128x128xf32, #tpu.memory_space<vmem_shared>>
        %dma_start3A_58 = arith.constant 0 : i32
        %dma_start3A_59 = tpu.memref_slice %arg12[%add3A_44, %dma_start3A_58] : memref<10000x128xf32, #tpu.memory_space<vmem_shared>> -> memref<128x128xf32, #tpu.memory_space<vmem_shared>>
        %dma_start3A_60 = arith.constant 0 : i32
        %dma_start3A_61 = arith.constant 0 : i32
        %dma_start3A_62 = tpu.memref_slice %arg11[%cond3A_14, %dma_start3A_60, %dma_start3A_61] : memref<2x128x128xf32, #tpu.memory_space<vmem>> -> memref<1x128x128xf32, #tpu.memory_space<vmem>>
        %dma_start3A_63 = tpu.memref_squeeze %dma_start3A_62 : memref<1x128x128xf32, #tpu.memory_space<vmem>> -> memref<128x128xf32, #tpu.memory_space<vmem>>
        tpu.enqueue_dma source(%dma_start3A_63 : memref<128x128xf32, #tpu.memory_space<vmem>>) target(%dma_start3A_59 : memref<128x128xf32, #tpu.memory_space<vmem_shared>>) target_semaphore(%run_scoped3A : memref<!tpu.dma_semaphore, #tpu.memory_space<semaphore_mem>>)
        %dma_wait3A = arith.constant 0 : i32
        %dma_wait3A_64 = arith.constant 0 : i32
        %dma_wait3A_65 = tpu.memref_slice %arg11[%cond3A_14, %dma_wait3A, %dma_wait3A_64] : memref<2x128x128xf32, #tpu.memory_space<vmem>> -> memref<1x128x128xf32, #tpu.memory_space<vmem>>
        %dma_wait3A_66 = tpu.memref_squeeze %dma_wait3A_65 : memref<1x128x128xf32, #tpu.memory_space<vmem>> -> memref<128x128xf32, #tpu.memory_space<vmem>>
        %dma_wait3A_67 = arith.constant 0 : i32
        %dma_wait3A_68 = tpu.memref_slice %arg12[%add3A_44, %dma_wait3A_67] : memref<10000x128xf32, #tpu.memory_space<vmem_shared>> -> memref<128x128xf32, #tpu.memory_space<vmem_shared>>
        %dma_wait3A_69 = arith.constant 0 : i32
        %dma_wait3A_70 = tpu.memref_slice %arg12[%add3A_44, %dma_wait3A_69] : memref<10000x128xf32, #tpu.memory_space<vmem_shared>> -> memref<128x128xf32, #tpu.memory_space<vmem_shared>>
        %dma_wait3A_71 = arith.constant 0 : i32
        %dma_wait3A_72 = arith.constant 0 : i32
        %dma_wait3A_73 = tpu.memref_slice %arg11[%cond3A_14, %dma_wait3A_71, %dma_wait3A_72] : memref<2x128x128xf32, #tpu.memory_space<vmem>> -> memref<1x128x128xf32, #tpu.memory_space<vmem>>
        %dma_wait3A_74 = tpu.memref_squeeze %dma_wait3A_73 : memref<1x128x128xf32, #tpu.memory_space<vmem>> -> memref<128x128xf32, #tpu.memory_space<vmem>>
        tpu.wait_dma2 semaphore(%run_scoped3A : memref<!tpu.dma_semaphore, #tpu.memory_space<semaphore_mem>>) src(%dma_wait3A_74 : memref<128x128xf32, #tpu.memory_space<vmem>>) dst(%dma_wait3A_70 : memref<128x128xf32, #tpu.memory_space<vmem_shared>>)
        tpu.yield
      }) : () -> ()
      %add3A_45 = arith.constant 128 : i32
      %add3A_46 = arith.addi %mul3A_8, %add3A_45 : i32
      "tpu.region"() ({
        %run_scoped3A = tpu.sem_alloc : memref<!tpu.dma_semaphore, #tpu.memory_space<semaphore_mem>>
        %dma_start3A = arith.constant 0 : i32
        %dma_start3A_53 = arith.constant 0 : i32
        %dma_start3A_54 = tpu.memref_slice %arg11[%cond3A_14, %dma_start3A, %dma_start3A_53] : memref<2x128x128xf32, #tpu.memory_space<vmem>> -> memref<1x128x128xf32, #tpu.memory_space<vmem>>
        %dma_start3A_55 = tpu.memref_squeeze %dma_start3A_54 : memref<1x128x128xf32, #tpu.memory_space<vmem>> -> memref<128x128xf32, #tpu.memory_space<vmem>>
        %dma_start3A_56 = arith.constant 0 : i32
        %dma_start3A_57 = tpu.memref_slice %arg12[%add3A_46, %dma_start3A_56] : memref<10000x128xf32, #tpu.memory_space<vmem_shared>> -> memref<128x128xf32, #tpu.memory_space<vmem_shared>>
        %dma_start3A_58 = arith.constant 0 : i32
        %dma_start3A_59 = tpu.memref_slice %arg12[%add3A_46, %dma_start3A_58] : memref<10000x128xf32, #tpu.memory_space<vmem_shared>> -> memref<128x128xf32, #tpu.memory_space<vmem_shared>>
        %dma_start3A_60 = arith.constant 0 : i32
        %dma_start3A_61 = arith.constant 0 : i32
        %dma_start3A_62 = tpu.memref_slice %arg11[%cond3A_14, %dma_start3A_60, %dma_start3A_61] : memref<2x128x128xf32, #tpu.memory_space<vmem>> -> memref<1x128x128xf32, #tpu.memory_space<vmem>>
        %dma_start3A_63 = tpu.memref_squeeze %dma_start3A_62 : memref<1x128x128xf32, #tpu.memory_space<vmem>> -> memref<128x128xf32, #tpu.memory_space<vmem>>
        tpu.enqueue_dma source(%dma_start3A_63 : memref<128x128xf32, #tpu.memory_space<vmem>>) target(%dma_start3A_59 : memref<128x128xf32, #tpu.memory_space<vmem_shared>>) target_semaphore(%run_scoped3A : memref<!tpu.dma_semaphore, #tpu.memory_space<semaphore_mem>>)
        %dma_wait3A = arith.constant 0 : i32
        %dma_wait3A_64 = arith.constant 0 : i32
        %dma_wait3A_65 = tpu.memref_slice %arg11[%cond3A_14, %dma_wait3A, %dma_wait3A_64] : memref<2x128x128xf32, #tpu.memory_space<vmem>> -> memref<1x128x128xf32, #tpu.memory_space<vmem>>
        %dma_wait3A_66 = tpu.memref_squeeze %dma_wait3A_65 : memref<1x128x128xf32, #tpu.memory_space<vmem>> -> memref<128x128xf32, #tpu.memory_space<vmem>>
        %dma_wait3A_67 = arith.constant 0 : i32
        %dma_wait3A_68 = tpu.memref_slice %arg12[%add3A_46, %dma_wait3A_67] : memref<10000x128xf32, #tpu.memory_space<vmem_shared>> -> memref<128x128xf32, #tpu.memory_space<vmem_shared>>
        %dma_wait3A_69 = arith.constant 0 : i32
        %dma_wait3A_70 = tpu.memref_slice %arg12[%add3A_46, %dma_wait3A_69] : memref<10000x128xf32, #tpu.memory_space<vmem_shared>> -> memref<128x128xf32, #tpu.memory_space<vmem_shared>>
        %dma_wait3A_71 = arith.constant 0 : i32
        %dma_wait3A_72 = arith.constant 0 : i32
        %dma_wait3A_73 = tpu.memref_slice %arg11[%cond3A_14, %dma_wait3A_71, %dma_wait3A_72] : memref<2x128x128xf32, #tpu.memory_space<vmem>> -> memref<1x128x128xf32, #tpu.memory_space<vmem>>
        %dma_wait3A_74 = tpu.memref_squeeze %dma_wait3A_73 : memref<1x128x128xf32, #tpu.memory_space<vmem>> -> memref<128x128xf32, #tpu.memory_space<vmem>>
        tpu.wait_dma2 semaphore(%run_scoped3A : memref<!tpu.dma_semaphore, #tpu.memory_space<semaphore_mem>>) src(%dma_wait3A_74 : memref<128x128xf32, #tpu.memory_space<vmem>>) dst(%dma_wait3A_70 : memref<128x128xf32, #tpu.memory_space<vmem_shared>>)
        tpu.yield
      }) : () -> ()
      %add3A_47 = arith.constant 256 : i32
      %add3A_48 = arith.addi %mul3A_8, %add3A_47 : i32
      "tpu.region"() ({
        %run_scoped3A = tpu.sem_alloc : memref<!tpu.dma_semaphore, #tpu.memory_space<semaphore_mem>>
        %dma_start3A = arith.constant 0 : i32
        %dma_start3A_53 = arith.constant 0 : i32
        %dma_start3A_54 = tpu.memref_slice %arg11[%cond3A_14, %dma_start3A, %dma_start3A_53] : memref<2x128x128xf32, #tpu.memory_space<vmem>> -> memref<1x128x128xf32, #tpu.memory_space<vmem>>
        %dma_start3A_55 = tpu.memref_squeeze %dma_start3A_54 : memref<1x128x128xf32, #tpu.memory_space<vmem>> -> memref<128x128xf32, #tpu.memory_space<vmem>>
        %dma_start3A_56 = arith.constant 0 : i32
        %dma_start3A_57 = tpu.memref_slice %arg12[%add3A_48, %dma_start3A_56] : memref<10000x128xf32, #tpu.memory_space<vmem_shared>> -> memref<128x128xf32, #tpu.memory_space<vmem_shared>>
        %dma_start3A_58 = arith.constant 0 : i32
        %dma_start3A_59 = tpu.memref_slice %arg12[%add3A_48, %dma_start3A_58] : memref<10000x128xf32, #tpu.memory_space<vmem_shared>> -> memref<128x128xf32, #tpu.memory_space<vmem_shared>>
        %dma_start3A_60 = arith.constant 0 : i32
        %dma_start3A_61 = arith.constant 0 : i32
        %dma_start3A_62 = tpu.memref_slice %arg11[%cond3A_14, %dma_start3A_60, %dma_start3A_61] : memref<2x128x128xf32, #tpu.memory_space<vmem>> -> memref<1x128x128xf32, #tpu.memory_space<vmem>>
        %dma_start3A_63 = tpu.memref_squeeze %dma_start3A_62 : memref<1x128x128xf32, #tpu.memory_space<vmem>> -> memref<128x128xf32, #tpu.memory_space<vmem>>
        tpu.enqueue_dma source(%dma_start3A_63 : memref<128x128xf32, #tpu.memory_space<vmem>>) target(%dma_start3A_59 : memref<128x128xf32, #tpu.memory_space<vmem_shared>>) target_semaphore(%run_scoped3A : memref<!tpu.dma_semaphore, #tpu.memory_space<semaphore_mem>>)
        %dma_wait3A = arith.constant 0 : i32
        %dma_wait3A_64 = arith.constant 0 : i32
        %dma_wait3A_65 = tpu.memref_slice %arg11[%cond3A_14, %dma_wait3A, %dma_wait3A_64] : memref<2x128x128xf32, #tpu.memory_space<vmem>> -> memref<1x128x128xf32, #tpu.memory_space<vmem>>
        %dma_wait3A_66 = tpu.memref_squeeze %dma_wait3A_65 : memref<1x128x128xf32, #tpu.memory_space<vmem>> -> memref<128x128xf32, #tpu.memory_space<vmem>>
        %dma_wait3A_67 = arith.constant 0 : i32
        %dma_wait3A_68 = tpu.memref_slice %arg12[%add3A_48, %dma_wait3A_67] : memref<10000x128xf32, #tpu.memory_space<vmem_shared>> -> memref<128x128xf32, #tpu.memory_space<vmem_shared>>
        %dma_wait3A_69 = arith.constant 0 : i32
        %dma_wait3A_70 = tpu.memref_slice %arg12[%add3A_48, %dma_wait3A_69] : memref<10000x128xf32, #tpu.memory_space<vmem_shared>> -> memref<128x128xf32, #tpu.memory_space<vmem_shared>>
        %dma_wait3A_71 = arith.constant 0 : i32
        %dma_wait3A_72 = arith.constant 0 : i32
        %dma_wait3A_73 = tpu.memref_slice %arg11[%cond3A_14, %dma_wait3A_71, %dma_wait3A_72] : memref<2x128x128xf32, #tpu.memory_space<vmem>> -> memref<1x128x128xf32, #tpu.memory_space<vmem>>
        %dma_wait3A_74 = tpu.memref_squeeze %dma_wait3A_73 : memref<1x128x128xf32, #tpu.memory_space<vmem>> -> memref<128x128xf32, #tpu.memory_space<vmem>>
        tpu.wait_dma2 semaphore(%run_scoped3A : memref<!tpu.dma_semaphore, #tpu.memory_space<semaphore_mem>>) src(%dma_wait3A_74 : memref<128x128xf32, #tpu.memory_space<vmem>>) dst(%dma_wait3A_70 : memref<128x128xf32, #tpu.memory_space<vmem_shared>>)
        tpu.yield
      }) : () -> ()
      %add3A_49 = arith.constant 384 : i32
      %add3A_50 = arith.addi %mul3A_8, %add3A_49 : i32
      "tpu.region"() ({
        %run_scoped3A = tpu.sem_alloc : memref<!tpu.dma_semaphore, #tpu.memory_space<semaphore_mem>>
        %dma_start3A = arith.constant 0 : i32
        %dma_start3A_53 = arith.constant 0 : i32
        %dma_start3A_54 = tpu.memref_slice %arg11[%cond3A_14, %dma_start3A, %dma_start3A_53] : memref<2x128x128xf32, #tpu.memory_space<vmem>> -> memref<1x128x128xf32, #tpu.memory_space<vmem>>
        %dma_start3A_55 = tpu.memref_squeeze %dma_start3A_54 : memref<1x128x128xf32, #tpu.memory_space<vmem>> -> memref<128x128xf32, #tpu.memory_space<vmem>>
        %dma_start3A_56 = arith.constant 0 : i32
        %dma_start3A_57 = tpu.memref_slice %arg12[%add3A_50, %dma_start3A_56] : memref<10000x128xf32, #tpu.memory_space<vmem_shared>> -> memref<128x128xf32, #tpu.memory_space<vmem_shared>>
        %dma_start3A_58 = arith.constant 0 : i32
        %dma_start3A_59 = tpu.memref_slice %arg12[%add3A_50, %dma_start3A_58] : memref<10000x128xf32, #tpu.memory_space<vmem_shared>> -> memref<128x128xf32, #tpu.memory_space<vmem_shared>>
        %dma_start3A_60 = arith.constant 0 : i32
        %dma_start3A_61 = arith.constant 0 : i32
        %dma_start3A_62 = tpu.memref_slice %arg11[%cond3A_14, %dma_start3A_60, %dma_start3A_61] : memref<2x128x128xf32, #tpu.memory_space<vmem>> -> memref<1x128x128xf32, #tpu.memory_space<vmem>>
        %dma_start3A_63 = tpu.memref_squeeze %dma_start3A_62 : memref<1x128x128xf32, #tpu.memory_space<vmem>> -> memref<128x128xf32, #tpu.memory_space<vmem>>
        tpu.enqueue_dma source(%dma_start3A_63 : memref<128x128xf32, #tpu.memory_space<vmem>>) target(%dma_start3A_59 : memref<128x128xf32, #tpu.memory_space<vmem_shared>>) target_semaphore(%run_scoped3A : memref<!tpu.dma_semaphore, #tpu.memory_space<semaphore_mem>>)
        %dma_wait3A = arith.constant 0 : i32
        %dma_wait3A_64 = arith.constant 0 : i32
        %dma_wait3A_65 = tpu.memref_slice %arg11[%cond3A_14, %dma_wait3A, %dma_wait3A_64] : memref<2x128x128xf32, #tpu.memory_space<vmem>> -> memref<1x128x128xf32, #tpu.memory_space<vmem>>
        %dma_wait3A_66 = tpu.memref_squeeze %dma_wait3A_65 : memref<1x128x128xf32, #tpu.memory_space<vmem>> -> memref<128x128xf32, #tpu.memory_space<vmem>>
        %dma_wait3A_67 = arith.constant 0 : i32
        %dma_wait3A_68 = tpu.memref_slice %arg12[%add3A_50, %dma_wait3A_67] : memref<10000x128xf32, #tpu.memory_space<vmem_shared>> -> memref<128x128xf32, #tpu.memory_space<vmem_shared>>
        %dma_wait3A_69 = arith.constant 0 : i32
        %dma_wait3A_70 = tpu.memref_slice %arg12[%add3A_50, %dma_wait3A_69] : memref<10000x128xf32, #tpu.memory_space<vmem_shared>> -> memref<128x128xf32, #tpu.memory_space<vmem_shared>>
        %dma_wait3A_71 = arith.constant 0 : i32
        %dma_wait3A_72 = arith.constant 0 : i32
        %dma_wait3A_73 = tpu.memref_slice %arg11[%cond3A_14, %dma_wait3A_71, %dma_wait3A_72] : memref<2x128x128xf32, #tpu.memory_space<vmem>> -> memref<1x128x128xf32, #tpu.memory_space<vmem>>
        %dma_wait3A_74 = tpu.memref_squeeze %dma_wait3A_73 : memref<1x128x128xf32, #tpu.memory_space<vmem>> -> memref<128x128xf32, #tpu.memory_space<vmem>>
        tpu.wait_dma2 semaphore(%run_scoped3A : memref<!tpu.dma_semaphore, #tpu.memory_space<semaphore_mem>>) src(%dma_wait3A_74 : memref<128x128xf32, #tpu.memory_space<vmem>>) dst(%dma_wait3A_70 : memref<128x128xf32, #tpu.memory_space<vmem_shared>>)
        tpu.yield
      }) : () -> ()
      %add3A_51 = arith.constant 512 : i32
      %add3A_52 = arith.addi %mul3A_8, %add3A_51 : i32
      "tpu.region"() ({
        %run_scoped3A = tpu.sem_alloc : memref<!tpu.dma_semaphore, #tpu.memory_space<semaphore_mem>>
        %dma_start3A = arith.constant 0 : i32
        %dma_start3A_53 = arith.constant 0 : i32
        %dma_start3A_54 = tpu.memref_slice %arg11[%cond3A_14, %dma_start3A, %dma_start3A_53] : memref<2x128x128xf32, #tpu.memory_space<vmem>> -> memref<1x128x128xf32, #tpu.memory_space<vmem>>
        %dma_start3A_55 = tpu.memref_squeeze %dma_start3A_54 : memref<1x128x128xf32, #tpu.memory_space<vmem>> -> memref<128x128xf32, #tpu.memory_space<vmem>>
        %dma_start3A_56 = arith.constant 0 : i32
        %dma_start3A_57 = arith.constant 0 : i32
        %dma_start3A_58 = tpu.memref_slice %dma_start3A_55[%dma_start3A_56, %dma_start3A_57] : memref<128x128xf32, #tpu.memory_space<vmem>> -> memref<8x128xf32, #tpu.memory_space<vmem>>
        %dma_start3A_59 = arith.constant 0 : i32
        %dma_start3A_60 = tpu.memref_slice %arg12[%add3A_52, %dma_start3A_59] : memref<10000x128xf32, #tpu.memory_space<vmem_shared>> -> memref<8x128xf32, #tpu.memory_space<vmem_shared>>
        %dma_start3A_61 = arith.constant 0 : i32
        %dma_start3A_62 = tpu.memref_slice %arg12[%add3A_52, %dma_start3A_61] : memref<10000x128xf32, #tpu.memory_space<vmem_shared>> -> memref<8x128xf32, #tpu.memory_space<vmem_shared>>
        %dma_start3A_63 = arith.constant 0 : i32
        %dma_start3A_64 = arith.constant 0 : i32
        %dma_start3A_65 = tpu.memref_slice %arg11[%cond3A_14, %dma_start3A_63, %dma_start3A_64] : memref<2x128x128xf32, #tpu.memory_space<vmem>> -> memref<1x128x128xf32, #tpu.memory_space<vmem>>
        %dma_start3A_66 = tpu.memref_squeeze %dma_start3A_65 : memref<1x128x128xf32, #tpu.memory_space<vmem>> -> memref<128x128xf32, #tpu.memory_space<vmem>>
        %dma_start3A_67 = arith.constant 0 : i32
        %dma_start3A_68 = arith.constant 0 : i32
        %dma_start3A_69 = tpu.memref_slice %dma_start3A_66[%dma_start3A_67, %dma_start3A_68] : memref<128x128xf32, #tpu.memory_space<vmem>> -> memref<8x128xf32, #tpu.memory_space<vmem>>
        tpu.enqueue_dma source(%dma_start3A_69 : memref<8x128xf32, #tpu.memory_space<vmem>>) target(%dma_start3A_62 : memref<8x128xf32, #tpu.memory_space<vmem_shared>>) target_semaphore(%run_scoped3A : memref<!tpu.dma_semaphore, #tpu.memory_space<semaphore_mem>>)
        %dma_wait3A = arith.constant 0 : i32
        %dma_wait3A_70 = arith.constant 0 : i32
        %dma_wait3A_71 = tpu.memref_slice %arg11[%cond3A_14, %dma_wait3A, %dma_wait3A_70] : memref<2x128x128xf32, #tpu.memory_space<vmem>> -> memref<1x128x128xf32, #tpu.memory_space<vmem>>
        %dma_wait3A_72 = tpu.memref_squeeze %dma_wait3A_71 : memref<1x128x128xf32, #tpu.memory_space<vmem>> -> memref<128x128xf32, #tpu.memory_space<vmem>>
        %dma_wait3A_73 = arith.constant 0 : i32
        %dma_wait3A_74 = arith.constant 0 : i32
        %dma_wait3A_75 = tpu.memref_slice %dma_wait3A_72[%dma_wait3A_73, %dma_wait3A_74] : memref<128x128xf32, #tpu.memory_space<vmem>> -> memref<8x128xf32, #tpu.memory_space<vmem>>
        %dma_wait3A_76 = arith.constant 0 : i32
        %dma_wait3A_77 = tpu.memref_slice %arg12[%add3A_52, %dma_wait3A_76] : memref<10000x128xf32, #tpu.memory_space<vmem_shared>> -> memref<8x128xf32, #tpu.memory_space<vmem_shared>>
        %dma_wait3A_78 = arith.constant 0 : i32
        %dma_wait3A_79 = tpu.memref_slice %arg12[%add3A_52, %dma_wait3A_78] : memref<10000x128xf32, #tpu.memory_space<vmem_shared>> -> memref<8x128xf32, #tpu.memory_space<vmem_shared>>
        %dma_wait3A_80 = arith.constant 0 : i32
        %dma_wait3A_81 = arith.constant 0 : i32
        %dma_wait3A_82 = tpu.memref_slice %arg11[%cond3A_14, %dma_wait3A_80, %dma_wait3A_81] : memref<2x128x128xf32, #tpu.memory_space<vmem>> -> memref<1x128x128xf32, #tpu.memory_space<vmem>>
        %dma_wait3A_83 = tpu.memref_squeeze %dma_wait3A_82 : memref<1x128x128xf32, #tpu.memory_space<vmem>> -> memref<128x128xf32, #tpu.memory_space<vmem>>
        %dma_wait3A_84 = arith.constant 0 : i32
        %dma_wait3A_85 = arith.constant 0 : i32
        %dma_wait3A_86 = tpu.memref_slice %dma_wait3A_83[%dma_wait3A_84, %dma_wait3A_85] : memref<128x128xf32, #tpu.memory_space<vmem>> -> memref<8x128xf32, #tpu.memory_space<vmem>>
        tpu.wait_dma2 semaphore(%run_scoped3A : memref<!tpu.dma_semaphore, #tpu.memory_space<semaphore_mem>>) src(%dma_wait3A_86 : memref<8x128xf32, #tpu.memory_space<vmem>>) dst(%dma_wait3A_79 : memref<8x128xf32, #tpu.memory_space<vmem_shared>>)
        tpu.yield
      }) : () -> ()
    } else {
    }
    %barrier3A = arith.constant 0 : index
    tpu.barrier barrier_id(%barrier3A)
    %mul3A_17 = arith.constant 80 : i32
    %mul3A_18 = arith.muli %add3A, %mul3A_17 : i32
    "tpu.region"() ({
      %run_scoped3A = tpu.sem_alloc : memref<!tpu.dma_semaphore, #tpu.memory_space<semaphore_mem>>
      %dma_start3A = arith.constant 0 : i32
      %dma_start3A_43 = tpu.memref_slice %arg3[%mul3A_18, %dma_start3A] : memref<2560x128xi32, #tpu.memory_space<hbm>> -> memref<80x128xi32, #tpu.memory_space<hbm>>
      %dma_start3A_44 = arith.constant 0 : i32
      %dma_start3A_45 = tpu.memref_slice %arg3[%mul3A_18, %dma_start3A_44] : memref<2560x128xi32, #tpu.memory_space<hbm>> -> memref<80x128xi32, #tpu.memory_space<hbm>>
      tpu.enqueue_dma source(%dma_start3A_45 : memref<80x128xi32, #tpu.memory_space<hbm>>) target(%arg6 : memref<80x128xi32, #tpu.memory_space<vmem>>) target_semaphore(%run_scoped3A : memref<!tpu.dma_semaphore, #tpu.memory_space<semaphore_mem>>)
      %dma_wait3A = arith.constant 0 : i32
      %dma_wait3A_46 = tpu.memref_slice %arg3[%mul3A_18, %dma_wait3A] : memref<2560x128xi32, #tpu.memory_space<hbm>> -> memref<80x128xi32, #tpu.memory_space<hbm>>
      %dma_wait3A_47 = arith.constant 0 : i32
      %dma_wait3A_48 = tpu.memref_slice %arg3[%mul3A_18, %dma_wait3A_47] : memref<2560x128xi32, #tpu.memory_space<hbm>> -> memref<80x128xi32, #tpu.memory_space<hbm>>
      tpu.wait_dma2 semaphore(%run_scoped3A : memref<!tpu.dma_semaphore, #tpu.memory_space<semaphore_mem>>) src(%dma_wait3A_48 : memref<80x128xi32, #tpu.memory_space<hbm>>) dst(%arg6 : memref<80x128xi32, #tpu.memory_space<vmem>>)
      tpu.yield
    }) : () -> ()
    %lt3A_19 = arith.constant 31 : i32
    %lt3A_20 = arith.cmpi slt, %add3A, %lt3A_19 : i32
    %convert_element_type3A_21 = arith.extui %lt3A_20 : i1 to i32
    %cond3A_22 = arith.constant 0 : i32
    %cond3A_23 = arith.cmpi ne, %convert_element_type3A_21, %cond3A_22 : i32
    scf.if %cond3A_23 {
      %mul3A_43 = arith.constant 80 : i32
      %mul3A_44 = arith.muli %add3A, %mul3A_43 : i32
      %add3A_45 = arith.constant 0 : i32
      %add3A_46 = arith.addi %mul3A_44, %add3A_45 : i32
      %mul3A_47 = arith.constant 128 : i32
      %mul3A_48 = arith.muli %add3A_46, %mul3A_47 : i32
      %dma_start3A = tpu.memref_slice %arg4[%mul3A_48] : memref<327680xi32, #tpu.memory_space<hbm>> -> memref<128xi32, #tpu.memory_space<hbm>>
      %dma_start3A_49 = tpu.memref_slice %arg4[%mul3A_48] : memref<327680xi32, #tpu.memory_space<hbm>> -> memref<128xi32, #tpu.memory_space<hbm>>
      tpu.enqueue_dma source(%dma_start3A_49 : memref<128xi32, #tpu.memory_space<hbm>>) target(%arg7 : memref<128xi32, #tpu.memory_space<vmem>>) target_semaphore(%arg17 : memref<!tpu.dma_semaphore, #tpu.memory_space<semaphore_mem>>)
      %mul3A_50 = arith.constant 80 : i32
      %mul3A_51 = arith.muli %add3A, %mul3A_50 : i32
      %add3A_52 = arith.constant 1 : i32
      %add3A_53 = arith.addi %mul3A_51, %add3A_52 : i32
      %mul3A_54 = arith.constant 128 : i32
      %mul3A_55 = arith.muli %add3A_53, %mul3A_54 : i32
      %dma_start3A_56 = tpu.memref_slice %arg4[%mul3A_55] : memref<327680xi32, #tpu.memory_space<hbm>> -> memref<128xi32, #tpu.memory_space<hbm>>
      %dma_start3A_57 = tpu.memref_slice %arg4[%mul3A_55] : memref<327680xi32, #tpu.memory_space<hbm>> -> memref<128xi32, #tpu.memory_space<hbm>>
      tpu.enqueue_dma source(%dma_start3A_57 : memref<128xi32, #tpu.memory_space<hbm>>) target(%arg8 : memref<128xi32, #tpu.memory_space<vmem>>) target_semaphore(%arg18 : memref<!tpu.dma_semaphore, #tpu.memory_space<semaphore_mem>>)
      %mul3A_58 = arith.constant 80 : i32
      %mul3A_59 = arith.muli %add3A, %mul3A_58 : i32
      %add3A_60 = arith.constant 2 : i32
      %add3A_61 = arith.addi %mul3A_59, %add3A_60 : i32
      %mul3A_62 = arith.constant 128 : i32
      %mul3A_63 = arith.muli %add3A_61, %mul3A_62 : i32
      %dma_start3A_64 = tpu.memref_slice %arg4[%mul3A_63] : memref<327680xi32, #tpu.memory_space<hbm>> -> memref<128xi32, #tpu.memory_space<hbm>>
      %dma_start3A_65 = tpu.memref_slice %arg4[%mul3A_63] : memref<327680xi32, #tpu.memory_space<hbm>> -> memref<128xi32, #tpu.memory_space<hbm>>
      tpu.enqueue_dma source(%dma_start3A_65 : memref<128xi32, #tpu.memory_space<hbm>>) target(%arg9 : memref<128xi32, #tpu.memory_space<vmem>>) target_semaphore(%arg19 : memref<!tpu.dma_semaphore, #tpu.memory_space<semaphore_mem>>)
      %dma_start3A_66 = arith.constant 0 : i32
      %dma_start3A_67 = arith.constant 0 : i32
      %dma_start3A_68 = arith.constant 0 : i32
      %dma_start3A_69 = arith.constant 0 : i32
      %dma_start3A_70 = tpu.memref_slice %arg11[%dma_start3A_67, %dma_start3A_68, %dma_start3A_69] : memref<2x128x128xf32, #tpu.memory_space<vmem>> -> memref<1x128x128xf32, #tpu.memory_space<vmem>>
      %dma_start3A_71 = tpu.memref_squeeze %dma_start3A_70 : memref<1x128x128xf32, #tpu.memory_space<vmem>> -> memref<128x128xf32, #tpu.memory_space<vmem>>
      %dma_start3A_72 = arith.constant 0 : i32
      %dma_start3A_73 = tpu.memref_slice %arg6[%dma_start3A_66, %dma_start3A_72] : memref<80x128xi32, #tpu.memory_space<vmem>> -> memref<1x128xi32, #tpu.memory_space<vmem>>
      %dma_start3A_74 = tpu.memref_squeeze %dma_start3A_73 : memref<1x128xi32, #tpu.memory_space<vmem>> -> memref<128xi32, #tpu.memory_space<vmem>>
      %dma_start3A_75 = arith.constant 0 : i32
      %dma_start3A_76 = arith.constant 0 : i32
      %dma_start3A_77 = tpu.memref_slice %arg2[%dma_start3A_75, %dma_start3A_76] : memref<10000x128xf32, #tpu.memory_space<hbm>> -> memref<10000x128xf32, #tpu.memory_space<hbm>>
      tpu.enqueue_indirect_dma source(%dma_start3A_77 : memref<10000x128xf32, #tpu.memory_space<hbm>>) target(%dma_start3A_71 : memref<128x128xf32, #tpu.memory_space<vmem>>) offsets(%dma_start3A_74 : memref<128xi32, #tpu.memory_space<vmem>>) semaphore(%arg13 : memref<!tpu.dma_semaphore, #tpu.memory_space<semaphore_mem>>)
      %scan3A_78 = arith.constant 0 : i32
      %scan3A_79 = arith.constant 0 : i32
      %scan3A_80 = arith.constant 20 : i32
      %scan3A_81 = arith.addi %scan3A_79, %scan3A_80 : i32
      %scan3A_82 = arith.constant 1 : i32
      scf.for %scan3A_98 = %scan3A_79 to %scan3A_81 step %scan3A_82  : i32 {
        %mul3A_99 = arith.constant 4 : i32
        %mul3A_100 = arith.muli %scan3A_98, %mul3A_99 : i32
        %add3A_101 = arith.constant 0 : i32
        %add3A_102 = arith.addi %mul3A_100, %add3A_101 : i32
        %dma_wait3A_103 = arith.constant 0 : i32
        %dma_wait3A_104 = arith.constant 0 : i32
        %dma_wait3A_105 = arith.constant 0 : i32
        %dma_wait3A_106 = tpu.memref_slice %arg11[%dma_wait3A_103, %dma_wait3A_104, %dma_wait3A_105] : memref<2x128x128xf32, #tpu.memory_space<vmem>> -> memref<1x128x128xf32, #tpu.memory_space<vmem>>
        %dma_wait3A_107 = tpu.memref_squeeze %dma_wait3A_106 : memref<1x128x128xf32, #tpu.memory_space<vmem>> -> memref<128x128xf32, #tpu.memory_space<vmem>>
        %dma_wait3A_108 = arith.constant 0 : i32
        %dma_wait3A_109 = arith.constant 0 : i32
        %dma_wait3A_110 = tpu.memref_slice %arg2[%dma_wait3A_108, %dma_wait3A_109] : memref<10000x128xf32, #tpu.memory_space<hbm>> -> memref<128x128xf32, #tpu.memory_space<hbm>>
        %dma_wait3A_111 = arith.constant 0 : i32
        %dma_wait3A_112 = arith.constant 0 : i32
        %dma_wait3A_113 = tpu.memref_slice %arg11[%dma_wait3A_103, %dma_wait3A_111, %dma_wait3A_112] : memref<2x128x128xf32, #tpu.memory_space<vmem>> -> memref<1x128x128xf32, #tpu.memory_space<vmem>>
        %dma_wait3A_114 = tpu.memref_squeeze %dma_wait3A_113 : memref<1x128x128xf32, #tpu.memory_space<vmem>> -> memref<128x128xf32, #tpu.memory_space<vmem>>
        %dma_wait3A_115 = arith.constant 0 : i32
        %dma_wait3A_116 = arith.constant 0 : i32
        %dma_wait3A_117 = tpu.memref_slice %arg2[%dma_wait3A_115, %dma_wait3A_116] : memref<10000x128xf32, #tpu.memory_space<hbm>> -> memref<128x128xf32, #tpu.memory_space<hbm>>
        tpu.wait_dma2 semaphore(%arg13 : memref<!tpu.dma_semaphore, #tpu.memory_space<semaphore_mem>>) src(%dma_wait3A_117 : memref<128x128xf32, #tpu.memory_space<hbm>>) dst(%dma_wait3A_114 : memref<128x128xf32, #tpu.memory_space<vmem>>)
        %dma_wait3A_118 = arith.constant 0 : i32
        %dma_wait3A_119 = tpu.memref_slice %arg4[%dma_wait3A_118] : memref<327680xi32, #tpu.memory_space<hbm>> -> memref<128xi32, #tpu.memory_space<hbm>>
        %dma_wait3A_120 = arith.constant 0 : i32
        %dma_wait3A_121 = tpu.memref_slice %arg4[%dma_wait3A_120] : memref<327680xi32, #tpu.memory_space<hbm>> -> memref<128xi32, #tpu.memory_space<hbm>>
        tpu.wait_dma2 semaphore(%arg17 : memref<!tpu.dma_semaphore, #tpu.memory_space<semaphore_mem>>) src(%dma_wait3A_121 : memref<128xi32, #tpu.memory_space<hbm>>) dst(%arg7 : memref<128xi32, #tpu.memory_space<vmem>>)
        %dma_start3A_122 = arith.constant 0 : i32
        %dma_start3A_123 = arith.constant 0 : i32
        %dma_start3A_124 = arith.constant 0 : i32
        %dma_start3A_125 = tpu.memref_slice %arg11[%dma_start3A_122, %dma_start3A_123, %dma_start3A_124] : memref<2x128x128xf32, #tpu.memory_space<vmem>> -> memref<1x128x128xf32, #tpu.memory_space<vmem>>
        %dma_start3A_126 = tpu.memref_squeeze %dma_start3A_125 : memref<1x128x128xf32, #tpu.memory_space<vmem>> -> memref<128x128xf32, #tpu.memory_space<vmem>>
        %dma_start3A_127 = arith.constant 0 : i32
        %dma_start3A_128 = arith.constant 0 : i32
        %dma_start3A_129 = tpu.memref_slice %arg12[%dma_start3A_127, %dma_start3A_128] : memref<10000x128xf32, #tpu.memory_space<vmem_shared>> -> memref<10000x128xf32, #tpu.memory_space<vmem_shared>>
        tpu.enqueue_indirect_dma source(%dma_start3A_126 : memref<128x128xf32, #tpu.memory_space<vmem>>) target(%dma_start3A_129 : memref<10000x128xf32, #tpu.memory_space<vmem_shared>>) offsets(%arg7 : memref<128xi32, #tpu.memory_space<vmem>>) semaphore(%arg15 : memref<!tpu.dma_semaphore, #tpu.memory_space<semaphore_mem>>) {add = true}
        %gt3A = arith.constant 0 : i32
        %gt3A_130 = arith.cmpi sgt, %scan3A_98, %gt3A : i32
        %convert_element_type3A_131 = arith.extui %gt3A_130 : i1 to i32
        %cond3A_132 = arith.constant 0 : i32
        %cond3A_133 = arith.cmpi ne, %convert_element_type3A_131, %cond3A_132 : i32
        scf.if %cond3A_133 {
          %dma_wait3A_334 = arith.constant 0 : i32
          %dma_wait3A_335 = arith.constant 0 : i32
          %dma_wait3A_336 = arith.constant 0 : i32
          %dma_wait3A_337 = tpu.memref_slice %arg11[%dma_wait3A_334, %dma_wait3A_335, %dma_wait3A_336] : memref<2x128x128xf32, #tpu.memory_space<vmem>> -> memref<1x128x128xf32, #tpu.memory_space<vmem>>
          %dma_wait3A_338 = tpu.memref_squeeze %dma_wait3A_337 : memref<1x128x128xf32, #tpu.memory_space<vmem>> -> memref<128x128xf32, #tpu.memory_space<vmem>>
          %dma_wait3A_339 = arith.constant 0 : i32
          %dma_wait3A_340 = arith.constant 0 : i32
          %dma_wait3A_341 = tpu.memref_slice %arg2[%dma_wait3A_339, %dma_wait3A_340] : memref<10000x128xf32, #tpu.memory_space<hbm>> -> memref<128x128xf32, #tpu.memory_space<hbm>>
          %dma_wait3A_342 = arith.constant 0 : i32
          %dma_wait3A_343 = arith.constant 0 : i32
          %dma_wait3A_344 = tpu.memref_slice %arg11[%dma_wait3A_334, %dma_wait3A_342, %dma_wait3A_343] : memref<2x128x128xf32, #tpu.memory_space<vmem>> -> memref<1x128x128xf32, #tpu.memory_space<vmem>>
          %dma_wait3A_345 = tpu.memref_squeeze %dma_wait3A_344 : memref<1x128x128xf32, #tpu.memory_space<vmem>> -> memref<128x128xf32, #tpu.memory_space<vmem>>
          %dma_wait3A_346 = arith.constant 0 : i32
          %dma_wait3A_347 = arith.constant 0 : i32
          %dma_wait3A_348 = tpu.memref_slice %arg2[%dma_wait3A_346, %dma_wait3A_347] : memref<10000x128xf32, #tpu.memory_space<hbm>> -> memref<128x128xf32, #tpu.memory_space<hbm>>
          tpu.wait_dma2 semaphore(%arg16 : memref<!tpu.dma_semaphore, #tpu.memory_space<semaphore_mem>>) src(%dma_wait3A_348 : memref<128x128xf32, #tpu.memory_space<hbm>>) dst(%dma_wait3A_345 : memref<128x128xf32, #tpu.memory_space<vmem>>)
        } else {
        }
        %add3A_134 = arith.constant 3 : i32
        %add3A_135 = arith.addi %add3A_102, %add3A_134 : i32
        %mul3A_136 = arith.constant 80 : i32
        %mul3A_137 = arith.muli %add3A, %mul3A_136 : i32
        %add3A_138 = arith.addi %mul3A_137, %add3A_135 : i32
        %mul3A_139 = arith.constant 128 : i32
        %mul3A_140 = arith.muli %add3A_138, %mul3A_139 : i32
        %dma_start3A_141 = tpu.memref_slice %arg4[%mul3A_140] : memref<327680xi32, #tpu.memory_space<hbm>> -> memref<128xi32, #tpu.memory_space<hbm>>
        %dma_start3A_142 = tpu.memref_slice %arg4[%mul3A_140] : memref<327680xi32, #tpu.memory_space<hbm>> -> memref<128xi32, #tpu.memory_space<hbm>>
        tpu.enqueue_dma source(%dma_start3A_142 : memref<128xi32, #tpu.memory_space<hbm>>) target(%arg10 : memref<128xi32, #tpu.memory_space<vmem>>) target_semaphore(%arg20 : memref<!tpu.dma_semaphore, #tpu.memory_space<semaphore_mem>>)
        %add3A_143 = arith.constant 1 : i32
        %add3A_144 = arith.addi %add3A_102, %add3A_143 : i32
        %dma_start3A_145 = arith.constant 1 : i32
        %dma_start3A_146 = arith.constant 0 : i32
        %dma_start3A_147 = arith.constant 0 : i32
        %dma_start3A_148 = tpu.memref_slice %arg11[%dma_start3A_145, %dma_start3A_146, %dma_start3A_147] : memref<2x128x128xf32, #tpu.memory_space<vmem>> -> memref<1x128x128xf32, #tpu.memory_space<vmem>>
        %dma_start3A_149 = tpu.memref_squeeze %dma_start3A_148 : memref<1x128x128xf32, #tpu.memory_space<vmem>> -> memref<128x128xf32, #tpu.memory_space<vmem>>
        %dma_start3A_150 = arith.constant 0 : i32
        %dma_start3A_151 = tpu.memref_slice %arg6[%add3A_144, %dma_start3A_150] : memref<80x128xi32, #tpu.memory_space<vmem>> -> memref<1x128xi32, #tpu.memory_space<vmem>>
        %dma_start3A_152 = tpu.memref_squeeze %dma_start3A_151 : memref<1x128xi32, #tpu.memory_space<vmem>> -> memref<128xi32, #tpu.memory_space<vmem>>
        %dma_start3A_153 = arith.constant 0 : i32
        %dma_start3A_154 = arith.constant 0 : i32
        %dma_start3A_155 = tpu.memref_slice %arg2[%dma_start3A_153, %dma_start3A_154] : memref<10000x128xf32, #tpu.memory_space<hbm>> -> memref<10000x128xf32, #tpu.memory_space<hbm>>
        tpu.enqueue_indirect_dma source(%dma_start3A_155 : memref<10000x128xf32, #tpu.memory_space<hbm>>) target(%dma_start3A_149 : memref<128x128xf32, #tpu.memory_space<vmem>>) offsets(%dma_start3A_152 : memref<128xi32, #tpu.memory_space<vmem>>) semaphore(%arg14 : memref<!tpu.dma_semaphore, #tpu.memory_space<semaphore_mem>>)
        %add3A_156 = arith.constant 1 : i32
        %add3A_157 = arith.addi %mul3A_100, %add3A_156 : i32
        %dma_wait3A_158 = arith.constant 1 : i32
        %dma_wait3A_159 = arith.constant 0 : i32
        %dma_wait3A_160 = arith.constant 0 : i32
        %dma_wait3A_161 = tpu.memref_slice %arg11[%dma_wait3A_158, %dma_wait3A_159, %dma_wait3A_160] : memref<2x128x128xf32, #tpu.memory_space<vmem>> -> memref<1x128x128xf32, #tpu.memory_space<vmem>>
        %dma_wait3A_162 = tpu.memref_squeeze %dma_wait3A_161 : memref<1x128x128xf32, #tpu.memory_space<vmem>> -> memref<128x128xf32, #tpu.memory_space<vmem>>
        %dma_wait3A_163 = arith.constant 0 : i32
        %dma_wait3A_164 = arith.constant 0 : i32
        %dma_wait3A_165 = tpu.memref_slice %arg2[%dma_wait3A_163, %dma_wait3A_164] : memref<10000x128xf32, #tpu.memory_space<hbm>> -> memref<128x128xf32, #tpu.memory_space<hbm>>
        %dma_wait3A_166 = arith.constant 0 : i32
        %dma_wait3A_167 = arith.constant 0 : i32
        %dma_wait3A_168 = tpu.memref_slice %arg11[%dma_wait3A_158, %dma_wait3A_166, %dma_wait3A_167] : memref<2x128x128xf32, #tpu.memory_space<vmem>> -> memref<1x128x128xf32, #tpu.memory_space<vmem>>
        %dma_wait3A_169 = tpu.memref_squeeze %dma_wait3A_168 : memref<1x128x128xf32, #tpu.memory_space<vmem>> -> memref<128x128xf32, #tpu.memory_space<vmem>>
        %dma_wait3A_170 = arith.constant 0 : i32
        %dma_wait3A_171 = arith.constant 0 : i32
        %dma_wait3A_172 = tpu.memref_slice %arg2[%dma_wait3A_170, %dma_wait3A_171] : memref<10000x128xf32, #tpu.memory_space<hbm>> -> memref<128x128xf32, #tpu.memory_space<hbm>>
        tpu.wait_dma2 semaphore(%arg14 : memref<!tpu.dma_semaphore, #tpu.memory_space<semaphore_mem>>) src(%dma_wait3A_172 : memref<128x128xf32, #tpu.memory_space<hbm>>) dst(%dma_wait3A_169 : memref<128x128xf32, #tpu.memory_space<vmem>>)
        %dma_wait3A_173 = arith.constant 0 : i32
        %dma_wait3A_174 = tpu.memref_slice %arg4[%dma_wait3A_173] : memref<327680xi32, #tpu.memory_space<hbm>> -> memref<128xi32, #tpu.memory_space<hbm>>
        %dma_wait3A_175 = arith.constant 0 : i32
        %dma_wait3A_176 = tpu.memref_slice %arg4[%dma_wait3A_175] : memref<327680xi32, #tpu.memory_space<hbm>> -> memref<128xi32, #tpu.memory_space<hbm>>
        tpu.wait_dma2 semaphore(%arg18 : memref<!tpu.dma_semaphore, #tpu.memory_space<semaphore_mem>>) src(%dma_wait3A_176 : memref<128xi32, #tpu.memory_space<hbm>>) dst(%arg8 : memref<128xi32, #tpu.memory_space<vmem>>)
        %dma_start3A_177 = arith.constant 1 : i32
        %dma_start3A_178 = arith.constant 0 : i32
        %dma_start3A_179 = arith.constant 0 : i32
        %dma_start3A_180 = tpu.memref_slice %arg11[%dma_start3A_177, %dma_start3A_178, %dma_start3A_179] : memref<2x128x128xf32, #tpu.memory_space<vmem>> -> memref<1x128x128xf32, #tpu.memory_space<vmem>>
        %dma_start3A_181 = tpu.memref_squeeze %dma_start3A_180 : memref<1x128x128xf32, #tpu.memory_space<vmem>> -> memref<128x128xf32, #tpu.memory_space<vmem>>
        %dma_start3A_182 = arith.constant 0 : i32
        %dma_start3A_183 = arith.constant 0 : i32
        %dma_start3A_184 = tpu.memref_slice %arg12[%dma_start3A_182, %dma_start3A_183] : memref<10000x128xf32, #tpu.memory_space<vmem_shared>> -> memref<10000x128xf32, #tpu.memory_space<vmem_shared>>
        tpu.enqueue_indirect_dma source(%dma_start3A_181 : memref<128x128xf32, #tpu.memory_space<vmem>>) target(%dma_start3A_184 : memref<10000x128xf32, #tpu.memory_space<vmem_shared>>) offsets(%arg8 : memref<128xi32, #tpu.memory_space<vmem>>) semaphore(%arg16 : memref<!tpu.dma_semaphore, #tpu.memory_space<semaphore_mem>>) {add = true}
        %dma_wait3A_185 = arith.constant 0 : i32
        %dma_wait3A_186 = arith.constant 0 : i32
        %dma_wait3A_187 = arith.constant 0 : i32
        %dma_wait3A_188 = tpu.memref_slice %arg11[%dma_wait3A_185, %dma_wait3A_186, %dma_wait3A_187] : memref<2x128x128xf32, #tpu.memory_space<vmem>> -> memref<1x128x128xf32, #tpu.memory_space<vmem>>
        %dma_wait3A_189 = tpu.memref_squeeze %dma_wait3A_188 : memref<1x128x128xf32, #tpu.memory_space<vmem>> -> memref<128x128xf32, #tpu.memory_space<vmem>>
        %dma_wait3A_190 = arith.constant 0 : i32
        %dma_wait3A_191 = arith.constant 0 : i32
        %dma_wait3A_192 = tpu.memref_slice %arg2[%dma_wait3A_190, %dma_wait3A_191] : memref<10000x128xf32, #tpu.memory_space<hbm>> -> memref<128x128xf32, #tpu.memory_space<hbm>>
        %dma_wait3A_193 = arith.constant 0 : i32
        %dma_wait3A_194 = arith.constant 0 : i32
        %dma_wait3A_195 = tpu.memref_slice %arg11[%dma_wait3A_185, %dma_wait3A_193, %dma_wait3A_194] : memref<2x128x128xf32, #tpu.memory_space<vmem>> -> memref<1x128x128xf32, #tpu.memory_space<vmem>>
        %dma_wait3A_196 = tpu.memref_squeeze %dma_wait3A_195 : memref<1x128x128xf32, #tpu.memory_space<vmem>> -> memref<128x128xf32, #tpu.memory_space<vmem>>
        %dma_wait3A_197 = arith.constant 0 : i32
        %dma_wait3A_198 = arith.constant 0 : i32
        %dma_wait3A_199 = tpu.memref_slice %arg2[%dma_wait3A_197, %dma_wait3A_198] : memref<10000x128xf32, #tpu.memory_space<hbm>> -> memref<128x128xf32, #tpu.memory_space<hbm>>
        tpu.wait_dma2 semaphore(%arg15 : memref<!tpu.dma_semaphore, #tpu.memory_space<semaphore_mem>>) src(%dma_wait3A_199 : memref<128x128xf32, #tpu.memory_space<hbm>>) dst(%dma_wait3A_196 : memref<128x128xf32, #tpu.memory_space<vmem>>)
        %lt3A_200 = arith.constant 19 : i32
        %lt3A_201 = arith.cmpi slt, %scan3A_98, %lt3A_200 : i32
        %convert_element_type3A_202 = arith.extui %lt3A_201 : i1 to i32
        %cond3A_203 = arith.constant 0 : i32
        %cond3A_204 = arith.cmpi ne, %convert_element_type3A_202, %cond3A_203 : i32
        scf.if %cond3A_204 {
          %add3A_334 = arith.constant 3 : i32
          %add3A_335 = arith.addi %add3A_157, %add3A_334 : i32
          %mul3A_336 = arith.constant 80 : i32
          %mul3A_337 = arith.muli %add3A, %mul3A_336 : i32
          %add3A_338 = arith.addi %mul3A_337, %add3A_335 : i32
          %mul3A_339 = arith.constant 128 : i32
          %mul3A_340 = arith.muli %add3A_338, %mul3A_339 : i32
          %dma_start3A_341 = tpu.memref_slice %arg4[%mul3A_340] : memref<327680xi32, #tpu.memory_space<hbm>> -> memref<128xi32, #tpu.memory_space<hbm>>
          %dma_start3A_342 = tpu.memref_slice %arg4[%mul3A_340] : memref<327680xi32, #tpu.memory_space<hbm>> -> memref<128xi32, #tpu.memory_space<hbm>>
          tpu.enqueue_dma source(%dma_start3A_342 : memref<128xi32, #tpu.memory_space<hbm>>) target(%arg7 : memref<128xi32, #tpu.memory_space<vmem>>) target_semaphore(%arg17 : memref<!tpu.dma_semaphore, #tpu.memory_space<semaphore_mem>>)
        } else {
        }
        %add3A_205 = arith.constant 1 : i32
        %add3A_206 = arith.addi %add3A_157, %add3A_205 : i32
        %dma_start3A_207 = arith.constant 0 : i32
        %dma_start3A_208 = arith.constant 0 : i32
        %dma_start3A_209 = arith.constant 0 : i32
        %dma_start3A_210 = tpu.memref_slice %arg11[%dma_start3A_207, %dma_start3A_208, %dma_start3A_209] : memref<2x128x128xf32, #tpu.memory_space<vmem>> -> memref<1x128x128xf32, #tpu.memory_space<vmem>>
        %dma_start3A_211 = tpu.memref_squeeze %dma_start3A_210 : memref<1x128x128xf32, #tpu.memory_space<vmem>> -> memref<128x128xf32, #tpu.memory_space<vmem>>
        %dma_start3A_212 = arith.constant 0 : i32
        %dma_start3A_213 = tpu.memref_slice %arg6[%add3A_206, %dma_start3A_212] : memref<80x128xi32, #tpu.memory_space<vmem>> -> memref<1x128xi32, #tpu.memory_space<vmem>>
        %dma_start3A_214 = tpu.memref_squeeze %dma_start3A_213 : memref<1x128xi32, #tpu.memory_space<vmem>> -> memref<128xi32, #tpu.memory_space<vmem>>
        %dma_start3A_215 = arith.constant 0 : i32
        %dma_start3A_216 = arith.constant 0 : i32
        %dma_start3A_217 = tpu.memref_slice %arg2[%dma_start3A_215, %dma_start3A_216] : memref<10000x128xf32, #tpu.memory_space<hbm>> -> memref<10000x128xf32, #tpu.memory_space<hbm>>
        tpu.enqueue_indirect_dma source(%dma_start3A_217 : memref<10000x128xf32, #tpu.memory_space<hbm>>) target(%dma_start3A_211 : memref<128x128xf32, #tpu.memory_space<vmem>>) offsets(%dma_start3A_214 : memref<128xi32, #tpu.memory_space<vmem>>) semaphore(%arg13 : memref<!tpu.dma_semaphore, #tpu.memory_space<semaphore_mem>>)
        %add3A_218 = arith.constant 2 : i32
        %add3A_219 = arith.addi %mul3A_100, %add3A_218 : i32
        %dma_wait3A_220 = arith.constant 0 : i32
        %dma_wait3A_221 = arith.constant 0 : i32
        %dma_wait3A_222 = arith.constant 0 : i32
        %dma_wait3A_223 = tpu.memref_slice %arg11[%dma_wait3A_220, %dma_wait3A_221, %dma_wait3A_222] : memref<2x128x128xf32, #tpu.memory_space<vmem>> -> memref<1x128x128xf32, #tpu.memory_space<vmem>>
        %dma_wait3A_224 = tpu.memref_squeeze %dma_wait3A_223 : memref<1x128x128xf32, #tpu.memory_space<vmem>> -> memref<128x128xf32, #tpu.memory_space<vmem>>
        %dma_wait3A_225 = arith.constant 0 : i32
        %dma_wait3A_226 = arith.constant 0 : i32
        %dma_wait3A_227 = tpu.memref_slice %arg2[%dma_wait3A_225, %dma_wait3A_226] : memref<10000x128xf32, #tpu.memory_space<hbm>> -> memref<128x128xf32, #tpu.memory_space<hbm>>
        %dma_wait3A_228 = arith.constant 0 : i32
        %dma_wait3A_229 = arith.constant 0 : i32
        %dma_wait3A_230 = tpu.memref_slice %arg11[%dma_wait3A_220, %dma_wait3A_228, %dma_wait3A_229] : memref<2x128x128xf32, #tpu.memory_space<vmem>> -> memref<1x128x128xf32, #tpu.memory_space<vmem>>
        %dma_wait3A_231 = tpu.memref_squeeze %dma_wait3A_230 : memref<1x128x128xf32, #tpu.memory_space<vmem>> -> memref<128x128xf32, #tpu.memory_space<vmem>>
        %dma_wait3A_232 = arith.constant 0 : i32
        %dma_wait3A_233 = arith.constant 0 : i32
        %dma_wait3A_234 = tpu.memref_slice %arg2[%dma_wait3A_232, %dma_wait3A_233] : memref<10000x128xf32, #tpu.memory_space<hbm>> -> memref<128x128xf32, #tpu.memory_space<hbm>>
        tpu.wait_dma2 semaphore(%arg13 : memref<!tpu.dma_semaphore, #tpu.memory_space<semaphore_mem>>) src(%dma_wait3A_234 : memref<128x128xf32, #tpu.memory_space<hbm>>) dst(%dma_wait3A_231 : memref<128x128xf32, #tpu.memory_space<vmem>>)
        %dma_wait3A_235 = arith.constant 0 : i32
        %dma_wait3A_236 = tpu.memref_slice %arg4[%dma_wait3A_235] : memref<327680xi32, #tpu.memory_space<hbm>> -> memref<128xi32, #tpu.memory_space<hbm>>
        %dma_wait3A_237 = arith.constant 0 : i32
        %dma_wait3A_238 = tpu.memref_slice %arg4[%dma_wait3A_237] : memref<327680xi32, #tpu.memory_space<hbm>> -> memref<128xi32, #tpu.memory_space<hbm>>
        tpu.wait_dma2 semaphore(%arg19 : memref<!tpu.dma_semaphore, #tpu.memory_space<semaphore_mem>>) src(%dma_wait3A_238 : memref<128xi32, #tpu.memory_space<hbm>>) dst(%arg9 : memref<128xi32, #tpu.memory_space<vmem>>)
        %dma_start3A_239 = arith.constant 0 : i32
        %dma_start3A_240 = arith.constant 0 : i32
        %dma_start3A_241 = arith.constant 0 : i32
        %dma_start3A_242 = tpu.memref_slice %arg11[%dma_start3A_239, %dma_start3A_240, %dma_start3A_241] : memref<2x128x128xf32, #tpu.memory_space<vmem>> -> memref<1x128x128xf32, #tpu.memory_space<vmem>>
        %dma_start3A_243 = tpu.memref_squeeze %dma_start3A_242 : memref<1x128x128xf32, #tpu.memory_space<vmem>> -> memref<128x128xf32, #tpu.memory_space<vmem>>
        %dma_start3A_244 = arith.constant 0 : i32
        %dma_start3A_245 = arith.constant 0 : i32
        %dma_start3A_246 = tpu.memref_slice %arg12[%dma_start3A_244, %dma_start3A_245] : memref<10000x128xf32, #tpu.memory_space<vmem_shared>> -> memref<10000x128xf32, #tpu.memory_space<vmem_shared>>
        tpu.enqueue_indirect_dma source(%dma_start3A_243 : memref<128x128xf32, #tpu.memory_space<vmem>>) target(%dma_start3A_246 : memref<10000x128xf32, #tpu.memory_space<vmem_shared>>) offsets(%arg9 : memref<128xi32, #tpu.memory_space<vmem>>) semaphore(%arg15 : memref<!tpu.dma_semaphore, #tpu.memory_space<semaphore_mem>>) {add = true}
        %dma_wait3A_247 = arith.constant 0 : i32
        %dma_wait3A_248 = arith.constant 0 : i32
        %dma_wait3A_249 = arith.constant 0 : i32
        %dma_wait3A_250 = tpu.memref_slice %arg11[%dma_wait3A_247, %dma_wait3A_248, %dma_wait3A_249] : memref<2x128x128xf32, #tpu.memory_space<vmem>> -> memref<1x128x128xf32, #tpu.memory_space<vmem>>
        %dma_wait3A_251 = tpu.memref_squeeze %dma_wait3A_250 : memref<1x128x128xf32, #tpu.memory_space<vmem>> -> memref<128x128xf32, #tpu.memory_space<vmem>>
        %dma_wait3A_252 = arith.constant 0 : i32
        %dma_wait3A_253 = arith.constant 0 : i32
        %dma_wait3A_254 = tpu.memref_slice %arg2[%dma_wait3A_252, %dma_wait3A_253] : memref<10000x128xf32, #tpu.memory_space<hbm>> -> memref<128x128xf32, #tpu.memory_space<hbm>>
        %dma_wait3A_255 = arith.constant 0 : i32
        %dma_wait3A_256 = arith.constant 0 : i32
        %dma_wait3A_257 = tpu.memref_slice %arg11[%dma_wait3A_247, %dma_wait3A_255, %dma_wait3A_256] : memref<2x128x128xf32, #tpu.memory_space<vmem>> -> memref<1x128x128xf32, #tpu.memory_space<vmem>>
        %dma_wait3A_258 = tpu.memref_squeeze %dma_wait3A_257 : memref<1x128x128xf32, #tpu.memory_space<vmem>> -> memref<128x128xf32, #tpu.memory_space<vmem>>
        %dma_wait3A_259 = arith.constant 0 : i32
        %dma_wait3A_260 = arith.constant 0 : i32
        %dma_wait3A_261 = tpu.memref_slice %arg2[%dma_wait3A_259, %dma_wait3A_260] : memref<10000x128xf32, #tpu.memory_space<hbm>> -> memref<128x128xf32, #tpu.memory_space<hbm>>
        tpu.wait_dma2 semaphore(%arg16 : memref<!tpu.dma_semaphore, #tpu.memory_space<semaphore_mem>>) src(%dma_wait3A_261 : memref<128x128xf32, #tpu.memory_space<hbm>>) dst(%dma_wait3A_258 : memref<128x128xf32, #tpu.memory_space<vmem>>)
        %lt3A_262 = arith.constant 19 : i32
        %lt3A_263 = arith.cmpi slt, %scan3A_98, %lt3A_262 : i32
        %convert_element_type3A_264 = arith.extui %lt3A_263 : i1 to i32
        %cond3A_265 = arith.constant 0 : i32
        %cond3A_266 = arith.cmpi ne, %convert_element_type3A_264, %cond3A_265 : i32
        scf.if %cond3A_266 {
          %add3A_334 = arith.constant 3 : i32
          %add3A_335 = arith.addi %add3A_219, %add3A_334 : i32
          %mul3A_336 = arith.constant 80 : i32
          %mul3A_337 = arith.muli %add3A, %mul3A_336 : i32
          %add3A_338 = arith.addi %mul3A_337, %add3A_335 : i32
          %mul3A_339 = arith.constant 128 : i32
          %mul3A_340 = arith.muli %add3A_338, %mul3A_339 : i32
          %dma_start3A_341 = tpu.memref_slice %arg4[%mul3A_340] : memref<327680xi32, #tpu.memory_space<hbm>> -> memref<128xi32, #tpu.memory_space<hbm>>
          %dma_start3A_342 = tpu.memref_slice %arg4[%mul3A_340] : memref<327680xi32, #tpu.memory_space<hbm>> -> memref<128xi32, #tpu.memory_space<hbm>>
          tpu.enqueue_dma source(%dma_start3A_342 : memref<128xi32, #tpu.memory_space<hbm>>) target(%arg8 : memref<128xi32, #tpu.memory_space<vmem>>) target_semaphore(%arg18 : memref<!tpu.dma_semaphore, #tpu.memory_space<semaphore_mem>>)
        } else {
        }
        %add3A_267 = arith.constant 1 : i32
        %add3A_268 = arith.addi %add3A_219, %add3A_267 : i32
        %dma_start3A_269 = arith.constant 1 : i32
        %dma_start3A_270 = arith.constant 0 : i32
        %dma_start3A_271 = arith.constant 0 : i32
        %dma_start3A_272 = tpu.memref_slice %arg11[%dma_start3A_269, %dma_start3A_270, %dma_start3A_271] : memref<2x128x128xf32, #tpu.memory_space<vmem>> -> memref<1x128x128xf32, #tpu.memory_space<vmem>>
        %dma_start3A_273 = tpu.memref_squeeze %dma_start3A_272 : memref<1x128x128xf32, #tpu.memory_space<vmem>> -> memref<128x128xf32, #tpu.memory_space<vmem>>
        %dma_start3A_274 = arith.constant 0 : i32
        %dma_start3A_275 = tpu.memref_slice %arg6[%add3A_268, %dma_start3A_274] : memref<80x128xi32, #tpu.memory_space<vmem>> -> memref<1x128xi32, #tpu.memory_space<vmem>>
        %dma_start3A_276 = tpu.memref_squeeze %dma_start3A_275 : memref<1x128xi32, #tpu.memory_space<vmem>> -> memref<128xi32, #tpu.memory_space<vmem>>
        %dma_start3A_277 = arith.constant 0 : i32
        %dma_start3A_278 = arith.constant 0 : i32
        %dma_start3A_279 = tpu.memref_slice %arg2[%dma_start3A_277, %dma_start3A_278] : memref<10000x128xf32, #tpu.memory_space<hbm>> -> memref<10000x128xf32, #tpu.memory_space<hbm>>
        tpu.enqueue_indirect_dma source(%dma_start3A_279 : memref<10000x128xf32, #tpu.memory_space<hbm>>) target(%dma_start3A_273 : memref<128x128xf32, #tpu.memory_space<vmem>>) offsets(%dma_start3A_276 : memref<128xi32, #tpu.memory_space<vmem>>) semaphore(%arg14 : memref<!tpu.dma_semaphore, #tpu.memory_space<semaphore_mem>>)
        %add3A_280 = arith.constant 3 : i32
        %add3A_281 = arith.addi %mul3A_100, %add3A_280 : i32
        %dma_wait3A_282 = arith.constant 1 : i32
        %dma_wait3A_283 = arith.constant 0 : i32
        %dma_wait3A_284 = arith.constant 0 : i32
        %dma_wait3A_285 = tpu.memref_slice %arg11[%dma_wait3A_282, %dma_wait3A_283, %dma_wait3A_284] : memref<2x128x128xf32, #tpu.memory_space<vmem>> -> memref<1x128x128xf32, #tpu.memory_space<vmem>>
        %dma_wait3A_286 = tpu.memref_squeeze %dma_wait3A_285 : memref<1x128x128xf32, #tpu.memory_space<vmem>> -> memref<128x128xf32, #tpu.memory_space<vmem>>
        %dma_wait3A_287 = arith.constant 0 : i32
        %dma_wait3A_288 = arith.constant 0 : i32
        %dma_wait3A_289 = tpu.memref_slice %arg2[%dma_wait3A_287, %dma_wait3A_288] : memref<10000x128xf32, #tpu.memory_space<hbm>> -> memref<128x128xf32, #tpu.memory_space<hbm>>
        %dma_wait3A_290 = arith.constant 0 : i32
        %dma_wait3A_291 = arith.constant 0 : i32
        %dma_wait3A_292 = tpu.memref_slice %arg11[%dma_wait3A_282, %dma_wait3A_290, %dma_wait3A_291] : memref<2x128x128xf32, #tpu.memory_space<vmem>> -> memref<1x128x128xf32, #tpu.memory_space<vmem>>
        %dma_wait3A_293 = tpu.memref_squeeze %dma_wait3A_292 : memref<1x128x128xf32, #tpu.memory_space<vmem>> -> memref<128x128xf32, #tpu.memory_space<vmem>>
        %dma_wait3A_294 = arith.constant 0 : i32
        %dma_wait3A_295 = arith.constant 0 : i32
        %dma_wait3A_296 = tpu.memref_slice %arg2[%dma_wait3A_294, %dma_wait3A_295] : memref<10000x128xf32, #tpu.memory_space<hbm>> -> memref<128x128xf32, #tpu.memory_space<hbm>>
        tpu.wait_dma2 semaphore(%arg14 : memref<!tpu.dma_semaphore, #tpu.memory_space<semaphore_mem>>) src(%dma_wait3A_296 : memref<128x128xf32, #tpu.memory_space<hbm>>) dst(%dma_wait3A_293 : memref<128x128xf32, #tpu.memory_space<vmem>>)
        %dma_wait3A_297 = arith.constant 0 : i32
        %dma_wait3A_298 = tpu.memref_slice %arg4[%dma_wait3A_297] : memref<327680xi32, #tpu.memory_space<hbm>> -> memref<128xi32, #tpu.memory_space<hbm>>
        %dma_wait3A_299 = arith.constant 0 : i32
        %dma_wait3A_300 = tpu.memref_slice %arg4[%dma_wait3A_299] : memref<327680xi32, #tpu.memory_space<hbm>> -> memref<128xi32, #tpu.memory_space<hbm>>
        tpu.wait_dma2 semaphore(%arg20 : memref<!tpu.dma_semaphore, #tpu.memory_space<semaphore_mem>>) src(%dma_wait3A_300 : memref<128xi32, #tpu.memory_space<hbm>>) dst(%arg10 : memref<128xi32, #tpu.memory_space<vmem>>)
        %dma_start3A_301 = arith.constant 1 : i32
        %dma_start3A_302 = arith.constant 0 : i32
        %dma_start3A_303 = arith.constant 0 : i32
        %dma_start3A_304 = tpu.memref_slice %arg11[%dma_start3A_301, %dma_start3A_302, %dma_start3A_303] : memref<2x128x128xf32, #tpu.memory_space<vmem>> -> memref<1x128x128xf32, #tpu.memory_space<vmem>>
        %dma_start3A_305 = tpu.memref_squeeze %dma_start3A_304 : memref<1x128x128xf32, #tpu.memory_space<vmem>> -> memref<128x128xf32, #tpu.memory_space<vmem>>
        %dma_start3A_306 = arith.constant 0 : i32
        %dma_start3A_307 = arith.constant 0 : i32
        %dma_start3A_308 = tpu.memref_slice %arg12[%dma_start3A_306, %dma_start3A_307] : memref<10000x128xf32, #tpu.memory_space<vmem_shared>> -> memref<10000x128xf32, #tpu.memory_space<vmem_shared>>
        tpu.enqueue_indirect_dma source(%dma_start3A_305 : memref<128x128xf32, #tpu.memory_space<vmem>>) target(%dma_start3A_308 : memref<10000x128xf32, #tpu.memory_space<vmem_shared>>) offsets(%arg10 : memref<128xi32, #tpu.memory_space<vmem>>) semaphore(%arg16 : memref<!tpu.dma_semaphore, #tpu.memory_space<semaphore_mem>>) {add = true}
        %dma_wait3A_309 = arith.constant 0 : i32
        %dma_wait3A_310 = arith.constant 0 : i32
        %dma_wait3A_311 = arith.constant 0 : i32
        %dma_wait3A_312 = tpu.memref_slice %arg11[%dma_wait3A_309, %dma_wait3A_310, %dma_wait3A_311] : memref<2x128x128xf32, #tpu.memory_space<vmem>> -> memref<1x128x128xf32, #tpu.memory_space<vmem>>
        %dma_wait3A_313 = tpu.memref_squeeze %dma_wait3A_312 : memref<1x128x128xf32, #tpu.memory_space<vmem>> -> memref<128x128xf32, #tpu.memory_space<vmem>>
        %dma_wait3A_314 = arith.constant 0 : i32
        %dma_wait3A_315 = arith.constant 0 : i32
        %dma_wait3A_316 = tpu.memref_slice %arg2[%dma_wait3A_314, %dma_wait3A_315] : memref<10000x128xf32, #tpu.memory_space<hbm>> -> memref<128x128xf32, #tpu.memory_space<hbm>>
        %dma_wait3A_317 = arith.constant 0 : i32
        %dma_wait3A_318 = arith.constant 0 : i32
        %dma_wait3A_319 = tpu.memref_slice %arg11[%dma_wait3A_309, %dma_wait3A_317, %dma_wait3A_318] : memref<2x128x128xf32, #tpu.memory_space<vmem>> -> memref<1x128x128xf32, #tpu.memory_space<vmem>>
        %dma_wait3A_320 = tpu.memref_squeeze %dma_wait3A_319 : memref<1x128x128xf32, #tpu.memory_space<vmem>> -> memref<128x128xf32, #tpu.memory_space<vmem>>
        %dma_wait3A_321 = arith.constant 0 : i32
        %dma_wait3A_322 = arith.constant 0 : i32
        %dma_wait3A_323 = tpu.memref_slice %arg2[%dma_wait3A_321, %dma_wait3A_322] : memref<10000x128xf32, #tpu.memory_space<hbm>> -> memref<128x128xf32, #tpu.memory_space<hbm>>
        tpu.wait_dma2 semaphore(%arg15 : memref<!tpu.dma_semaphore, #tpu.memory_space<semaphore_mem>>) src(%dma_wait3A_323 : memref<128x128xf32, #tpu.memory_space<hbm>>) dst(%dma_wait3A_320 : memref<128x128xf32, #tpu.memory_space<vmem>>)
        %lt3A_324 = arith.constant 19 : i32
        %lt3A_325 = arith.cmpi slt, %scan3A_98, %lt3A_324 : i32
        %convert_element_type3A_326 = arith.extui %lt3A_325 : i1 to i32
        %cond3A_327 = arith.constant 0 : i32
        %cond3A_328 = arith.cmpi ne, %convert_element_type3A_326, %cond3A_327 : i32
        scf.if %cond3A_328 {
          %add3A_334 = arith.constant 3 : i32
          %add3A_335 = arith.addi %add3A_281, %add3A_334 : i32
          %mul3A_336 = arith.constant 80 : i32
          %mul3A_337 = arith.muli %add3A, %mul3A_336 : i32
          %add3A_338 = arith.addi %mul3A_337, %add3A_335 : i32
          %mul3A_339 = arith.constant 128 : i32
          %mul3A_340 = arith.muli %add3A_338, %mul3A_339 : i32
          %dma_start3A_341 = tpu.memref_slice %arg4[%mul3A_340] : memref<327680xi32, #tpu.memory_space<hbm>> -> memref<128xi32, #tpu.memory_space<hbm>>
          %dma_start3A_342 = tpu.memref_slice %arg4[%mul3A_340] : memref<327680xi32, #tpu.memory_space<hbm>> -> memref<128xi32, #tpu.memory_space<hbm>>
          tpu.enqueue_dma source(%dma_start3A_342 : memref<128xi32, #tpu.memory_space<hbm>>) target(%arg9 : memref<128xi32, #tpu.memory_space<vmem>>) target_semaphore(%arg19 : memref<!tpu.dma_semaphore, #tpu.memory_space<semaphore_mem>>)
        } else {
        }
        %lt3A_329 = arith.constant 19 : i32
        %lt3A_330 = arith.cmpi slt, %scan3A_98, %lt3A_329 : i32
        %convert_element_type3A_331 = arith.extui %lt3A_330 : i1 to i32
        %cond3A_332 = arith.constant 0 : i32
        %cond3A_333 = arith.cmpi ne, %convert_element_type3A_331, %cond3A_332 : i32
        scf.if %cond3A_333 {
          %add3A_334 = arith.constant 1 : i32
          %add3A_335 = arith.addi %add3A_281, %add3A_334 : i32
          %dma_start3A_336 = arith.constant 0 : i32
          %dma_start3A_337 = arith.constant 0 : i32
          %dma_start3A_338 = arith.constant 0 : i32
          %dma_start3A_339 = tpu.memref_slice %arg11[%dma_start3A_336, %dma_start3A_337, %dma_start3A_338] : memref<2x128x128xf32, #tpu.memory_space<vmem>> -> memref<1x128x128xf32, #tpu.memory_space<vmem>>
          %dma_start3A_340 = tpu.memref_squeeze %dma_start3A_339 : memref<1x128x128xf32, #tpu.memory_space<vmem>> -> memref<128x128xf32, #tpu.memory_space<vmem>>
          %dma_start3A_341 = arith.constant 0 : i32
          %dma_start3A_342 = tpu.memref_slice %arg6[%add3A_335, %dma_start3A_341] : memref<80x128xi32, #tpu.memory_space<vmem>> -> memref<1x128xi32, #tpu.memory_space<vmem>>
          %dma_start3A_343 = tpu.memref_squeeze %dma_start3A_342 : memref<1x128xi32, #tpu.memory_space<vmem>> -> memref<128xi32, #tpu.memory_space<vmem>>
          %dma_start3A_344 = arith.constant 0 : i32
          %dma_start3A_345 = arith.constant 0 : i32
          %dma_start3A_346 = tpu.memref_slice %arg2[%dma_start3A_344, %dma_start3A_345] : memref<10000x128xf32, #tpu.memory_space<hbm>> -> memref<10000x128xf32, #tpu.memory_space<hbm>>
          tpu.enqueue_indirect_dma source(%dma_start3A_346 : memref<10000x128xf32, #tpu.memory_space<hbm>>) target(%dma_start3A_340 : memref<128x128xf32, #tpu.memory_space<vmem>>) offsets(%dma_start3A_343 : memref<128xi32, #tpu.memory_space<vmem>>) semaphore(%arg13 : memref<!tpu.dma_semaphore, #tpu.memory_space<semaphore_mem>>)
        } else {
        }
      }
      %scan3A_83 = arith.constant 20 : i32
      %dma_wait3A = arith.constant 0 : i32
      %dma_wait3A_84 = arith.constant 0 : i32
      %dma_wait3A_85 = arith.constant 0 : i32
      %dma_wait3A_86 = tpu.memref_slice %arg11[%dma_wait3A, %dma_wait3A_84, %dma_wait3A_85] : memref<2x128x128xf32, #tpu.memory_space<vmem>> -> memref<1x128x128xf32, #tpu.memory_space<vmem>>
      %dma_wait3A_87 = tpu.memref_squeeze %dma_wait3A_86 : memref<1x128x128xf32, #tpu.memory_space<vmem>> -> memref<128x128xf32, #tpu.memory_space<vmem>>
      %dma_wait3A_88 = arith.constant 0 : i32
      %dma_wait3A_89 = arith.constant 0 : i32
      %dma_wait3A_90 = tpu.memref_slice %arg2[%dma_wait3A_88, %dma_wait3A_89] : memref<10000x128xf32, #tpu.memory_space<hbm>> -> memref<128x128xf32, #tpu.memory_space<hbm>>
      %dma_wait3A_91 = arith.constant 0 : i32
      %dma_wait3A_92 = arith.constant 0 : i32
      %dma_wait3A_93 = tpu.memref_slice %arg11[%dma_wait3A, %dma_wait3A_91, %dma_wait3A_92] : memref<2x128x128xf32, #tpu.memory_space<vmem>> -> memref<1x128x128xf32, #tpu.memory_space<vmem>>
      %dma_wait3A_94 = tpu.memref_squeeze %dma_wait3A_93 : memref<1x128x128xf32, #tpu.memory_space<vmem>> -> memref<128x128xf32, #tpu.memory_space<vmem>>
      %dma_wait3A_95 = arith.constant 0 : i32
      %dma_wait3A_96 = arith.constant 0 : i32
      %dma_wait3A_97 = tpu.memref_slice %arg2[%dma_wait3A_95, %dma_wait3A_96] : memref<10000x128xf32, #tpu.memory_space<hbm>> -> memref<128x128xf32, #tpu.memory_space<hbm>>
      tpu.wait_dma2 semaphore(%arg16 : memref<!tpu.dma_semaphore, #tpu.memory_space<semaphore_mem>>) src(%dma_wait3A_97 : memref<128x128xf32, #tpu.memory_space<hbm>>) dst(%dma_wait3A_94 : memref<128x128xf32, #tpu.memory_space<vmem>>)
    } else {
    }
    %eq3A_24 = arith.constant 31 : i32
    %eq3A_25 = arith.cmpi eq, %add3A, %eq3A_24 : i32
    %convert_element_type3A_26 = arith.extui %eq3A_25 : i1 to i32
    %cond3A_27 = arith.constant 0 : i32
    %cond3A_28 = arith.cmpi ne, %convert_element_type3A_26, %cond3A_27 : i32
    scf.if %cond3A_28 {
      %mul3A_43 = arith.constant 80 : i32
      %mul3A_44 = arith.muli %add3A, %mul3A_43 : i32
      %add3A_45 = arith.constant 0 : i32
      %add3A_46 = arith.addi %mul3A_44, %add3A_45 : i32
      %mul3A_47 = arith.constant 128 : i32
      %mul3A_48 = arith.muli %add3A_46, %mul3A_47 : i32
      %dma_start3A = tpu.memref_slice %arg4[%mul3A_48] : memref<327680xi32, #tpu.memory_space<hbm>> -> memref<128xi32, #tpu.memory_space<hbm>>
      %dma_start3A_49 = tpu.memref_slice %arg4[%mul3A_48] : memref<327680xi32, #tpu.memory_space<hbm>> -> memref<128xi32, #tpu.memory_space<hbm>>
      tpu.enqueue_dma source(%dma_start3A_49 : memref<128xi32, #tpu.memory_space<hbm>>) target(%arg7 : memref<128xi32, #tpu.memory_space<vmem>>) target_semaphore(%arg17 : memref<!tpu.dma_semaphore, #tpu.memory_space<semaphore_mem>>)
      %mul3A_50 = arith.constant 80 : i32
      %mul3A_51 = arith.muli %add3A, %mul3A_50 : i32
      %add3A_52 = arith.constant 1 : i32
      %add3A_53 = arith.addi %mul3A_51, %add3A_52 : i32
      %mul3A_54 = arith.constant 128 : i32
      %mul3A_55 = arith.muli %add3A_53, %mul3A_54 : i32
      %dma_start3A_56 = tpu.memref_slice %arg4[%mul3A_55] : memref<327680xi32, #tpu.memory_space<hbm>> -> memref<128xi32, #tpu.memory_space<hbm>>
      %dma_start3A_57 = tpu.memref_slice %arg4[%mul3A_55] : memref<327680xi32, #tpu.memory_space<hbm>> -> memref<128xi32, #tpu.memory_space<hbm>>
      tpu.enqueue_dma source(%dma_start3A_57 : memref<128xi32, #tpu.memory_space<hbm>>) target(%arg8 : memref<128xi32, #tpu.memory_space<vmem>>) target_semaphore(%arg18 : memref<!tpu.dma_semaphore, #tpu.memory_space<semaphore_mem>>)
      %mul3A_58 = arith.constant 80 : i32
      %mul3A_59 = arith.muli %add3A, %mul3A_58 : i32
      %add3A_60 = arith.constant 2 : i32
      %add3A_61 = arith.addi %mul3A_59, %add3A_60 : i32
      %mul3A_62 = arith.constant 128 : i32
      %mul3A_63 = arith.muli %add3A_61, %mul3A_62 : i32
      %dma_start3A_64 = tpu.memref_slice %arg4[%mul3A_63] : memref<327680xi32, #tpu.memory_space<hbm>> -> memref<128xi32, #tpu.memory_space<hbm>>
      %dma_start3A_65 = tpu.memref_slice %arg4[%mul3A_63] : memref<327680xi32, #tpu.memory_space<hbm>> -> memref<128xi32, #tpu.memory_space<hbm>>
      tpu.enqueue_dma source(%dma_start3A_65 : memref<128xi32, #tpu.memory_space<hbm>>) target(%arg9 : memref<128xi32, #tpu.memory_space<vmem>>) target_semaphore(%arg19 : memref<!tpu.dma_semaphore, #tpu.memory_space<semaphore_mem>>)
      %dma_start3A_66 = arith.constant 0 : i32
      %dma_start3A_67 = arith.constant 0 : i32
      %dma_start3A_68 = arith.constant 0 : i32
      %dma_start3A_69 = arith.constant 0 : i32
      %dma_start3A_70 = tpu.memref_slice %arg11[%dma_start3A_67, %dma_start3A_68, %dma_start3A_69] : memref<2x128x128xf32, #tpu.memory_space<vmem>> -> memref<1x128x128xf32, #tpu.memory_space<vmem>>
      %dma_start3A_71 = tpu.memref_squeeze %dma_start3A_70 : memref<1x128x128xf32, #tpu.memory_space<vmem>> -> memref<128x128xf32, #tpu.memory_space<vmem>>
      %dma_start3A_72 = arith.constant 0 : i32
      %dma_start3A_73 = tpu.memref_slice %arg6[%dma_start3A_66, %dma_start3A_72] : memref<80x128xi32, #tpu.memory_space<vmem>> -> memref<1x128xi32, #tpu.memory_space<vmem>>
      %dma_start3A_74 = tpu.memref_squeeze %dma_start3A_73 : memref<1x128xi32, #tpu.memory_space<vmem>> -> memref<128xi32, #tpu.memory_space<vmem>>
      %dma_start3A_75 = arith.constant 0 : i32
      %dma_start3A_76 = arith.constant 0 : i32
      %dma_start3A_77 = tpu.memref_slice %arg2[%dma_start3A_75, %dma_start3A_76] : memref<10000x128xf32, #tpu.memory_space<hbm>> -> memref<10000x128xf32, #tpu.memory_space<hbm>>
      tpu.enqueue_indirect_dma source(%dma_start3A_77 : memref<10000x128xf32, #tpu.memory_space<hbm>>) target(%dma_start3A_71 : memref<128x128xf32, #tpu.memory_space<vmem>>) offsets(%dma_start3A_74 : memref<128xi32, #tpu.memory_space<vmem>>) semaphore(%arg13 : memref<!tpu.dma_semaphore, #tpu.memory_space<semaphore_mem>>)
      %scan3A_78 = arith.constant 0 : i32
      %scan3A_79 = arith.constant 0 : i32
      %scan3A_80 = arith.constant 5 : i32
      %scan3A_81 = arith.addi %scan3A_79, %scan3A_80 : i32
      %scan3A_82 = arith.constant 1 : i32
      scf.for %scan3A_98 = %scan3A_79 to %scan3A_81 step %scan3A_82  : i32 {
        %mul3A_99 = arith.constant 4 : i32
        %mul3A_100 = arith.muli %scan3A_98, %mul3A_99 : i32
        %add3A_101 = arith.constant 0 : i32
        %add3A_102 = arith.addi %mul3A_100, %add3A_101 : i32
        %dma_wait3A_103 = arith.constant 0 : i32
        %dma_wait3A_104 = arith.constant 0 : i32
        %dma_wait3A_105 = arith.constant 0 : i32
        %dma_wait3A_106 = tpu.memref_slice %arg11[%dma_wait3A_103, %dma_wait3A_104, %dma_wait3A_105] : memref<2x128x128xf32, #tpu.memory_space<vmem>> -> memref<1x128x128xf32, #tpu.memory_space<vmem>>
        %dma_wait3A_107 = tpu.memref_squeeze %dma_wait3A_106 : memref<1x128x128xf32, #tpu.memory_space<vmem>> -> memref<128x128xf32, #tpu.memory_space<vmem>>
        %dma_wait3A_108 = arith.constant 0 : i32
        %dma_wait3A_109 = arith.constant 0 : i32
        %dma_wait3A_110 = tpu.memref_slice %arg2[%dma_wait3A_108, %dma_wait3A_109] : memref<10000x128xf32, #tpu.memory_space<hbm>> -> memref<128x128xf32, #tpu.memory_space<hbm>>
        %dma_wait3A_111 = arith.constant 0 : i32
        %dma_wait3A_112 = arith.constant 0 : i32
        %dma_wait3A_113 = tpu.memref_slice %arg11[%dma_wait3A_103, %dma_wait3A_111, %dma_wait3A_112] : memref<2x128x128xf32, #tpu.memory_space<vmem>> -> memref<1x128x128xf32, #tpu.memory_space<vmem>>
        %dma_wait3A_114 = tpu.memref_squeeze %dma_wait3A_113 : memref<1x128x128xf32, #tpu.memory_space<vmem>> -> memref<128x128xf32, #tpu.memory_space<vmem>>
        %dma_wait3A_115 = arith.constant 0 : i32
        %dma_wait3A_116 = arith.constant 0 : i32
        %dma_wait3A_117 = tpu.memref_slice %arg2[%dma_wait3A_115, %dma_wait3A_116] : memref<10000x128xf32, #tpu.memory_space<hbm>> -> memref<128x128xf32, #tpu.memory_space<hbm>>
        tpu.wait_dma2 semaphore(%arg13 : memref<!tpu.dma_semaphore, #tpu.memory_space<semaphore_mem>>) src(%dma_wait3A_117 : memref<128x128xf32, #tpu.memory_space<hbm>>) dst(%dma_wait3A_114 : memref<128x128xf32, #tpu.memory_space<vmem>>)
        %dma_wait3A_118 = arith.constant 0 : i32
        %dma_wait3A_119 = tpu.memref_slice %arg4[%dma_wait3A_118] : memref<327680xi32, #tpu.memory_space<hbm>> -> memref<128xi32, #tpu.memory_space<hbm>>
        %dma_wait3A_120 = arith.constant 0 : i32
        %dma_wait3A_121 = tpu.memref_slice %arg4[%dma_wait3A_120] : memref<327680xi32, #tpu.memory_space<hbm>> -> memref<128xi32, #tpu.memory_space<hbm>>
        tpu.wait_dma2 semaphore(%arg17 : memref<!tpu.dma_semaphore, #tpu.memory_space<semaphore_mem>>) src(%dma_wait3A_121 : memref<128xi32, #tpu.memory_space<hbm>>) dst(%arg7 : memref<128xi32, #tpu.memory_space<vmem>>)
        %dma_start3A_122 = arith.constant 0 : i32
        %dma_start3A_123 = arith.constant 0 : i32
        %dma_start3A_124 = arith.constant 0 : i32
        %dma_start3A_125 = tpu.memref_slice %arg11[%dma_start3A_122, %dma_start3A_123, %dma_start3A_124] : memref<2x128x128xf32, #tpu.memory_space<vmem>> -> memref<1x128x128xf32, #tpu.memory_space<vmem>>
        %dma_start3A_126 = tpu.memref_squeeze %dma_start3A_125 : memref<1x128x128xf32, #tpu.memory_space<vmem>> -> memref<128x128xf32, #tpu.memory_space<vmem>>
        %dma_start3A_127 = arith.constant 0 : i32
        %dma_start3A_128 = arith.constant 0 : i32
        %dma_start3A_129 = tpu.memref_slice %arg12[%dma_start3A_127, %dma_start3A_128] : memref<10000x128xf32, #tpu.memory_space<vmem_shared>> -> memref<10000x128xf32, #tpu.memory_space<vmem_shared>>
        tpu.enqueue_indirect_dma source(%dma_start3A_126 : memref<128x128xf32, #tpu.memory_space<vmem>>) target(%dma_start3A_129 : memref<10000x128xf32, #tpu.memory_space<vmem_shared>>) offsets(%arg7 : memref<128xi32, #tpu.memory_space<vmem>>) semaphore(%arg15 : memref<!tpu.dma_semaphore, #tpu.memory_space<semaphore_mem>>) {add = true}
        %gt3A = arith.constant 0 : i32
        %gt3A_130 = arith.cmpi sgt, %scan3A_98, %gt3A : i32
        %convert_element_type3A_131 = arith.extui %gt3A_130 : i1 to i32
        %cond3A_132 = arith.constant 0 : i32
        %cond3A_133 = arith.cmpi ne, %convert_element_type3A_131, %cond3A_132 : i32
        scf.if %cond3A_133 {
          %dma_wait3A_334 = arith.constant 0 : i32
          %dma_wait3A_335 = arith.constant 0 : i32
          %dma_wait3A_336 = arith.constant 0 : i32
          %dma_wait3A_337 = tpu.memref_slice %arg11[%dma_wait3A_334, %dma_wait3A_335, %dma_wait3A_336] : memref<2x128x128xf32, #tpu.memory_space<vmem>> -> memref<1x128x128xf32, #tpu.memory_space<vmem>>
          %dma_wait3A_338 = tpu.memref_squeeze %dma_wait3A_337 : memref<1x128x128xf32, #tpu.memory_space<vmem>> -> memref<128x128xf32, #tpu.memory_space<vmem>>
          %dma_wait3A_339 = arith.constant 0 : i32
          %dma_wait3A_340 = arith.constant 0 : i32
          %dma_wait3A_341 = tpu.memref_slice %arg2[%dma_wait3A_339, %dma_wait3A_340] : memref<10000x128xf32, #tpu.memory_space<hbm>> -> memref<128x128xf32, #tpu.memory_space<hbm>>
          %dma_wait3A_342 = arith.constant 0 : i32
          %dma_wait3A_343 = arith.constant 0 : i32
          %dma_wait3A_344 = tpu.memref_slice %arg11[%dma_wait3A_334, %dma_wait3A_342, %dma_wait3A_343] : memref<2x128x128xf32, #tpu.memory_space<vmem>> -> memref<1x128x128xf32, #tpu.memory_space<vmem>>
          %dma_wait3A_345 = tpu.memref_squeeze %dma_wait3A_344 : memref<1x128x128xf32, #tpu.memory_space<vmem>> -> memref<128x128xf32, #tpu.memory_space<vmem>>
          %dma_wait3A_346 = arith.constant 0 : i32
          %dma_wait3A_347 = arith.constant 0 : i32
          %dma_wait3A_348 = tpu.memref_slice %arg2[%dma_wait3A_346, %dma_wait3A_347] : memref<10000x128xf32, #tpu.memory_space<hbm>> -> memref<128x128xf32, #tpu.memory_space<hbm>>
          tpu.wait_dma2 semaphore(%arg16 : memref<!tpu.dma_semaphore, #tpu.memory_space<semaphore_mem>>) src(%dma_wait3A_348 : memref<128x128xf32, #tpu.memory_space<hbm>>) dst(%dma_wait3A_345 : memref<128x128xf32, #tpu.memory_space<vmem>>)
        } else {
        }
        %add3A_134 = arith.constant 3 : i32
        %add3A_135 = arith.addi %add3A_102, %add3A_134 : i32
        %mul3A_136 = arith.constant 80 : i32
        %mul3A_137 = arith.muli %add3A, %mul3A_136 : i32
        %add3A_138 = arith.addi %mul3A_137, %add3A_135 : i32
        %mul3A_139 = arith.constant 128 : i32
        %mul3A_140 = arith.muli %add3A_138, %mul3A_139 : i32
        %dma_start3A_141 = tpu.memref_slice %arg4[%mul3A_140] : memref<327680xi32, #tpu.memory_space<hbm>> -> memref<128xi32, #tpu.memory_space<hbm>>
        %dma_start3A_142 = tpu.memref_slice %arg4[%mul3A_140] : memref<327680xi32, #tpu.memory_space<hbm>> -> memref<128xi32, #tpu.memory_space<hbm>>
        tpu.enqueue_dma source(%dma_start3A_142 : memref<128xi32, #tpu.memory_space<hbm>>) target(%arg10 : memref<128xi32, #tpu.memory_space<vmem>>) target_semaphore(%arg20 : memref<!tpu.dma_semaphore, #tpu.memory_space<semaphore_mem>>)
        %add3A_143 = arith.constant 1 : i32
        %add3A_144 = arith.addi %add3A_102, %add3A_143 : i32
        %dma_start3A_145 = arith.constant 1 : i32
        %dma_start3A_146 = arith.constant 0 : i32
        %dma_start3A_147 = arith.constant 0 : i32
        %dma_start3A_148 = tpu.memref_slice %arg11[%dma_start3A_145, %dma_start3A_146, %dma_start3A_147] : memref<2x128x128xf32, #tpu.memory_space<vmem>> -> memref<1x128x128xf32, #tpu.memory_space<vmem>>
        %dma_start3A_149 = tpu.memref_squeeze %dma_start3A_148 : memref<1x128x128xf32, #tpu.memory_space<vmem>> -> memref<128x128xf32, #tpu.memory_space<vmem>>
        %dma_start3A_150 = arith.constant 0 : i32
        %dma_start3A_151 = tpu.memref_slice %arg6[%add3A_144, %dma_start3A_150] : memref<80x128xi32, #tpu.memory_space<vmem>> -> memref<1x128xi32, #tpu.memory_space<vmem>>
        %dma_start3A_152 = tpu.memref_squeeze %dma_start3A_151 : memref<1x128xi32, #tpu.memory_space<vmem>> -> memref<128xi32, #tpu.memory_space<vmem>>
        %dma_start3A_153 = arith.constant 0 : i32
        %dma_start3A_154 = arith.constant 0 : i32
        %dma_start3A_155 = tpu.memref_slice %arg2[%dma_start3A_153, %dma_start3A_154] : memref<10000x128xf32, #tpu.memory_space<hbm>> -> memref<10000x128xf32, #tpu.memory_space<hbm>>
        tpu.enqueue_indirect_dma source(%dma_start3A_155 : memref<10000x128xf32, #tpu.memory_space<hbm>>) target(%dma_start3A_149 : memref<128x128xf32, #tpu.memory_space<vmem>>) offsets(%dma_start3A_152 : memref<128xi32, #tpu.memory_space<vmem>>) semaphore(%arg14 : memref<!tpu.dma_semaphore, #tpu.memory_space<semaphore_mem>>)
        %add3A_156 = arith.constant 1 : i32
        %add3A_157 = arith.addi %mul3A_100, %add3A_156 : i32
        %dma_wait3A_158 = arith.constant 1 : i32
        %dma_wait3A_159 = arith.constant 0 : i32
        %dma_wait3A_160 = arith.constant 0 : i32
        %dma_wait3A_161 = tpu.memref_slice %arg11[%dma_wait3A_158, %dma_wait3A_159, %dma_wait3A_160] : memref<2x128x128xf32, #tpu.memory_space<vmem>> -> memref<1x128x128xf32, #tpu.memory_space<vmem>>
        %dma_wait3A_162 = tpu.memref_squeeze %dma_wait3A_161 : memref<1x128x128xf32, #tpu.memory_space<vmem>> -> memref<128x128xf32, #tpu.memory_space<vmem>>
        %dma_wait3A_163 = arith.constant 0 : i32
        %dma_wait3A_164 = arith.constant 0 : i32
        %dma_wait3A_165 = tpu.memref_slice %arg2[%dma_wait3A_163, %dma_wait3A_164] : memref<10000x128xf32, #tpu.memory_space<hbm>> -> memref<128x128xf32, #tpu.memory_space<hbm>>
        %dma_wait3A_166 = arith.constant 0 : i32
        %dma_wait3A_167 = arith.constant 0 : i32
        %dma_wait3A_168 = tpu.memref_slice %arg11[%dma_wait3A_158, %dma_wait3A_166, %dma_wait3A_167] : memref<2x128x128xf32, #tpu.memory_space<vmem>> -> memref<1x128x128xf32, #tpu.memory_space<vmem>>
        %dma_wait3A_169 = tpu.memref_squeeze %dma_wait3A_168 : memref<1x128x128xf32, #tpu.memory_space<vmem>> -> memref<128x128xf32, #tpu.memory_space<vmem>>
        %dma_wait3A_170 = arith.constant 0 : i32
        %dma_wait3A_171 = arith.constant 0 : i32
        %dma_wait3A_172 = tpu.memref_slice %arg2[%dma_wait3A_170, %dma_wait3A_171] : memref<10000x128xf32, #tpu.memory_space<hbm>> -> memref<128x128xf32, #tpu.memory_space<hbm>>
        tpu.wait_dma2 semaphore(%arg14 : memref<!tpu.dma_semaphore, #tpu.memory_space<semaphore_mem>>) src(%dma_wait3A_172 : memref<128x128xf32, #tpu.memory_space<hbm>>) dst(%dma_wait3A_169 : memref<128x128xf32, #tpu.memory_space<vmem>>)
        %dma_wait3A_173 = arith.constant 0 : i32
        %dma_wait3A_174 = tpu.memref_slice %arg4[%dma_wait3A_173] : memref<327680xi32, #tpu.memory_space<hbm>> -> memref<128xi32, #tpu.memory_space<hbm>>
        %dma_wait3A_175 = arith.constant 0 : i32
        %dma_wait3A_176 = tpu.memref_slice %arg4[%dma_wait3A_175] : memref<327680xi32, #tpu.memory_space<hbm>> -> memref<128xi32, #tpu.memory_space<hbm>>
        tpu.wait_dma2 semaphore(%arg18 : memref<!tpu.dma_semaphore, #tpu.memory_space<semaphore_mem>>) src(%dma_wait3A_176 : memref<128xi32, #tpu.memory_space<hbm>>) dst(%arg8 : memref<128xi32, #tpu.memory_space<vmem>>)
        %dma_start3A_177 = arith.constant 1 : i32
        %dma_start3A_178 = arith.constant 0 : i32
        %dma_start3A_179 = arith.constant 0 : i32
        %dma_start3A_180 = tpu.memref_slice %arg11[%dma_start3A_177, %dma_start3A_178, %dma_start3A_179] : memref<2x128x128xf32, #tpu.memory_space<vmem>> -> memref<1x128x128xf32, #tpu.memory_space<vmem>>
        %dma_start3A_181 = tpu.memref_squeeze %dma_start3A_180 : memref<1x128x128xf32, #tpu.memory_space<vmem>> -> memref<128x128xf32, #tpu.memory_space<vmem>>
        %dma_start3A_182 = arith.constant 0 : i32
        %dma_start3A_183 = arith.constant 0 : i32
        %dma_start3A_184 = tpu.memref_slice %arg12[%dma_start3A_182, %dma_start3A_183] : memref<10000x128xf32, #tpu.memory_space<vmem_shared>> -> memref<10000x128xf32, #tpu.memory_space<vmem_shared>>
        tpu.enqueue_indirect_dma source(%dma_start3A_181 : memref<128x128xf32, #tpu.memory_space<vmem>>) target(%dma_start3A_184 : memref<10000x128xf32, #tpu.memory_space<vmem_shared>>) offsets(%arg8 : memref<128xi32, #tpu.memory_space<vmem>>) semaphore(%arg16 : memref<!tpu.dma_semaphore, #tpu.memory_space<semaphore_mem>>) {add = true}
        %dma_wait3A_185 = arith.constant 0 : i32
        %dma_wait3A_186 = arith.constant 0 : i32
        %dma_wait3A_187 = arith.constant 0 : i32
        %dma_wait3A_188 = tpu.memref_slice %arg11[%dma_wait3A_185, %dma_wait3A_186, %dma_wait3A_187] : memref<2x128x128xf32, #tpu.memory_space<vmem>> -> memref<1x128x128xf32, #tpu.memory_space<vmem>>
        %dma_wait3A_189 = tpu.memref_squeeze %dma_wait3A_188 : memref<1x128x128xf32, #tpu.memory_space<vmem>> -> memref<128x128xf32, #tpu.memory_space<vmem>>
        %dma_wait3A_190 = arith.constant 0 : i32
        %dma_wait3A_191 = arith.constant 0 : i32
        %dma_wait3A_192 = tpu.memref_slice %arg2[%dma_wait3A_190, %dma_wait3A_191] : memref<10000x128xf32, #tpu.memory_space<hbm>> -> memref<128x128xf32, #tpu.memory_space<hbm>>
        %dma_wait3A_193 = arith.constant 0 : i32
        %dma_wait3A_194 = arith.constant 0 : i32
        %dma_wait3A_195 = tpu.memref_slice %arg11[%dma_wait3A_185, %dma_wait3A_193, %dma_wait3A_194] : memref<2x128x128xf32, #tpu.memory_space<vmem>> -> memref<1x128x128xf32, #tpu.memory_space<vmem>>
        %dma_wait3A_196 = tpu.memref_squeeze %dma_wait3A_195 : memref<1x128x128xf32, #tpu.memory_space<vmem>> -> memref<128x128xf32, #tpu.memory_space<vmem>>
        %dma_wait3A_197 = arith.constant 0 : i32
        %dma_wait3A_198 = arith.constant 0 : i32
        %dma_wait3A_199 = tpu.memref_slice %arg2[%dma_wait3A_197, %dma_wait3A_198] : memref<10000x128xf32, #tpu.memory_space<hbm>> -> memref<128x128xf32, #tpu.memory_space<hbm>>
        tpu.wait_dma2 semaphore(%arg15 : memref<!tpu.dma_semaphore, #tpu.memory_space<semaphore_mem>>) src(%dma_wait3A_199 : memref<128x128xf32, #tpu.memory_space<hbm>>) dst(%dma_wait3A_196 : memref<128x128xf32, #tpu.memory_space<vmem>>)
        %lt3A_200 = arith.constant 4 : i32
        %lt3A_201 = arith.cmpi slt, %scan3A_98, %lt3A_200 : i32
        %convert_element_type3A_202 = arith.extui %lt3A_201 : i1 to i32
        %cond3A_203 = arith.constant 0 : i32
        %cond3A_204 = arith.cmpi ne, %convert_element_type3A_202, %cond3A_203 : i32
        scf.if %cond3A_204 {
          %add3A_334 = arith.constant 3 : i32
          %add3A_335 = arith.addi %add3A_157, %add3A_334 : i32
          %mul3A_336 = arith.constant 80 : i32
          %mul3A_337 = arith.muli %add3A, %mul3A_336 : i32
          %add3A_338 = arith.addi %mul3A_337, %add3A_335 : i32
          %mul3A_339 = arith.constant 128 : i32
          %mul3A_340 = arith.muli %add3A_338, %mul3A_339 : i32
          %dma_start3A_341 = tpu.memref_slice %arg4[%mul3A_340] : memref<327680xi32, #tpu.memory_space<hbm>> -> memref<128xi32, #tpu.memory_space<hbm>>
          %dma_start3A_342 = tpu.memref_slice %arg4[%mul3A_340] : memref<327680xi32, #tpu.memory_space<hbm>> -> memref<128xi32, #tpu.memory_space<hbm>>
          tpu.enqueue_dma source(%dma_start3A_342 : memref<128xi32, #tpu.memory_space<hbm>>) target(%arg7 : memref<128xi32, #tpu.memory_space<vmem>>) target_semaphore(%arg17 : memref<!tpu.dma_semaphore, #tpu.memory_space<semaphore_mem>>)
        } else {
        }
        %add3A_205 = arith.constant 1 : i32
        %add3A_206 = arith.addi %add3A_157, %add3A_205 : i32
        %dma_start3A_207 = arith.constant 0 : i32
        %dma_start3A_208 = arith.constant 0 : i32
        %dma_start3A_209 = arith.constant 0 : i32
        %dma_start3A_210 = tpu.memref_slice %arg11[%dma_start3A_207, %dma_start3A_208, %dma_start3A_209] : memref<2x128x128xf32, #tpu.memory_space<vmem>> -> memref<1x128x128xf32, #tpu.memory_space<vmem>>
        %dma_start3A_211 = tpu.memref_squeeze %dma_start3A_210 : memref<1x128x128xf32, #tpu.memory_space<vmem>> -> memref<128x128xf32, #tpu.memory_space<vmem>>
        %dma_start3A_212 = arith.constant 0 : i32
        %dma_start3A_213 = tpu.memref_slice %arg6[%add3A_206, %dma_start3A_212] : memref<80x128xi32, #tpu.memory_space<vmem>> -> memref<1x128xi32, #tpu.memory_space<vmem>>
        %dma_start3A_214 = tpu.memref_squeeze %dma_start3A_213 : memref<1x128xi32, #tpu.memory_space<vmem>> -> memref<128xi32, #tpu.memory_space<vmem>>
        %dma_start3A_215 = arith.constant 0 : i32
        %dma_start3A_216 = arith.constant 0 : i32
        %dma_start3A_217 = tpu.memref_slice %arg2[%dma_start3A_215, %dma_start3A_216] : memref<10000x128xf32, #tpu.memory_space<hbm>> -> memref<10000x128xf32, #tpu.memory_space<hbm>>
        tpu.enqueue_indirect_dma source(%dma_start3A_217 : memref<10000x128xf32, #tpu.memory_space<hbm>>) target(%dma_start3A_211 : memref<128x128xf32, #tpu.memory_space<vmem>>) offsets(%dma_start3A_214 : memref<128xi32, #tpu.memory_space<vmem>>) semaphore(%arg13 : memref<!tpu.dma_semaphore, #tpu.memory_space<semaphore_mem>>)
        %add3A_218 = arith.constant 2 : i32
        %add3A_219 = arith.addi %mul3A_100, %add3A_218 : i32
        %dma_wait3A_220 = arith.constant 0 : i32
        %dma_wait3A_221 = arith.constant 0 : i32
        %dma_wait3A_222 = arith.constant 0 : i32
        %dma_wait3A_223 = tpu.memref_slice %arg11[%dma_wait3A_220, %dma_wait3A_221, %dma_wait3A_222] : memref<2x128x128xf32, #tpu.memory_space<vmem>> -> memref<1x128x128xf32, #tpu.memory_space<vmem>>
        %dma_wait3A_224 = tpu.memref_squeeze %dma_wait3A_223 : memref<1x128x128xf32, #tpu.memory_space<vmem>> -> memref<128x128xf32, #tpu.memory_space<vmem>>
        %dma_wait3A_225 = arith.constant 0 : i32
        %dma_wait3A_226 = arith.constant 0 : i32
        %dma_wait3A_227 = tpu.memref_slice %arg2[%dma_wait3A_225, %dma_wait3A_226] : memref<10000x128xf32, #tpu.memory_space<hbm>> -> memref<128x128xf32, #tpu.memory_space<hbm>>
        %dma_wait3A_228 = arith.constant 0 : i32
        %dma_wait3A_229 = arith.constant 0 : i32
        %dma_wait3A_230 = tpu.memref_slice %arg11[%dma_wait3A_220, %dma_wait3A_228, %dma_wait3A_229] : memref<2x128x128xf32, #tpu.memory_space<vmem>> -> memref<1x128x128xf32, #tpu.memory_space<vmem>>
        %dma_wait3A_231 = tpu.memref_squeeze %dma_wait3A_230 : memref<1x128x128xf32, #tpu.memory_space<vmem>> -> memref<128x128xf32, #tpu.memory_space<vmem>>
        %dma_wait3A_232 = arith.constant 0 : i32
        %dma_wait3A_233 = arith.constant 0 : i32
        %dma_wait3A_234 = tpu.memref_slice %arg2[%dma_wait3A_232, %dma_wait3A_233] : memref<10000x128xf32, #tpu.memory_space<hbm>> -> memref<128x128xf32, #tpu.memory_space<hbm>>
        tpu.wait_dma2 semaphore(%arg13 : memref<!tpu.dma_semaphore, #tpu.memory_space<semaphore_mem>>) src(%dma_wait3A_234 : memref<128x128xf32, #tpu.memory_space<hbm>>) dst(%dma_wait3A_231 : memref<128x128xf32, #tpu.memory_space<vmem>>)
        %dma_wait3A_235 = arith.constant 0 : i32
        %dma_wait3A_236 = tpu.memref_slice %arg4[%dma_wait3A_235] : memref<327680xi32, #tpu.memory_space<hbm>> -> memref<128xi32, #tpu.memory_space<hbm>>
        %dma_wait3A_237 = arith.constant 0 : i32
        %dma_wait3A_238 = tpu.memref_slice %arg4[%dma_wait3A_237] : memref<327680xi32, #tpu.memory_space<hbm>> -> memref<128xi32, #tpu.memory_space<hbm>>
        tpu.wait_dma2 semaphore(%arg19 : memref<!tpu.dma_semaphore, #tpu.memory_space<semaphore_mem>>) src(%dma_wait3A_238 : memref<128xi32, #tpu.memory_space<hbm>>) dst(%arg9 : memref<128xi32, #tpu.memory_space<vmem>>)
        %dma_start3A_239 = arith.constant 0 : i32
        %dma_start3A_240 = arith.constant 0 : i32
        %dma_start3A_241 = arith.constant 0 : i32
        %dma_start3A_242 = tpu.memref_slice %arg11[%dma_start3A_239, %dma_start3A_240, %dma_start3A_241] : memref<2x128x128xf32, #tpu.memory_space<vmem>> -> memref<1x128x128xf32, #tpu.memory_space<vmem>>
        %dma_start3A_243 = tpu.memref_squeeze %dma_start3A_242 : memref<1x128x128xf32, #tpu.memory_space<vmem>> -> memref<128x128xf32, #tpu.memory_space<vmem>>
        %dma_start3A_244 = arith.constant 0 : i32
        %dma_start3A_245 = arith.constant 0 : i32
        %dma_start3A_246 = tpu.memref_slice %arg12[%dma_start3A_244, %dma_start3A_245] : memref<10000x128xf32, #tpu.memory_space<vmem_shared>> -> memref<10000x128xf32, #tpu.memory_space<vmem_shared>>
        tpu.enqueue_indirect_dma source(%dma_start3A_243 : memref<128x128xf32, #tpu.memory_space<vmem>>) target(%dma_start3A_246 : memref<10000x128xf32, #tpu.memory_space<vmem_shared>>) offsets(%arg9 : memref<128xi32, #tpu.memory_space<vmem>>) semaphore(%arg15 : memref<!tpu.dma_semaphore, #tpu.memory_space<semaphore_mem>>) {add = true}
        %dma_wait3A_247 = arith.constant 0 : i32
        %dma_wait3A_248 = arith.constant 0 : i32
        %dma_wait3A_249 = arith.constant 0 : i32
        %dma_wait3A_250 = tpu.memref_slice %arg11[%dma_wait3A_247, %dma_wait3A_248, %dma_wait3A_249] : memref<2x128x128xf32, #tpu.memory_space<vmem>> -> memref<1x128x128xf32, #tpu.memory_space<vmem>>
        %dma_wait3A_251 = tpu.memref_squeeze %dma_wait3A_250 : memref<1x128x128xf32, #tpu.memory_space<vmem>> -> memref<128x128xf32, #tpu.memory_space<vmem>>
        %dma_wait3A_252 = arith.constant 0 : i32
        %dma_wait3A_253 = arith.constant 0 : i32
        %dma_wait3A_254 = tpu.memref_slice %arg2[%dma_wait3A_252, %dma_wait3A_253] : memref<10000x128xf32, #tpu.memory_space<hbm>> -> memref<128x128xf32, #tpu.memory_space<hbm>>
        %dma_wait3A_255 = arith.constant 0 : i32
        %dma_wait3A_256 = arith.constant 0 : i32
        %dma_wait3A_257 = tpu.memref_slice %arg11[%dma_wait3A_247, %dma_wait3A_255, %dma_wait3A_256] : memref<2x128x128xf32, #tpu.memory_space<vmem>> -> memref<1x128x128xf32, #tpu.memory_space<vmem>>
        %dma_wait3A_258 = tpu.memref_squeeze %dma_wait3A_257 : memref<1x128x128xf32, #tpu.memory_space<vmem>> -> memref<128x128xf32, #tpu.memory_space<vmem>>
        %dma_wait3A_259 = arith.constant 0 : i32
        %dma_wait3A_260 = arith.constant 0 : i32
        %dma_wait3A_261 = tpu.memref_slice %arg2[%dma_wait3A_259, %dma_wait3A_260] : memref<10000x128xf32, #tpu.memory_space<hbm>> -> memref<128x128xf32, #tpu.memory_space<hbm>>
        tpu.wait_dma2 semaphore(%arg16 : memref<!tpu.dma_semaphore, #tpu.memory_space<semaphore_mem>>) src(%dma_wait3A_261 : memref<128x128xf32, #tpu.memory_space<hbm>>) dst(%dma_wait3A_258 : memref<128x128xf32, #tpu.memory_space<vmem>>)
        %lt3A_262 = arith.constant 4 : i32
        %lt3A_263 = arith.cmpi slt, %scan3A_98, %lt3A_262 : i32
        %convert_element_type3A_264 = arith.extui %lt3A_263 : i1 to i32
        %cond3A_265 = arith.constant 0 : i32
        %cond3A_266 = arith.cmpi ne, %convert_element_type3A_264, %cond3A_265 : i32
        scf.if %cond3A_266 {
          %add3A_334 = arith.constant 3 : i32
          %add3A_335 = arith.addi %add3A_219, %add3A_334 : i32
          %mul3A_336 = arith.constant 80 : i32
          %mul3A_337 = arith.muli %add3A, %mul3A_336 : i32
          %add3A_338 = arith.addi %mul3A_337, %add3A_335 : i32
          %mul3A_339 = arith.constant 128 : i32
          %mul3A_340 = arith.muli %add3A_338, %mul3A_339 : i32
          %dma_start3A_341 = tpu.memref_slice %arg4[%mul3A_340] : memref<327680xi32, #tpu.memory_space<hbm>> -> memref<128xi32, #tpu.memory_space<hbm>>
          %dma_start3A_342 = tpu.memref_slice %arg4[%mul3A_340] : memref<327680xi32, #tpu.memory_space<hbm>> -> memref<128xi32, #tpu.memory_space<hbm>>
          tpu.enqueue_dma source(%dma_start3A_342 : memref<128xi32, #tpu.memory_space<hbm>>) target(%arg8 : memref<128xi32, #tpu.memory_space<vmem>>) target_semaphore(%arg18 : memref<!tpu.dma_semaphore, #tpu.memory_space<semaphore_mem>>)
        } else {
        }
        %add3A_267 = arith.constant 1 : i32
        %add3A_268 = arith.addi %add3A_219, %add3A_267 : i32
        %dma_start3A_269 = arith.constant 1 : i32
        %dma_start3A_270 = arith.constant 0 : i32
        %dma_start3A_271 = arith.constant 0 : i32
        %dma_start3A_272 = tpu.memref_slice %arg11[%dma_start3A_269, %dma_start3A_270, %dma_start3A_271] : memref<2x128x128xf32, #tpu.memory_space<vmem>> -> memref<1x128x128xf32, #tpu.memory_space<vmem>>
        %dma_start3A_273 = tpu.memref_squeeze %dma_start3A_272 : memref<1x128x128xf32, #tpu.memory_space<vmem>> -> memref<128x128xf32, #tpu.memory_space<vmem>>
        %dma_start3A_274 = arith.constant 0 : i32
        %dma_start3A_275 = tpu.memref_slice %arg6[%add3A_268, %dma_start3A_274] : memref<80x128xi32, #tpu.memory_space<vmem>> -> memref<1x128xi32, #tpu.memory_space<vmem>>
        %dma_start3A_276 = tpu.memref_squeeze %dma_start3A_275 : memref<1x128xi32, #tpu.memory_space<vmem>> -> memref<128xi32, #tpu.memory_space<vmem>>
        %dma_start3A_277 = arith.constant 0 : i32
        %dma_start3A_278 = arith.constant 0 : i32
        %dma_start3A_279 = tpu.memref_slice %arg2[%dma_start3A_277, %dma_start3A_278] : memref<10000x128xf32, #tpu.memory_space<hbm>> -> memref<10000x128xf32, #tpu.memory_space<hbm>>
        tpu.enqueue_indirect_dma source(%dma_start3A_279 : memref<10000x128xf32, #tpu.memory_space<hbm>>) target(%dma_start3A_273 : memref<128x128xf32, #tpu.memory_space<vmem>>) offsets(%dma_start3A_276 : memref<128xi32, #tpu.memory_space<vmem>>) semaphore(%arg14 : memref<!tpu.dma_semaphore, #tpu.memory_space<semaphore_mem>>)
        %add3A_280 = arith.constant 3 : i32
        %add3A_281 = arith.addi %mul3A_100, %add3A_280 : i32
        %dma_wait3A_282 = arith.constant 1 : i32
        %dma_wait3A_283 = arith.constant 0 : i32
        %dma_wait3A_284 = arith.constant 0 : i32
        %dma_wait3A_285 = tpu.memref_slice %arg11[%dma_wait3A_282, %dma_wait3A_283, %dma_wait3A_284] : memref<2x128x128xf32, #tpu.memory_space<vmem>> -> memref<1x128x128xf32, #tpu.memory_space<vmem>>
        %dma_wait3A_286 = tpu.memref_squeeze %dma_wait3A_285 : memref<1x128x128xf32, #tpu.memory_space<vmem>> -> memref<128x128xf32, #tpu.memory_space<vmem>>
        %dma_wait3A_287 = arith.constant 0 : i32
        %dma_wait3A_288 = arith.constant 0 : i32
        %dma_wait3A_289 = tpu.memref_slice %arg2[%dma_wait3A_287, %dma_wait3A_288] : memref<10000x128xf32, #tpu.memory_space<hbm>> -> memref<128x128xf32, #tpu.memory_space<hbm>>
        %dma_wait3A_290 = arith.constant 0 : i32
        %dma_wait3A_291 = arith.constant 0 : i32
        %dma_wait3A_292 = tpu.memref_slice %arg11[%dma_wait3A_282, %dma_wait3A_290, %dma_wait3A_291] : memref<2x128x128xf32, #tpu.memory_space<vmem>> -> memref<1x128x128xf32, #tpu.memory_space<vmem>>
        %dma_wait3A_293 = tpu.memref_squeeze %dma_wait3A_292 : memref<1x128x128xf32, #tpu.memory_space<vmem>> -> memref<128x128xf32, #tpu.memory_space<vmem>>
        %dma_wait3A_294 = arith.constant 0 : i32
        %dma_wait3A_295 = arith.constant 0 : i32
        %dma_wait3A_296 = tpu.memref_slice %arg2[%dma_wait3A_294, %dma_wait3A_295] : memref<10000x128xf32, #tpu.memory_space<hbm>> -> memref<128x128xf32, #tpu.memory_space<hbm>>
        tpu.wait_dma2 semaphore(%arg14 : memref<!tpu.dma_semaphore, #tpu.memory_space<semaphore_mem>>) src(%dma_wait3A_296 : memref<128x128xf32, #tpu.memory_space<hbm>>) dst(%dma_wait3A_293 : memref<128x128xf32, #tpu.memory_space<vmem>>)
        %dma_wait3A_297 = arith.constant 0 : i32
        %dma_wait3A_298 = tpu.memref_slice %arg4[%dma_wait3A_297] : memref<327680xi32, #tpu.memory_space<hbm>> -> memref<128xi32, #tpu.memory_space<hbm>>
        %dma_wait3A_299 = arith.constant 0 : i32
        %dma_wait3A_300 = tpu.memref_slice %arg4[%dma_wait3A_299] : memref<327680xi32, #tpu.memory_space<hbm>> -> memref<128xi32, #tpu.memory_space<hbm>>
        tpu.wait_dma2 semaphore(%arg20 : memref<!tpu.dma_semaphore, #tpu.memory_space<semaphore_mem>>) src(%dma_wait3A_300 : memref<128xi32, #tpu.memory_space<hbm>>) dst(%arg10 : memref<128xi32, #tpu.memory_space<vmem>>)
        %dma_start3A_301 = arith.constant 1 : i32
        %dma_start3A_302 = arith.constant 0 : i32
        %dma_start3A_303 = arith.constant 0 : i32
        %dma_start3A_304 = tpu.memref_slice %arg11[%dma_start3A_301, %dma_start3A_302, %dma_start3A_303] : memref<2x128x128xf32, #tpu.memory_space<vmem>> -> memref<1x128x128xf32, #tpu.memory_space<vmem>>
        %dma_start3A_305 = tpu.memref_squeeze %dma_start3A_304 : memref<1x128x128xf32, #tpu.memory_space<vmem>> -> memref<128x128xf32, #tpu.memory_space<vmem>>
        %dma_start3A_306 = arith.constant 0 : i32
        %dma_start3A_307 = arith.constant 0 : i32
        %dma_start3A_308 = tpu.memref_slice %arg12[%dma_start3A_306, %dma_start3A_307] : memref<10000x128xf32, #tpu.memory_space<vmem_shared>> -> memref<10000x128xf32, #tpu.memory_space<vmem_shared>>
        tpu.enqueue_indirect_dma source(%dma_start3A_305 : memref<128x128xf32, #tpu.memory_space<vmem>>) target(%dma_start3A_308 : memref<10000x128xf32, #tpu.memory_space<vmem_shared>>) offsets(%arg10 : memref<128xi32, #tpu.memory_space<vmem>>) semaphore(%arg16 : memref<!tpu.dma_semaphore, #tpu.memory_space<semaphore_mem>>) {add = true}
        %dma_wait3A_309 = arith.constant 0 : i32
        %dma_wait3A_310 = arith.constant 0 : i32
        %dma_wait3A_311 = arith.constant 0 : i32
        %dma_wait3A_312 = tpu.memref_slice %arg11[%dma_wait3A_309, %dma_wait3A_310, %dma_wait3A_311] : memref<2x128x128xf32, #tpu.memory_space<vmem>> -> memref<1x128x128xf32, #tpu.memory_space<vmem>>
        %dma_wait3A_313 = tpu.memref_squeeze %dma_wait3A_312 : memref<1x128x128xf32, #tpu.memory_space<vmem>> -> memref<128x128xf32, #tpu.memory_space<vmem>>
        %dma_wait3A_314 = arith.constant 0 : i32
        %dma_wait3A_315 = arith.constant 0 : i32
        %dma_wait3A_316 = tpu.memref_slice %arg2[%dma_wait3A_314, %dma_wait3A_315] : memref<10000x128xf32, #tpu.memory_space<hbm>> -> memref<128x128xf32, #tpu.memory_space<hbm>>
        %dma_wait3A_317 = arith.constant 0 : i32
        %dma_wait3A_318 = arith.constant 0 : i32
        %dma_wait3A_319 = tpu.memref_slice %arg11[%dma_wait3A_309, %dma_wait3A_317, %dma_wait3A_318] : memref<2x128x128xf32, #tpu.memory_space<vmem>> -> memref<1x128x128xf32, #tpu.memory_space<vmem>>
        %dma_wait3A_320 = tpu.memref_squeeze %dma_wait3A_319 : memref<1x128x128xf32, #tpu.memory_space<vmem>> -> memref<128x128xf32, #tpu.memory_space<vmem>>
        %dma_wait3A_321 = arith.constant 0 : i32
        %dma_wait3A_322 = arith.constant 0 : i32
        %dma_wait3A_323 = tpu.memref_slice %arg2[%dma_wait3A_321, %dma_wait3A_322] : memref<10000x128xf32, #tpu.memory_space<hbm>> -> memref<128x128xf32, #tpu.memory_space<hbm>>
        tpu.wait_dma2 semaphore(%arg15 : memref<!tpu.dma_semaphore, #tpu.memory_space<semaphore_mem>>) src(%dma_wait3A_323 : memref<128x128xf32, #tpu.memory_space<hbm>>) dst(%dma_wait3A_320 : memref<128x128xf32, #tpu.memory_space<vmem>>)
        %lt3A_324 = arith.constant 4 : i32
        %lt3A_325 = arith.cmpi slt, %scan3A_98, %lt3A_324 : i32
        %convert_element_type3A_326 = arith.extui %lt3A_325 : i1 to i32
        %cond3A_327 = arith.constant 0 : i32
        %cond3A_328 = arith.cmpi ne, %convert_element_type3A_326, %cond3A_327 : i32
        scf.if %cond3A_328 {
          %add3A_334 = arith.constant 3 : i32
          %add3A_335 = arith.addi %add3A_281, %add3A_334 : i32
          %mul3A_336 = arith.constant 80 : i32
          %mul3A_337 = arith.muli %add3A, %mul3A_336 : i32
          %add3A_338 = arith.addi %mul3A_337, %add3A_335 : i32
          %mul3A_339 = arith.constant 128 : i32
          %mul3A_340 = arith.muli %add3A_338, %mul3A_339 : i32
          %dma_start3A_341 = tpu.memref_slice %arg4[%mul3A_340] : memref<327680xi32, #tpu.memory_space<hbm>> -> memref<128xi32, #tpu.memory_space<hbm>>
          %dma_start3A_342 = tpu.memref_slice %arg4[%mul3A_340] : memref<327680xi32, #tpu.memory_space<hbm>> -> memref<128xi32, #tpu.memory_space<hbm>>
          tpu.enqueue_dma source(%dma_start3A_342 : memref<128xi32, #tpu.memory_space<hbm>>) target(%arg9 : memref<128xi32, #tpu.memory_space<vmem>>) target_semaphore(%arg19 : memref<!tpu.dma_semaphore, #tpu.memory_space<semaphore_mem>>)
        } else {
        }
        %lt3A_329 = arith.constant 4 : i32
        %lt3A_330 = arith.cmpi slt, %scan3A_98, %lt3A_329 : i32
        %convert_element_type3A_331 = arith.extui %lt3A_330 : i1 to i32
        %cond3A_332 = arith.constant 0 : i32
        %cond3A_333 = arith.cmpi ne, %convert_element_type3A_331, %cond3A_332 : i32
        scf.if %cond3A_333 {
          %add3A_334 = arith.constant 1 : i32
          %add3A_335 = arith.addi %add3A_281, %add3A_334 : i32
          %dma_start3A_336 = arith.constant 0 : i32
          %dma_start3A_337 = arith.constant 0 : i32
          %dma_start3A_338 = arith.constant 0 : i32
          %dma_start3A_339 = tpu.memref_slice %arg11[%dma_start3A_336, %dma_start3A_337, %dma_start3A_338] : memref<2x128x128xf32, #tpu.memory_space<vmem>> -> memref<1x128x128xf32, #tpu.memory_space<vmem>>
          %dma_start3A_340 = tpu.memref_squeeze %dma_start3A_339 : memref<1x128x128xf32, #tpu.memory_space<vmem>> -> memref<128x128xf32, #tpu.memory_space<vmem>>
          %dma_start3A_341 = arith.constant 0 : i32
          %dma_start3A_342 = tpu.memref_slice %arg6[%add3A_335, %dma_start3A_341] : memref<80x128xi32, #tpu.memory_space<vmem>> -> memref<1x128xi32, #tpu.memory_space<vmem>>
          %dma_start3A_343 = tpu.memref_squeeze %dma_start3A_342 : memref<1x128xi32, #tpu.memory_space<vmem>> -> memref<128xi32, #tpu.memory_space<vmem>>
          %dma_start3A_344 = arith.constant 0 : i32
          %dma_start3A_345 = arith.constant 0 : i32
          %dma_start3A_346 = tpu.memref_slice %arg2[%dma_start3A_344, %dma_start3A_345] : memref<10000x128xf32, #tpu.memory_space<hbm>> -> memref<10000x128xf32, #tpu.memory_space<hbm>>
          tpu.enqueue_indirect_dma source(%dma_start3A_346 : memref<10000x128xf32, #tpu.memory_space<hbm>>) target(%dma_start3A_340 : memref<128x128xf32, #tpu.memory_space<vmem>>) offsets(%dma_start3A_343 : memref<128xi32, #tpu.memory_space<vmem>>) semaphore(%arg13 : memref<!tpu.dma_semaphore, #tpu.memory_space<semaphore_mem>>)
        } else {
        }
      }
      %scan3A_83 = arith.constant 5 : i32
      %dma_wait3A = arith.constant 0 : i32
      %dma_wait3A_84 = arith.constant 0 : i32
      %dma_wait3A_85 = arith.constant 0 : i32
      %dma_wait3A_86 = tpu.memref_slice %arg11[%dma_wait3A, %dma_wait3A_84, %dma_wait3A_85] : memref<2x128x128xf32, #tpu.memory_space<vmem>> -> memref<1x128x128xf32, #tpu.memory_space<vmem>>
      %dma_wait3A_87 = tpu.memref_squeeze %dma_wait3A_86 : memref<1x128x128xf32, #tpu.memory_space<vmem>> -> memref<128x128xf32, #tpu.memory_space<vmem>>
      %dma_wait3A_88 = arith.constant 0 : i32
      %dma_wait3A_89 = arith.constant 0 : i32
      %dma_wait3A_90 = tpu.memref_slice %arg2[%dma_wait3A_88, %dma_wait3A_89] : memref<10000x128xf32, #tpu.memory_space<hbm>> -> memref<128x128xf32, #tpu.memory_space<hbm>>
      %dma_wait3A_91 = arith.constant 0 : i32
      %dma_wait3A_92 = arith.constant 0 : i32
      %dma_wait3A_93 = tpu.memref_slice %arg11[%dma_wait3A, %dma_wait3A_91, %dma_wait3A_92] : memref<2x128x128xf32, #tpu.memory_space<vmem>> -> memref<1x128x128xf32, #tpu.memory_space<vmem>>
      %dma_wait3A_94 = tpu.memref_squeeze %dma_wait3A_93 : memref<1x128x128xf32, #tpu.memory_space<vmem>> -> memref<128x128xf32, #tpu.memory_space<vmem>>
      %dma_wait3A_95 = arith.constant 0 : i32
      %dma_wait3A_96 = arith.constant 0 : i32
      %dma_wait3A_97 = tpu.memref_slice %arg2[%dma_wait3A_95, %dma_wait3A_96] : memref<10000x128xf32, #tpu.memory_space<hbm>> -> memref<128x128xf32, #tpu.memory_space<hbm>>
      tpu.wait_dma2 semaphore(%arg16 : memref<!tpu.dma_semaphore, #tpu.memory_space<semaphore_mem>>) src(%dma_wait3A_97 : memref<128x128xf32, #tpu.memory_space<hbm>>) dst(%dma_wait3A_94 : memref<128x128xf32, #tpu.memory_space<vmem>>)
    } else {
    }
    %barrier3A_29 = arith.constant 0 : index
    tpu.barrier barrier_id(%barrier3A_29)
    %mul3A_30 = arith.constant 10000 : i32
    %mul3A_31 = arith.muli %arg0, %mul3A_30 : i32
    %add3A_32 = arith.addi %mul3A_31, %mul3A_8 : i32
    %lt3A_33 = arith.constant 15 : i32
    %lt3A_34 = arith.cmpi slt, %arg1, %lt3A_33 : i32
    %convert_element_type3A_35 = arith.extui %lt3A_34 : i1 to i32
    %cond3A_36 = arith.constant 0 : i32
    %cond3A_37 = arith.cmpi ne, %convert_element_type3A_35, %cond3A_36 : i32
    scf.if %cond3A_37 {
      "tpu.region"() ({
        %run_scoped3A = tpu.sem_alloc : memref<!tpu.dma_semaphore, #tpu.memory_space<semaphore_mem>>
        %dma_start3A = arith.constant 0 : i32
        %dma_start3A_43 = tpu.memref_slice %arg5[%add3A_32, %dma_start3A] : memref<20000x128xf32, #tpu.memory_space<hbm>> -> memref<632x128xf32, #tpu.memory_space<hbm>>
        %dma_start3A_44 = arith.constant 0 : i32
        %dma_start3A_45 = tpu.memref_slice %arg12[%mul3A_8, %dma_start3A_44] : memref<10000x128xf32, #tpu.memory_space<vmem_shared>> -> memref<632x128xf32, #tpu.memory_space<vmem_shared>>
        tpu.enqueue_dma source(%dma_start3A_45 : memref<632x128xf32, #tpu.memory_space<vmem_shared>>) target(%dma_start3A_43 : memref<632x128xf32, #tpu.memory_space<hbm>>) target_semaphore(%run_scoped3A : memref<!tpu.dma_semaphore, #tpu.memory_space<semaphore_mem>>)
        %dma_wait3A = arith.constant 0 : i32
        %dma_wait3A_46 = tpu.memref_slice %arg5[%add3A_32, %dma_wait3A] : memref<20000x128xf32, #tpu.memory_space<hbm>> -> memref<632x128xf32, #tpu.memory_space<hbm>>
        %dma_wait3A_47 = arith.constant 0 : i32
        %dma_wait3A_48 = tpu.memref_slice %arg12[%mul3A_8, %dma_wait3A_47] : memref<10000x128xf32, #tpu.memory_space<vmem_shared>> -> memref<632x128xf32, #tpu.memory_space<vmem_shared>>
        tpu.wait_dma2 semaphore(%run_scoped3A : memref<!tpu.dma_semaphore, #tpu.memory_space<semaphore_mem>>) src(%dma_wait3A_48 : memref<632x128xf32, #tpu.memory_space<vmem_shared>>) dst(%dma_wait3A_46 : memref<632x128xf32, #tpu.memory_space<hbm>>)
        tpu.yield
      }) : () -> ()
    } else {
    }
    %eq3A_38 = arith.constant 15 : i32
    %eq3A_39 = arith.cmpi eq, %arg1, %eq3A_38 : i32
    %convert_element_type3A_40 = arith.extui %eq3A_39 : i1 to i32
    %cond3A_41 = arith.constant 0 : i32
    %cond3A_42 = arith.cmpi ne, %convert_element_type3A_40, %cond3A_41 : i32
    scf.if %cond3A_42 {
      "tpu.region"() ({
        %run_scoped3A = tpu.sem_alloc : memref<!tpu.dma_semaphore, #tpu.memory_space<semaphore_mem>>
        %dma_start3A = arith.constant 0 : i32
        %dma_start3A_43 = tpu.memref_slice %arg5[%add3A_32, %dma_start3A] : memref<20000x128xf32, #tpu.memory_space<hbm>> -> memref<520x128xf32, #tpu.memory_space<hbm>>
        %dma_start3A_44 = arith.constant 0 : i32
        %dma_start3A_45 = tpu.memref_slice %arg12[%mul3A_8, %dma_start3A_44] : memref<10000x128xf32, #tpu.memory_space<vmem_shared>> -> memref<520x128xf32, #tpu.memory_space<vmem_shared>>
        tpu.enqueue_dma source(%dma_start3A_45 : memref<520x128xf32, #tpu.memory_space<vmem_shared>>) target(%dma_start3A_43 : memref<520x128xf32, #tpu.memory_space<hbm>>) target_semaphore(%run_scoped3A : memref<!tpu.dma_semaphore, #tpu.memory_space<semaphore_mem>>)
        %dma_wait3A = arith.constant 0 : i32
        %dma_wait3A_46 = tpu.memref_slice %arg5[%add3A_32, %dma_wait3A] : memref<20000x128xf32, #tpu.memory_space<hbm>> -> memref<520x128xf32, #tpu.memory_space<hbm>>
        %dma_wait3A_47 = arith.constant 0 : i32
        %dma_wait3A_48 = tpu.memref_slice %arg12[%mul3A_8, %dma_wait3A_47] : memref<10000x128xf32, #tpu.memory_space<vmem_shared>> -> memref<520x128xf32, #tpu.memory_space<vmem_shared>>
        tpu.wait_dma2 semaphore(%run_scoped3A : memref<!tpu.dma_semaphore, #tpu.memory_space<semaphore_mem>>) src(%dma_wait3A_48 : memref<520x128xf32, #tpu.memory_space<vmem_shared>>) dst(%dma_wait3A_46 : memref<520x128xf32, #tpu.memory_space<hbm>>)
        tpu.yield
      }) : () -> ()
    } else {
    }
    return
  }
}

module attributes {stable_mosaic.version = 14 : i64} {
  func.func @_final_body(%arg0: memref<10000x128xf32, #tpu.memory_space<vmem>>, %arg1: memref<20000x128xf32, #tpu.memory_space<vmem>>, %arg2: memref<1x10000xi32, #tpu.memory_space<vmem>>, %arg3: memref<128x128xf32, #tpu.memory_space<vmem>>, %arg4: memref<1x128xf32, #tpu.memory_space<vmem>>, %arg5: memref<128x128xf32, #tpu.memory_space<vmem>>, %arg6: memref<1x128xf32, #tpu.memory_space<vmem>>, %arg7: memref<1x128xf32, #tpu.memory_space<vmem>>, %arg8: memref<1x128xf32, #tpu.memory_space<vmem>>, %arg9: memref<10000x128xf32, #tpu.memory_space<vmem>>, %arg10: memref<64x128xf32, #tpu.memory_space<vmem>>) attributes {dimension_semantics = [], scalar_prefetch = 0 : i64, scratch_operands = 0 : i64, tpu.core_type = #tpu.core_type<tc>} {
    %get3A = arith.constant 0 : index
    %get3A_0 = arith.constant 0 : index
    %get3A_1 = vector.load %arg0[%get3A, %get3A_0] : memref<10000x128xf32, #tpu.memory_space<vmem>>, vector<10000x128xf32>
    %get3A_2 = arith.constant 0 : index
    %get3A_3 = arith.constant 0 : index
    %get3A_4 = vector.load %arg1[%get3A_2, %get3A_3] : memref<20000x128xf32, #tpu.memory_space<vmem>>, vector<10000x128xf32>
    %add3A = arith.addf %get3A_1, %get3A_4 : vector<10000x128xf32>
    %get3A_5 = arith.constant 10000 : index
    %get3A_6 = arith.constant 0 : index
    %get3A_7 = vector.load %arg1[%get3A_5, %get3A_6] : memref<20000x128xf32, #tpu.memory_space<vmem>>, vector<10000x128xf32>
    %add3A_8 = arith.addf %add3A, %get3A_7 : vector<10000x128xf32>
    %get3A_9 = arith.constant 0 : index
    %get3A_10 = arith.constant 0 : index
    %get3A_11 = vector.load %arg3[%get3A_9, %get3A_10] : memref<128x128xf32, #tpu.memory_space<vmem>>, vector<128x128xf32>
    %convert_element_type3A = arith.truncf %get3A_11 : vector<128x128xf32> to vector<128x128xbf16>
    %convert_element_type3A_12 = arith.truncf %add3A_8 : vector<10000x128xf32> to vector<10000x128xbf16>
    %dot_general3A = arith.constant dense<0.000000e+00> : vector<10000x128xf32>
    %dot_general3A_13 = tpu.matmul %convert_element_type3A_12, %convert_element_type3A, %dot_general3A {dimension_numbers = #tpu.dot_dimension_numbers<[1], [0], [0], [1], [0, 0, 1, 1], [], []>, transpose_lhs_hint = false} : vector<10000x128xbf16>, vector<128x128xbf16>, vector<10000x128xf32> -> vector<10000x128xf32>
    %get3A_14 = arith.constant 0 : index
    %get3A_15 = arith.constant 0 : index
    %get3A_16 = vector.load %arg4[%get3A_14, %get3A_15] : memref<1x128xf32, #tpu.memory_space<vmem>>, vector<1x128xf32>
    %add3A_17 = vector.broadcast %get3A_16 : vector<1x128xf32> to vector<10000x128xf32>
    %add3A_18 = arith.addf %dot_general3A_13, %add3A_17 : vector<10000x128xf32>
    %max3A = arith.constant 0.000000e+00 : f32
    %max3A_19 = vector.broadcast %max3A : f32 to vector<10000x128xf32>
    %max3A_20 = arith.maximumf %add3A_18, %max3A_19 : vector<10000x128xf32>
    %get3A_21 = arith.constant 0 : index
    %get3A_22 = arith.constant 0 : index
    %get3A_23 = vector.load %arg5[%get3A_21, %get3A_22] : memref<128x128xf32, #tpu.memory_space<vmem>>, vector<128x128xf32>
    %convert_element_type3A_24 = arith.truncf %get3A_23 : vector<128x128xf32> to vector<128x128xbf16>
    %convert_element_type3A_25 = arith.truncf %max3A_20 : vector<10000x128xf32> to vector<10000x128xbf16>
    %dot_general3A_26 = arith.constant dense<0.000000e+00> : vector<10000x128xf32>
    %dot_general3A_27 = tpu.matmul %convert_element_type3A_25, %convert_element_type3A_24, %dot_general3A_26 {dimension_numbers = #tpu.dot_dimension_numbers<[1], [0], [0], [1], [0, 0, 1, 1], [], []>, transpose_lhs_hint = false} : vector<10000x128xbf16>, vector<128x128xbf16>, vector<10000x128xf32> -> vector<10000x128xf32>
    %get3A_28 = arith.constant 0 : index
    %get3A_29 = arith.constant 0 : index
    %get3A_30 = vector.load %arg6[%get3A_28, %get3A_29] : memref<1x128xf32, #tpu.memory_space<vmem>>, vector<1x128xf32>
    %add3A_31 = vector.broadcast %get3A_30 : vector<1x128xf32> to vector<10000x128xf32>
    %add3A_32 = arith.addf %dot_general3A_27, %add3A_31 : vector<10000x128xf32>
    %reduce_sum3A = arith.constant dense<0.000000e+00> : vector<128xf32>
    %reduce_sum3A_33 = vector.multi_reduction <add>, %add3A_32, %reduce_sum3A [0] : vector<10000x128xf32> to vector<128xf32>
    %broadcast_in_dim3A = vector.shape_cast %reduce_sum3A_33 : vector<128xf32> to vector<1x128xf32>
    %div3A = arith.constant 1.000000e+04 : f32
    %div3A_34 = vector.broadcast %div3A : f32 to vector<1x128xf32>
    %div3A_35 = arith.divf %broadcast_in_dim3A, %div3A_34 : vector<1x128xf32>
    %sub3A = vector.broadcast %div3A_35 : vector<1x128xf32> to vector<10000x128xf32>
    %sub3A_36 = arith.subf %add3A_32, %sub3A : vector<10000x128xf32>
    %mul3A = arith.mulf %sub3A_36, %sub3A_36 : vector<10000x128xf32>
    %reduce_sum3A_37 = arith.constant dense<0.000000e+00> : vector<128xf32>
    %reduce_sum3A_38 = vector.multi_reduction <add>, %mul3A, %reduce_sum3A_37 [0] : vector<10000x128xf32> to vector<128xf32>
    %broadcast_in_dim3A_39 = vector.shape_cast %reduce_sum3A_38 : vector<128xf32> to vector<1x128xf32>
    %div3A_40 = arith.constant 1.000000e+04 : f32
    %div3A_41 = vector.broadcast %div3A_40 : f32 to vector<1x128xf32>
    %div3A_42 = arith.divf %broadcast_in_dim3A_39, %div3A_41 : vector<1x128xf32>
    %add3A_43 = arith.constant 9.99999974E-6 : f32
    %add3A_44 = vector.broadcast %add3A_43 : f32 to vector<1x128xf32>
    %add3A_45 = arith.addf %div3A_42, %add3A_44 : vector<1x128xf32>
    %rsqrt3A = math.rsqrt %add3A_45 : vector<1x128xf32>
    %add3A_46 = arith.constant 9.99999974E-6 : f32
    %add3A_47 = vector.broadcast %add3A_46 : f32 to vector<1x128xf32>
    %add3A_48 = arith.addf %div3A_42, %add3A_47 : vector<1x128xf32>
    %mul3A_49 = arith.constant 5.000000e-01 : f32
    %mul3A_50 = vector.broadcast %mul3A_49 : f32 to vector<1x128xf32>
    %mul3A_51 = arith.mulf %mul3A_50, %add3A_48 : vector<1x128xf32>
    %mul3A_52 = arith.mulf %mul3A_51, %rsqrt3A : vector<1x128xf32>
    %mul3A_53 = arith.mulf %mul3A_52, %rsqrt3A : vector<1x128xf32>
    %sub3A_54 = arith.constant 1.500000e+00 : f32
    %sub3A_55 = vector.broadcast %sub3A_54 : f32 to vector<1x128xf32>
    %sub3A_56 = arith.subf %sub3A_55, %mul3A_53 : vector<1x128xf32>
    %mul3A_57 = arith.mulf %rsqrt3A, %sub3A_56 : vector<1x128xf32>
    %mul3A_58 = vector.broadcast %mul3A_57 : vector<1x128xf32> to vector<10000x128xf32>
    %mul3A_59 = arith.mulf %sub3A_36, %mul3A_58 : vector<10000x128xf32>
    %get3A_60 = arith.constant 0 : index
    %get3A_61 = arith.constant 0 : index
    %get3A_62 = vector.load %arg7[%get3A_60, %get3A_61] : memref<1x128xf32, #tpu.memory_space<vmem>>, vector<1x128xf32>
    %mul3A_63 = vector.broadcast %get3A_62 : vector<1x128xf32> to vector<10000x128xf32>
    %mul3A_64 = arith.mulf %mul3A_59, %mul3A_63 : vector<10000x128xf32>
    %get3A_65 = arith.constant 0 : index
    %get3A_66 = arith.constant 0 : index
    %get3A_67 = vector.load %arg8[%get3A_65, %get3A_66] : memref<1x128xf32, #tpu.memory_space<vmem>>, vector<1x128xf32>
    %add3A_68 = vector.broadcast %get3A_67 : vector<1x128xf32> to vector<10000x128xf32>
    %add3A_69 = arith.addf %mul3A_64, %add3A_68 : vector<10000x128xf32>
    %max3A_70 = arith.constant 0.000000e+00 : f32
    %max3A_71 = vector.broadcast %max3A_70 : f32 to vector<10000x128xf32>
    %max3A_72 = arith.maximumf %add3A_69, %max3A_71 : vector<10000x128xf32>
    %swap3A = arith.constant 0 : index
    %swap3A_73 = arith.constant 0 : index
    %swap3A_74 = vector.load %arg9[%swap3A, %swap3A_73] : memref<10000x128xf32, #tpu.memory_space<vmem>>, vector<10000x128xf32>
    tpu.vector_store %arg9[%swap3A, %swap3A_73], %max3A_72 {strides = array<i32>} : memref<10000x128xf32, #tpu.memory_space<vmem>>, vector<10000x128xf32>,
    %iota3A = tpu.iota {dimensions = array<i32: 0>} : vector<64x10000xi32>
    %get3A_75 = arith.constant 0 : index
    %get3A_76 = arith.constant 0 : index
    %get3A_77 = vector.load %arg2[%get3A_75, %get3A_76] : memref<1x10000xi32, #tpu.memory_space<vmem>>, vector<1x10000xi32>
    %eq3A = vector.broadcast %get3A_77 : vector<1x10000xi32> to vector<64x10000xi32>
    %eq3A_78 = arith.cmpi eq, %iota3A, %eq3A : vector<64x10000xi32>
    %convert_element_type3A_79 = arith.extui %eq3A_78 : vector<64x10000xi1> to vector<64x10000xi32>
    %convert_element_type3A_80 = arith.sitofp %convert_element_type3A_79 : vector<64x10000xi32> to vector<64x10000xf32>
    %dot_general3A_81 = arith.constant dense<0.000000e+00> : vector<64x128xf32>
    %dot_general3A_82 = tpu.matmul %convert_element_type3A_80, %max3A_72, %dot_general3A_81 {dimension_numbers = #tpu.dot_dimension_numbers<[1], [0], [0], [1], [0, 0, 1, 1], [], []>, precision = #tpu.contract_precision<fp32>, transpose_lhs_hint = false} : vector<64x10000xf32>, vector<10000x128xf32>, vector<64x128xf32> -> vector<64x128xf32>
    %reduce_sum3A_83 = arith.constant dense<0.000000e+00> : vector<64xf32>
    %reduce_sum3A_84 = vector.multi_reduction <add>, %convert_element_type3A_80, %reduce_sum3A_83 [1] : vector<64x10000xf32> to vector<64xf32>
    %broadcast_in_dim3A_85 = vector.shape_cast %reduce_sum3A_84 : vector<64xf32> to vector<64x1xf32>
    %max3A_86 = arith.constant 1.000000e+00 : f32
    %max3A_87 = vector.broadcast %max3A_86 : f32 to vector<64x1xf32>
    %max3A_88 = arith.maximumf %broadcast_in_dim3A_85, %max3A_87 : vector<64x1xf32>
    %div3A_89 = vector.broadcast %max3A_88 : vector<64x1xf32> to vector<64x128xf32>
    %div3A_90 = arith.divf %dot_general3A_82, %div3A_89 : vector<64x128xf32>
    %swap3A_91 = arith.constant 0 : index
    %swap3A_92 = arith.constant 0 : index
    %swap3A_93 = vector.load %arg10[%swap3A_91, %swap3A_92] : memref<64x128xf32, #tpu.memory_space<vmem>>, vector<64x128xf32>
    tpu.vector_store %arg10[%swap3A_91, %swap3A_92], %div3A_90 {strides = array<i32>} : memref<64x128xf32, #tpu.memory_space<vmem>>, vector<64x128xf32>,
    return
  }
}

module attributes {stable_mosaic.version = 14 : i64} {
  func.func @_mlp_body(%arg0: memref<10000x128xf32, #tpu.memory_space<vmem>>, %arg1: memref<20000x128xf32, #tpu.memory_space<vmem>>, %arg2: memref<128x128xf32, #tpu.memory_space<vmem>>, %arg3: memref<1x128xf32, #tpu.memory_space<vmem>>, %arg4: memref<128x128xf32, #tpu.memory_space<vmem>>, %arg5: memref<1x128xf32, #tpu.memory_space<vmem>>, %arg6: memref<1x128xf32, #tpu.memory_space<vmem>>, %arg7: memref<1x128xf32, #tpu.memory_space<vmem>>, %arg8: memref<10000x128xf32, #tpu.memory_space<vmem>>) attributes {dimension_semantics = [], scalar_prefetch = 0 : i64, scratch_operands = 0 : i64, tpu.core_type = #tpu.core_type<tc>} {
    %get3A = arith.constant 0 : index
    %get3A_0 = arith.constant 0 : index
    %get3A_1 = vector.load %arg0[%get3A, %get3A_0] : memref<10000x128xf32, #tpu.memory_space<vmem>>, vector<10000x128xf32>
    %get3A_2 = arith.constant 0 : index
    %get3A_3 = arith.constant 0 : index
    %get3A_4 = vector.load %arg1[%get3A_2, %get3A_3] : memref<20000x128xf32, #tpu.memory_space<vmem>>, vector<10000x128xf32>
    %add3A = arith.addf %get3A_1, %get3A_4 : vector<10000x128xf32>
    %get3A_5 = arith.constant 10000 : index
    %get3A_6 = arith.constant 0 : index
    %get3A_7 = vector.load %arg1[%get3A_5, %get3A_6] : memref<20000x128xf32, #tpu.memory_space<vmem>>, vector<10000x128xf32>
    %add3A_8 = arith.addf %add3A, %get3A_7 : vector<10000x128xf32>
    %get3A_9 = arith.constant 0 : index
    %get3A_10 = arith.constant 0 : index
    %get3A_11 = vector.load %arg2[%get3A_9, %get3A_10] : memref<128x128xf32, #tpu.memory_space<vmem>>, vector<128x128xf32>
    %convert_element_type3A = arith.truncf %get3A_11 : vector<128x128xf32> to vector<128x128xbf16>
    %convert_element_type3A_12 = arith.truncf %add3A_8 : vector<10000x128xf32> to vector<10000x128xbf16>
    %dot_general3A = arith.constant dense<0.000000e+00> : vector<10000x128xf32>
    %dot_general3A_13 = tpu.matmul %convert_element_type3A_12, %convert_element_type3A, %dot_general3A {dimension_numbers = #tpu.dot_dimension_numbers<[1], [0], [0], [1], [0, 0, 1, 1], [], []>, transpose_lhs_hint = false} : vector<10000x128xbf16>, vector<128x128xbf16>, vector<10000x128xf32> -> vector<10000x128xf32>
    %get3A_14 = arith.constant 0 : index
    %get3A_15 = arith.constant 0 : index
    %get3A_16 = vector.load %arg3[%get3A_14, %get3A_15] : memref<1x128xf32, #tpu.memory_space<vmem>>, vector<1x128xf32>
    %add3A_17 = vector.broadcast %get3A_16 : vector<1x128xf32> to vector<10000x128xf32>
    %add3A_18 = arith.addf %dot_general3A_13, %add3A_17 : vector<10000x128xf32>
    %max3A = arith.constant 0.000000e+00 : f32
    %max3A_19 = vector.broadcast %max3A : f32 to vector<10000x128xf32>
    %max3A_20 = arith.maximumf %add3A_18, %max3A_19 : vector<10000x128xf32>
    %get3A_21 = arith.constant 0 : index
    %get3A_22 = arith.constant 0 : index
    %get3A_23 = vector.load %arg4[%get3A_21, %get3A_22] : memref<128x128xf32, #tpu.memory_space<vmem>>, vector<128x128xf32>
    %convert_element_type3A_24 = arith.truncf %get3A_23 : vector<128x128xf32> to vector<128x128xbf16>
    %convert_element_type3A_25 = arith.truncf %max3A_20 : vector<10000x128xf32> to vector<10000x128xbf16>
    %dot_general3A_26 = arith.constant dense<0.000000e+00> : vector<10000x128xf32>
    %dot_general3A_27 = tpu.matmul %convert_element_type3A_25, %convert_element_type3A_24, %dot_general3A_26 {dimension_numbers = #tpu.dot_dimension_numbers<[1], [0], [0], [1], [0, 0, 1, 1], [], []>, transpose_lhs_hint = false} : vector<10000x128xbf16>, vector<128x128xbf16>, vector<10000x128xf32> -> vector<10000x128xf32>
    %get3A_28 = arith.constant 0 : index
    %get3A_29 = arith.constant 0 : index
    %get3A_30 = vector.load %arg5[%get3A_28, %get3A_29] : memref<1x128xf32, #tpu.memory_space<vmem>>, vector<1x128xf32>
    %add3A_31 = vector.broadcast %get3A_30 : vector<1x128xf32> to vector<10000x128xf32>
    %add3A_32 = arith.addf %dot_general3A_27, %add3A_31 : vector<10000x128xf32>
    %reduce_sum3A = arith.constant dense<0.000000e+00> : vector<128xf32>
    %reduce_sum3A_33 = vector.multi_reduction <add>, %add3A_32, %reduce_sum3A [0] : vector<10000x128xf32> to vector<128xf32>
    %broadcast_in_dim3A = vector.shape_cast %reduce_sum3A_33 : vector<128xf32> to vector<1x128xf32>
    %div3A = arith.constant 1.000000e+04 : f32
    %div3A_34 = vector.broadcast %div3A : f32 to vector<1x128xf32>
    %div3A_35 = arith.divf %broadcast_in_dim3A, %div3A_34 : vector<1x128xf32>
    %sub3A = vector.broadcast %div3A_35 : vector<1x128xf32> to vector<10000x128xf32>
    %sub3A_36 = arith.subf %add3A_32, %sub3A : vector<10000x128xf32>
    %mul3A = arith.mulf %sub3A_36, %sub3A_36 : vector<10000x128xf32>
    %reduce_sum3A_37 = arith.constant dense<0.000000e+00> : vector<128xf32>
    %reduce_sum3A_38 = vector.multi_reduction <add>, %mul3A, %reduce_sum3A_37 [0] : vector<10000x128xf32> to vector<128xf32>
    %broadcast_in_dim3A_39 = vector.shape_cast %reduce_sum3A_38 : vector<128xf32> to vector<1x128xf32>
    %div3A_40 = arith.constant 1.000000e+04 : f32
    %div3A_41 = vector.broadcast %div3A_40 : f32 to vector<1x128xf32>
    %div3A_42 = arith.divf %broadcast_in_dim3A_39, %div3A_41 : vector<1x128xf32>
    %add3A_43 = arith.constant 9.99999974E-6 : f32
    %add3A_44 = vector.broadcast %add3A_43 : f32 to vector<1x128xf32>
    %add3A_45 = arith.addf %div3A_42, %add3A_44 : vector<1x128xf32>
    %rsqrt3A = math.rsqrt %add3A_45 : vector<1x128xf32>
    %add3A_46 = arith.constant 9.99999974E-6 : f32
    %add3A_47 = vector.broadcast %add3A_46 : f32 to vector<1x128xf32>
    %add3A_48 = arith.addf %div3A_42, %add3A_47 : vector<1x128xf32>
    %mul3A_49 = arith.constant 5.000000e-01 : f32
    %mul3A_50 = vector.broadcast %mul3A_49 : f32 to vector<1x128xf32>
    %mul3A_51 = arith.mulf %mul3A_50, %add3A_48 : vector<1x128xf32>
    %mul3A_52 = arith.mulf %mul3A_51, %rsqrt3A : vector<1x128xf32>
    %mul3A_53 = arith.mulf %mul3A_52, %rsqrt3A : vector<1x128xf32>
    %sub3A_54 = arith.constant 1.500000e+00 : f32
    %sub3A_55 = vector.broadcast %sub3A_54 : f32 to vector<1x128xf32>
    %sub3A_56 = arith.subf %sub3A_55, %mul3A_53 : vector<1x128xf32>
    %mul3A_57 = arith.mulf %rsqrt3A, %sub3A_56 : vector<1x128xf32>
    %mul3A_58 = vector.broadcast %mul3A_57 : vector<1x128xf32> to vector<10000x128xf32>
    %mul3A_59 = arith.mulf %sub3A_36, %mul3A_58 : vector<10000x128xf32>
    %get3A_60 = arith.constant 0 : index
    %get3A_61 = arith.constant 0 : index
    %get3A_62 = vector.load %arg6[%get3A_60, %get3A_61] : memref<1x128xf32, #tpu.memory_space<vmem>>, vector<1x128xf32>
    %mul3A_63 = vector.broadcast %get3A_62 : vector<1x128xf32> to vector<10000x128xf32>
    %mul3A_64 = arith.mulf %mul3A_59, %mul3A_63 : vector<10000x128xf32>
    %get3A_65 = arith.constant 0 : index
    %get3A_66 = arith.constant 0 : index
    %get3A_67 = vector.load %arg7[%get3A_65, %get3A_66] : memref<1x128xf32, #tpu.memory_space<vmem>>, vector<1x128xf32>
    %add3A_68 = vector.broadcast %get3A_67 : vector<1x128xf32> to vector<10000x128xf32>
    %add3A_69 = arith.addf %mul3A_64, %add3A_68 : vector<10000x128xf32>
    %max3A_70 = arith.constant 0.000000e+00 : f32
    %max3A_71 = vector.broadcast %max3A_70 : f32 to vector<10000x128xf32>
    %max3A_72 = arith.maximumf %add3A_69, %max3A_71 : vector<10000x128xf32>
    %swap3A = arith.constant 0 : index
    %swap3A_73 = arith.constant 0 : index
    %swap3A_74 = vector.load %arg8[%swap3A, %swap3A_73] : memref<10000x128xf32, #tpu.memory_space<vmem>>, vector<10000x128xf32>
    tpu.vector_store %arg8[%swap3A, %swap3A_73], %max3A_72 {strides = array<i32>} : memref<10000x128xf32, #tpu.memory_space<vmem>>, vector<10000x128xf32>,
    return
  }
}

</mosaic_0001>

<sc_bundles>
// kernel: kernel.11.cloned.1.call-start
scs
__scs_entry_jumppad:
0x0: {  	(pc) =	sbr.rel $0x88, $3  }
0x1: {  	(tag) =	ssettag $0x0;
	lr =	simm.s32 $0x1  }
0x2: {  	[smem:$0x3F98] =	sst lr;
	_ =	strace $0xD0000000  }
0x3: {  	_ = 	snop  }
0x4: {  	_ = 	snop  }
0x5: {  	_ = 	snop  }
0x6: {  	_ = 	snop  }
0x7: {  	_ = 	snop  }
__scs_overlays_trampoline_lowered:
0x8: {  	[smem:$0x3FA7] =	sst s0  }
0x9: {  	[smem:$0x3FA8] =	sst s1  }
0xa: {  	[smem:$0x3FA9] =	sst s2  }
0xb: {  	[smem:$0x3FAA] =	sst s3  }
0xc: {  	[smem:$0x3FAB] =	sst s4  }
0xd: {  	[smem:$0x3FAC] =	sst s5  }
0xe: {  	[smem:$0x3FAD] =	sst s6  }
0xf: {  	[smem:$0x3FAE] =	sst s7  }
0x10: {  	[smem:$0x3FAF] =	sst s8  }
0x11: {  	[smem:$0x3FB0] =	sst s9;
	s0 =	simm.s32 @!p0 $0x0  }
0x12: {  	s1 =	sld [smem:$0x3F96];
	s0 =	simm.s32 @p0 $0x1  }
0x13: {  	[smem:$0x3FB1] =	sst s0;
	s0 =	simm.s32 @!p1 $0x0  }
0x14: {  	s2 =	sld [smem:$0x3F95];
	s0 =	simm.s32 @p1 $0x1  }
0x15: {  	[smem:$0x3FB2] =	sst s0;
	s0 =	simm.s32 @!p2 $0x0  }
0x16: {  	s3 =	sld [smem:$0x3FDB];
	s0 =	simm.s32 @p2 $0x1  }
0x17: {  	s4 =	simm.s32 $0x1BF5;
	[smem:$0x3FB4] =	sst s0  }
0x18: {  	s0 =	sld [smem:$0x3F97];
	_ =	swait.ge [sflag:s4], $0x0  }
0x19: {  	s7 =	sld [smem:$0x3F98]  }
0x1a: {  	s8 =	sadd.s32 $0xFFFFE003, lr  }
0x1b: {  	s9 =	sadd.s32 $0xFFFFFEF7, lr;
	s5 =	simm.s32 $0xFFFFFFFF;
	p2 =	slt.u32 s8, $0xFFFFF086  }
0x1c: {  	p1 =	slt.u32 s9, $0xF7A;
	s5 =	simm.s32 @!p2 $0x0  }
0x1d: {  	s5 =	simm.s32 @p1 $0x1;
	p0 =	seq.s32 s7, s2  }
0x1e: {  	s7 =	smul.u32 @!p0 $0xF7A, s2;
	p2 =	seq.s32 @!p0 s5, $0x0  }
0x1f: {  	s9 =	smul.u32 $0xF7A, s1;
	s8 =	simm.s32 @!p0 $0x1BF5;
	p2 =	por !p2, p0  }
0x20: {  	[sflag:s8] =	ssyncset.s32 @!p0 $0xFFFFF086;
	s6 =	sadd.s32 @!p0 s3, s7;
	s7 =	simm.s32 @!p0 $0x108  }
0x21: {  	s3 =	sadd.s32 s3, s9;
	s6 =	sadd.s32 @!p0 $0x88, s6;
	s7 =	simm.s32 @p2 $0x1082  }
0x22: {  	[simem:s7], [sflag:s8] =	dma.local @!p0 [hbm:s6], $0xF7A  }
0x23: {  	s9 =	sor.u32 $0xD0000000, s2;
	s6 =	simm.s32 $0x108;
	_ =	swait.ge @!p0 [sflag:s8], $0x0  }
0x24: {  	s3 =	sadd.s32 $0x88, s3;
	s6 =	simm.s32 @!p1 $0x1082;
	[sflag:s4] =	ssyncset.s32 $0xFFFFF086  }
0x25: {  	[simem:s6], [sflag:s4] =	dma.local [hbm:s3], $0xF7A  }
0x26: {  	[smem:$0x3F98] =	sst s1;
	(tag) =	ssettag s2;
	_ =	strace s9  }
0x27: {  	s1 =	sld [smem:$0x3FA8]  }
0x28: {  	s2 =	sld [smem:$0x3FA9]  }
0x29: {  	s4 =	sld [smem:$0x3FAB]  }
0x2a: {  	p0 =	seq.s32 s5, $0x0;
	s5 =	sld [smem:$0x3FAC]  }
0x2b: {  	s6 =	sld [smem:$0x3FAD]  }
0x2c: {  	s7 =	sld [smem:$0x3FAE]  }
0x2d: {  	s3 =	simm.s32 $0x108;
	s8 =	sld [smem:$0x3FAF]  }
0x2e: {  	s3 =	simm.s32 @!p0 $0x1082;
	s9 =	sld [smem:$0x3FB0]  }
0x2f: {  	lr =	sadd.s32 s0, s3;
	s0 =	sld [smem:$0x3FA7]  }
0x30: {  	s3 =	sld [smem:$0x3FAA]  }
0x31: {  	[smem:$0x3FB3] =	sst s10  }
0x32: {  	s10 =	sld [smem:$0x3FB1];
	_ =	sdelay $0x3  }
0x33: {  	p0 =	seq.s32 s10, $0x1;
	s10 =	sld [smem:$0x3FB3];
	_ =	sdelay $0x3  }
0x34: {  	[smem:$0x3FB3] =	sst s10  }
0x35: {  	s10 =	sld [smem:$0x3FB2];
	_ =	sdelay $0x3  }
0x36: {  	p1 =	seq.s32 s10, $0x1;
	s10 =	sld [smem:$0x3FB3];
	_ =	sdelay $0x3  }
0x37: {  	[smem:$0x3FB3] =	sst s10  }
0x38: {  	s10 =	sld [smem:$0x3FB4]  }
0x39: {  	_ = 	snop;
	(pc) =	sbr.ind lr, $3  }
0x3a: {  	_ = 	snop  }
0x3b: {  	_ = 	snop  }
0x3c: {  	p2 =	seq.s32 s10, $0x1;
	s10 =	sld [smem:$0x3FB3]  }
0x3d: {  	_ =	shalt  }
0x3e: {  	_ =	shalt  }
0x3f: {  	_ =	shalt  }
0x40: {  	_ =	shalt  }
0x41: {  	_ =	shalt  }
0x42: {  	_ =	shalt  }
0x43: {  	_ =	shalt  }
0x44: {  	_ =	shalt  }
0x45: {  	_ =	shalt  }
0x46: {  	_ =	shalt  }
0x47: {  	_ =	shalt  }
0x48: {  	_ =	shalt  }
0x49: {  	_ =	shalt  }
0x4a: {  	_ =	shalt  }
0x4b: {  	_ =	shalt  }
0x4c: {  	_ =	shalt  }
0x4d: {  	_ =	shalt  }
0x4e: {  	_ =	shalt  }
0x4f: {  	_ =	shalt  }
0x50: {  	_ =	shalt  }
0x51: {  	_ =	shalt  }
0x52: {  	_ =	shalt  }
0x53: {  	_ =	shalt  }
0x54: {  	_ =	shalt  }
0x55: {  	_ =	shalt  }
0x56: {  	_ =	shalt  }
0x57: {  	_ =	shalt  }
0x58: {  	_ =	shalt  }
0x59: {  	_ =	shalt  }
0x5a: {  	_ =	shalt  }
0x5b: {  	_ =	shalt  }
0x5c: {  	_ =	shalt  }
0x5d: {  	_ =	shalt  }
0x5e: {  	_ =	shalt  }
0x5f: {  	_ =	shalt  }
0x60: {  	_ =	shalt  }
0x61: {  	_ =	shalt  }
0x62: {  	_ =	shalt  }
0x63: {  	_ =	shalt  }
0x64: {  	_ =	shalt  }
0x65: {  	_ =	shalt  }
0x66: {  	_ =	shalt  }
0x67: {  	_ =	shalt  }
0x68: {  	_ =	shalt  }
0x69: {  	_ =	shalt  }
0x6a: {  	_ =	shalt  }
0x6b: {  	_ =	shalt  }
0x6c: {  	_ =	shalt  }
0x6d: {  	_ =	shalt  }
0x6e: {  	_ =	shalt  }
0x6f: {  	_ =	shalt  }
0x70: {  	_ =	shalt  }
0x71: {  	_ =	shalt  }
0x72: {  	_ =	shalt  }
0x73: {  	_ =	shalt  }
0x74: {  	_ =	shalt  }
0x75: {  	_ =	shalt  }
0x76: {  	_ =	shalt  }
0x77: {  	_ =	shalt  }
0x78: {  	_ =	shalt  }
0x79: {  	_ =	shalt  }
0x7a: {  	_ =	shalt  }
0x7b: {  	_ =	shalt  }
0x7c: {  	_ =	shalt  }
0x7d: {  	_ =	shalt  }
0x7e: {  	_ =	shalt  }
0x7f: {  	_ =	shalt  }
0x80: {  	_ =	shalt  }
0x81: {  	_ =	shalt  }
0x82: {  	_ =	shalt  }
0x83: {  	_ =	shalt  }
0x84: {  	_ =	shalt  }
0x85: {  	_ =	shalt  }
0x86: {  	_ =	shalt  }
0x87: {  	_ =	shalt  }
.Lfunc_end0:
.L_simem_size_0:
called_computation.1_lowered:
.L_overlay_start_0:
0x88: {  	s2 =	sld [smem:$0x3FD9]  }
0x89: {  	s3 =	sld [smem:$0x3FFE];
	_ =	sdelay $0x1  }
0x8a: {  	s1 =	srdreg.scid  }
0x8b: {  	s0 =	sand.u32 $0x1, s1  }
0x8c: {  	s14 =	sshll.u32 s0, $0xA;
	s2 =	sadd.s32 s3, s2  }
0x8d: {  	s2 =	sadd.s32 s2, s14  }
0x8e: {  	[smem:$0x3FBF] =	sst s2  }
0x8f: {  	_ = 	snop  }
0x90: {  	s2 =	sld [smem:$0x3FD0];
	_ =	sdelay $0x2  }
0x91: {  	s15 =	simm.s32 $0xA;
	s4 =	simm.s32 $0x10  }
0x92: {  	[smem:s4], [sflag:s15] =	dma.local [hbm:s2], $0x1  }
0x93: {  	_ =	swait.eq [sflag:s15], $0x1  }
0x94: {  	[sflag:s15] =	ssyncset.done $0x0  }
0x95: {  	[sflag:s15] =	ssyncadd.s32 $0xFFFFFFFF  }
0x96: {  	s16 =	sld [smem:$0x10];
	(tm) =	ssettm $0x1  }
0x97: {  	s17 =	sld [smem:$0x3FFB];
	_ =	sdelay $0x3  }
0x98: {  	_ =	strace s17  }
0x99: {  	s3 =	sld [smem:$0x3FFC];
	_ =	sdelay $0x3  }
0x9a: {  	_ =	strace s3  }
0x9b: {  	s3 =	sld [smem:$0x3FFD];
	_ =	sdelay $0x3  }
0x9c: {  	_ =	strace s3  }
0x9d: {  	_ =	strace $0x8FFFFFFF  }
0x9e: {  	s18 =	sld [smem:$0x3FDB];
	_ =	sdelay $0x1  }
0x9f: {  	s19 =	simm.s32 $_scs_section_size  }
0xa0: {  	s5 =	simm.s32 $_size__tile_overlayer_lowered;
	s6 =	simm.s32 $_tile_overlayer_lowered  }
0xa1: {  	s22 =	simm.s32 $0x1BFF;
	s21 =	sshll.u32 s6, $0x1;
	s3 =	sadd.s32 s19, s18  }
0xa2: {  	s7 =	simm.s32 $0x0;
	s20 =	sshll.u32 s5, $0x1;
	s5 =	sadd.s32 s21, s3  }
0xa3: {  	[timem:s7], [sflag:s22] =	dma.local [hbm:s5], s20  }
0xa4: {  	_ =	swait.ge [sflag:s22], s20  }
0xa5: {  	s4 =	ssub.s32 $0x0, s20;
	[sflag:s22] =	ssyncset.done $0x0  }
0xa6: {  	[sflag:s22] =	ssyncadd.s32 s4;
	_ =	sdelay $0x1  }
0xa7: {  	s23 =	simm.s32 $0x1B8B  }
0xa8: {  	_ =	swait.ge [sflag:s23], $0x1  }
0xa9: {  	[sflag:s23] =	ssyncset.done $0x0  }
0xaa: {  	s25 =	simm.s32 $0x1B8E;
	s24 =	sld [smem:$0x3FFE];
	[sflag:s23] =	ssyncadd.s32 $0xFFFFFFFF  }
0xab: {  	s26 =	simm.s32 $execute0_lowered;
	[smem:$0x3FD2] =	sst s25  }
0xac: {  	s5 =	sshll.u32 s26, $0x1;
	_ =	strace $0x80000049;
	[dreg:$0x1] =	wrdreg $0xFFFFFFFF  }
0xad: {  	s28 =	simm.s32 $_size_execute0_lowered;
	s3 =	sadd.s32 s3, s5;
	[dreg:$0x0] =	wrdreg $0x0  }
0xae: {  	s5 =	sshll.u32 s28, $0x1;
	[dreg:$0x2] =	wrdreg s3  }
0xaf: {  	[dreg:$0x3] =	wrdreg s5  }
0xb0: {  	[dreg:$0x4] =	wrdreg $0xC0  }
0xb1: {  	_ =	task [dreg:s7], $0x5FFFF  }
0xb2: {  	[dreg:$0x1] =	wrdreg $0xFFFFFFFF  }
0xb3: {  	[dreg:$0x0] =	wrdreg $0x60  }
0xb4: {  	[dreg:$0x2] =	wrdreg s16  }
0xb5: {  	[dreg:$0x3] =	wrdreg s24  }
0xb6: {  	[dreg:$0x4] =	wrdreg $0xAA000  }
0xb7: {  	[dreg:$0x5] =	wrdreg $0x9  }
0xb8: {  	_ =	task.clear_ibuf [dreg:s7], $0x6FFFF;
	_ =	strace $0x90000049  }
0xb9: {  	s29 =	simm.s32 $0x9;
	_ =	strace $0x8000004B  }
0xba: {  	_ =	swait.ge [sflag:s29], $0x1  }
0xbb: {  	[sflag:s29] =	ssyncadd.s32 $0xFFFFFFFF  }
0xbc: {  	_ =	strace $0x9000004B  }
0xbd: {  	_ =	sfence  }
0xbe: {  	s30 =	sld [smem:$0x0];
	_ =	sdelay $0x2  }
0xbf: {  	s31 =	sshll.u32 s1, $0xD;
	s1 =	sshrl.u32 s1, $0x2  }
0xc0: {  	s3 =	sand.u32 $0x4000, s31;
	s1 =	sadd.s32 s1, s30  }
0xc1: {  	s0 =	sor.u32 s3, s0;
	s1 =	sshll.u32 s1, $0x11  }
0xc2: {  	s0 =	sor.u32 s1, s0  }
0xc3: {  	s0 =	sadd.s32 $0x8F2B, s0  }
0xc4: {  	[sflag:s0] =	ssyncadd.remote.s32 $0x1  }
0xc5: {  	_ =	sfence.sel $0xFFFF  }
0xc6: {  	[dreg:$0x0] =	wrdreg $0xFFFFFFFF;
	(pc) =	sbr.abs _section_cstart, $3  }
0xc7: {  	[dreg:$0x1] =	wrdreg $0xFFFFFFFF  }
0xc8: {  	_ =	task.clear_ibuf [dreg:s7], $0x2FFFF;
	_ =	strace $0x9FFFFFFF  }
0xc9: {  	(tm) =	ssettm $0x7FFFFFFF  }
tec
execute0_lowered:
.L_overlay_start_1:
0x0: {  	(tag) =	ssettag $0x1  }
0x1: {  	s0 =	srdreg.scid;
	s2 =	rddreg [dreg:$0x0]  }
0x2: {  	s14 =	stileid.u32;
	s6 =	rddreg [dreg:$0x1]  }
0x3: {  	s3 =	rddreg [dreg:$0x2];
	s4 =	simm.s32 $0x0;
	s28 =	simm.s32 $0x2800  }
0x4: {  	s29 =	simm.s32 $0x2880;
	s30 =	simm.s32 $0x2900;
	s5 =	smul.u32 $0x278, s14  }
0x5: {  	s31 =	simm.s32 $0x80;
	[smem:$0x7FF] =	sst s4;
	s9 =	smul.u32 $0x4F000, s14  }
0x6: {  	s0 =	sand.u32 $0x1, s0;
	s15 =	sadd.s32 $0x12C400, s3;
	s17 =	sadd.s32 $0x134400, s3  }
0x7: {  	s25 =	sadd.s32 $0xCE00, s6;
	s19 =	sadd.s32 $0x138400, s3;
	s21 =	smul.u32 $0x500, s14  }
0x8: {  	s23 =	sadd.s32 $0x16900, s6;
	_ =	strace $0x8000004A;
	[dreg:$0x7] =	wrdreg s15  }
0x9: {  	s24 =	sadd.s32 $0x16910, s6;
	p1 =	seq.s32 s14, $0xF;
	[dreg:$0x9] =	wrdreg s17  }
0xa: {  	s1 =	sshll.u32 s0, $0x4;
	s8 =	smul.u32 $0x2710, s0;
	[dreg:$0xb] =	wrdreg s19  }
0xb: {  	s12 =	ssub.s32 $0x2, s0;
	s15 =	sadd.s32 $0x130400, s3;
	[dreg:$0xf] =	wrdreg s23  }
0xc: {  	s0 =	smul.u32 $0x5000, s0;
	[dreg:$0x10] =	wrdreg s24;
	s17 =	simm.s32 $0x1  }
0xd: {  	s19 =	simm.s32 $0x2980;
	s24 =	simm.s32 $0x3;
	s1 =	sor.u32 s14, s1  }
0xe: {  	s9 =	sshrl.u32 s9, $0x2;
	[dreg:$0x8] =	wrdreg s15;
	s7 =	smul.u32 $0x500, s1  }
0xf: {  	s5 =	sadd.s32 s5, s8;
	s0 =	sadd.s32 s0, s25;
	p0 =	seq.s32 s1, $0x1F  }
0x10: {  	s1 =	simm.s32 $0x2A00;
	s5 =	sshll.u32 s5, $0x4;
	s0 =	sadd.s32 s21, s0  }
0x11: {  	s21 =	simm.s32 $0x6;
	s10 =	sadd.s32 s7, s6;
	s20 =	sadd.s32 s25, s7  }
0x12: {  	s11 =	sadd.s32 s5, s6;
	s25 =	sadd.s32 $0x16920, s6;
	[dreg:$0xc] =	wrdreg s20  }
0x13: {  	s5 =	sadd.s32 s9, s3;
	s0 =	sadd.s32 $0x60, s0;
	[dreg:$0x11] =	wrdreg s25  }
0x14: {  	s7 =	simm.s32 $0x0;
	s9 =	sadd.s32 $0x4000, s5;
	[dreg:$0x12] =	wrdreg s0  }
0x15: {  	s26 =	sadd.s32 $0x8000, s5;
	s13 =	sadd.s32 $0xC000, s5;
	[dreg:$0x4] =	wrdreg s9  }
0x16: {  	s18 =	sadd.s32 $0x10000, s5;
	s15 =	sadd.s32 $0x2E00, s10;
	[dreg:$0x5] =	wrdreg s26  }
0x17: {  	s22 =	sadd.s32 $0x10, s20;
	s10 =	sadd.s32 $0x20, s20;
	[dreg:$0x6] =	wrdreg s13  }
0x18: {  	s0 =	simm.s32 $0x6A00;
	s20 =	simm.s32 $0x2;
	[dreg:$0xa] =	wrdreg s18  }
.Ltmp0:
0x19: {  	s25 =	simm.s32 $0x7;
	[dreg:$0xd] =	wrdreg s22;
	(pc) =	sbr.rel .LBB2_1-.Ltmp0, $4  }
0x1a: {  	s13 =	sshrl.u32 s12, $0x1;
	s9 =	sadd.s32 $0x128400, s3;
	[dreg:$0xe] =	wrdreg s10  }
0x1b: {  	s22 =	sadd.s32 $0x16E00, s11;
	s26 =	sadd.s32 $0x16960, s6;
	s18 =	simm.s32 $0x5  }
0x1c: {  	s6 =	simm.s32 $0x8;
	s16 =	ssub.s32 s12, s13;
	[dreg:$0x13] =	wrdreg s26  }
0x1d: {  	v0 =	vimm.f32 $0.0e+00;
	s26 =	simm.s32 $0x9;
	s23 =	smax.u32 s16, $0x1;
	s16 =	simm.s32 $0x4  }
.LBB2_10:
0x1e: {  	_ =	swait.ge [sflag:s16], $0x4000  }
0x1f: {  	[sflag:s16] =	ssyncset.done $0x0  }
0x20: {  	[sflag:s16] =	ssyncadd.s32 $0xFFFFC000  }
0x21: {  	s8 =	sshrl.u32 @p1 s9, $0x3;
	s10 =	simm.s32 @p1 $0x1FC9;
	[bflag:$0x0] =	sbarrier.arrive $0xFFFF  }
0x22: {  	[hbm:s22], [sflag:s10] =	dma.local @p1 [spmem:s8], $0x2080  }
0x23: {  	s8 =	simm.s32 @p1 $0x9  }
0x24: {  	s7 =	sadd.s32 $0x1, s7;
	s10 =	stileid.u32;
	_ =	swait.ge @p1 [sflag:s8], $0x2080  }
0x25: {  	p2 =	sne.s32 s7, s23;
	s10 =	sshll.u32 @!p1 s10, $0x6;
	[sflag:s8] =	ssyncset.done @p1 $0x0  }
0x26: {  	[sflag:s8] =	ssyncadd.s32 @p1 $0xFFFFDF80;
	s8 =	sor.u32 @!p1 $0x1C09, s10;
	s10 =	sshrl.u32 @!p1 s5, $0x3  }
0x27: {  	[hbm:s22], [sflag:s8] =	dma.local @!p1 [spmem:s10], $0x2780  }
.Ltmp1:
0x28: {  	_ = 	snop;
	(pc) =	sbr.rel @!p2 .LBB2_11-.Ltmp1, $4  }
0x29: {  	s8 =	simm.s32 @!p1 $0x9  }
0x2a: {  	_ =	swait.ge @!p1 [sflag:s8], $0x2780  }
0x2b: {  	[sflag:s8] =	ssyncset.done @!p1 $0x0  }
0x2c: {  	[sflag:s8] =	ssyncadd.s32 @!p1 $0xFFFFD880  }
.LBB2_1:
0x2d: {  	s8 =	simm.s32 $0x0;
	s10 =	simm.s32 $0x200  }
.LBB2_2:
0x2e: {  	p2 =	sne.s32 s10, $0xFE00;
	[tilespmem:s8+$0x2A70] =	vst v0  }
0x2f: {  	[tilespmem:s8+$0x2A00] =	vst v0  }
0x30: {  	[tilespmem:s8+$0x2A10] =	vst v0  }
.Ltmp2:
0x31: {  	[tilespmem:s8+$0x2A20] =	vst v0;
	(pc) =	sbr.rel @p2 .LBB2_2-.Ltmp2, $4  }
0x32: {  	[tilespmem:s8+$0x2A30] =	vst v0  }
0x33: {  	[tilespmem:s8+$0x2A40] =	vst v0  }
0x34: {  	[tilespmem:s8+$0x2A50] =	vst v0  }
0x35: {  	[tilespmem:s8+$0x2A60] =	vst v0;
	s8 =	sshra.s32 s10, $0x2;
	s10 =	sadd.s32 $0x200, s10  }
0x36: {  	[tilespmem:s8+$0x2A70] =	vst v0  }
0x37: {  	[tilespmem:s8+$0x2A00] =	vst v0  }
0x38: {  	[tilespmem:s8+$0x2A10] =	vst v0  }
0x39: {  	[tilespmem:s8+$0x2A20] =	vst v0  }
0x3a: {  	[tilespmem:s8+$0x2A30] =	vst v0  }
0x3b: {  	[tilespmem:s8+$0x2A40] =	vst v0  }
0x3c: {  	[tilespmem:s8+$0x2A50] =	vst v0  }
0x3d: {  	[tilespmem:s8+$0x2A60] =	vst v0;
	s8 =	simm.s32 @p1 $0x2A00;
	s10 =	simm.s32 @p1 $0x9  }
0x3e: {  	[spmem:s9] =	stream.linear.scatter @p1 [tilespmem:s8], [sflag:$0x9], $0x4000, $0x38;
	[tilespmem:$0x1E280] =	vst v63  }
0x3f: {  	_ =	swait.ge @p1 [sflag:s10], $0x4000  }
0x40: {  	[sflag:s10] =	ssyncset.done @p1 $0x0  }
0x41: {  	s11 =	rddreg [dreg:$0x7];
	[sflag:s10] =	ssyncadd.s32 @p1 $0xFFFFC000  }
0x42: {  	[spmem:s11] =	stream.linear.scatter @p1 [tilespmem:s8], [sflag:$0x9], $0x4000, $0x38;
	[tilespmem:$0x1E280] =	vst v63  }
0x43: {  	_ =	swait.ge @p1 [sflag:s10], $0x4000  }
0x44: {  	[sflag:s10] =	ssyncset.done @p1 $0x0  }
0x45: {  	s11 =	rddreg [dreg:$0x8];
	[sflag:s10] =	ssyncadd.s32 @p1 $0xFFFFC000  }
0x46: {  	[spmem:s11] =	stream.linear.scatter @p1 [tilespmem:s8], [sflag:$0x9], $0x4000, $0x38;
	[tilespmem:$0x1E280] =	vst v63  }
0x47: {  	_ =	swait.ge @p1 [sflag:s10], $0x4000  }
0x48: {  	[sflag:s10] =	ssyncset.done @p1 $0x0  }
0x49: {  	s11 =	rddreg [dreg:$0x9];
	[sflag:s10] =	ssyncadd.s32 @p1 $0xFFFFC000  }
0x4a: {  	[spmem:s11] =	stream.linear.scatter @p1 [tilespmem:s8], [sflag:$0x9], $0x4000, $0x38;
	[tilespmem:$0x1E280] =	vst v63  }
0x4b: {  	_ =	swait.ge @p1 [sflag:s10], $0x4000  }
0x4c: {  	[sflag:s10] =	ssyncset.done @p1 $0x0  }
0x4d: {  	s11 =	rddreg [dreg:$0xb];
	[sflag:s10] =	ssyncadd.s32 @p1 $0xFFFFC000  }
0x4e: {  	[spmem:s11] =	stream.linear.scatter @p1 [tilespmem:s8], [sflag:$0x9], $0x400, $0x38;
	[tilespmem:$0x1E280] =	vst v63  }
0x4f: {  	_ =	swait.ge @p1 [sflag:s10], $0x400  }
0x50: {  	[sflag:s10] =	ssyncset.done @p1 $0x0  }
0x51: {  	s8 =	simm.s32 @!p1 $0x2A00;
	[sflag:s10] =	ssyncadd.s32 @p1 $0xFFFFFC00;
	s10 =	simm.s32 @!p1 $0x9  }
0x52: {  	[spmem:s5] =	stream.linear.scatter @!p1 [tilespmem:s8], [sflag:$0x9], $0x4000, $0x38;
	[tilespmem:$0x1E280] =	vst v63  }
0x53: {  	_ =	swait.ge @!p1 [sflag:s10], $0x4000  }
0x54: {  	[sflag:s10] =	ssyncset.done @!p1 $0x0  }
0x55: {  	s11 =	rddreg [dreg:$0x4];
	[sflag:s10] =	ssyncadd.s32 @!p1 $0xFFFFC000  }
0x56: {  	[spmem:s11] =	stream.linear.scatter @!p1 [tilespmem:s8], [sflag:$0x9], $0x4000, $0x38;
	[tilespmem:$0x1E280] =	vst v63  }
0x57: {  	_ =	swait.ge @!p1 [sflag:s10], $0x4000  }
0x58: {  	[sflag:s10] =	ssyncset.done @!p1 $0x0  }
0x59: {  	s11 =	rddreg [dreg:$0x5];
	[sflag:s10] =	ssyncadd.s32 @!p1 $0xFFFFC000  }
0x5a: {  	[spmem:s11] =	stream.linear.scatter @!p1 [tilespmem:s8], [sflag:$0x9], $0x4000, $0x38;
	[tilespmem:$0x1E280] =	vst v63  }
0x5b: {  	_ =	swait.ge @!p1 [sflag:s10], $0x4000  }
0x5c: {  	[sflag:s10] =	ssyncset.done @!p1 $0x0  }
0x5d: {  	s11 =	rddreg [dreg:$0x6];
	[sflag:s10] =	ssyncadd.s32 @!p1 $0xFFFFC000  }
0x5e: {  	[spmem:s11] =	stream.linear.scatter @!p1 [tilespmem:s8], [sflag:$0x9], $0x4000, $0x38;
	[tilespmem:$0x1E280] =	vst v63  }
0x5f: {  	_ =	swait.ge @!p1 [sflag:s10], $0x4000  }
0x60: {  	[sflag:s10] =	ssyncset.done @!p1 $0x0  }
0x61: {  	s11 =	rddreg [dreg:$0xa];
	[sflag:s10] =	ssyncadd.s32 @!p1 $0xFFFFC000  }
0x62: {  	[spmem:s11] =	stream.linear.scatter @!p1 [tilespmem:s8], [sflag:$0x9], $0x3C00, $0x38;
	[tilespmem:$0x1E280] =	vst v63  }
0x63: {  	_ =	swait.ge @!p1 [sflag:s10], $0x3C00  }
0x64: {  	[sflag:s10] =	ssyncset.done @!p1 $0x0  }
0x65: {  	[sflag:s10] =	ssyncadd.s32 @!p1 $0xFFFFC400  }
.Ltmp3:
0x66: {  	[bflag:$0x0] =	sbarrier.arrive $0xFFFF;
	(pc) =	sbr.rel @!p0 .LBB2_4-.Ltmp3, $4  }
0x67: {  	[tilespmem:s4], [sflag:$0x9] =	stream.linear.gather [hbm4b:s15+s4], $0x2800, $0x38;
	[tilespmem:$0x1E280] =	vst v63  }
0x68: {  	_ =	swait.ge [sflag:s26], $0x2800  }
0x69: {  	[sflag:s26] =	ssyncset.done $0x0  }
0x6a: {  	s8 =	simm.s32 $0x0;
	[sflag:s26] =	ssyncadd.s32 $0xFFFFD800  }
0x6b: {  	s10 =	rddreg [dreg:$0xf]  }
0x6c: {  	[tilespmem:s28], [sflag:$0x5] =	stream.linear.gather [hbm4b:s10+s8], $0x80, $0x38;
	[tilespmem:$0x1E280] =	vst v63  }
0x6d: {  	s13 =	rddreg [dreg:$0x10]  }
0x6e: {  	[tilespmem:s29], [sflag:$0x6] =	stream.linear.gather [hbm4b:s13+s8], $0x80, $0x38;
	[tilespmem:$0x1E280] =	vst v63  }
0x6f: {  	s14 =	rddreg [dreg:$0x11]  }
0x70: {  	[tilespmem:s30], [sflag:$0x7] =	stream.linear.gather [hbm4b:s14+s8], $0x80, $0x38;
	[tilespmem:$0x1E280] =	vst v63  }
0x71: {  	s10 =	rddreg [dreg:$0x13]  }
0x72: {  	[tilespmem:s1], [sflag:$0x1] =	stream.indirect.gather [hbm4b:s2+s31], $0x80, s8, s31, $0xb8;
	[tilespmem:$0x1E280] =	vst v63  }
.LBB2_8:
0x73: {  	_ =	swait.ge [sflag:s17], $0x4000  }
0x74: {  	[sflag:s17] =	ssyncset.done $0x0  }
0x75: {  	[sflag:s17] =	ssyncadd.s32 $0xFFFFC000  }
0x76: {  	_ =	swait.ge [sflag:s18], $0x80  }
0x77: {  	p2 =	seq.s32 s8, $0x0;
	[sflag:s18] =	ssyncset.done $0x0  }
0x78: {  	s11 =	simm.s32 @!p2 $0x4;
	[sflag:s18] =	ssyncadd.s32 $0xFFFFFF80  }
0x79: {  	[spmem:s3] =	stream.indirect.scatter.add.f32 [tilespmem:s1], [sflag:$0x3], $0x80, s28, s31, $0xb8;
	[tilespmem:$0x1E280] =	vst v63  }
0x7a: {  	_ =	swait.ge @!p2 [sflag:s11], $0x4000  }
0x7b: {  	[sflag:s11] =	ssyncset.done @!p2 $0x0  }
0x7c: {  	s13 =	sadd.s32 $0xFFFFFFD0, s10;
	[sflag:s11] =	ssyncadd.s32 @!p2 $0xFFFFC000;
	s11 =	sshra.s32 s8, $0x2  }
0x7d: {  	[tilespmem:s19], [sflag:$0x8] =	stream.linear.gather [hbm4b:s13+s4], $0x80, $0x38;
	[tilespmem:$0x1E280] =	vst v63  }
0x7e: {  	s12 =	sadd.s32 $0x80, s11  }
0x7f: {  	[tilespmem:s0], [sflag:$0x2] =	stream.indirect.gather [hbm4b:s2+s31], $0x80, s12, s31, $0xb8;
	[tilespmem:$0x1E280] =	vst v63  }
0x80: {  	_ =	swait.ge [sflag:s20], $0x4000  }
0x81: {  	[sflag:s20] =	ssyncset.done $0x0  }
0x82: {  	[sflag:s20] =	ssyncadd.s32 $0xFFFFC000  }
0x83: {  	_ =	swait.ge [sflag:s21], $0x80  }
0x84: {  	[sflag:s21] =	ssyncset.done $0x0  }
0x85: {  	[sflag:s21] =	ssyncadd.s32 $0xFFFFFF80  }
0x86: {  	[spmem:s3] =	stream.indirect.scatter.add.f32 [tilespmem:s0], [sflag:$0x4], $0x80, s29, s31, $0xb8;
	[tilespmem:$0x1E280] =	vst v63  }
0x87: {  	p2 =	seq.s32 s8, $0x2000;
	_ =	swait.ge [sflag:s24], $0x4000  }
0x88: {  	s13 =	simm.s32 @!p2 $0x0;
	[sflag:s24] =	ssyncset.done $0x0  }
0x89: {  	s14 =	simm.s32 @!p2 $0x2800;
	s12 =	sadd.s32 @!p2 $0xFFFFFFE0, s10;
	[sflag:s24] =	ssyncadd.s32 $0xFFFFC000  }
0x8a: {  	[tilespmem:s14], [sflag:$0x5] =	stream.linear.gather @!p2 [hbm4b:s12+s13], $0x80, $0x38;
	[tilespmem:$0x1E280] =	vst v63  }
0x8b: {  	s14 =	sadd.s32 $0x100, s11  }
0x8c: {  	[tilespmem:s1], [sflag:$0x1] =	stream.indirect.gather [hbm4b:s2+s31], $0x80, s14, s31, $0xb8;
	[tilespmem:$0x1E280] =	vst v63  }
0x8d: {  	_ =	swait.ge [sflag:s17], $0x4000  }
0x8e: {  	[sflag:s17] =	ssyncset.done $0x0  }
0x8f: {  	[sflag:s17] =	ssyncadd.s32 $0xFFFFC000  }
0x90: {  	_ =	swait.ge [sflag:s25], $0x80  }
0x91: {  	[sflag:s25] =	ssyncset.done $0x0  }
0x92: {  	[sflag:s25] =	ssyncadd.s32 $0xFFFFFF80  }
0x93: {  	[spmem:s3] =	stream.indirect.scatter.add.f32 [tilespmem:s1], [sflag:$0x3], $0x80, s30, s31, $0xb8;
	[tilespmem:$0x1E280] =	vst v63  }
0x94: {  	_ =	swait.ge [sflag:s16], $0x4000  }
0x95: {  	[sflag:s16] =	ssyncset.done $0x0  }
0x96: {  	s12 =	sadd.s32 @!p2 $0xFFFFFFF0, s10;
	s14 =	simm.s32 @!p2 $0x2880;
	[sflag:s16] =	ssyncadd.s32 $0xFFFFC000  }
0x97: {  	[tilespmem:s14], [sflag:$0x6] =	stream.linear.gather @!p2 [hbm4b:s12+s13], $0x80, $0x38;
	[tilespmem:$0x1E280] =	vst v63  }
0x98: {  	s14 =	sadd.s32 $0x180, s11  }
0x99: {  	[tilespmem:s0], [sflag:$0x2] =	stream.indirect.gather [hbm4b:s2+s31], $0x80, s14, s31, $0xb8;
	[tilespmem:$0x1E280] =	vst v63  }
0x9a: {  	_ =	swait.ge [sflag:s20], $0x4000  }
0x9b: {  	[sflag:s20] =	ssyncset.done $0x0  }
0x9c: {  	[sflag:s20] =	ssyncadd.s32 $0xFFFFC000  }
0x9d: {  	_ =	swait.ge [sflag:s6], $0x80  }
0x9e: {  	[sflag:s6] =	ssyncset.done $0x0  }
.Ltmp4:
0x9f: {  	[sflag:s6] =	ssyncadd.s32 $0xFFFFFF80;
	(pc) =	sbr.rel @p2 .LBB2_10-.Ltmp4, $4  }
0xa0: {  	[spmem:s3] =	stream.indirect.scatter.add.f32 [tilespmem:s0], [sflag:$0x4], $0x80, s19, s31, $0xb8;
	[tilespmem:$0x1E280] =	vst v63  }
0xa1: {  	_ =	swait.ge [sflag:s24], $0x4000  }
0xa2: {  	[sflag:s24] =	ssyncset.done $0x0  }
0xa3: {  	[sflag:s24] =	ssyncadd.s32 $0xFFFFC000  }
.Ltmp5:
0xa4: {  	(pc) =	sbr.rel .LBB2_8-.Ltmp5, $4  }
0xa5: {  	_ = 	snop  }
0xa6: {  	[tilespmem:s30], [sflag:$0x7] =	stream.linear.gather [hbm4b:s10+s4], $0x80, $0x38;
	[tilespmem:$0x1E280] =	vst v63  }
0xa7: {  	s11 =	sadd.s32 $0x200, s11;
	s8 =	sadd.s32 $0x800, s8;
	s10 =	sadd.s32 $0x40, s10  }
0xa8: {  	[tilespmem:s1], [sflag:$0x1] =	stream.indirect.gather [hbm4b:s2+s31], $0x80, s11, s31, $0xb8;
	[tilespmem:$0x1E280] =	vst v63  }
.LBB2_4:
0xa9: {  	s10 =	rddreg [dreg:$0xc]  }
0xaa: {  	[tilespmem:s28], [sflag:$0x5] =	stream.linear.gather [hbm4b:s10+s8], $0x80, $0x38;
	[tilespmem:$0x1E280] =	vst v63  }
0xab: {  	s13 =	rddreg [dreg:$0xd]  }
0xac: {  	[tilespmem:s29], [sflag:$0x6] =	stream.linear.gather [hbm4b:s13+s8], $0x80, $0x38;
	[tilespmem:$0x1E280] =	vst v63  }
0xad: {  	s14 =	rddreg [dreg:$0xe]  }
0xae: {  	[tilespmem:s30], [sflag:$0x7] =	stream.linear.gather [hbm4b:s14+s8], $0x80, $0x38;
	[tilespmem:$0x1E280] =	vst v63  }
0xaf: {  	s10 =	rddreg [dreg:$0x12]  }
0xb0: {  	[tilespmem:s1], [sflag:$0x1] =	stream.indirect.gather [hbm4b:s2+s31], $0x80, s8, s31, $0xb8;
	[tilespmem:$0x1E280] =	vst v63  }
.LBB2_5:
0xb1: {  	_ =	swait.ge [sflag:s17], $0x4000  }
0xb2: {  	[sflag:s17] =	ssyncset.done $0x0  }
0xb3: {  	[sflag:s17] =	ssyncadd.s32 $0xFFFFC000  }
0xb4: {  	_ =	swait.ge [sflag:s18], $0x80  }
0xb5: {  	p2 =	seq.s32 s8, $0x0;
	[sflag:s18] =	ssyncset.done $0x0  }
0xb6: {  	s11 =	simm.s32 @!p2 $0x4;
	[sflag:s18] =	ssyncadd.s32 $0xFFFFFF80  }
0xb7: {  	[spmem:s3] =	stream.indirect.scatter.add.f32 [tilespmem:s1], [sflag:$0x3], $0x80, s28, s31, $0xb8;
	[tilespmem:$0x1E280] =	vst v63  }
0xb8: {  	_ =	swait.ge @!p2 [sflag:s11], $0x4000  }
0xb9: {  	[sflag:s11] =	ssyncset.done @!p2 $0x0  }
0xba: {  	s13 =	sadd.s32 $0xFFFFFFD0, s10;
	[sflag:s11] =	ssyncadd.s32 @!p2 $0xFFFFC000;
	s11 =	sshra.s32 s8, $0x2  }
0xbb: {  	[tilespmem:s19], [sflag:$0x8] =	stream.linear.gather [hbm4b:s13+s4], $0x80, $0x38;
	[tilespmem:$0x1E280] =	vst v63  }
0xbc: {  	s12 =	sadd.s32 $0x80, s11  }
0xbd: {  	[tilespmem:s0], [sflag:$0x2] =	stream.indirect.gather [hbm4b:s2+s31], $0x80, s12, s31, $0xb8;
	[tilespmem:$0x1E280] =	vst v63  }
0xbe: {  	_ =	swait.ge [sflag:s20], $0x4000  }
0xbf: {  	[sflag:s20] =	ssyncset.done $0x0  }
0xc0: {  	[sflag:s20] =	ssyncadd.s32 $0xFFFFC000  }
0xc1: {  	_ =	swait.ge [sflag:s21], $0x80  }
0xc2: {  	[sflag:s21] =	ssyncset.done $0x0  }
0xc3: {  	[sflag:s21] =	ssyncadd.s32 $0xFFFFFF80  }
0xc4: {  	[spmem:s3] =	stream.indirect.scatter.add.f32 [tilespmem:s0], [sflag:$0x4], $0x80, s29, s31, $0xb8;
	[tilespmem:$0x1E280] =	vst v63  }
0xc5: {  	p2 =	seq.s32 s8, $0x9800;
	_ =	swait.ge [sflag:s24], $0x4000  }
0xc6: {  	s13 =	simm.s32 @!p2 $0x0;
	[sflag:s24] =	ssyncset.done $0x0  }
0xc7: {  	s14 =	simm.s32 @!p2 $0x2800;
	s12 =	sadd.s32 @!p2 $0xFFFFFFE0, s10;
	[sflag:s24] =	ssyncadd.s32 $0xFFFFC000  }
0xc8: {  	[tilespmem:s14], [sflag:$0x5] =	stream.linear.gather @!p2 [hbm4b:s12+s13], $0x80, $0x38;
	[tilespmem:$0x1E280] =	vst v63  }
0xc9: {  	s14 =	sadd.s32 $0x100, s11  }
0xca: {  	[tilespmem:s1], [sflag:$0x1] =	stream.indirect.gather [hbm4b:s2+s31], $0x80, s14, s31, $0xb8;
	[tilespmem:$0x1E280] =	vst v63  }
0xcb: {  	_ =	swait.ge [sflag:s17], $0x4000  }
0xcc: {  	[sflag:s17] =	ssyncset.done $0x0  }
0xcd: {  	[sflag:s17] =	ssyncadd.s32 $0xFFFFC000  }
0xce: {  	_ =	swait.ge [sflag:s25], $0x80  }
0xcf: {  	[sflag:s25] =	ssyncset.done $0x0  }
0xd0: {  	[sflag:s25] =	ssyncadd.s32 $0xFFFFFF80  }
0xd1: {  	[spmem:s3] =	stream.indirect.scatter.add.f32 [tilespmem:s1], [sflag:$0x3], $0x80, s30, s31, $0xb8;
	[tilespmem:$0x1E280] =	vst v63  }
0xd2: {  	_ =	swait.ge [sflag:s16], $0x4000  }
0xd3: {  	[sflag:s16] =	ssyncset.done $0x0  }
0xd4: {  	s12 =	sadd.s32 @!p2 $0xFFFFFFF0, s10;
	s14 =	simm.s32 @!p2 $0x2880;
	[sflag:s16] =	ssyncadd.s32 $0xFFFFC000  }
0xd5: {  	[tilespmem:s14], [sflag:$0x6] =	stream.linear.gather @!p2 [hbm4b:s12+s13], $0x80, $0x38;
	[tilespmem:$0x1E280] =	vst v63  }
0xd6: {  	s14 =	sadd.s32 $0x180, s11  }
0xd7: {  	[tilespmem:s0], [sflag:$0x2] =	stream.indirect.gather [hbm4b:s2+s31], $0x80, s14, s31, $0xb8;
	[tilespmem:$0x1E280] =	vst v63  }
0xd8: {  	_ =	swait.ge [sflag:s20], $0x4000  }
0xd9: {  	[sflag:s20] =	ssyncset.done $0x0  }
0xda: {  	[sflag:s20] =	ssyncadd.s32 $0xFFFFC000  }
0xdb: {  	_ =	swait.ge [sflag:s6], $0x80  }
0xdc: {  	[sflag:s6] =	ssyncset.done $0x0  }
.Ltmp6:
0xdd: {  	[sflag:s6] =	ssyncadd.s32 $0xFFFFFF80;
	(pc) =	sbr.rel @p2 .LBB2_10-.Ltmp6, $4  }
0xde: {  	[spmem:s3] =	stream.indirect.scatter.add.f32 [tilespmem:s0], [sflag:$0x4], $0x80, s19, s31, $0xb8;
	[tilespmem:$0x1E280] =	vst v63  }
0xdf: {  	_ =	swait.ge [sflag:s24], $0x4000  }
0xe0: {  	[sflag:s24] =	ssyncset.done $0x0  }
0xe1: {  	[sflag:s24] =	ssyncadd.s32 $0xFFFFC000  }
.Ltmp7:
0xe2: {  	(pc) =	sbr.rel .LBB2_5-.Ltmp7, $4  }
0xe3: {  	_ = 	snop  }
0xe4: {  	[tilespmem:s30], [sflag:$0x7] =	stream.linear.gather [hbm4b:s10+s4], $0x80, $0x38;
	[tilespmem:$0x1E280] =	vst v63  }
0xe5: {  	s11 =	sadd.s32 $0x200, s11;
	s8 =	sadd.s32 $0x800, s8;
	s10 =	sadd.s32 $0x40, s10  }
0xe6: {  	[tilespmem:s1], [sflag:$0x1] =	stream.indirect.gather [hbm4b:s2+s31], $0x80, s11, s31, $0xb8;
	[tilespmem:$0x1E280] =	vst v63  }
.LBB2_11:
0xe7: {  	_ =	sfence.sel $0x180000  }
0xe8: {  	[bflag:$0x0] =	sbarrier.arrive $0xFFFF  }
0xe9: {  	_ =	strace $0x9000004A  }
0xea: {  	s0 =	stileid.u32;
	[bflag:$0x2] =	sbarrier.arrive $0xFFFF  }
0xeb: {  	p0 =	sne.s32 s0, $0x0;
	s0 =	rddreg [dreg:$0x3]  }
0xec: {  	s0 =	sadd.s32 @!p0 $0x100000, s0  }
0xed: {  	[sflag:s0] =	ssyncadd.tile.s32 @!p0 $0x1;
	_ =	shalt  }
.Lfunc_end2:
_tile_overlayer_lowered:
.L_overlay_start_2:
0xee: {  	(tag) =	ssettag $0x2  }
0xef: {  	s0 =	rddreg [dreg:$0x0];
	s2 =	stileid.u32  }
0xf0: {  	s1 =	rddreg [dreg:$0x1];
	p0 =	sne.s32 s2, $0x0  }
0xf1: {  	s3 =	rddreg [dreg:$0x2];
	[bflag:$0x3] =	sbarrier.arrive $0xFFFF;
	s2 =	simm.s32 @!p0 $0x1C09  }
0xf2: {  	[timem:s3], [sflag:s2] =	dma.local @!p0 [hbm:s0], s1  }
0xf3: {  	s0 =	simm.s32 @!p0 $0x9  }
0xf4: {  	_ =	swait.ge @!p0 [sflag:s0], s1  }
0xf5: {  	s1 =	ssub.s32 @!p0 $0x0, s1;
	[sflag:s0] =	ssyncset.done @!p0 $0x0  }
0xf6: {  	[sflag:s0] =	ssyncadd.s32 @!p0 s1  }
0xf7: {  	[bflag:$0x3] =	sbarrier.arrive $0xFFFF  }
0xf8: {  	_ =	shalt  }

// kernel: kernel.14.cloned.1.call-start
scs
__scs_entry_jumppad:
0x0: {  	(pc) =	sbr.rel $0x88, $3  }
0x1: {  	(tag) =	ssettag $0x0;
	lr =	simm.s32 $0x1  }
0x2: {  	[smem:$0x3F98] =	sst lr;
	_ =	strace $0xD0000000  }
0x3: {  	_ = 	snop  }
0x4: {  	_ = 	snop  }
0x5: {  	_ = 	snop  }
0x6: {  	_ = 	snop  }
0x7: {  	_ = 	snop  }
__scs_overlays_trampoline_lowered:
0x8: {  	[smem:$0x3FA7] =	sst s0  }
0x9: {  	[smem:$0x3FA8] =	sst s1  }
0xa: {  	[smem:$0x3FA9] =	sst s2  }
0xb: {  	[smem:$0x3FAA] =	sst s3  }
0xc: {  	[smem:$0x3FAB] =	sst s4  }
0xd: {  	[smem:$0x3FAC] =	sst s5  }
0xe: {  	[smem:$0x3FAD] =	sst s6  }
0xf: {  	[smem:$0x3FAE] =	sst s7  }
0x10: {  	[smem:$0x3FAF] =	sst s8  }
0x11: {  	[smem:$0x3FB0] =	sst s9;
	s0 =	simm.s32 @!p0 $0x0  }
0x12: {  	s1 =	sld [smem:$0x3F96];
	s0 =	simm.s32 @p0 $0x1  }
0x13: {  	[smem:$0x3FB1] =	sst s0;
	s0 =	simm.s32 @!p1 $0x0  }
0x14: {  	s2 =	sld [smem:$0x3F95];
	s0 =	simm.s32 @p1 $0x1  }
0x15: {  	[smem:$0x3FB2] =	sst s0;
	s0 =	simm.s32 @!p2 $0x0  }
0x16: {  	s3 =	sld [smem:$0x3FDB];
	s0 =	simm.s32 @p2 $0x1  }
0x17: {  	s4 =	simm.s32 $0x1BF5;
	[smem:$0x3FB4] =	sst s0  }
0x18: {  	s0 =	sld [smem:$0x3F97];
	_ =	swait.ge [sflag:s4], $0x0  }
0x19: {  	s7 =	sld [smem:$0x3F98]  }
0x1a: {  	s8 =	sadd.s32 $0xFFFFE003, lr  }
0x1b: {  	s9 =	sadd.s32 $0xFFFFFEF7, lr;
	s5 =	simm.s32 $0xFFFFFFFF;
	p2 =	slt.u32 s8, $0xFFFFF086  }
0x1c: {  	p1 =	slt.u32 s9, $0xF7A;
	s5 =	simm.s32 @!p2 $0x0  }
0x1d: {  	s5 =	simm.s32 @p1 $0x1;
	p0 =	seq.s32 s7, s2  }
0x1e: {  	s7 =	smul.u32 @!p0 $0xF7A, s2;
	p2 =	seq.s32 @!p0 s5, $0x0  }
0x1f: {  	s9 =	smul.u32 $0xF7A, s1;
	s8 =	simm.s32 @!p0 $0x1BF5;
	p2 =	por !p2, p0  }
0x20: {  	[sflag:s8] =	ssyncset.s32 @!p0 $0xFFFFF086;
	s6 =	sadd.s32 @!p0 s3, s7;
	s7 =	simm.s32 @!p0 $0x108  }
0x21: {  	s3 =	sadd.s32 s3, s9;
	s6 =	sadd.s32 @!p0 $0x88, s6;
	s7 =	simm.s32 @p2 $0x1082  }
0x22: {  	[simem:s7], [sflag:s8] =	dma.local @!p0 [hbm:s6], $0xF7A  }
0x23: {  	s9 =	sor.u32 $0xD0000000, s2;
	s6 =	simm.s32 $0x108;
	_ =	swait.ge @!p0 [sflag:s8], $0x0  }
0x24: {  	s3 =	sadd.s32 $0x88, s3;
	s6 =	simm.s32 @!p1 $0x1082;
	[sflag:s4] =	ssyncset.s32 $0xFFFFF086  }
0x25: {  	[simem:s6], [sflag:s4] =	dma.local [hbm:s3], $0xF7A  }
0x26: {  	[smem:$0x3F98] =	sst s1;
	(tag) =	ssettag s2;
	_ =	strace s9  }
0x27: {  	s1 =	sld [smem:$0x3FA8]  }
0x28: {  	s2 =	sld [smem:$0x3FA9]  }
0x29: {  	s4 =	sld [smem:$0x3FAB]  }
0x2a: {  	p0 =	seq.s32 s5, $0x0;
	s5 =	sld [smem:$0x3FAC]  }
0x2b: {  	s6 =	sld [smem:$0x3FAD]  }
0x2c: {  	s7 =	sld [smem:$0x3FAE]  }
0x2d: {  	s3 =	simm.s32 $0x108;
	s8 =	sld [smem:$0x3FAF]  }
0x2e: {  	s3 =	simm.s32 @!p0 $0x1082;
	s9 =	sld [smem:$0x3FB0]  }
0x2f: {  	lr =	sadd.s32 s0, s3;
	s0 =	sld [smem:$0x3FA7]  }
0x30: {  	s3 =	sld [smem:$0x3FAA]  }
0x31: {  	[smem:$0x3FB3] =	sst s10  }
0x32: {  	s10 =	sld [smem:$0x3FB1];
	_ =	sdelay $0x3  }
0x33: {  	p0 =	seq.s32 s10, $0x1;
	s10 =	sld [smem:$0x3FB3];
	_ =	sdelay $0x3  }
0x34: {  	[smem:$0x3FB3] =	sst s10  }
0x35: {  	s10 =	sld [smem:$0x3FB2];
	_ =	sdelay $0x3  }
0x36: {  	p1 =	seq.s32 s10, $0x1;
	s10 =	sld [smem:$0x3FB3];
	_ =	sdelay $0x3  }
0x37: {  	[smem:$0x3FB3] =	sst s10  }
0x38: {  	s10 =	sld [smem:$0x3FB4]  }
0x39: {  	_ = 	snop;
	(pc) =	sbr.ind lr, $3  }
0x3a: {  	_ = 	snop  }
0x3b: {  	_ = 	snop  }
0x3c: {  	p2 =	seq.s32 s10, $0x1;
	s10 =	sld [smem:$0x3FB3]  }
0x3d: {  	_ =	shalt  }
0x3e: {  	_ =	shalt  }
0x3f: {  	_ =	shalt  }
0x40: {  	_ =	shalt  }
0x41: {  	_ =	shalt  }
0x42: {  	_ =	shalt  }
0x43: {  	_ =	shalt  }
0x44: {  	_ =	shalt  }
0x45: {  	_ =	shalt  }
0x46: {  	_ =	shalt  }
0x47: {  	_ =	shalt  }
0x48: {  	_ =	shalt  }
0x49: {  	_ =	shalt  }
0x4a: {  	_ =	shalt  }
0x4b: {  	_ =	shalt  }
0x4c: {  	_ =	shalt  }
0x4d: {  	_ =	shalt  }
0x4e: {  	_ =	shalt  }
0x4f: {  	_ =	shalt  }
0x50: {  	_ =	shalt  }
0x51: {  	_ =	shalt  }
0x52: {  	_ =	shalt  }
0x53: {  	_ =	shalt  }
0x54: {  	_ =	shalt  }
0x55: {  	_ =	shalt  }
0x56: {  	_ =	shalt  }
0x57: {  	_ =	shalt  }
0x58: {  	_ =	shalt  }
0x59: {  	_ =	shalt  }
0x5a: {  	_ =	shalt  }
0x5b: {  	_ =	shalt  }
0x5c: {  	_ =	shalt  }
0x5d: {  	_ =	shalt  }
0x5e: {  	_ =	shalt  }
0x5f: {  	_ =	shalt  }
0x60: {  	_ =	shalt  }
0x61: {  	_ =	shalt  }
0x62: {  	_ =	shalt  }
0x63: {  	_ =	shalt  }
0x64: {  	_ =	shalt  }
0x65: {  	_ =	shalt  }
0x66: {  	_ =	shalt  }
0x67: {  	_ =	shalt  }
0x68: {  	_ =	shalt  }
0x69: {  	_ =	shalt  }
0x6a: {  	_ =	shalt  }
0x6b: {  	_ =	shalt  }
0x6c: {  	_ =	shalt  }
0x6d: {  	_ =	shalt  }
0x6e: {  	_ =	shalt  }
0x6f: {  	_ =	shalt  }
0x70: {  	_ =	shalt  }
0x71: {  	_ =	shalt  }
0x72: {  	_ =	shalt  }
0x73: {  	_ =	shalt  }
0x74: {  	_ =	shalt  }
0x75: {  	_ =	shalt  }
0x76: {  	_ =	shalt  }
0x77: {  	_ =	shalt  }
0x78: {  	_ =	shalt  }
0x79: {  	_ =	shalt  }
0x7a: {  	_ =	shalt  }
0x7b: {  	_ =	shalt  }
0x7c: {  	_ =	shalt  }
0x7d: {  	_ =	shalt  }
0x7e: {  	_ =	shalt  }
0x7f: {  	_ =	shalt  }
0x80: {  	_ =	shalt  }
0x81: {  	_ =	shalt  }
0x82: {  	_ =	shalt  }
0x83: {  	_ =	shalt  }
0x84: {  	_ =	shalt  }
0x85: {  	_ =	shalt  }
0x86: {  	_ =	shalt  }
0x87: {  	_ =	shalt  }
.Lfunc_end0:
.L_simem_size_0:
called_computation.2_lowered:
.L_overlay_start_0:
0x88: {  	s2 =	sld [smem:$0x3FD9]  }
0x89: {  	s3 =	sld [smem:$0x3FFE];
	_ =	sdelay $0x1  }
0x8a: {  	s1 =	srdreg.scid  }
0x8b: {  	s0 =	sand.u32 $0x1, s1  }
0x8c: {  	s14 =	sshll.u32 s0, $0xA;
	s2 =	sadd.s32 s3, s2  }
0x8d: {  	s2 =	sadd.s32 s2, s14  }
0x8e: {  	[smem:$0x3FBF] =	sst s2  }
0x8f: {  	_ = 	snop  }
0x90: {  	s2 =	sld [smem:$0x3FD0];
	_ =	sdelay $0x2  }
0x91: {  	s15 =	simm.s32 $0xA;
	s4 =	simm.s32 $0x10  }
0x92: {  	[smem:s4], [sflag:s15] =	dma.local [hbm:s2], $0x1  }
0x93: {  	_ =	swait.eq [sflag:s15], $0x1  }
0x94: {  	[sflag:s15] =	ssyncset.done $0x0  }
0x95: {  	[sflag:s15] =	ssyncadd.s32 $0xFFFFFFFF  }
0x96: {  	s16 =	sld [smem:$0x10];
	(tm) =	ssettm $0x1  }
0x97: {  	s17 =	sld [smem:$0x3FFB];
	_ =	sdelay $0x3  }
0x98: {  	_ =	strace s17  }
0x99: {  	s3 =	sld [smem:$0x3FFC];
	_ =	sdelay $0x3  }
0x9a: {  	_ =	strace s3  }
0x9b: {  	s3 =	sld [smem:$0x3FFD];
	_ =	sdelay $0x3  }
0x9c: {  	_ =	strace s3  }
0x9d: {  	_ =	strace $0x8FFFFFFF  }
0x9e: {  	s18 =	sld [smem:$0x3FDB];
	_ =	sdelay $0x1  }
0x9f: {  	s19 =	simm.s32 $_scs_section_size  }
0xa0: {  	s5 =	simm.s32 $_size__tile_overlayer_lowered;
	s6 =	simm.s32 $_tile_overlayer_lowered  }
0xa1: {  	s22 =	simm.s32 $0x1BFF;
	s21 =	sshll.u32 s6, $0x1;
	s3 =	sadd.s32 s19, s18  }
0xa2: {  	s7 =	simm.s32 $0x0;
	s20 =	sshll.u32 s5, $0x1;
	s5 =	sadd.s32 s21, s3  }
0xa3: {  	[timem:s7], [sflag:s22] =	dma.local [hbm:s5], s20  }
0xa4: {  	_ =	swait.ge [sflag:s22], s20  }
0xa5: {  	s4 =	ssub.s32 $0x0, s20;
	[sflag:s22] =	ssyncset.done $0x0  }
0xa6: {  	[sflag:s22] =	ssyncadd.s32 s4;
	_ =	sdelay $0x1  }
0xa7: {  	s23 =	simm.s32 $0x1B8B  }
0xa8: {  	_ =	swait.ge [sflag:s23], $0x1  }
0xa9: {  	[sflag:s23] =	ssyncset.done $0x0  }
0xaa: {  	s25 =	simm.s32 $0x1B8E;
	s24 =	sld [smem:$0x3FFE];
	[sflag:s23] =	ssyncadd.s32 $0xFFFFFFFF  }
0xab: {  	s26 =	simm.s32 $execute0_lowered;
	[smem:$0x3FD2] =	sst s25  }
0xac: {  	s5 =	sshll.u32 s26, $0x1;
	_ =	strace $0x8000004C;
	[dreg:$0x1] =	wrdreg $0xFFFFFFFF  }
0xad: {  	s28 =	simm.s32 $_size_execute0_lowered;
	s3 =	sadd.s32 s3, s5;
	[dreg:$0x0] =	wrdreg $0x0  }
0xae: {  	s5 =	sshll.u32 s28, $0x1;
	[dreg:$0x2] =	wrdreg s3  }
0xaf: {  	[dreg:$0x3] =	wrdreg s5  }
0xb0: {  	[dreg:$0x4] =	wrdreg $0xC0  }
0xb1: {  	_ =	task [dreg:s7], $0x5FFFF  }
0xb2: {  	[dreg:$0x1] =	wrdreg $0xFFFFFFFF  }
0xb3: {  	[dreg:$0x0] =	wrdreg $0x60  }
0xb4: {  	[dreg:$0x2] =	wrdreg s16  }
0xb5: {  	[dreg:$0x3] =	wrdreg s24  }
0xb6: {  	[dreg:$0x4] =	wrdreg $0xAA000  }
0xb7: {  	[dreg:$0x5] =	wrdreg $0x9  }
0xb8: {  	_ =	task.clear_ibuf [dreg:s7], $0x6FFFF;
	_ =	strace $0x9000004C  }
0xb9: {  	s29 =	simm.s32 $0x9;
	_ =	strace $0x8000004E  }
0xba: {  	_ =	swait.ge [sflag:s29], $0x1  }
0xbb: {  	[sflag:s29] =	ssyncadd.s32 $0xFFFFFFFF  }
0xbc: {  	_ =	strace $0x9000004E  }
0xbd: {  	_ =	sfence  }
0xbe: {  	s30 =	sld [smem:$0x0];
	_ =	sdelay $0x2  }
0xbf: {  	s31 =	sshll.u32 s1, $0xD;
	s1 =	sshrl.u32 s1, $0x2  }
0xc0: {  	s3 =	sand.u32 $0x4000, s31;
	s1 =	sadd.s32 s1, s30  }
0xc1: {  	s0 =	sor.u32 s3, s0;
	s1 =	sshll.u32 s1, $0x11  }
0xc2: {  	s0 =	sor.u32 s1, s0  }
0xc3: {  	s0 =	sadd.s32 $0x8F2B, s0  }
0xc4: {  	[sflag:s0] =	ssyncadd.remote.s32 $0x1  }
0xc5: {  	_ =	sfence.sel $0xFFFF  }
0xc6: {  	[dreg:$0x0] =	wrdreg $0xFFFFFFFF;
	(pc) =	sbr.abs _section_cstart, $3  }
0xc7: {  	[dreg:$0x1] =	wrdreg $0xFFFFFFFF  }
0xc8: {  	_ =	task.clear_ibuf [dreg:s7], $0x2FFFF;
	_ =	strace $0x9FFFFFFF  }
0xc9: {  	(tm) =	ssettm $0x7FFFFFFF  }
tec
execute0_lowered:
.L_overlay_start_1:
0x0: {  	(tag) =	ssettag $0x1  }
0x1: {  	s0 =	srdreg.scid;
	s2 =	rddreg [dreg:$0x0]  }
0x2: {  	s14 =	stileid.u32;
	s6 =	rddreg [dreg:$0x1]  }
0x3: {  	s3 =	rddreg [dreg:$0x2];
	s4 =	simm.s32 $0x0;
	s28 =	simm.s32 $0x2800  }
0x4: {  	s29 =	simm.s32 $0x2880;
	s30 =	simm.s32 $0x2900;
	s5 =	smul.u32 $0x278, s14  }
0x5: {  	s31 =	simm.s32 $0x80;
	[smem:$0x7FF] =	sst s4;
	s9 =	smul.u32 $0x4F000, s14  }
0x6: {  	s0 =	sand.u32 $0x1, s0;
	s15 =	sadd.s32 $0x12C400, s3;
	s17 =	sadd.s32 $0x134400, s3  }
0x7: {  	s25 =	sadd.s32 $0xCE00, s6;
	s19 =	sadd.s32 $0x138400, s3;
	s21 =	smul.u32 $0x500, s14  }
0x8: {  	s23 =	sadd.s32 $0x16900, s6;
	_ =	strace $0x8000004D;
	[dreg:$0x7] =	wrdreg s15  }
0x9: {  	s24 =	sadd.s32 $0x16910, s6;
	p1 =	seq.s32 s14, $0xF;
	[dreg:$0x9] =	wrdreg s17  }
0xa: {  	s1 =	sshll.u32 s0, $0x4;
	s8 =	smul.u32 $0x2710, s0;
	[dreg:$0xb] =	wrdreg s19  }
0xb: {  	s12 =	ssub.s32 $0x2, s0;
	s15 =	sadd.s32 $0x130400, s3;
	[dreg:$0xf] =	wrdreg s23  }
0xc: {  	s0 =	smul.u32 $0x5000, s0;
	[dreg:$0x10] =	wrdreg s24;
	s17 =	simm.s32 $0x1  }
0xd: {  	s19 =	simm.s32 $0x2980;
	s24 =	simm.s32 $0x3;
	s1 =	sor.u32 s14, s1  }
0xe: {  	s9 =	sshrl.u32 s9, $0x2;
	[dreg:$0x8] =	wrdreg s15;
	s7 =	smul.u32 $0x500, s1  }
0xf: {  	s5 =	sadd.s32 s5, s8;
	s0 =	sadd.s32 s0, s25;
	p0 =	seq.s32 s1, $0x1F  }
0x10: {  	s1 =	simm.s32 $0x2A00;
	s5 =	sshll.u32 s5, $0x4;
	s0 =	sadd.s32 s21, s0  }
0x11: {  	s21 =	simm.s32 $0x6;
	s10 =	sadd.s32 s7, s6;
	s20 =	sadd.s32 s25, s7  }
0x12: {  	s11 =	sadd.s32 s5, s6;
	s25 =	sadd.s32 $0x16920, s6;
	[dreg:$0xc] =	wrdreg s20  }
0x13: {  	s5 =	sadd.s32 s9, s3;
	s0 =	sadd.s32 $0x60, s0;
	[dreg:$0x11] =	wrdreg s25  }
0x14: {  	s7 =	simm.s32 $0x0;
	s9 =	sadd.s32 $0x4000, s5;
	[dreg:$0x12] =	wrdreg s0  }
0x15: {  	s26 =	sadd.s32 $0x8000, s5;
	s13 =	sadd.s32 $0xC000, s5;
	[dreg:$0x4] =	wrdreg s9  }
0x16: {  	s18 =	sadd.s32 $0x10000, s5;
	s15 =	sadd.s32 $0x2E00, s10;
	[dreg:$0x5] =	wrdreg s26  }
0x17: {  	s22 =	sadd.s32 $0x10, s20;
	s10 =	sadd.s32 $0x20, s20;
	[dreg:$0x6] =	wrdreg s13  }
0x18: {  	s0 =	simm.s32 $0x6A00;
	s20 =	simm.s32 $0x2;
	[dreg:$0xa] =	wrdreg s18  }
.Ltmp0:
0x19: {  	s25 =	simm.s32 $0x7;
	[dreg:$0xd] =	wrdreg s22;
	(pc) =	sbr.rel .LBB2_1-.Ltmp0, $4  }
0x1a: {  	s13 =	sshrl.u32 s12, $0x1;
	s9 =	sadd.s32 $0x128400, s3;
	[dreg:$0xe] =	wrdreg s10  }
0x1b: {  	s22 =	sadd.s32 $0x16E00, s11;
	s26 =	sadd.s32 $0x16960, s6;
	s18 =	simm.s32 $0x5  }
0x1c: {  	s6 =	simm.s32 $0x8;
	s16 =	ssub.s32 s12, s13;
	[dreg:$0x13] =	wrdreg s26  }
0x1d: {  	v0 =	vimm.f32 $0.0e+00;
	s26 =	simm.s32 $0x9;
	s23 =	smax.u32 s16, $0x1;
	s16 =	simm.s32 $0x4  }
.LBB2_10:
0x1e: {  	_ =	swait.ge [sflag:s16], $0x4000  }
0x1f: {  	[sflag:s16] =	ssyncset.done $0x0  }
0x20: {  	[sflag:s16] =	ssyncadd.s32 $0xFFFFC000  }
0x21: {  	s8 =	sshrl.u32 @p1 s9, $0x3;
	s10 =	simm.s32 @p1 $0x1FC9;
	[bflag:$0x0] =	sbarrier.arrive $0xFFFF  }
0x22: {  	[hbm:s22], [sflag:s10] =	dma.local @p1 [spmem:s8], $0x2080  }
0x23: {  	s8 =	simm.s32 @p1 $0x9  }
0x24: {  	s7 =	sadd.s32 $0x1, s7;
	s10 =	stileid.u32;
	_ =	swait.ge @p1 [sflag:s8], $0x2080  }
0x25: {  	p2 =	sne.s32 s7, s23;
	s10 =	sshll.u32 @!p1 s10, $0x6;
	[sflag:s8] =	ssyncset.done @p1 $0x0  }
0x26: {  	[sflag:s8] =	ssyncadd.s32 @p1 $0xFFFFDF80;
	s8 =	sor.u32 @!p1 $0x1C09, s10;
	s10 =	sshrl.u32 @!p1 s5, $0x3  }
0x27: {  	[hbm:s22], [sflag:s8] =	dma.local @!p1 [spmem:s10], $0x2780  }
.Ltmp1:
0x28: {  	_ = 	snop;
	(pc) =	sbr.rel @!p2 .LBB2_11-.Ltmp1, $4  }
0x29: {  	s8 =	simm.s32 @!p1 $0x9  }
0x2a: {  	_ =	swait.ge @!p1 [sflag:s8], $0x2780  }
0x2b: {  	[sflag:s8] =	ssyncset.done @!p1 $0x0  }
0x2c: {  	[sflag:s8] =	ssyncadd.s32 @!p1 $0xFFFFD880  }
.LBB2_1:
0x2d: {  	s8 =	simm.s32 $0x0;
	s10 =	simm.s32 $0x200  }
.LBB2_2:
0x2e: {  	p2 =	sne.s32 s10, $0xFE00;
	[tilespmem:s8+$0x2A70] =	vst v0  }
0x2f: {  	[tilespmem:s8+$0x2A00] =	vst v0  }
0x30: {  	[tilespmem:s8+$0x2A10] =	vst v0  }
.Ltmp2:
0x31: {  	[tilespmem:s8+$0x2A20] =	vst v0;
	(pc) =	sbr.rel @p2 .LBB2_2-.Ltmp2, $4  }
0x32: {  	[tilespmem:s8+$0x2A30] =	vst v0  }
0x33: {  	[tilespmem:s8+$0x2A40] =	vst v0  }
0x34: {  	[tilespmem:s8+$0x2A50] =	vst v0  }
0x35: {  	[tilespmem:s8+$0x2A60] =	vst v0;
	s8 =	sshra.s32 s10, $0x2;
	s10 =	sadd.s32 $0x200, s10  }
0x36: {  	[tilespmem:s8+$0x2A70] =	vst v0  }
0x37: {  	[tilespmem:s8+$0x2A00] =	vst v0  }
0x38: {  	[tilespmem:s8+$0x2A10] =	vst v0  }
0x39: {  	[tilespmem:s8+$0x2A20] =	vst v0  }
0x3a: {  	[tilespmem:s8+$0x2A30] =	vst v0  }
0x3b: {  	[tilespmem:s8+$0x2A40] =	vst v0  }
0x3c: {  	[tilespmem:s8+$0x2A50] =	vst v0  }
0x3d: {  	[tilespmem:s8+$0x2A60] =	vst v0;
	s8 =	simm.s32 @p1 $0x2A00;
	s10 =	simm.s32 @p1 $0x9  }
0x3e: {  	[spmem:s9] =	stream.linear.scatter @p1 [tilespmem:s8], [sflag:$0x9], $0x4000, $0x38;
	[tilespmem:$0x1E280] =	vst v63  }
0x3f: {  	_ =	swait.ge @p1 [sflag:s10], $0x4000  }
0x40: {  	[sflag:s10] =	ssyncset.done @p1 $0x0  }
0x41: {  	s11 =	rddreg [dreg:$0x7];
	[sflag:s10] =	ssyncadd.s32 @p1 $0xFFFFC000  }
0x42: {  	[spmem:s11] =	stream.linear.scatter @p1 [tilespmem:s8], [sflag:$0x9], $0x4000, $0x38;
	[tilespmem:$0x1E280] =	vst v63  }
0x43: {  	_ =	swait.ge @p1 [sflag:s10], $0x4000  }
0x44: {  	[sflag:s10] =	ssyncset.done @p1 $0x0  }
0x45: {  	s11 =	rddreg [dreg:$0x8];
	[sflag:s10] =	ssyncadd.s32 @p1 $0xFFFFC000  }
0x46: {  	[spmem:s11] =	stream.linear.scatter @p1 [tilespmem:s8], [sflag:$0x9], $0x4000, $0x38;
	[tilespmem:$0x1E280] =	vst v63  }
0x47: {  	_ =	swait.ge @p1 [sflag:s10], $0x4000  }
0x48: {  	[sflag:s10] =	ssyncset.done @p1 $0x0  }
0x49: {  	s11 =	rddreg [dreg:$0x9];
	[sflag:s10] =	ssyncadd.s32 @p1 $0xFFFFC000  }
0x4a: {  	[spmem:s11] =	stream.linear.scatter @p1 [tilespmem:s8], [sflag:$0x9], $0x4000, $0x38;
	[tilespmem:$0x1E280] =	vst v63  }
0x4b: {  	_ =	swait.ge @p1 [sflag:s10], $0x4000  }
0x4c: {  	[sflag:s10] =	ssyncset.done @p1 $0x0  }
0x4d: {  	s11 =	rddreg [dreg:$0xb];
	[sflag:s10] =	ssyncadd.s32 @p1 $0xFFFFC000  }
0x4e: {  	[spmem:s11] =	stream.linear.scatter @p1 [tilespmem:s8], [sflag:$0x9], $0x400, $0x38;
	[tilespmem:$0x1E280] =	vst v63  }
0x4f: {  	_ =	swait.ge @p1 [sflag:s10], $0x400  }
0x50: {  	[sflag:s10] =	ssyncset.done @p1 $0x0  }
0x51: {  	s8 =	simm.s32 @!p1 $0x2A00;
	[sflag:s10] =	ssyncadd.s32 @p1 $0xFFFFFC00;
	s10 =	simm.s32 @!p1 $0x9  }
0x52: {  	[spmem:s5] =	stream.linear.scatter @!p1 [tilespmem:s8], [sflag:$0x9], $0x4000, $0x38;
	[tilespmem:$0x1E280] =	vst v63  }
0x53: {  	_ =	swait.ge @!p1 [sflag:s10], $0x4000  }
0x54: {  	[sflag:s10] =	ssyncset.done @!p1 $0x0  }
0x55: {  	s11 =	rddreg [dreg:$0x4];
	[sflag:s10] =	ssyncadd.s32 @!p1 $0xFFFFC000  }
0x56: {  	[spmem:s11] =	stream.linear.scatter @!p1 [tilespmem:s8], [sflag:$0x9], $0x4000, $0x38;
	[tilespmem:$0x1E280] =	vst v63  }
0x57: {  	_ =	swait.ge @!p1 [sflag:s10], $0x4000  }
0x58: {  	[sflag:s10] =	ssyncset.done @!p1 $0x0  }
0x59: {  	s11 =	rddreg [dreg:$0x5];
	[sflag:s10] =	ssyncadd.s32 @!p1 $0xFFFFC000  }
0x5a: {  	[spmem:s11] =	stream.linear.scatter @!p1 [tilespmem:s8], [sflag:$0x9], $0x4000, $0x38;
	[tilespmem:$0x1E280] =	vst v63  }
0x5b: {  	_ =	swait.ge @!p1 [sflag:s10], $0x4000  }
0x5c: {  	[sflag:s10] =	ssyncset.done @!p1 $0x0  }
0x5d: {  	s11 =	rddreg [dreg:$0x6];
	[sflag:s10] =	ssyncadd.s32 @!p1 $0xFFFFC000  }
0x5e: {  	[spmem:s11] =	stream.linear.scatter @!p1 [tilespmem:s8], [sflag:$0x9], $0x4000, $0x38;
	[tilespmem:$0x1E280] =	vst v63  }
0x5f: {  	_ =	swait.ge @!p1 [sflag:s10], $0x4000  }
0x60: {  	[sflag:s10] =	ssyncset.done @!p1 $0x0  }
0x61: {  	s11 =	rddreg [dreg:$0xa];
	[sflag:s10] =	ssyncadd.s32 @!p1 $0xFFFFC000  }
0x62: {  	[spmem:s11] =	stream.linear.scatter @!p1 [tilespmem:s8], [sflag:$0x9], $0x3C00, $0x38;
	[tilespmem:$0x1E280] =	vst v63  }
0x63: {  	_ =	swait.ge @!p1 [sflag:s10], $0x3C00  }
0x64: {  	[sflag:s10] =	ssyncset.done @!p1 $0x0  }
0x65: {  	[sflag:s10] =	ssyncadd.s32 @!p1 $0xFFFFC400  }
.Ltmp3:
0x66: {  	[bflag:$0x0] =	sbarrier.arrive $0xFFFF;
	(pc) =	sbr.rel @!p0 .LBB2_4-.Ltmp3, $4  }
0x67: {  	[tilespmem:s4], [sflag:$0x9] =	stream.linear.gather [hbm4b:s15+s4], $0x2800, $0x38;
	[tilespmem:$0x1E280] =	vst v63  }
0x68: {  	_ =	swait.ge [sflag:s26], $0x2800  }
0x69: {  	[sflag:s26] =	ssyncset.done $0x0  }
0x6a: {  	s8 =	simm.s32 $0x0;
	[sflag:s26] =	ssyncadd.s32 $0xFFFFD800  }
0x6b: {  	s10 =	rddreg [dreg:$0xf]  }
0x6c: {  	[tilespmem:s28], [sflag:$0x5] =	stream.linear.gather [hbm4b:s10+s8], $0x80, $0x38;
	[tilespmem:$0x1E280] =	vst v63  }
0x6d: {  	s13 =	rddreg [dreg:$0x10]  }
0x6e: {  	[tilespmem:s29], [sflag:$0x6] =	stream.linear.gather [hbm4b:s13+s8], $0x80, $0x38;
	[tilespmem:$0x1E280] =	vst v63  }
0x6f: {  	s14 =	rddreg [dreg:$0x11]  }
0x70: {  	[tilespmem:s30], [sflag:$0x7] =	stream.linear.gather [hbm4b:s14+s8], $0x80, $0x38;
	[tilespmem:$0x1E280] =	vst v63  }
0x71: {  	s10 =	rddreg [dreg:$0x13]  }
0x72: {  	[tilespmem:s1], [sflag:$0x1] =	stream.indirect.gather [hbm4b:s2+s31], $0x80, s8, s31, $0xb8;
	[tilespmem:$0x1E280] =	vst v63  }
.LBB2_8:
0x73: {  	_ =	swait.ge [sflag:s17], $0x4000  }
0x74: {  	[sflag:s17] =	ssyncset.done $0x0  }
0x75: {  	[sflag:s17] =	ssyncadd.s32 $0xFFFFC000  }
0x76: {  	_ =	swait.ge [sflag:s18], $0x80  }
0x77: {  	p2 =	seq.s32 s8, $0x0;
	[sflag:s18] =	ssyncset.done $0x0  }
0x78: {  	s11 =	simm.s32 @!p2 $0x4;
	[sflag:s18] =	ssyncadd.s32 $0xFFFFFF80  }
0x79: {  	[spmem:s3] =	stream.indirect.scatter.add.f32 [tilespmem:s1], [sflag:$0x3], $0x80, s28, s31, $0xb8;
	[tilespmem:$0x1E280] =	vst v63  }
0x7a: {  	_ =	swait.ge @!p2 [sflag:s11], $0x4000  }
0x7b: {  	[sflag:s11] =	ssyncset.done @!p2 $0x0  }
0x7c: {  	s13 =	sadd.s32 $0xFFFFFFD0, s10;
	[sflag:s11] =	ssyncadd.s32 @!p2 $0xFFFFC000;
	s11 =	sshra.s32 s8, $0x2  }
0x7d: {  	[tilespmem:s19], [sflag:$0x8] =	stream.linear.gather [hbm4b:s13+s4], $0x80, $0x38;
	[tilespmem:$0x1E280] =	vst v63  }
0x7e: {  	s12 =	sadd.s32 $0x80, s11  }
0x7f: {  	[tilespmem:s0], [sflag:$0x2] =	stream.indirect.gather [hbm4b:s2+s31], $0x80, s12, s31, $0xb8;
	[tilespmem:$0x1E280] =	vst v63  }
0x80: {  	_ =	swait.ge [sflag:s20], $0x4000  }
0x81: {  	[sflag:s20] =	ssyncset.done $0x0  }
0x82: {  	[sflag:s20] =	ssyncadd.s32 $0xFFFFC000  }
0x83: {  	_ =	swait.ge [sflag:s21], $0x80  }
0x84: {  	[sflag:s21] =	ssyncset.done $0x0  }
0x85: {  	[sflag:s21] =	ssyncadd.s32 $0xFFFFFF80  }
0x86: {  	[spmem:s3] =	stream.indirect.scatter.add.f32 [tilespmem:s0], [sflag:$0x4], $0x80, s29, s31, $0xb8;
	[tilespmem:$0x1E280] =	vst v63  }
0x87: {  	p2 =	seq.s32 s8, $0x2000;
	_ =	swait.ge [sflag:s24], $0x4000  }
0x88: {  	s13 =	simm.s32 @!p2 $0x0;
	[sflag:s24] =	ssyncset.done $0x0  }
0x89: {  	s14 =	simm.s32 @!p2 $0x2800;
	s12 =	sadd.s32 @!p2 $0xFFFFFFE0, s10;
	[sflag:s24] =	ssyncadd.s32 $0xFFFFC000  }
0x8a: {  	[tilespmem:s14], [sflag:$0x5] =	stream.linear.gather @!p2 [hbm4b:s12+s13], $0x80, $0x38;
	[tilespmem:$0x1E280] =	vst v63  }
0x8b: {  	s14 =	sadd.s32 $0x100, s11  }
0x8c: {  	[tilespmem:s1], [sflag:$0x1] =	stream.indirect.gather [hbm4b:s2+s31], $0x80, s14, s31, $0xb8;
	[tilespmem:$0x1E280] =	vst v63  }
0x8d: {  	_ =	swait.ge [sflag:s17], $0x4000  }
0x8e: {  	[sflag:s17] =	ssyncset.done $0x0  }
0x8f: {  	[sflag:s17] =	ssyncadd.s32 $0xFFFFC000  }
0x90: {  	_ =	swait.ge [sflag:s25], $0x80  }
0x91: {  	[sflag:s25] =	ssyncset.done $0x0  }
0x92: {  	[sflag:s25] =	ssyncadd.s32 $0xFFFFFF80  }
0x93: {  	[spmem:s3] =	stream.indirect.scatter.add.f32 [tilespmem:s1], [sflag:$0x3], $0x80, s30, s31, $0xb8;
	[tilespmem:$0x1E280] =	vst v63  }
0x94: {  	_ =	swait.ge [sflag:s16], $0x4000  }
0x95: {  	[sflag:s16] =	ssyncset.done $0x0  }
0x96: {  	s12 =	sadd.s32 @!p2 $0xFFFFFFF0, s10;
	s14 =	simm.s32 @!p2 $0x2880;
	[sflag:s16] =	ssyncadd.s32 $0xFFFFC000  }
0x97: {  	[tilespmem:s14], [sflag:$0x6] =	stream.linear.gather @!p2 [hbm4b:s12+s13], $0x80, $0x38;
	[tilespmem:$0x1E280] =	vst v63  }
0x98: {  	s14 =	sadd.s32 $0x180, s11  }
0x99: {  	[tilespmem:s0], [sflag:$0x2] =	stream.indirect.gather [hbm4b:s2+s31], $0x80, s14, s31, $0xb8;
	[tilespmem:$0x1E280] =	vst v63  }
0x9a: {  	_ =	swait.ge [sflag:s20], $0x4000  }
0x9b: {  	[sflag:s20] =	ssyncset.done $0x0  }
0x9c: {  	[sflag:s20] =	ssyncadd.s32 $0xFFFFC000  }
0x9d: {  	_ =	swait.ge [sflag:s6], $0x80  }
0x9e: {  	[sflag:s6] =	ssyncset.done $0x0  }
.Ltmp4:
0x9f: {  	[sflag:s6] =	ssyncadd.s32 $0xFFFFFF80;
	(pc) =	sbr.rel @p2 .LBB2_10-.Ltmp4, $4  }
0xa0: {  	[spmem:s3] =	stream.indirect.scatter.add.f32 [tilespmem:s0], [sflag:$0x4], $0x80, s19, s31, $0xb8;
	[tilespmem:$0x1E280] =	vst v63  }
0xa1: {  	_ =	swait.ge [sflag:s24], $0x4000  }
0xa2: {  	[sflag:s24] =	ssyncset.done $0x0  }
0xa3: {  	[sflag:s24] =	ssyncadd.s32 $0xFFFFC000  }
.Ltmp5:
0xa4: {  	(pc) =	sbr.rel .LBB2_8-.Ltmp5, $4  }
0xa5: {  	_ = 	snop  }
0xa6: {  	[tilespmem:s30], [sflag:$0x7] =	stream.linear.gather [hbm4b:s10+s4], $0x80, $0x38;
	[tilespmem:$0x1E280] =	vst v63  }
0xa7: {  	s11 =	sadd.s32 $0x200, s11;
	s8 =	sadd.s32 $0x800, s8;
	s10 =	sadd.s32 $0x40, s10  }
0xa8: {  	[tilespmem:s1], [sflag:$0x1] =	stream.indirect.gather [hbm4b:s2+s31], $0x80, s11, s31, $0xb8;
	[tilespmem:$0x1E280] =	vst v63  }
.LBB2_4:
0xa9: {  	s10 =	rddreg [dreg:$0xc]  }
0xaa: {  	[tilespmem:s28], [sflag:$0x5] =	stream.linear.gather [hbm4b:s10+s8], $0x80, $0x38;
	[tilespmem:$0x1E280] =	vst v63  }
0xab: {  	s13 =	rddreg [dreg:$0xd]  }
0xac: {  	[tilespmem:s29], [sflag:$0x6] =	stream.linear.gather [hbm4b:s13+s8], $0x80, $0x38;
	[tilespmem:$0x1E280] =	vst v63  }
0xad: {  	s14 =	rddreg [dreg:$0xe]  }
0xae: {  	[tilespmem:s30], [sflag:$0x7] =	stream.linear.gather [hbm4b:s14+s8], $0x80, $0x38;
	[tilespmem:$0x1E280] =	vst v63  }
0xaf: {  	s10 =	rddreg [dreg:$0x12]  }
0xb0: {  	[tilespmem:s1], [sflag:$0x1] =	stream.indirect.gather [hbm4b:s2+s31], $0x80, s8, s31, $0xb8;
	[tilespmem:$0x1E280] =	vst v63  }
.LBB2_5:
0xb1: {  	_ =	swait.ge [sflag:s17], $0x4000  }
0xb2: {  	[sflag:s17] =	ssyncset.done $0x0  }
0xb3: {  	[sflag:s17] =	ssyncadd.s32 $0xFFFFC000  }
0xb4: {  	_ =	swait.ge [sflag:s18], $0x80  }
0xb5: {  	p2 =	seq.s32 s8, $0x0;
	[sflag:s18] =	ssyncset.done $0x0  }
0xb6: {  	s11 =	simm.s32 @!p2 $0x4;
	[sflag:s18] =	ssyncadd.s32 $0xFFFFFF80  }
0xb7: {  	[spmem:s3] =	stream.indirect.scatter.add.f32 [tilespmem:s1], [sflag:$0x3], $0x80, s28, s31, $0xb8;
	[tilespmem:$0x1E280] =	vst v63  }
0xb8: {  	_ =	swait.ge @!p2 [sflag:s11], $0x4000  }
0xb9: {  	[sflag:s11] =	ssyncset.done @!p2 $0x0  }
0xba: {  	s13 =	sadd.s32 $0xFFFFFFD0, s10;
	[sflag:s11] =	ssyncadd.s32 @!p2 $0xFFFFC000;
	s11 =	sshra.s32 s8, $0x2  }
0xbb: {  	[tilespmem:s19], [sflag:$0x8] =	stream.linear.gather [hbm4b:s13+s4], $0x80, $0x38;
	[tilespmem:$0x1E280] =	vst v63  }
0xbc: {  	s12 =	sadd.s32 $0x80, s11  }
0xbd: {  	[tilespmem:s0], [sflag:$0x2] =	stream.indirect.gather [hbm4b:s2+s31], $0x80, s12, s31, $0xb8;
	[tilespmem:$0x1E280] =	vst v63  }
0xbe: {  	_ =	swait.ge [sflag:s20], $0x4000  }
0xbf: {  	[sflag:s20] =	ssyncset.done $0x0  }
0xc0: {  	[sflag:s20] =	ssyncadd.s32 $0xFFFFC000  }
0xc1: {  	_ =	swait.ge [sflag:s21], $0x80  }
0xc2: {  	[sflag:s21] =	ssyncset.done $0x0  }
0xc3: {  	[sflag:s21] =	ssyncadd.s32 $0xFFFFFF80  }
0xc4: {  	[spmem:s3] =	stream.indirect.scatter.add.f32 [tilespmem:s0], [sflag:$0x4], $0x80, s29, s31, $0xb8;
	[tilespmem:$0x1E280] =	vst v63  }
0xc5: {  	p2 =	seq.s32 s8, $0x9800;
	_ =	swait.ge [sflag:s24], $0x4000  }
0xc6: {  	s13 =	simm.s32 @!p2 $0x0;
	[sflag:s24] =	ssyncset.done $0x0  }
0xc7: {  	s14 =	simm.s32 @!p2 $0x2800;
	s12 =	sadd.s32 @!p2 $0xFFFFFFE0, s10;
	[sflag:s24] =	ssyncadd.s32 $0xFFFFC000  }
0xc8: {  	[tilespmem:s14], [sflag:$0x5] =	stream.linear.gather @!p2 [hbm4b:s12+s13], $0x80, $0x38;
	[tilespmem:$0x1E280] =	vst v63  }
0xc9: {  	s14 =	sadd.s32 $0x100, s11  }
0xca: {  	[tilespmem:s1], [sflag:$0x1] =	stream.indirect.gather [hbm4b:s2+s31], $0x80, s14, s31, $0xb8;
	[tilespmem:$0x1E280] =	vst v63  }
0xcb: {  	_ =	swait.ge [sflag:s17], $0x4000  }
0xcc: {  	[sflag:s17] =	ssyncset.done $0x0  }
0xcd: {  	[sflag:s17] =	ssyncadd.s32 $0xFFFFC000  }
0xce: {  	_ =	swait.ge [sflag:s25], $0x80  }
0xcf: {  	[sflag:s25] =	ssyncset.done $0x0  }
0xd0: {  	[sflag:s25] =	ssyncadd.s32 $0xFFFFFF80  }
0xd1: {  	[spmem:s3] =	stream.indirect.scatter.add.f32 [tilespmem:s1], [sflag:$0x3], $0x80, s30, s31, $0xb8;
	[tilespmem:$0x1E280] =	vst v63  }
0xd2: {  	_ =	swait.ge [sflag:s16], $0x4000  }
0xd3: {  	[sflag:s16] =	ssyncset.done $0x0  }
0xd4: {  	s12 =	sadd.s32 @!p2 $0xFFFFFFF0, s10;
	s14 =	simm.s32 @!p2 $0x2880;
	[sflag:s16] =	ssyncadd.s32 $0xFFFFC000  }
0xd5: {  	[tilespmem:s14], [sflag:$0x6] =	stream.linear.gather @!p2 [hbm4b:s12+s13], $0x80, $0x38;
	[tilespmem:$0x1E280] =	vst v63  }
0xd6: {  	s14 =	sadd.s32 $0x180, s11  }
0xd7: {  	[tilespmem:s0], [sflag:$0x2] =	stream.indirect.gather [hbm4b:s2+s31], $0x80, s14, s31, $0xb8;
	[tilespmem:$0x1E280] =	vst v63  }
0xd8: {  	_ =	swait.ge [sflag:s20], $0x4000  }
0xd9: {  	[sflag:s20] =	ssyncset.done $0x0  }
0xda: {  	[sflag:s20] =	ssyncadd.s32 $0xFFFFC000  }
0xdb: {  	_ =	swait.ge [sflag:s6], $0x80  }
0xdc: {  	[sflag:s6] =	ssyncset.done $0x0  }
.Ltmp6:
0xdd: {  	[sflag:s6] =	ssyncadd.s32 $0xFFFFFF80;
	(pc) =	sbr.rel @p2 .LBB2_10-.Ltmp6, $4  }
0xde: {  	[spmem:s3] =	stream.indirect.scatter.add.f32 [tilespmem:s0], [sflag:$0x4], $0x80, s19, s31, $0xb8;
	[tilespmem:$0x1E280] =	vst v63  }
0xdf: {  	_ =	swait.ge [sflag:s24], $0x4000  }
0xe0: {  	[sflag:s24] =	ssyncset.done $0x0  }
0xe1: {  	[sflag:s24] =	ssyncadd.s32 $0xFFFFC000  }
.Ltmp7:
0xe2: {  	(pc) =	sbr.rel .LBB2_5-.Ltmp7, $4  }
0xe3: {  	_ = 	snop  }
0xe4: {  	[tilespmem:s30], [sflag:$0x7] =	stream.linear.gather [hbm4b:s10+s4], $0x80, $0x38;
	[tilespmem:$0x1E280] =	vst v63  }
0xe5: {  	s11 =	sadd.s32 $0x200, s11;
	s8 =	sadd.s32 $0x800, s8;
	s10 =	sadd.s32 $0x40, s10  }
0xe6: {  	[tilespmem:s1], [sflag:$0x1] =	stream.indirect.gather [hbm4b:s2+s31], $0x80, s11, s31, $0xb8;
	[tilespmem:$0x1E280] =	vst v63  }
.LBB2_11:
0xe7: {  	_ =	sfence.sel $0x180000  }
0xe8: {  	[bflag:$0x0] =	sbarrier.arrive $0xFFFF  }
0xe9: {  	_ =	strace $0x9000004D  }
0xea: {  	s0 =	stileid.u32;
	[bflag:$0x2] =	sbarrier.arrive $0xFFFF  }
0xeb: {  	p0 =	sne.s32 s0, $0x0;
	s0 =	rddreg [dreg:$0x3]  }
0xec: {  	s0 =	sadd.s32 @!p0 $0x100000, s0  }
0xed: {  	[sflag:s0] =	ssyncadd.tile.s32 @!p0 $0x1;
	_ =	shalt  }
.Lfunc_end2:
_tile_overlayer_lowered:
.L_overlay_start_2:
0xee: {  	(tag) =	ssettag $0x2  }
0xef: {  	s0 =	rddreg [dreg:$0x0];
	s2 =	stileid.u32  }
0xf0: {  	s1 =	rddreg [dreg:$0x1];
	p0 =	sne.s32 s2, $0x0  }
0xf1: {  	s3 =	rddreg [dreg:$0x2];
	[bflag:$0x3] =	sbarrier.arrive $0xFFFF;
	s2 =	simm.s32 @!p0 $0x1C09  }
0xf2: {  	[timem:s3], [sflag:s2] =	dma.local @!p0 [hbm:s0], s1  }
0xf3: {  	s0 =	simm.s32 @!p0 $0x9  }
0xf4: {  	_ =	swait.ge @!p0 [sflag:s0], s1  }
0xf5: {  	s1 =	ssub.s32 @!p0 $0x0, s1;
	[sflag:s0] =	ssyncset.done @!p0 $0x0  }
0xf6: {  	[sflag:s0] =	ssyncadd.s32 @!p0 s1  }
0xf7: {  	[bflag:$0x3] =	sbarrier.arrive $0xFFFF  }
0xf8: {  	_ =	shalt  }

// kernel: kernel.8.cloned.1.call-start
scs
__scs_entry_jumppad:
0x0: {  	(pc) =	sbr.rel $0x88, $3  }
0x1: {  	(tag) =	ssettag $0x0;
	lr =	simm.s32 $0x1  }
0x2: {  	[smem:$0x3F98] =	sst lr;
	_ =	strace $0xD0000000  }
0x3: {  	_ = 	snop  }
0x4: {  	_ = 	snop  }
0x5: {  	_ = 	snop  }
0x6: {  	_ = 	snop  }
0x7: {  	_ = 	snop  }
__scs_overlays_trampoline_lowered:
0x8: {  	[smem:$0x3FA7] =	sst s0  }
0x9: {  	[smem:$0x3FA8] =	sst s1  }
0xa: {  	[smem:$0x3FA9] =	sst s2  }
0xb: {  	[smem:$0x3FAA] =	sst s3  }
0xc: {  	[smem:$0x3FAB] =	sst s4  }
0xd: {  	[smem:$0x3FAC] =	sst s5  }
0xe: {  	[smem:$0x3FAD] =	sst s6  }
0xf: {  	[smem:$0x3FAE] =	sst s7  }
0x10: {  	[smem:$0x3FAF] =	sst s8  }
0x11: {  	[smem:$0x3FB0] =	sst s9;
	s0 =	simm.s32 @!p0 $0x0  }
0x12: {  	s1 =	sld [smem:$0x3F96];
	s0 =	simm.s32 @p0 $0x1  }
0x13: {  	[smem:$0x3FB1] =	sst s0;
	s0 =	simm.s32 @!p1 $0x0  }
0x14: {  	s2 =	sld [smem:$0x3F95];
	s0 =	simm.s32 @p1 $0x1  }
0x15: {  	[smem:$0x3FB2] =	sst s0;
	s0 =	simm.s32 @!p2 $0x0  }
0x16: {  	s3 =	sld [smem:$0x3FDB];
	s0 =	simm.s32 @p2 $0x1  }
0x17: {  	s4 =	simm.s32 $0x1BF5;
	[smem:$0x3FB4] =	sst s0  }
0x18: {  	s0 =	sld [smem:$0x3F97];
	_ =	swait.ge [sflag:s4], $0x0  }
0x19: {  	s7 =	sld [smem:$0x3F98]  }
0x1a: {  	s8 =	sadd.s32 $0xFFFFE003, lr  }
0x1b: {  	s9 =	sadd.s32 $0xFFFFFEF7, lr;
	s5 =	simm.s32 $0xFFFFFFFF;
	p2 =	slt.u32 s8, $0xFFFFF086  }
0x1c: {  	p1 =	slt.u32 s9, $0xF7A;
	s5 =	simm.s32 @!p2 $0x0  }
0x1d: {  	s5 =	simm.s32 @p1 $0x1;
	p0 =	seq.s32 s7, s2  }
0x1e: {  	s7 =	smul.u32 @!p0 $0xF7A, s2;
	p2 =	seq.s32 @!p0 s5, $0x0  }
0x1f: {  	s9 =	smul.u32 $0xF7A, s1;
	s8 =	simm.s32 @!p0 $0x1BF5;
	p2 =	por !p2, p0  }
0x20: {  	[sflag:s8] =	ssyncset.s32 @!p0 $0xFFFFF086;
	s6 =	sadd.s32 @!p0 s3, s7;
	s7 =	simm.s32 @!p0 $0x108  }
0x21: {  	s3 =	sadd.s32 s3, s9;
	s6 =	sadd.s32 @!p0 $0x88, s6;
	s7 =	simm.s32 @p2 $0x1082  }
0x22: {  	[simem:s7], [sflag:s8] =	dma.local @!p0 [hbm:s6], $0xF7A  }
0x23: {  	s9 =	sor.u32 $0xD0000000, s2;
	s6 =	simm.s32 $0x108;
	_ =	swait.ge @!p0 [sflag:s8], $0x0  }
0x24: {  	s3 =	sadd.s32 $0x88, s3;
	s6 =	simm.s32 @!p1 $0x1082;
	[sflag:s4] =	ssyncset.s32 $0xFFFFF086  }
0x25: {  	[simem:s6], [sflag:s4] =	dma.local [hbm:s3], $0xF7A  }
0x26: {  	[smem:$0x3F98] =	sst s1;
	(tag) =	ssettag s2;
	_ =	strace s9  }
0x27: {  	s1 =	sld [smem:$0x3FA8]  }
0x28: {  	s2 =	sld [smem:$0x3FA9]  }
0x29: {  	s4 =	sld [smem:$0x3FAB]  }
0x2a: {  	p0 =	seq.s32 s5, $0x0;
	s5 =	sld [smem:$0x3FAC]  }
0x2b: {  	s6 =	sld [smem:$0x3FAD]  }
0x2c: {  	s7 =	sld [smem:$0x3FAE]  }
0x2d: {  	s3 =	simm.s32 $0x108;
	s8 =	sld [smem:$0x3FAF]  }
0x2e: {  	s3 =	simm.s32 @!p0 $0x1082;
	s9 =	sld [smem:$0x3FB0]  }
0x2f: {  	lr =	sadd.s32 s0, s3;
	s0 =	sld [smem:$0x3FA7]  }
0x30: {  	s3 =	sld [smem:$0x3FAA]  }
0x31: {  	[smem:$0x3FB3] =	sst s10  }
0x32: {  	s10 =	sld [smem:$0x3FB1];
	_ =	sdelay $0x3  }
0x33: {  	p0 =	seq.s32 s10, $0x1;
	s10 =	sld [smem:$0x3FB3];
	_ =	sdelay $0x3  }
0x34: {  	[smem:$0x3FB3] =	sst s10  }
0x35: {  	s10 =	sld [smem:$0x3FB2];
	_ =	sdelay $0x3  }
0x36: {  	p1 =	seq.s32 s10, $0x1;
	s10 =	sld [smem:$0x3FB3];
	_ =	sdelay $0x3  }
0x37: {  	[smem:$0x3FB3] =	sst s10  }
0x38: {  	s10 =	sld [smem:$0x3FB4]  }
0x39: {  	_ = 	snop;
	(pc) =	sbr.ind lr, $3  }
0x3a: {  	_ = 	snop  }
0x3b: {  	_ = 	snop  }
0x3c: {  	p2 =	seq.s32 s10, $0x1;
	s10 =	sld [smem:$0x3FB3]  }
0x3d: {  	_ =	shalt  }
0x3e: {  	_ =	shalt  }
0x3f: {  	_ =	shalt  }
0x40: {  	_ =	shalt  }
0x41: {  	_ =	shalt  }
0x42: {  	_ =	shalt  }
0x43: {  	_ =	shalt  }
0x44: {  	_ =	shalt  }
0x45: {  	_ =	shalt  }
0x46: {  	_ =	shalt  }
0x47: {  	_ =	shalt  }
0x48: {  	_ =	shalt  }
0x49: {  	_ =	shalt  }
0x4a: {  	_ =	shalt  }
0x4b: {  	_ =	shalt  }
0x4c: {  	_ =	shalt  }
0x4d: {  	_ =	shalt  }
0x4e: {  	_ =	shalt  }
0x4f: {  	_ =	shalt  }
0x50: {  	_ =	shalt  }
0x51: {  	_ =	shalt  }
0x52: {  	_ =	shalt  }
0x53: {  	_ =	shalt  }
0x54: {  	_ =	shalt  }
0x55: {  	_ =	shalt  }
0x56: {  	_ =	shalt  }
0x57: {  	_ =	shalt  }
0x58: {  	_ =	shalt  }
0x59: {  	_ =	shalt  }
0x5a: {  	_ =	shalt  }
0x5b: {  	_ =	shalt  }
0x5c: {  	_ =	shalt  }
0x5d: {  	_ =	shalt  }
0x5e: {  	_ =	shalt  }
0x5f: {  	_ =	shalt  }
0x60: {  	_ =	shalt  }
0x61: {  	_ =	shalt  }
0x62: {  	_ =	shalt  }
0x63: {  	_ =	shalt  }
0x64: {  	_ =	shalt  }
0x65: {  	_ =	shalt  }
0x66: {  	_ =	shalt  }
0x67: {  	_ =	shalt  }
0x68: {  	_ =	shalt  }
0x69: {  	_ =	shalt  }
0x6a: {  	_ =	shalt  }
0x6b: {  	_ =	shalt  }
0x6c: {  	_ =	shalt  }
0x6d: {  	_ =	shalt  }
0x6e: {  	_ =	shalt  }
0x6f: {  	_ =	shalt  }
0x70: {  	_ =	shalt  }
0x71: {  	_ =	shalt  }
0x72: {  	_ =	shalt  }
0x73: {  	_ =	shalt  }
0x74: {  	_ =	shalt  }
0x75: {  	_ =	shalt  }
0x76: {  	_ =	shalt  }
0x77: {  	_ =	shalt  }
0x78: {  	_ =	shalt  }
0x79: {  	_ =	shalt  }
0x7a: {  	_ =	shalt  }
0x7b: {  	_ =	shalt  }
0x7c: {  	_ =	shalt  }
0x7d: {  	_ =	shalt  }
0x7e: {  	_ =	shalt  }
0x7f: {  	_ =	shalt  }
0x80: {  	_ =	shalt  }
0x81: {  	_ =	shalt  }
0x82: {  	_ =	shalt  }
0x83: {  	_ =	shalt  }
0x84: {  	_ =	shalt  }
0x85: {  	_ =	shalt  }
0x86: {  	_ =	shalt  }
0x87: {  	_ =	shalt  }
.Lfunc_end0:
.L_simem_size_0:
called_computation_lowered:
.L_overlay_start_0:
0x88: {  	s2 =	sld [smem:$0x3FD9]  }
0x89: {  	s3 =	sld [smem:$0x3FFE];
	_ =	sdelay $0x1  }
0x8a: {  	s1 =	srdreg.scid  }
0x8b: {  	s0 =	sand.u32 $0x1, s1  }
0x8c: {  	s17 =	sshll.u32 s0, $0xA;
	s2 =	sadd.s32 s3, s2  }
0x8d: {  	s2 =	sadd.s32 s2, s17  }
0x8e: {  	[smem:$0x3FBF] =	sst s2  }
0x8f: {  	_ = 	snop  }
0x90: {  	s2 =	sld [smem:$0x3FC9];
	(tm) =	ssettm $0x1  }
0x91: {  	s18 =	sld [smem:$0x3FFB];
	_ =	sdelay $0x3  }
0x92: {  	_ =	strace s18  }
0x93: {  	s3 =	sld [smem:$0x3FFC];
	_ =	sdelay $0x3  }
0x94: {  	_ =	strace s3  }
0x95: {  	s3 =	sld [smem:$0x3FFD];
	_ =	sdelay $0x3  }
0x96: {  	_ =	strace s3  }
0x97: {  	_ =	strace $0x8FFFFFFF  }
0x98: {  	s19 =	sld [smem:$0x3FDB];
	_ =	sdelay $0x1  }
0x99: {  	s4 =	simm.s32 $_scs_section_size  }
0x9a: {  	s5 =	simm.s32 $_size__tile_overlayer_lowered;
	s6 =	simm.s32 $_tile_overlayer_lowered  }
0x9b: {  	s22 =	simm.s32 $0x1BFF;
	s21 =	sshll.u32 s6, $0x1;
	s3 =	sadd.s32 s4, s19  }
0x9c: {  	s7 =	simm.s32 $0x0;
	s20 =	sshll.u32 s5, $0x1;
	s5 =	sadd.s32 s21, s3  }
0x9d: {  	[timem:s7], [sflag:s22] =	dma.local [hbm:s5], s20  }
0x9e: {  	_ =	swait.ge [sflag:s22], s20  }
0x9f: {  	s4 =	ssub.s32 $0x0, s20;
	[sflag:s22] =	ssyncset.done $0x0  }
0xa0: {  	[sflag:s22] =	ssyncadd.s32 s4;
	_ =	sdelay $0x1  }
0xa1: {  	s23 =	simm.s32 $0x1B8B  }
0xa2: {  	_ =	swait.ge [sflag:s23], $0x1  }
0xa3: {  	[sflag:s23] =	ssyncset.done $0x0  }
0xa4: {  	s25 =	simm.s32 $0x1B8E;
	s24 =	sld [smem:$0x3FFE];
	[sflag:s23] =	ssyncadd.s32 $0xFFFFFFFF  }
0xa5: {  	s26 =	simm.s32 $execute0_lowered;
	[smem:$0x3FD2] =	sst s25  }
0xa6: {  	s5 =	sshll.u32 s26, $0x1;
	_ =	strace $0x80000046;
	[dreg:$0x1] =	wrdreg $0xFFFFFFFF  }
0xa7: {  	s28 =	simm.s32 $_size_execute0_lowered;
	s3 =	sadd.s32 s3, s5;
	[dreg:$0x0] =	wrdreg $0x0  }
0xa8: {  	s5 =	sshll.u32 s28, $0x1;
	[dreg:$0x2] =	wrdreg s3  }
0xa9: {  	[dreg:$0x3] =	wrdreg s5  }
0xaa: {  	[dreg:$0x4] =	wrdreg $0xC0  }
0xab: {  	_ =	task [dreg:s7], $0x5FFFF  }
0xac: {  	[dreg:$0x1] =	wrdreg $0xFFFFFFFF  }
0xad: {  	[dreg:$0x0] =	wrdreg $0x60  }
0xae: {  	[dreg:$0x2] =	wrdreg s2  }
0xaf: {  	[dreg:$0x3] =	wrdreg s24  }
0xb0: {  	[dreg:$0x4] =	wrdreg $0xAA000  }
0xb1: {  	[dreg:$0x5] =	wrdreg $0x9  }
0xb2: {  	_ =	task.clear_ibuf [dreg:s7], $0x6FFFF;
	_ =	strace $0x90000046  }
0xb3: {  	s29 =	simm.s32 $0x9;
	_ =	strace $0x80000048  }
0xb4: {  	_ =	swait.ge [sflag:s29], $0x1  }
0xb5: {  	[sflag:s29] =	ssyncadd.s32 $0xFFFFFFFF  }
0xb6: {  	_ =	strace $0x90000048  }
0xb7: {  	_ =	sfence  }
0xb8: {  	s30 =	sld [smem:$0x0];
	_ =	sdelay $0x2  }
0xb9: {  	s31 =	sshll.u32 s1, $0xD;
	s1 =	sshrl.u32 s1, $0x2  }
0xba: {  	s3 =	sand.u32 $0x4000, s31;
	s1 =	sadd.s32 s1, s30  }
0xbb: {  	s0 =	sor.u32 s3, s0;
	s1 =	sshll.u32 s1, $0x11  }
0xbc: {  	s0 =	sor.u32 s1, s0  }
0xbd: {  	s0 =	sadd.s32 $0x8F2B, s0  }
0xbe: {  	[sflag:s0] =	ssyncadd.remote.s32 $0x1  }
0xbf: {  	_ =	sfence.sel $0xFFFF  }
0xc0: {  	[dreg:$0x0] =	wrdreg $0xFFFFFFFF;
	(pc) =	sbr.abs _section_cstart, $3  }
0xc1: {  	[dreg:$0x1] =	wrdreg $0xFFFFFFFF  }
0xc2: {  	_ =	task.clear_ibuf [dreg:s7], $0x2FFFF;
	_ =	strace $0x9FFFFFFF  }
0xc3: {  	(tm) =	ssettm $0x7FFFFFFF  }
tec
execute0_lowered:
.L_overlay_start_1:
0x0: {  	(tag) =	ssettag $0x1  }
0x1: {  	s0 =	srdreg.scid;
	s2 =	rddreg [dreg:$0x0]  }
0x2: {  	s14 =	stileid.u32;
	s6 =	rddreg [dreg:$0x1]  }
0x3: {  	s3 =	rddreg [dreg:$0x2];
	s4 =	simm.s32 $0x0;
	s28 =	simm.s32 $0x2800  }
0x4: {  	s29 =	simm.s32 $0x2880;
	s30 =	simm.s32 $0x2900;
	s5 =	smul.u32 $0x278, s14  }
0x5: {  	s31 =	simm.s32 $0x80;
	[smem:$0x7FF] =	sst s4;
	s9 =	smul.u32 $0x4F000, s14  }
0x6: {  	s0 =	sand.u32 $0x1, s0;
	s15 =	sadd.s32 $0x12C400, s3;
	s17 =	sadd.s32 $0x134400, s3  }
0x7: {  	s25 =	sadd.s32 $0xCE00, s6;
	s19 =	sadd.s32 $0x138400, s3;
	s21 =	smul.u32 $0x500, s14  }
0x8: {  	s23 =	sadd.s32 $0x16900, s6;
	_ =	strace $0x80000047;
	[dreg:$0x7] =	wrdreg s15  }
0x9: {  	s24 =	sadd.s32 $0x16910, s6;
	p1 =	seq.s32 s14, $0xF;
	[dreg:$0x9] =	wrdreg s17  }
0xa: {  	s1 =	sshll.u32 s0, $0x4;
	s8 =	smul.u32 $0x2710, s0;
	[dreg:$0xb] =	wrdreg s19  }
0xb: {  	s12 =	ssub.s32 $0x2, s0;
	s15 =	sadd.s32 $0x130400, s3;
	[dreg:$0xf] =	wrdreg s23  }
0xc: {  	s0 =	smul.u32 $0x5000, s0;
	[dreg:$0x10] =	wrdreg s24;
	s17 =	simm.s32 $0x1  }
0xd: {  	s19 =	simm.s32 $0x2980;
	s24 =	simm.s32 $0x3;
	s1 =	sor.u32 s14, s1  }
0xe: {  	s9 =	sshrl.u32 s9, $0x2;
	[dreg:$0x8] =	wrdreg s15;
	s7 =	smul.u32 $0x500, s1  }
0xf: {  	s5 =	sadd.s32 s5, s8;
	s0 =	sadd.s32 s0, s25;
	p0 =	seq.s32 s1, $0x1F  }
0x10: {  	s1 =	simm.s32 $0x2A00;
	s5 =	sshll.u32 s5, $0x4;
	s0 =	sadd.s32 s21, s0  }
0x11: {  	s21 =	simm.s32 $0x6;
	s10 =	sadd.s32 s7, s6;
	s20 =	sadd.s32 s25, s7  }
0x12: {  	s11 =	sadd.s32 s5, s6;
	s25 =	sadd.s32 $0x16920, s6;
	[dreg:$0xc] =	wrdreg s20  }
0x13: {  	s5 =	sadd.s32 s9, s3;
	s0 =	sadd.s32 $0x60, s0;
	[dreg:$0x11] =	wrdreg s25  }
0x14: {  	s7 =	simm.s32 $0x0;
	s9 =	sadd.s32 $0x4000, s5;
	[dreg:$0x12] =	wrdreg s0  }
0x15: {  	s26 =	sadd.s32 $0x8000, s5;
	s13 =	sadd.s32 $0xC000, s5;
	[dreg:$0x4] =	wrdreg s9  }
0x16: {  	s18 =	sadd.s32 $0x10000, s5;
	s15 =	sadd.s32 $0x2E00, s10;
	[dreg:$0x5] =	wrdreg s26  }
0x17: {  	s22 =	sadd.s32 $0x10, s20;
	s10 =	sadd.s32 $0x20, s20;
	[dreg:$0x6] =	wrdreg s13  }
0x18: {  	s0 =	simm.s32 $0x6A00;
	s20 =	simm.s32 $0x2;
	[dreg:$0xa] =	wrdreg s18  }
.Ltmp0:
0x19: {  	s25 =	simm.s32 $0x7;
	[dreg:$0xd] =	wrdreg s22;
	(pc) =	sbr.rel .LBB2_1-.Ltmp0, $4  }
0x1a: {  	s13 =	sshrl.u32 s12, $0x1;
	s9 =	sadd.s32 $0x128400, s3;
	[dreg:$0xe] =	wrdreg s10  }
0x1b: {  	s22 =	sadd.s32 $0x16E00, s11;
	s26 =	sadd.s32 $0x16960, s6;
	s18 =	simm.s32 $0x5  }
0x1c: {  	s6 =	simm.s32 $0x8;
	s16 =	ssub.s32 s12, s13;
	[dreg:$0x13] =	wrdreg s26  }
0x1d: {  	v0 =	vimm.f32 $0.0e+00;
	s26 =	simm.s32 $0x9;
	s23 =	smax.u32 s16, $0x1;
	s16 =	simm.s32 $0x4  }
.LBB2_10:
0x1e: {  	_ =	swait.ge [sflag:s16], $0x4000  }
0x1f: {  	[sflag:s16] =	ssyncset.done $0x0  }
0x20: {  	[sflag:s16] =	ssyncadd.s32 $0xFFFFC000  }
0x21: {  	s8 =	sshrl.u32 @p1 s9, $0x3;
	s10 =	simm.s32 @p1 $0x1FC9;
	[bflag:$0x0] =	sbarrier.arrive $0xFFFF  }
0x22: {  	[hbm:s22], [sflag:s10] =	dma.local @p1 [spmem:s8], $0x2080  }
0x23: {  	s8 =	simm.s32 @p1 $0x9  }
0x24: {  	s7 =	sadd.s32 $0x1, s7;
	s10 =	stileid.u32;
	_ =	swait.ge @p1 [sflag:s8], $0x2080  }
0x25: {  	p2 =	sne.s32 s7, s23;
	s10 =	sshll.u32 @!p1 s10, $0x6;
	[sflag:s8] =	ssyncset.done @p1 $0x0  }
0x26: {  	[sflag:s8] =	ssyncadd.s32 @p1 $0xFFFFDF80;
	s8 =	sor.u32 @!p1 $0x1C09, s10;
	s10 =	sshrl.u32 @!p1 s5, $0x3  }
0x27: {  	[hbm:s22], [sflag:s8] =	dma.local @!p1 [spmem:s10], $0x2780  }
.Ltmp1:
0x28: {  	_ = 	snop;
	(pc) =	sbr.rel @!p2 .LBB2_11-.Ltmp1, $4  }
0x29: {  	s8 =	simm.s32 @!p1 $0x9  }
0x2a: {  	_ =	swait.ge @!p1 [sflag:s8], $0x2780  }
0x2b: {  	[sflag:s8] =	ssyncset.done @!p1 $0x0  }
0x2c: {  	[sflag:s8] =	ssyncadd.s32 @!p1 $0xFFFFD880  }
.LBB2_1:
0x2d: {  	s8 =	simm.s32 $0x0;
	s10 =	simm.s32 $0x200  }
.LBB2_2:
0x2e: {  	p2 =	sne.s32 s10, $0xFE00;
	[tilespmem:s8+$0x2A70] =	vst v0  }
0x2f: {  	[tilespmem:s8+$0x2A00] =	vst v0  }
0x30: {  	[tilespmem:s8+$0x2A10] =	vst v0  }
.Ltmp2:
0x31: {  	[tilespmem:s8+$0x2A20] =	vst v0;
	(pc) =	sbr.rel @p2 .LBB2_2-.Ltmp2, $4  }
0x32: {  	[tilespmem:s8+$0x2A30] =	vst v0  }
0x33: {  	[tilespmem:s8+$0x2A40] =	vst v0  }
0x34: {  	[tilespmem:s8+$0x2A50] =	vst v0  }
0x35: {  	[tilespmem:s8+$0x2A60] =	vst v0;
	s8 =	sshra.s32 s10, $0x2;
	s10 =	sadd.s32 $0x200, s10  }
0x36: {  	[tilespmem:s8+$0x2A70] =	vst v0  }
0x37: {  	[tilespmem:s8+$0x2A00] =	vst v0  }
0x38: {  	[tilespmem:s8+$0x2A10] =	vst v0  }
0x39: {  	[tilespmem:s8+$0x2A20] =	vst v0  }
0x3a: {  	[tilespmem:s8+$0x2A30] =	vst v0  }
0x3b: {  	[tilespmem:s8+$0x2A40] =	vst v0  }
0x3c: {  	[tilespmem:s8+$0x2A50] =	vst v0  }
0x3d: {  	[tilespmem:s8+$0x2A60] =	vst v0;
	s8 =	simm.s32 @p1 $0x2A00;
	s10 =	simm.s32 @p1 $0x9  }
0x3e: {  	[spmem:s9] =	stream.linear.scatter @p1 [tilespmem:s8], [sflag:$0x9], $0x4000, $0x38;
	[tilespmem:$0x1E280] =	vst v63  }
0x3f: {  	_ =	swait.ge @p1 [sflag:s10], $0x4000  }
0x40: {  	[sflag:s10] =	ssyncset.done @p1 $0x0  }
0x41: {  	s11 =	rddreg [dreg:$0x7];
	[sflag:s10] =	ssyncadd.s32 @p1 $0xFFFFC000  }
0x42: {  	[spmem:s11] =	stream.linear.scatter @p1 [tilespmem:s8], [sflag:$0x9], $0x4000, $0x38;
	[tilespmem:$0x1E280] =	vst v63  }
0x43: {  	_ =	swait.ge @p1 [sflag:s10], $0x4000  }
0x44: {  	[sflag:s10] =	ssyncset.done @p1 $0x0  }
0x45: {  	s11 =	rddreg [dreg:$0x8];
	[sflag:s10] =	ssyncadd.s32 @p1 $0xFFFFC000  }
0x46: {  	[spmem:s11] =	stream.linear.scatter @p1 [tilespmem:s8], [sflag:$0x9], $0x4000, $0x38;
	[tilespmem:$0x1E280] =	vst v63  }
0x47: {  	_ =	swait.ge @p1 [sflag:s10], $0x4000  }
0x48: {  	[sflag:s10] =	ssyncset.done @p1 $0x0  }
0x49: {  	s11 =	rddreg [dreg:$0x9];
	[sflag:s10] =	ssyncadd.s32 @p1 $0xFFFFC000  }
0x4a: {  	[spmem:s11] =	stream.linear.scatter @p1 [tilespmem:s8], [sflag:$0x9], $0x4000, $0x38;
	[tilespmem:$0x1E280] =	vst v63  }
0x4b: {  	_ =	swait.ge @p1 [sflag:s10], $0x4000  }
0x4c: {  	[sflag:s10] =	ssyncset.done @p1 $0x0  }
0x4d: {  	s11 =	rddreg [dreg:$0xb];
	[sflag:s10] =	ssyncadd.s32 @p1 $0xFFFFC000  }
0x4e: {  	[spmem:s11] =	stream.linear.scatter @p1 [tilespmem:s8], [sflag:$0x9], $0x400, $0x38;
	[tilespmem:$0x1E280] =	vst v63  }
0x4f: {  	_ =	swait.ge @p1 [sflag:s10], $0x400  }
0x50: {  	[sflag:s10] =	ssyncset.done @p1 $0x0  }
0x51: {  	s8 =	simm.s32 @!p1 $0x2A00;
	[sflag:s10] =	ssyncadd.s32 @p1 $0xFFFFFC00;
	s10 =	simm.s32 @!p1 $0x9  }
0x52: {  	[spmem:s5] =	stream.linear.scatter @!p1 [tilespmem:s8], [sflag:$0x9], $0x4000, $0x38;
	[tilespmem:$0x1E280] =	vst v63  }
0x53: {  	_ =	swait.ge @!p1 [sflag:s10], $0x4000  }
0x54: {  	[sflag:s10] =	ssyncset.done @!p1 $0x0  }
0x55: {  	s11 =	rddreg [dreg:$0x4];
	[sflag:s10] =	ssyncadd.s32 @!p1 $0xFFFFC000  }
0x56: {  	[spmem:s11] =	stream.linear.scatter @!p1 [tilespmem:s8], [sflag:$0x9], $0x4000, $0x38;
	[tilespmem:$0x1E280] =	vst v63  }
0x57: {  	_ =	swait.ge @!p1 [sflag:s10], $0x4000  }
0x58: {  	[sflag:s10] =	ssyncset.done @!p1 $0x0  }
0x59: {  	s11 =	rddreg [dreg:$0x5];
	[sflag:s10] =	ssyncadd.s32 @!p1 $0xFFFFC000  }
0x5a: {  	[spmem:s11] =	stream.linear.scatter @!p1 [tilespmem:s8], [sflag:$0x9], $0x4000, $0x38;
	[tilespmem:$0x1E280] =	vst v63  }
0x5b: {  	_ =	swait.ge @!p1 [sflag:s10], $0x4000  }
0x5c: {  	[sflag:s10] =	ssyncset.done @!p1 $0x0  }
0x5d: {  	s11 =	rddreg [dreg:$0x6];
	[sflag:s10] =	ssyncadd.s32 @!p1 $0xFFFFC000  }
0x5e: {  	[spmem:s11] =	stream.linear.scatter @!p1 [tilespmem:s8], [sflag:$0x9], $0x4000, $0x38;
	[tilespmem:$0x1E280] =	vst v63  }
0x5f: {  	_ =	swait.ge @!p1 [sflag:s10], $0x4000  }
0x60: {  	[sflag:s10] =	ssyncset.done @!p1 $0x0  }
0x61: {  	s11 =	rddreg [dreg:$0xa];
	[sflag:s10] =	ssyncadd.s32 @!p1 $0xFFFFC000  }
0x62: {  	[spmem:s11] =	stream.linear.scatter @!p1 [tilespmem:s8], [sflag:$0x9], $0x3C00, $0x38;
	[tilespmem:$0x1E280] =	vst v63  }
0x63: {  	_ =	swait.ge @!p1 [sflag:s10], $0x3C00  }
0x64: {  	[sflag:s10] =	ssyncset.done @!p1 $0x0  }
0x65: {  	[sflag:s10] =	ssyncadd.s32 @!p1 $0xFFFFC400  }
.Ltmp3:
0x66: {  	[bflag:$0x0] =	sbarrier.arrive $0xFFFF;
	(pc) =	sbr.rel @!p0 .LBB2_4-.Ltmp3, $4  }
0x67: {  	[tilespmem:s4], [sflag:$0x9] =	stream.linear.gather [hbm4b:s15+s4], $0x2800, $0x38;
	[tilespmem:$0x1E280] =	vst v63  }
0x68: {  	_ =	swait.ge [sflag:s26], $0x2800  }
0x69: {  	[sflag:s26] =	ssyncset.done $0x0  }
0x6a: {  	s8 =	simm.s32 $0x0;
	[sflag:s26] =	ssyncadd.s32 $0xFFFFD800  }
0x6b: {  	s10 =	rddreg [dreg:$0xf]  }
0x6c: {  	[tilespmem:s28], [sflag:$0x5] =	stream.linear.gather [hbm4b:s10+s8], $0x80, $0x38;
	[tilespmem:$0x1E280] =	vst v63  }
0x6d: {  	s13 =	rddreg [dreg:$0x10]  }
0x6e: {  	[tilespmem:s29], [sflag:$0x6] =	stream.linear.gather [hbm4b:s13+s8], $0x80, $0x38;
	[tilespmem:$0x1E280] =	vst v63  }
0x6f: {  	s14 =	rddreg [dreg:$0x11]  }
0x70: {  	[tilespmem:s30], [sflag:$0x7] =	stream.linear.gather [hbm4b:s14+s8], $0x80, $0x38;
	[tilespmem:$0x1E280] =	vst v63  }
0x71: {  	s10 =	rddreg [dreg:$0x13]  }
0x72: {  	[tilespmem:s1], [sflag:$0x1] =	stream.indirect.gather [hbm4b:s2+s31], $0x80, s8, s31, $0xb8;
	[tilespmem:$0x1E280] =	vst v63  }
.LBB2_8:
0x73: {  	_ =	swait.ge [sflag:s17], $0x4000  }
0x74: {  	[sflag:s17] =	ssyncset.done $0x0  }
0x75: {  	[sflag:s17] =	ssyncadd.s32 $0xFFFFC000  }
0x76: {  	_ =	swait.ge [sflag:s18], $0x80  }
0x77: {  	p2 =	seq.s32 s8, $0x0;
	[sflag:s18] =	ssyncset.done $0x0  }
0x78: {  	s11 =	simm.s32 @!p2 $0x4;
	[sflag:s18] =	ssyncadd.s32 $0xFFFFFF80  }
0x79: {  	[spmem:s3] =	stream.indirect.scatter.add.f32 [tilespmem:s1], [sflag:$0x3], $0x80, s28, s31, $0xb8;
	[tilespmem:$0x1E280] =	vst v63  }
0x7a: {  	_ =	swait.ge @!p2 [sflag:s11], $0x4000  }
0x7b: {  	[sflag:s11] =	ssyncset.done @!p2 $0x0  }
0x7c: {  	s13 =	sadd.s32 $0xFFFFFFD0, s10;
	[sflag:s11] =	ssyncadd.s32 @!p2 $0xFFFFC000;
	s11 =	sshra.s32 s8, $0x2  }
0x7d: {  	[tilespmem:s19], [sflag:$0x8] =	stream.linear.gather [hbm4b:s13+s4], $0x80, $0x38;
	[tilespmem:$0x1E280] =	vst v63  }
0x7e: {  	s12 =	sadd.s32 $0x80, s11  }
0x7f: {  	[tilespmem:s0], [sflag:$0x2] =	stream.indirect.gather [hbm4b:s2+s31], $0x80, s12, s31, $0xb8;
	[tilespmem:$0x1E280] =	vst v63  }
0x80: {  	_ =	swait.ge [sflag:s20], $0x4000  }
0x81: {  	[sflag:s20] =	ssyncset.done $0x0  }
0x82: {  	[sflag:s20] =	ssyncadd.s32 $0xFFFFC000  }
0x83: {  	_ =	swait.ge [sflag:s21], $0x80  }
0x84: {  	[sflag:s21] =	ssyncset.done $0x0  }
0x85: {  	[sflag:s21] =	ssyncadd.s32 $0xFFFFFF80  }
0x86: {  	[spmem:s3] =	stream.indirect.scatter.add.f32 [tilespmem:s0], [sflag:$0x4], $0x80, s29, s31, $0xb8;
	[tilespmem:$0x1E280] =	vst v63  }
0x87: {  	p2 =	seq.s32 s8, $0x2000;
	_ =	swait.ge [sflag:s24], $0x4000  }
0x88: {  	s13 =	simm.s32 @!p2 $0x0;
	[sflag:s24] =	ssyncset.done $0x0  }
0x89: {  	s14 =	simm.s32 @!p2 $0x2800;
	s12 =	sadd.s32 @!p2 $0xFFFFFFE0, s10;
	[sflag:s24] =	ssyncadd.s32 $0xFFFFC000  }
0x8a: {  	[tilespmem:s14], [sflag:$0x5] =	stream.linear.gather @!p2 [hbm4b:s12+s13], $0x80, $0x38;
	[tilespmem:$0x1E280] =	vst v63  }
0x8b: {  	s14 =	sadd.s32 $0x100, s11  }
0x8c: {  	[tilespmem:s1], [sflag:$0x1] =	stream.indirect.gather [hbm4b:s2+s31], $0x80, s14, s31, $0xb8;
	[tilespmem:$0x1E280] =	vst v63  }
0x8d: {  	_ =	swait.ge [sflag:s17], $0x4000  }
0x8e: {  	[sflag:s17] =	ssyncset.done $0x0  }
0x8f: {  	[sflag:s17] =	ssyncadd.s32 $0xFFFFC000  }
0x90: {  	_ =	swait.ge [sflag:s25], $0x80  }
0x91: {  	[sflag:s25] =	ssyncset.done $0x0  }
0x92: {  	[sflag:s25] =	ssyncadd.s32 $0xFFFFFF80  }
0x93: {  	[spmem:s3] =	stream.indirect.scatter.add.f32 [tilespmem:s1], [sflag:$0x3], $0x80, s30, s31, $0xb8;
	[tilespmem:$0x1E280] =	vst v63  }
0x94: {  	_ =	swait.ge [sflag:s16], $0x4000  }
0x95: {  	[sflag:s16] =	ssyncset.done $0x0  }
0x96: {  	s12 =	sadd.s32 @!p2 $0xFFFFFFF0, s10;
	s14 =	simm.s32 @!p2 $0x2880;
	[sflag:s16] =	ssyncadd.s32 $0xFFFFC000  }
0x97: {  	[tilespmem:s14], [sflag:$0x6] =	stream.linear.gather @!p2 [hbm4b:s12+s13], $0x80, $0x38;
	[tilespmem:$0x1E280] =	vst v63  }
0x98: {  	s14 =	sadd.s32 $0x180, s11  }
0x99: {  	[tilespmem:s0], [sflag:$0x2] =	stream.indirect.gather [hbm4b:s2+s31], $0x80, s14, s31, $0xb8;
	[tilespmem:$0x1E280] =	vst v63  }
0x9a: {  	_ =	swait.ge [sflag:s20], $0x4000  }
0x9b: {  	[sflag:s20] =	ssyncset.done $0x0  }
0x9c: {  	[sflag:s20] =	ssyncadd.s32 $0xFFFFC000  }
0x9d: {  	_ =	swait.ge [sflag:s6], $0x80  }
0x9e: {  	[sflag:s6] =	ssyncset.done $0x0  }
.Ltmp4:
0x9f: {  	[sflag:s6] =	ssyncadd.s32 $0xFFFFFF80;
	(pc) =	sbr.rel @p2 .LBB2_10-.Ltmp4, $4  }
0xa0: {  	[spmem:s3] =	stream.indirect.scatter.add.f32 [tilespmem:s0], [sflag:$0x4], $0x80, s19, s31, $0xb8;
	[tilespmem:$0x1E280] =	vst v63  }
0xa1: {  	_ =	swait.ge [sflag:s24], $0x4000  }
0xa2: {  	[sflag:s24] =	ssyncset.done $0x0  }
0xa3: {  	[sflag:s24] =	ssyncadd.s32 $0xFFFFC000  }
.Ltmp5:
0xa4: {  	(pc) =	sbr.rel .LBB2_8-.Ltmp5, $4  }
0xa5: {  	_ = 	snop  }
0xa6: {  	[tilespmem:s30], [sflag:$0x7] =	stream.linear.gather [hbm4b:s10+s4], $0x80, $0x38;
	[tilespmem:$0x1E280] =	vst v63  }
0xa7: {  	s11 =	sadd.s32 $0x200, s11;
	s8 =	sadd.s32 $0x800, s8;
	s10 =	sadd.s32 $0x40, s10  }
0xa8: {  	[tilespmem:s1], [sflag:$0x1] =	stream.indirect.gather [hbm4b:s2+s31], $0x80, s11, s31, $0xb8;
	[tilespmem:$0x1E280] =	vst v63  }
.LBB2_4:
0xa9: {  	s10 =	rddreg [dreg:$0xc]  }
0xaa: {  	[tilespmem:s28], [sflag:$0x5] =	stream.linear.gather [hbm4b:s10+s8], $0x80, $0x38;
	[tilespmem:$0x1E280] =	vst v63  }
0xab: {  	s13 =	rddreg [dreg:$0xd]  }
0xac: {  	[tilespmem:s29], [sflag:$0x6] =	stream.linear.gather [hbm4b:s13+s8], $0x80, $0x38;
	[tilespmem:$0x1E280] =	vst v63  }
0xad: {  	s14 =	rddreg [dreg:$0xe]  }
0xae: {  	[tilespmem:s30], [sflag:$0x7] =	stream.linear.gather [hbm4b:s14+s8], $0x80, $0x38;
	[tilespmem:$0x1E280] =	vst v63  }
0xaf: {  	s10 =	rddreg [dreg:$0x12]  }
0xb0: {  	[tilespmem:s1], [sflag:$0x1] =	stream.indirect.gather [hbm4b:s2+s31], $0x80, s8, s31, $0xb8;
	[tilespmem:$0x1E280] =	vst v63  }
.LBB2_5:
0xb1: {  	_ =	swait.ge [sflag:s17], $0x4000  }
0xb2: {  	[sflag:s17] =	ssyncset.done $0x0  }
0xb3: {  	[sflag:s17] =	ssyncadd.s32 $0xFFFFC000  }
0xb4: {  	_ =	swait.ge [sflag:s18], $0x80  }
0xb5: {  	p2 =	seq.s32 s8, $0x0;
	[sflag:s18] =	ssyncset.done $0x0  }
0xb6: {  	s11 =	simm.s32 @!p2 $0x4;
	[sflag:s18] =	ssyncadd.s32 $0xFFFFFF80  }
0xb7: {  	[spmem:s3] =	stream.indirect.scatter.add.f32 [tilespmem:s1], [sflag:$0x3], $0x80, s28, s31, $0xb8;
	[tilespmem:$0x1E280] =	vst v63  }
0xb8: {  	_ =	swait.ge @!p2 [sflag:s11], $0x4000  }
0xb9: {  	[sflag:s11] =	ssyncset.done @!p2 $0x0  }
0xba: {  	s13 =	sadd.s32 $0xFFFFFFD0, s10;
	[sflag:s11] =	ssyncadd.s32 @!p2 $0xFFFFC000;
	s11 =	sshra.s32 s8, $0x2  }
0xbb: {  	[tilespmem:s19], [sflag:$0x8] =	stream.linear.gather [hbm4b:s13+s4], $0x80, $0x38;
	[tilespmem:$0x1E280] =	vst v63  }
0xbc: {  	s12 =	sadd.s32 $0x80, s11  }
0xbd: {  	[tilespmem:s0], [sflag:$0x2] =	stream.indirect.gather [hbm4b:s2+s31], $0x80, s12, s31, $0xb8;
	[tilespmem:$0x1E280] =	vst v63  }
0xbe: {  	_ =	swait.ge [sflag:s20], $0x4000  }
0xbf: {  	[sflag:s20] =	ssyncset.done $0x0  }
0xc0: {  	[sflag:s20] =	ssyncadd.s32 $0xFFFFC000  }
0xc1: {  	_ =	swait.ge [sflag:s21], $0x80  }
0xc2: {  	[sflag:s21] =	ssyncset.done $0x0  }
0xc3: {  	[sflag:s21] =	ssyncadd.s32 $0xFFFFFF80  }
0xc4: {  	[spmem:s3] =	stream.indirect.scatter.add.f32 [tilespmem:s0], [sflag:$0x4], $0x80, s29, s31, $0xb8;
	[tilespmem:$0x1E280] =	vst v63  }
0xc5: {  	p2 =	seq.s32 s8, $0x9800;
	_ =	swait.ge [sflag:s24], $0x4000  }
0xc6: {  	s13 =	simm.s32 @!p2 $0x0;
	[sflag:s24] =	ssyncset.done $0x0  }
0xc7: {  	s14 =	simm.s32 @!p2 $0x2800;
	s12 =	sadd.s32 @!p2 $0xFFFFFFE0, s10;
	[sflag:s24] =	ssyncadd.s32 $0xFFFFC000  }
0xc8: {  	[tilespmem:s14], [sflag:$0x5] =	stream.linear.gather @!p2 [hbm4b:s12+s13], $0x80, $0x38;
	[tilespmem:$0x1E280] =	vst v63  }
0xc9: {  	s14 =	sadd.s32 $0x100, s11  }
0xca: {  	[tilespmem:s1], [sflag:$0x1] =	stream.indirect.gather [hbm4b:s2+s31], $0x80, s14, s31, $0xb8;
	[tilespmem:$0x1E280] =	vst v63  }
0xcb: {  	_ =	swait.ge [sflag:s17], $0x4000  }
0xcc: {  	[sflag:s17] =	ssyncset.done $0x0  }
0xcd: {  	[sflag:s17] =	ssyncadd.s32 $0xFFFFC000  }
0xce: {  	_ =	swait.ge [sflag:s25], $0x80  }
0xcf: {  	[sflag:s25] =	ssyncset.done $0x0  }
0xd0: {  	[sflag:s25] =	ssyncadd.s32 $0xFFFFFF80  }
0xd1: {  	[spmem:s3] =	stream.indirect.scatter.add.f32 [tilespmem:s1], [sflag:$0x3], $0x80, s30, s31, $0xb8;
	[tilespmem:$0x1E280] =	vst v63  }
0xd2: {  	_ =	swait.ge [sflag:s16], $0x4000  }
0xd3: {  	[sflag:s16] =	ssyncset.done $0x0  }
0xd4: {  	s12 =	sadd.s32 @!p2 $0xFFFFFFF0, s10;
	s14 =	simm.s32 @!p2 $0x2880;
	[sflag:s16] =	ssyncadd.s32 $0xFFFFC000  }
0xd5: {  	[tilespmem:s14], [sflag:$0x6] =	stream.linear.gather @!p2 [hbm4b:s12+s13], $0x80, $0x38;
	[tilespmem:$0x1E280] =	vst v63  }
0xd6: {  	s14 =	sadd.s32 $0x180, s11  }
0xd7: {  	[tilespmem:s0], [sflag:$0x2] =	stream.indirect.gather [hbm4b:s2+s31], $0x80, s14, s31, $0xb8;
	[tilespmem:$0x1E280] =	vst v63  }
0xd8: {  	_ =	swait.ge [sflag:s20], $0x4000  }
0xd9: {  	[sflag:s20] =	ssyncset.done $0x0  }
0xda: {  	[sflag:s20] =	ssyncadd.s32 $0xFFFFC000  }
0xdb: {  	_ =	swait.ge [sflag:s6], $0x80  }
0xdc: {  	[sflag:s6] =	ssyncset.done $0x0  }
.Ltmp6:
0xdd: {  	[sflag:s6] =	ssyncadd.s32 $0xFFFFFF80;
	(pc) =	sbr.rel @p2 .LBB2_10-.Ltmp6, $4  }
0xde: {  	[spmem:s3] =	stream.indirect.scatter.add.f32 [tilespmem:s0], [sflag:$0x4], $0x80, s19, s31, $0xb8;
	[tilespmem:$0x1E280] =	vst v63  }
0xdf: {  	_ =	swait.ge [sflag:s24], $0x4000  }
0xe0: {  	[sflag:s24] =	ssyncset.done $0x0  }
0xe1: {  	[sflag:s24] =	ssyncadd.s32 $0xFFFFC000  }
.Ltmp7:
0xe2: {  	(pc) =	sbr.rel .LBB2_5-.Ltmp7, $4  }
0xe3: {  	_ = 	snop  }
0xe4: {  	[tilespmem:s30], [sflag:$0x7] =	stream.linear.gather [hbm4b:s10+s4], $0x80, $0x38;
	[tilespmem:$0x1E280] =	vst v63  }
0xe5: {  	s11 =	sadd.s32 $0x200, s11;
	s8 =	sadd.s32 $0x800, s8;
	s10 =	sadd.s32 $0x40, s10  }
0xe6: {  	[tilespmem:s1], [sflag:$0x1] =	stream.indirect.gather [hbm4b:s2+s31], $0x80, s11, s31, $0xb8;
	[tilespmem:$0x1E280] =	vst v63  }
.LBB2_11:
0xe7: {  	_ =	sfence.sel $0x180000  }
0xe8: {  	[bflag:$0x0] =	sbarrier.arrive $0xFFFF  }
0xe9: {  	_ =	strace $0x90000047  }
0xea: {  	s0 =	stileid.u32;
	[bflag:$0x2] =	sbarrier.arrive $0xFFFF  }
0xeb: {  	p0 =	sne.s32 s0, $0x0;
	s0 =	rddreg [dreg:$0x3]  }
0xec: {  	s0 =	sadd.s32 @!p0 $0x100000, s0  }
0xed: {  	[sflag:s0] =	ssyncadd.tile.s32 @!p0 $0x1;
	_ =	shalt  }
.Lfunc_end2:
_tile_overlayer_lowered:
.L_overlay_start_2:
0xee: {  	(tag) =	ssettag $0x2  }
0xef: {  	s0 =	rddreg [dreg:$0x0];
	s2 =	stileid.u32  }
0xf0: {  	s1 =	rddreg [dreg:$0x1];
	p0 =	sne.s32 s2, $0x0  }
0xf1: {  	s3 =	rddreg [dreg:$0x2];
	[bflag:$0x3] =	sbarrier.arrive $0xFFFF;
	s2 =	simm.s32 @!p0 $0x1C09  }
0xf2: {  	[timem:s3], [sflag:s2] =	dma.local @!p0 [hbm:s0], s1  }
0xf3: {  	s0 =	simm.s32 @!p0 $0x9  }
0xf4: {  	_ =	swait.ge @!p0 [sflag:s0], s1  }
0xf5: {  	s1 =	ssub.s32 @!p0 $0x0, s1;
	[sflag:s0] =	ssyncset.done @!p0 $0x0  }
0xf6: {  	[sflag:s0] =	ssyncadd.s32 @!p0 s1  }
0xf7: {  	[bflag:$0x3] =	sbarrier.arrive $0xFFFF  }
0xf8: {  	_ =	shalt  }

</sc_bundles>
